<compile_context>
chip_gen: v7x
topology: tpu7x:2x2x1
jax: 0.10.2.dev20260603
libtpu: 0.0.44.dev20260713+nightly
codegen_flags: <defaults>
</compile_context>

<pallas_src>
import functools

import jax
import jax.numpy as jnp
from jax import lax
from jax.experimental import pallas as pl
from jax.experimental.pallas import tpu as pltpu
from jax.experimental.pallas import tpu_sc as plsc

B = 16384
D = 32
NC = 2
NS = 16
NW = NC * NS
B_PER_W = B // NW
CHUNK = 128
N_CHUNKS = B_PER_W // CHUNK
N_GROUPS = B_PER_W // 16

GVOC = 21
GPAD = 32
N_GENRES = 19

BLK = 4096


def _sc_gather_body(uid, aid, cid, mid, gen, ut, at_, ct, mt,
                    out, cnt_out,
                    iu, ia, ic, im, gv, ru, ra, rc, rm, cnt, fbv, idxb,
                    onev, csh, uts, ats, cts, mts, isem, gsem, ssem, wsem):
    e4 = (ru, ra, rc, rm)
    sid = lax.axis_index("s")
    wid = sid * NC + lax.axis_index("c")
    base = wid * B_PER_W
    creg = sid * (B_PER_W * D)
    feats = ((uid, uts, iu), (aid, ats, ia), (cid, cts, ic), (mid, mts, im))
    loads = [pltpu.async_copy(idx.at[pl.ds(base, B_PER_W)], iv, isem)
             for idx, _, iv in feats]
    loads.append(pltpu.async_copy(gen.at[:, pl.ds(base, B_PER_W)], gv, isem))

    @pl.when(sid == 0)
    def _stage_tables():
        pltpu.sync_copy(ut, uts)
        pltpu.sync_copy(at_, ats)
        pltpu.sync_copy(ct, cts)
        pltpu.sync_copy(mt, mts)

    for h in loads:
        h.wait()
    plsc.subcore_barrier()
    gathers = []
    for (_, tab, iv), rv in zip(feats, e4):
        for c in range(N_CHUNKS):
            gathers.append(pltpu.async_copy(
                tab.at[iv.at[pl.ds(c * CHUNK, CHUNK)]],
                rv.at[pl.ds(c * CHUNK, CHUNK)], gsem))

    zeros = jnp.zeros((16,), jnp.float32)
    ones = jnp.ones((16,), jnp.float32)
    lane = lax.iota(jnp.int32, 16)

    @pl.loop(0, B_PER_W * D // 16)
    def _zero(i):
        cnt[pl.ds(i * 16, 16)] = zeros

    for k in range(CHUNK // 16):
        onev[pl.ds(k * 16, 16)] = ones

    pltpu.sync_copy(cnt, csh.at[pl.ds(creg, B_PER_W * D)])

    @pl.loop(0, N_GROUPS)
    def _fbase(g):
        bvec = g * 16 + lane
        fbv[pl.ds(g * 16, 16)] = (creg
                                  + lax.shift_right_logical(bvec, 2) * (4 * D)
                                  + (bvec & 3) * D)

    @pl.loop(0, N_GENRES)
    def _build(t):
        for c in range(N_CHUNKS):
            for k in range(CHUNK // 16):
                o = c * CHUNK + k * 16
                idxb[t * N_CHUNKS + c, pl.ds(k * 16, 16)] = (
                    fbv[pl.ds(o, 16)] + gv[t, pl.ds(o, 16)])

    scats = [pltpu.async_copy(onev, csh.at[idxb.at[r]], ssem, add=True)
             for r in range(N_GENRES * N_CHUNKS)]

    for h in scats:
        h.wait()
    pltpu.sync_copy(csh.at[pl.ds(creg, B_PER_W * D)], cnt)
    for h in gathers:
        h.wait()
    writes = [pltpu.async_copy(cnt, cnt_out.at[pl.ds(wid * (B_PER_W * D),
                                                     B_PER_W * D)], wsem)]
    writes += [pltpu.async_copy(rv, out.at[pl.ds(base, B_PER_W),
                                           pl.ds(f * D, D)], wsem)
               for f, rv in enumerate(e4)]
    for h in writes:
        h.wait()


def _sc_gather(uid, aid, cid, mid, gen, ut, at_, ct, mt):
    mesh = plsc.VectorSubcoreMesh(core_axis_name="c", subcore_axis_name="s")
    f = functools.partial(
        pl.kernel,
        mesh=mesh,
        compiler_params=pltpu.CompilerParams(use_tc_tiling_on_sc=False),
        out_type=[jax.ShapeDtypeStruct((B, 4 * D), jnp.float32),
                  jax.ShapeDtypeStruct((B * D,), jnp.float32)],
        scratch_types=[pltpu.VMEM((B_PER_W,), jnp.int32)] * 4
                      + [pltpu.VMEM((N_GENRES, B_PER_W), jnp.int32)]
                      + [pltpu.VMEM((B_PER_W, D), jnp.float32)] * 4
                      + [pltpu.VMEM((B_PER_W * D,), jnp.float32),
                         pltpu.VMEM((B_PER_W,), jnp.int32),
                         pltpu.VMEM((N_GENRES * N_CHUNKS, CHUNK), jnp.int32),
                         pltpu.VMEM((CHUNK,), jnp.float32),
                         pltpu.VMEM_SHARED((NS * B_PER_W * D,), jnp.float32),
                         pltpu.VMEM_SHARED((944, D), jnp.float32),
                         pltpu.VMEM_SHARED((128, D), jnp.float32),
                         pltpu.VMEM_SHARED((16, D), jnp.float32),
                         pltpu.VMEM_SHARED((1683, D), jnp.float32)]
                      + [pltpu.SemaphoreType.DMA] * 4,
    )(_sc_gather_body)
    return f(uid, aid, cid, mid, gen, ut, at_, ct, mt)


def _mlp_body(e4, cntp, gt, W1, b1, W2, b2, W3, b3, out):
    w1 = W1[...]
    h = jnp.dot(e4[...], w1[0:4 * D, :], preferred_element_type=jnp.float32)
    cp = cntp[...]
    counts = jnp.stack([cp[:, k * GPAD:(k + 1) * GPAD] for k in range(4)],
                       axis=1).reshape(BLK, GPAD)
    gm = jnp.dot(gt[...] * jnp.float32(1.0 / N_GENRES), w1[4 * D:5 * D, :],
                 preferred_element_type=jnp.float32)
    h += jnp.dot(counts, gm, preferred_element_type=jnp.float32)
    h = jnp.maximum(h + b1[...], 0.0)
    h2 = jnp.maximum(jnp.dot(h, W2[...], preferred_element_type=jnp.float32) + b2[...], 0.0)
    o = lax.dot_general(W3[...], h2, (((0,), (1,)), ((), ())),
                        preferred_element_type=jnp.float32)
    out[...] = o[0] + b3[0, 0]


def _mlp(e4, cntp, gt, W1, b1, W2, b2, W3, b3):
    grid = (B // BLK,)
    bspec = lambda shape: pl.BlockSpec(shape, lambda i: (i, 0))
    full = lambda shape: pl.BlockSpec(shape, lambda i: (0, 0))
    return pl.pallas_call(
        _mlp_body,
        grid=grid,
        in_specs=[
            bspec((BLK, 4 * D)),
            bspec((BLK // 4, 4 * GPAD)),
            full((GPAD, D)),
            full((5 * D, 256)), full((1, 256)),
            full((256, 64)), full((1, 64)),
            full((64, 1)), full((1, 1)),
        ],
        out_specs=pl.BlockSpec((BLK,), lambda i: (i,)),
        out_shape=jax.ShapeDtypeStruct((B,), jnp.float32),
    )(e4, cntp, gt, W1, b1, W2, b2, W3, b3)


def kernel(user_id, user_age, country, movie_id, movie_genres,
           user_table, age_table, country_table, movie_table, genre_table,
           W1, b1, W2, b2, W3, b3):
    uid = user_id.reshape(B)
    aid = user_age.reshape(B)
    cid = country.reshape(B)
    mid = movie_id.reshape(B)
    e4, cntp = _sc_gather(uid, aid, cid, mid, movie_genres.T,
                          user_table, age_table, country_table, movie_table)
    cntp = cntp.reshape(B // 4, 4 * GPAD)
    gt_pad = jnp.pad(genre_table, ((0, GPAD - GVOC), (0, 0)))
    out = _mlp(e4, cntp, gt_pad,
               W1, b1.reshape(1, 256), W2, b2.reshape(1, 64),
               W3, b3.reshape(1, 1))
    return out.reshape(B, 1, 1)

# --- scband reference (transcript-rebuilt; emitter-appended) ---
"""Pipeline reference for scband-movie-ranking-model-54726473286182 (READ-ONLY COPY).

The authoritative reference and input builder live on the scoring server;
editing this copy changes nothing except your own understanding.
"""

import jax, jax.numpy as jnp
import numpy as np

B = 16384
D = 32


def setup_inputs(seed: int = 0) -> dict:
    key = jax.random.key(seed)
    ks = jax.random.split(key, 16)
    inp = {}
    # forward index inputs (string lookups in the original TF model reduce to
    # integer vocabulary indices; StringLookup maps known ids to 1..V and OOV to 0,
    # so index tensors range over the full table size)
    inp["user_id"] = jax.random.randint(ks[0], (B, 1), 0, 944, dtype=jnp.int64) if jax.config.jax_enable_x64 else jax.random.randint(ks[0], (B, 1), 0, 944).astype(jnp.int32)
    inp["user_age"] = jax.random.randint(ks[1], (B, 1), 0, 128).astype(jnp.int32)
    inp["country"] = jax.random.randint(ks[2], (B, 1), 0, 16).astype(jnp.int32)
    inp["movie_id"] = jax.random.randint(ks[3], (B, 1), 0, 1683).astype(jnp.int32)
    inp["movie_genres"] = jax.random.randint(ks[4], (B, 19), 0, 21).astype(jnp.int32)
    inp["user_id"] = inp["user_id"].astype(jnp.int32)
    # learned parameters (embedding tables sized len(vocab)+1 as in the TF model)
    inp["user_table"] = jax.random.normal(ks[5], (944, D), dtype=jnp.float32) * 0.05
    inp["age_table"] = jax.random.normal(ks[6], (128, D), dtype=jnp.float32) * 0.05
    inp["country_table"] = jax.random.normal(ks[7], (16, D), dtype=jnp.float32) * 0.05
    inp["movie_table"] = jax.random.normal(ks[8], (1683, D), dtype=jnp.float32) * 0.05
    inp["genre_table"] = jax.random.normal(ks[9], (21, D), dtype=jnp.float32) * 0.05
    # rating MLP: Dense(256) -> Dense(64) -> Dense(1), input dim = 5*D = 160
    inp["W1"] = jax.random.normal(ks[10], (5 * D, 256), dtype=jnp.float32) * (1.0 / np.sqrt(5 * D))
    inp["b1"] = jnp.zeros((256,), dtype=jnp.float32)
    inp["W2"] = jax.random.normal(ks[11], (256, 64), dtype=jnp.float32) * (1.0 / np.sqrt(256))
    inp["b2"] = jnp.zeros((64,), dtype=jnp.float32)
    inp["W3"] = jax.random.normal(ks[12], (64, 1), dtype=jnp.float32) * (1.0 / np.sqrt(64))
    inp["b3"] = jnp.zeros((1,), dtype=jnp.float32)
    return inp


def reference(user_id, user_age, country, movie_id, movie_genres,
              user_table, age_table, country_table, movie_table, genre_table,
              W1, b1, W2, b2, W3, b3):
    # embedding lookups; inputs are [B,1] so embeddings are [B,1,D]
    user_embedding = jnp.take(user_table, user_id, axis=0)
    age_embedding = jnp.take(age_table, user_age, axis=0)
    country_embedding = jnp.take(country_table, country, axis=0)
    movie_embedding = jnp.take(movie_table, movie_id, axis=0)
    # genres: token ids [B,19] -> [B,19,D] -> GlobalAveragePooling1D(keepdims=True) -> [B,1,D]
    genres_embedding = jnp.mean(jnp.take(genre_table, movie_genres, axis=0), axis=1, keepdims=True)
    x = jnp.concatenate([user_embedding, age_embedding, country_embedding,
                         movie_embedding, genres_embedding], axis=2)  # [B,1,160]
    h = jax.nn.relu(jnp.dot(x, W1) + b1)
    h = jax.nn.relu(jnp.dot(h, W2) + b2)
    out = jnp.dot(h, W3) + b3  # [B,1,1]
    return out

if __name__ == "__main__":
    import jax
    _d = setup_inputs()
    print(jax.jit(kernel)(*tuple(_d.values())))

</pallas_src>

<mosaic_0001>
#map = affine_map<(d0, d1) -> (0)>
#map1 = affine_map<(d0, d1) -> (0, 0)>
module attributes {stable_mosaic.version = 14 : i64} {
  func.func @_sc_gather_body(%arg0: i32, %arg1: i32, %arg2: memref<16384xi32, #tpu.memory_space<hbm>>, %arg3: memref<16384xi32, #tpu.memory_space<hbm>>, %arg4: memref<16384xi32, #tpu.memory_space<hbm>>, %arg5: memref<16384xi32, #tpu.memory_space<hbm>>, %arg6: memref<19x16384xi32, #tpu.memory_space<hbm>>, %arg7: memref<944x32xf32, #tpu.memory_space<hbm>>, %arg8: memref<128x32xf32, #tpu.memory_space<hbm>>, %arg9: memref<16x32xf32, #tpu.memory_space<hbm>>, %arg10: memref<1683x32xf32, #tpu.memory_space<hbm>>, %arg11: memref<16384x128xf32, #tpu.memory_space<hbm>>, %arg12: memref<524288xf32, #tpu.memory_space<hbm>>, %arg13: memref<512xi32, #tpu.memory_space<vmem>>, %arg14: memref<512xi32, #tpu.memory_space<vmem>>, %arg15: memref<512xi32, #tpu.memory_space<vmem>>, %arg16: memref<512xi32, #tpu.memory_space<vmem>>, %arg17: memref<19x512xi32, #tpu.memory_space<vmem>>, %arg18: memref<512x32xf32, #tpu.memory_space<vmem>>, %arg19: memref<512x32xf32, #tpu.memory_space<vmem>>, %arg20: memref<512x32xf32, #tpu.memory_space<vmem>>, %arg21: memref<512x32xf32, #tpu.memory_space<vmem>>, %arg22: memref<16384xf32, #tpu.memory_space<vmem>>, %arg23: memref<512xi32, #tpu.memory_space<vmem>>, %arg24: memref<76x128xi32, #tpu.memory_space<vmem>>, %arg25: memref<128xf32, #tpu.memory_space<vmem>>, %arg26: memref<262144xf32, #tpu.memory_space<vmem_shared>>, %arg27: memref<944x32xf32, #tpu.memory_space<vmem_shared>>, %arg28: memref<128x32xf32, #tpu.memory_space<vmem_shared>>, %arg29: memref<16x32xf32, #tpu.memory_space<vmem_shared>>, %arg30: memref<1683x32xf32, #tpu.memory_space<vmem_shared>>, %arg31: memref<!tpu.dma_semaphore, #tpu.memory_space<semaphore_mem>>, %arg32: memref<!tpu.dma_semaphore, #tpu.memory_space<semaphore_mem>>, %arg33: memref<!tpu.dma_semaphore, #tpu.memory_space<semaphore_mem>>, %arg34: memref<!tpu.dma_semaphore, #tpu.memory_space<semaphore_mem>>) attributes {dimension_semantics = [#tpu.dimension_semantics<core_parallel>, #tpu.dimension_semantics<subcore_parallel>], iteration_bounds = array<i64: 2, 16>, scalar_prefetch = 0 : i64, scratch_operands = 22 : i64, tpu.core_type = #tpu.core_type<sc_vector_subcore>, window_params = [{transform_indices = #map}, {transform_indices = #map}, {transform_indices = #map}, {transform_indices = #map}, {transform_indices = #map1}, {transform_indices = #map1}, {transform_indices = #map1}, {transform_indices = #map1}, {transform_indices = #map1}, {transform_indices = #map1}, {transform_indices = #map}]} {
    %mul3A = arith.constant 2 : i32
    %mul3A_0 = arith.muli %arg1, %mul3A : i32
    %add3A = arith.addi %mul3A_0, %arg0 : i32
    %mul3A_1 = arith.constant 512 : i32
    %mul3A_2 = arith.muli %add3A, %mul3A_1 : i32
    %mul3A_3 = arith.constant 16384 : i32
    %mul3A_4 = arith.muli %arg1, %mul3A_3 : i32
    %dma_start3A = tpu.memref_slice %arg2[%mul3A_2] : memref<16384xi32, #tpu.memory_space<hbm>> -> memref<512xi32, #tpu.memory_space<hbm>>
    %dma_start3A_5 = tpu.memref_slice %arg2[%mul3A_2] : memref<16384xi32, #tpu.memory_space<hbm>> -> memref<512xi32, #tpu.memory_space<hbm>>
    tpu.enqueue_dma source(%dma_start3A_5 : memref<512xi32, #tpu.memory_space<hbm>>) target(%arg13 : memref<512xi32, #tpu.memory_space<vmem>>) target_semaphore(%arg31 : memref<!tpu.dma_semaphore, #tpu.memory_space<semaphore_mem>>)
    %dma_start3A_6 = tpu.memref_slice %arg3[%mul3A_2] : memref<16384xi32, #tpu.memory_space<hbm>> -> memref<512xi32, #tpu.memory_space<hbm>>
    %dma_start3A_7 = tpu.memref_slice %arg3[%mul3A_2] : memref<16384xi32, #tpu.memory_space<hbm>> -> memref<512xi32, #tpu.memory_space<hbm>>
    tpu.enqueue_dma source(%dma_start3A_7 : memref<512xi32, #tpu.memory_space<hbm>>) target(%arg14 : memref<512xi32, #tpu.memory_space<vmem>>) target_semaphore(%arg31 : memref<!tpu.dma_semaphore, #tpu.memory_space<semaphore_mem>>)
    %dma_start3A_8 = tpu.memref_slice %arg4[%mul3A_2] : memref<16384xi32, #tpu.memory_space<hbm>> -> memref<512xi32, #tpu.memory_space<hbm>>
    %dma_start3A_9 = tpu.memref_slice %arg4[%mul3A_2] : memref<16384xi32, #tpu.memory_space<hbm>> -> memref<512xi32, #tpu.memory_space<hbm>>
    tpu.enqueue_dma source(%dma_start3A_9 : memref<512xi32, #tpu.memory_space<hbm>>) target(%arg15 : memref<512xi32, #tpu.memory_space<vmem>>) target_semaphore(%arg31 : memref<!tpu.dma_semaphore, #tpu.memory_space<semaphore_mem>>)
    %dma_start3A_10 = tpu.memref_slice %arg5[%mul3A_2] : memref<16384xi32, #tpu.memory_space<hbm>> -> memref<512xi32, #tpu.memory_space<hbm>>
    %dma_start3A_11 = tpu.memref_slice %arg5[%mul3A_2] : memref<16384xi32, #tpu.memory_space<hbm>> -> memref<512xi32, #tpu.memory_space<hbm>>
    tpu.enqueue_dma source(%dma_start3A_11 : memref<512xi32, #tpu.memory_space<hbm>>) target(%arg16 : memref<512xi32, #tpu.memory_space<vmem>>) target_semaphore(%arg31 : memref<!tpu.dma_semaphore, #tpu.memory_space<semaphore_mem>>)
    %dma_start3A_12 = arith.constant 0 : i32
    %dma_start3A_13 = tpu.memref_slice %arg6[%dma_start3A_12, %mul3A_2] : memref<19x16384xi32, #tpu.memory_space<hbm>> -> memref<19x512xi32, #tpu.memory_space<hbm>>
    %dma_start3A_14 = arith.constant 0 : i32
    %dma_start3A_15 = tpu.memref_slice %arg6[%dma_start3A_14, %mul3A_2] : memref<19x16384xi32, #tpu.memory_space<hbm>> -> memref<19x512xi32, #tpu.memory_space<hbm>>
    tpu.enqueue_dma source(%dma_start3A_15 : memref<19x512xi32, #tpu.memory_space<hbm>>) target(%arg17 : memref<19x512xi32, #tpu.memory_space<vmem>>) target_semaphore(%arg31 : memref<!tpu.dma_semaphore, #tpu.memory_space<semaphore_mem>>)
    %eq3A = arith.constant 0 : i32
    %eq3A_16 = arith.cmpi eq, %arg1, %eq3A : i32
    %convert_element_type3A = arith.extui %eq3A_16 : i1 to i32
    %cond3A = arith.constant 0 : i32
    %cond3A_17 = arith.cmpi ne, %convert_element_type3A, %cond3A : i32
    scf.if %cond3A_17 {
      "tpu.region"() ({
        %run_scoped3A = tpu.sem_alloc : memref<!tpu.dma_semaphore, #tpu.memory_space<semaphore_mem>>
        tpu.enqueue_dma source(%arg7 : memref<944x32xf32, #tpu.memory_space<hbm>>) target(%arg27 : memref<944x32xf32, #tpu.memory_space<vmem_shared>>) target_semaphore(%run_scoped3A : memref<!tpu.dma_semaphore, #tpu.memory_space<semaphore_mem>>)
        tpu.wait_dma2 semaphore(%run_scoped3A : memref<!tpu.dma_semaphore, #tpu.memory_space<semaphore_mem>>) src(%arg7 : memref<944x32xf32, #tpu.memory_space<hbm>>) dst(%arg27 : memref<944x32xf32, #tpu.memory_space<vmem_shared>>)
        tpu.yield
      }) : () -> ()
      "tpu.region"() ({
        %run_scoped3A = tpu.sem_alloc : memref<!tpu.dma_semaphore, #tpu.memory_space<semaphore_mem>>
        tpu.enqueue_dma source(%arg8 : memref<128x32xf32, #tpu.memory_space<hbm>>) target(%arg28 : memref<128x32xf32, #tpu.memory_space<vmem_shared>>) target_semaphore(%run_scoped3A : memref<!tpu.dma_semaphore, #tpu.memory_space<semaphore_mem>>)
        tpu.wait_dma2 semaphore(%run_scoped3A : memref<!tpu.dma_semaphore, #tpu.memory_space<semaphore_mem>>) src(%arg8 : memref<128x32xf32, #tpu.memory_space<hbm>>) dst(%arg28 : memref<128x32xf32, #tpu.memory_space<vmem_shared>>)
        tpu.yield
      }) : () -> ()
      "tpu.region"() ({
        %run_scoped3A = tpu.sem_alloc : memref<!tpu.dma_semaphore, #tpu.memory_space<semaphore_mem>>
        tpu.enqueue_dma source(%arg9 : memref<16x32xf32, #tpu.memory_space<hbm>>) target(%arg29 : memref<16x32xf32, #tpu.memory_space<vmem_shared>>) target_semaphore(%run_scoped3A : memref<!tpu.dma_semaphore, #tpu.memory_space<semaphore_mem>>)
        tpu.wait_dma2 semaphore(%run_scoped3A : memref<!tpu.dma_semaphore, #tpu.memory_space<semaphore_mem>>) src(%arg9 : memref<16x32xf32, #tpu.memory_space<hbm>>) dst(%arg29 : memref<16x32xf32, #tpu.memory_space<vmem_shared>>)
        tpu.yield
      }) : () -> ()
      "tpu.region"() ({
        %run_scoped3A = tpu.sem_alloc : memref<!tpu.dma_semaphore, #tpu.memory_space<semaphore_mem>>
        tpu.enqueue_dma source(%arg10 : memref<1683x32xf32, #tpu.memory_space<hbm>>) target(%arg30 : memref<1683x32xf32, #tpu.memory_space<vmem_shared>>) target_semaphore(%run_scoped3A : memref<!tpu.dma_semaphore, #tpu.memory_space<semaphore_mem>>)
        tpu.wait_dma2 semaphore(%run_scoped3A : memref<!tpu.dma_semaphore, #tpu.memory_space<semaphore_mem>>) src(%arg10 : memref<1683x32xf32, #tpu.memory_space<hbm>>) dst(%arg30 : memref<1683x32xf32, #tpu.memory_space<vmem_shared>>)
        tpu.yield
      }) : () -> ()
    } else {
    }
    %dma_wait3A = tpu.memref_slice %arg2[%mul3A_2] : memref<16384xi32, #tpu.memory_space<hbm>> -> memref<512xi32, #tpu.memory_space<hbm>>
    %dma_wait3A_18 = tpu.memref_slice %arg2[%mul3A_2] : memref<16384xi32, #tpu.memory_space<hbm>> -> memref<512xi32, #tpu.memory_space<hbm>>
    tpu.wait_dma2 semaphore(%arg31 : memref<!tpu.dma_semaphore, #tpu.memory_space<semaphore_mem>>) src(%dma_wait3A_18 : memref<512xi32, #tpu.memory_space<hbm>>) dst(%arg13 : memref<512xi32, #tpu.memory_space<vmem>>)
    %dma_wait3A_19 = tpu.memref_slice %arg3[%mul3A_2] : memref<16384xi32, #tpu.memory_space<hbm>> -> memref<512xi32, #tpu.memory_space<hbm>>
    %dma_wait3A_20 = tpu.memref_slice %arg3[%mul3A_2] : memref<16384xi32, #tpu.memory_space<hbm>> -> memref<512xi32, #tpu.memory_space<hbm>>
    tpu.wait_dma2 semaphore(%arg31 : memref<!tpu.dma_semaphore, #tpu.memory_space<semaphore_mem>>) src(%dma_wait3A_20 : memref<512xi32, #tpu.memory_space<hbm>>) dst(%arg14 : memref<512xi32, #tpu.memory_space<vmem>>)
    %dma_wait3A_21 = tpu.memref_slice %arg4[%mul3A_2] : memref<16384xi32, #tpu.memory_space<hbm>> -> memref<512xi32, #tpu.memory_space<hbm>>
    %dma_wait3A_22 = tpu.memref_slice %arg4[%mul3A_2] : memref<16384xi32, #tpu.memory_space<hbm>> -> memref<512xi32, #tpu.memory_space<hbm>>
    tpu.wait_dma2 semaphore(%arg31 : memref<!tpu.dma_semaphore, #tpu.memory_space<semaphore_mem>>) src(%dma_wait3A_22 : memref<512xi32, #tpu.memory_space<hbm>>) dst(%arg15 : memref<512xi32, #tpu.memory_space<vmem>>)
    %dma_wait3A_23 = tpu.memref_slice %arg5[%mul3A_2] : memref<16384xi32, #tpu.memory_space<hbm>> -> memref<512xi32, #tpu.memory_space<hbm>>
    %dma_wait3A_24 = tpu.memref_slice %arg5[%mul3A_2] : memref<16384xi32, #tpu.memory_space<hbm>> -> memref<512xi32, #tpu.memory_space<hbm>>
    tpu.wait_dma2 semaphore(%arg31 : memref<!tpu.dma_semaphore, #tpu.memory_space<semaphore_mem>>) src(%dma_wait3A_24 : memref<512xi32, #tpu.memory_space<hbm>>) dst(%arg16 : memref<512xi32, #tpu.memory_space<vmem>>)
    %dma_wait3A_25 = arith.constant 0 : i32
    %dma_wait3A_26 = tpu.memref_slice %arg6[%dma_wait3A_25, %mul3A_2] : memref<19x16384xi32, #tpu.memory_space<hbm>> -> memref<19x512xi32, #tpu.memory_space<hbm>>
    %dma_wait3A_27 = arith.constant 0 : i32
    %dma_wait3A_28 = tpu.memref_slice %arg6[%dma_wait3A_27, %mul3A_2] : memref<19x16384xi32, #tpu.memory_space<hbm>> -> memref<19x512xi32, #tpu.memory_space<hbm>>
    tpu.wait_dma2 semaphore(%arg31 : memref<!tpu.dma_semaphore, #tpu.memory_space<semaphore_mem>>) src(%dma_wait3A_28 : memref<19x512xi32, #tpu.memory_space<hbm>>) dst(%arg17 : memref<19x512xi32, #tpu.memory_space<vmem>>)
    %barrier3A = arith.constant 0 : index
    tpu.barrier barrier_id(%barrier3A)
    %dma_start3A_29 = arith.constant 0 : i32
    %dma_start3A_30 = arith.constant 0 : i32
    %dma_start3A_31 = tpu.memref_slice %arg18[%dma_start3A_29, %dma_start3A_30] : memref<512x32xf32, #tpu.memory_space<vmem>> -> memref<128x32xf32, #tpu.memory_space<vmem>>
    %dma_start3A_32 = arith.constant 0 : i32
    %dma_start3A_33 = tpu.memref_slice %arg13[%dma_start3A_32] : memref<512xi32, #tpu.memory_space<vmem>> -> memref<128xi32, #tpu.memory_space<vmem>>
    %dma_start3A_34 = arith.constant 0 : i32
    %dma_start3A_35 = arith.constant 0 : i32
    %dma_start3A_36 = tpu.memref_slice %arg27[%dma_start3A_34, %dma_start3A_35] : memref<944x32xf32, #tpu.memory_space<vmem_shared>> -> memref<944x32xf32, #tpu.memory_space<vmem_shared>>
    tpu.enqueue_indirect_dma source(%dma_start3A_36 : memref<944x32xf32, #tpu.memory_space<vmem_shared>>) target(%dma_start3A_31 : memref<128x32xf32, #tpu.memory_space<vmem>>) offsets(%dma_start3A_33 : memref<128xi32, #tpu.memory_space<vmem>>) semaphore(%arg32 : memref<!tpu.dma_semaphore, #tpu.memory_space<semaphore_mem>>)
    %dma_start3A_37 = arith.constant 128 : i32
    %dma_start3A_38 = arith.constant 0 : i32
    %dma_start3A_39 = tpu.memref_slice %arg18[%dma_start3A_37, %dma_start3A_38] : memref<512x32xf32, #tpu.memory_space<vmem>> -> memref<128x32xf32, #tpu.memory_space<vmem>>
    %dma_start3A_40 = arith.constant 128 : i32
    %dma_start3A_41 = tpu.memref_slice %arg13[%dma_start3A_40] : memref<512xi32, #tpu.memory_space<vmem>> -> memref<128xi32, #tpu.memory_space<vmem>>
    %dma_start3A_42 = arith.constant 0 : i32
    %dma_start3A_43 = arith.constant 0 : i32
    %dma_start3A_44 = tpu.memref_slice %arg27[%dma_start3A_42, %dma_start3A_43] : memref<944x32xf32, #tpu.memory_space<vmem_shared>> -> memref<944x32xf32, #tpu.memory_space<vmem_shared>>
    tpu.enqueue_indirect_dma source(%dma_start3A_44 : memref<944x32xf32, #tpu.memory_space<vmem_shared>>) target(%dma_start3A_39 : memref<128x32xf32, #tpu.memory_space<vmem>>) offsets(%dma_start3A_41 : memref<128xi32, #tpu.memory_space<vmem>>) semaphore(%arg32 : memref<!tpu.dma_semaphore, #tpu.memory_space<semaphore_mem>>)
    %dma_start3A_45 = arith.constant 256 : i32
    %dma_start3A_46 = arith.constant 0 : i32
    %dma_start3A_47 = tpu.memref_slice %arg18[%dma_start3A_45, %dma_start3A_46] : memref<512x32xf32, #tpu.memory_space<vmem>> -> memref<128x32xf32, #tpu.memory_space<vmem>>
    %dma_start3A_48 = arith.constant 256 : i32
    %dma_start3A_49 = tpu.memref_slice %arg13[%dma_start3A_48] : memref<512xi32, #tpu.memory_space<vmem>> -> memref<128xi32, #tpu.memory_space<vmem>>
    %dma_start3A_50 = arith.constant 0 : i32
    %dma_start3A_51 = arith.constant 0 : i32
    %dma_start3A_52 = tpu.memref_slice %arg27[%dma_start3A_50, %dma_start3A_51] : memref<944x32xf32, #tpu.memory_space<vmem_shared>> -> memref<944x32xf32, #tpu.memory_space<vmem_shared>>
    tpu.enqueue_indirect_dma source(%dma_start3A_52 : memref<944x32xf32, #tpu.memory_space<vmem_shared>>) target(%dma_start3A_47 : memref<128x32xf32, #tpu.memory_space<vmem>>) offsets(%dma_start3A_49 : memref<128xi32, #tpu.memory_space<vmem>>) semaphore(%arg32 : memref<!tpu.dma_semaphore, #tpu.memory_space<semaphore_mem>>)
    %dma_start3A_53 = arith.constant 384 : i32
    %dma_start3A_54 = arith.constant 0 : i32
    %dma_start3A_55 = tpu.memref_slice %arg18[%dma_start3A_53, %dma_start3A_54] : memref<512x32xf32, #tpu.memory_space<vmem>> -> memref<128x32xf32, #tpu.memory_space<vmem>>
    %dma_start3A_56 = arith.constant 384 : i32
    %dma_start3A_57 = tpu.memref_slice %arg13[%dma_start3A_56] : memref<512xi32, #tpu.memory_space<vmem>> -> memref<128xi32, #tpu.memory_space<vmem>>
    %dma_start3A_58 = arith.constant 0 : i32
    %dma_start3A_59 = arith.constant 0 : i32
    %dma_start3A_60 = tpu.memref_slice %arg27[%dma_start3A_58, %dma_start3A_59] : memref<944x32xf32, #tpu.memory_space<vmem_shared>> -> memref<944x32xf32, #tpu.memory_space<vmem_shared>>
    tpu.enqueue_indirect_dma source(%dma_start3A_60 : memref<944x32xf32, #tpu.memory_space<vmem_shared>>) target(%dma_start3A_55 : memref<128x32xf32, #tpu.memory_space<vmem>>) offsets(%dma_start3A_57 : memref<128xi32, #tpu.memory_space<vmem>>) semaphore(%arg32 : memref<!tpu.dma_semaphore, #tpu.memory_space<semaphore_mem>>)
    %dma_start3A_61 = arith.constant 0 : i32
    %dma_start3A_62 = arith.constant 0 : i32
    %dma_start3A_63 = tpu.memref_slice %arg19[%dma_start3A_61, %dma_start3A_62] : memref<512x32xf32, #tpu.memory_space<vmem>> -> memref<128x32xf32, #tpu.memory_space<vmem>>
    %dma_start3A_64 = arith.constant 0 : i32
    %dma_start3A_65 = tpu.memref_slice %arg14[%dma_start3A_64] : memref<512xi32, #tpu.memory_space<vmem>> -> memref<128xi32, #tpu.memory_space<vmem>>
    %dma_start3A_66 = arith.constant 0 : i32
    %dma_start3A_67 = arith.constant 0 : i32
    %dma_start3A_68 = tpu.memref_slice %arg28[%dma_start3A_66, %dma_start3A_67] : memref<128x32xf32, #tpu.memory_space<vmem_shared>> -> memref<128x32xf32, #tpu.memory_space<vmem_shared>>
    tpu.enqueue_indirect_dma source(%dma_start3A_68 : memref<128x32xf32, #tpu.memory_space<vmem_shared>>) target(%dma_start3A_63 : memref<128x32xf32, #tpu.memory_space<vmem>>) offsets(%dma_start3A_65 : memref<128xi32, #tpu.memory_space<vmem>>) semaphore(%arg32 : memref<!tpu.dma_semaphore, #tpu.memory_space<semaphore_mem>>)
    %dma_start3A_69 = arith.constant 128 : i32
    %dma_start3A_70 = arith.constant 0 : i32
    %dma_start3A_71 = tpu.memref_slice %arg19[%dma_start3A_69, %dma_start3A_70] : memref<512x32xf32, #tpu.memory_space<vmem>> -> memref<128x32xf32, #tpu.memory_space<vmem>>
    %dma_start3A_72 = arith.constant 128 : i32
    %dma_start3A_73 = tpu.memref_slice %arg14[%dma_start3A_72] : memref<512xi32, #tpu.memory_space<vmem>> -> memref<128xi32, #tpu.memory_space<vmem>>
    %dma_start3A_74 = arith.constant 0 : i32
    %dma_start3A_75 = arith.constant 0 : i32
    %dma_start3A_76 = tpu.memref_slice %arg28[%dma_start3A_74, %dma_start3A_75] : memref<128x32xf32, #tpu.memory_space<vmem_shared>> -> memref<128x32xf32, #tpu.memory_space<vmem_shared>>
    tpu.enqueue_indirect_dma source(%dma_start3A_76 : memref<128x32xf32, #tpu.memory_space<vmem_shared>>) target(%dma_start3A_71 : memref<128x32xf32, #tpu.memory_space<vmem>>) offsets(%dma_start3A_73 : memref<128xi32, #tpu.memory_space<vmem>>) semaphore(%arg32 : memref<!tpu.dma_semaphore, #tpu.memory_space<semaphore_mem>>)
    %dma_start3A_77 = arith.constant 256 : i32
    %dma_start3A_78 = arith.constant 0 : i32
    %dma_start3A_79 = tpu.memref_slice %arg19[%dma_start3A_77, %dma_start3A_78] : memref<512x32xf32, #tpu.memory_space<vmem>> -> memref<128x32xf32, #tpu.memory_space<vmem>>
    %dma_start3A_80 = arith.constant 256 : i32
    %dma_start3A_81 = tpu.memref_slice %arg14[%dma_start3A_80] : memref<512xi32, #tpu.memory_space<vmem>> -> memref<128xi32, #tpu.memory_space<vmem>>
    %dma_start3A_82 = arith.constant 0 : i32
    %dma_start3A_83 = arith.constant 0 : i32
    %dma_start3A_84 = tpu.memref_slice %arg28[%dma_start3A_82, %dma_start3A_83] : memref<128x32xf32, #tpu.memory_space<vmem_shared>> -> memref<128x32xf32, #tpu.memory_space<vmem_shared>>
    tpu.enqueue_indirect_dma source(%dma_start3A_84 : memref<128x32xf32, #tpu.memory_space<vmem_shared>>) target(%dma_start3A_79 : memref<128x32xf32, #tpu.memory_space<vmem>>) offsets(%dma_start3A_81 : memref<128xi32, #tpu.memory_space<vmem>>) semaphore(%arg32 : memref<!tpu.dma_semaphore, #tpu.memory_space<semaphore_mem>>)
    %dma_start3A_85 = arith.constant 384 : i32
    %dma_start3A_86 = arith.constant 0 : i32
    %dma_start3A_87 = tpu.memref_slice %arg19[%dma_start3A_85, %dma_start3A_86] : memref<512x32xf32, #tpu.memory_space<vmem>> -> memref<128x32xf32, #tpu.memory_space<vmem>>
    %dma_start3A_88 = arith.constant 384 : i32
    %dma_start3A_89 = tpu.memref_slice %arg14[%dma_start3A_88] : memref<512xi32, #tpu.memory_space<vmem>> -> memref<128xi32, #tpu.memory_space<vmem>>
    %dma_start3A_90 = arith.constant 0 : i32
    %dma_start3A_91 = arith.constant 0 : i32
    %dma_start3A_92 = tpu.memref_slice %arg28[%dma_start3A_90, %dma_start3A_91] : memref<128x32xf32, #tpu.memory_space<vmem_shared>> -> memref<128x32xf32, #tpu.memory_space<vmem_shared>>
    tpu.enqueue_indirect_dma source(%dma_start3A_92 : memref<128x32xf32, #tpu.memory_space<vmem_shared>>) target(%dma_start3A_87 : memref<128x32xf32, #tpu.memory_space<vmem>>) offsets(%dma_start3A_89 : memref<128xi32, #tpu.memory_space<vmem>>) semaphore(%arg32 : memref<!tpu.dma_semaphore, #tpu.memory_space<semaphore_mem>>)
    %dma_start3A_93 = arith.constant 0 : i32
    %dma_start3A_94 = arith.constant 0 : i32
    %dma_start3A_95 = tpu.memref_slice %arg20[%dma_start3A_93, %dma_start3A_94] : memref<512x32xf32, #tpu.memory_space<vmem>> -> memref<128x32xf32, #tpu.memory_space<vmem>>
    %dma_start3A_96 = arith.constant 0 : i32
    %dma_start3A_97 = tpu.memref_slice %arg15[%dma_start3A_96] : memref<512xi32, #tpu.memory_space<vmem>> -> memref<128xi32, #tpu.memory_space<vmem>>
    %dma_start3A_98 = arith.constant 0 : i32
    %dma_start3A_99 = arith.constant 0 : i32
    %dma_start3A_100 = tpu.memref_slice %arg29[%dma_start3A_98, %dma_start3A_99] : memref<16x32xf32, #tpu.memory_space<vmem_shared>> -> memref<16x32xf32, #tpu.memory_space<vmem_shared>>
    tpu.enqueue_indirect_dma source(%dma_start3A_100 : memref<16x32xf32, #tpu.memory_space<vmem_shared>>) target(%dma_start3A_95 : memref<128x32xf32, #tpu.memory_space<vmem>>) offsets(%dma_start3A_97 : memref<128xi32, #tpu.memory_space<vmem>>) semaphore(%arg32 : memref<!tpu.dma_semaphore, #tpu.memory_space<semaphore_mem>>)
    %dma_start3A_101 = arith.constant 128 : i32
    %dma_start3A_102 = arith.constant 0 : i32
    %dma_start3A_103 = tpu.memref_slice %arg20[%dma_start3A_101, %dma_start3A_102] : memref<512x32xf32, #tpu.memory_space<vmem>> -> memref<128x32xf32, #tpu.memory_space<vmem>>
    %dma_start3A_104 = arith.constant 128 : i32
    %dma_start3A_105 = tpu.memref_slice %arg15[%dma_start3A_104] : memref<512xi32, #tpu.memory_space<vmem>> -> memref<128xi32, #tpu.memory_space<vmem>>
    %dma_start3A_106 = arith.constant 0 : i32
    %dma_start3A_107 = arith.constant 0 : i32
    %dma_start3A_108 = tpu.memref_slice %arg29[%dma_start3A_106, %dma_start3A_107] : memref<16x32xf32, #tpu.memory_space<vmem_shared>> -> memref<16x32xf32, #tpu.memory_space<vmem_shared>>
    tpu.enqueue_indirect_dma source(%dma_start3A_108 : memref<16x32xf32, #tpu.memory_space<vmem_shared>>) target(%dma_start3A_103 : memref<128x32xf32, #tpu.memory_space<vmem>>) offsets(%dma_start3A_105 : memref<128xi32, #tpu.memory_space<vmem>>) semaphore(%arg32 : memref<!tpu.dma_semaphore, #tpu.memory_space<semaphore_mem>>)
    %dma_start3A_109 = arith.constant 256 : i32
    %dma_start3A_110 = arith.constant 0 : i32
    %dma_start3A_111 = tpu.memref_slice %arg20[%dma_start3A_109, %dma_start3A_110] : memref<512x32xf32, #tpu.memory_space<vmem>> -> memref<128x32xf32, #tpu.memory_space<vmem>>
    %dma_start3A_112 = arith.constant 256 : i32
    %dma_start3A_113 = tpu.memref_slice %arg15[%dma_start3A_112] : memref<512xi32, #tpu.memory_space<vmem>> -> memref<128xi32, #tpu.memory_space<vmem>>
    %dma_start3A_114 = arith.constant 0 : i32
    %dma_start3A_115 = arith.constant 0 : i32
    %dma_start3A_116 = tpu.memref_slice %arg29[%dma_start3A_114, %dma_start3A_115] : memref<16x32xf32, #tpu.memory_space<vmem_shared>> -> memref<16x32xf32, #tpu.memory_space<vmem_shared>>
    tpu.enqueue_indirect_dma source(%dma_start3A_116 : memref<16x32xf32, #tpu.memory_space<vmem_shared>>) target(%dma_start3A_111 : memref<128x32xf32, #tpu.memory_space<vmem>>) offsets(%dma_start3A_113 : memref<128xi32, #tpu.memory_space<vmem>>) semaphore(%arg32 : memref<!tpu.dma_semaphore, #tpu.memory_space<semaphore_mem>>)
    %dma_start3A_117 = arith.constant 384 : i32
    %dma_start3A_118 = arith.constant 0 : i32
    %dma_start3A_119 = tpu.memref_slice %arg20[%dma_start3A_117, %dma_start3A_118] : memref<512x32xf32, #tpu.memory_space<vmem>> -> memref<128x32xf32, #tpu.memory_space<vmem>>
    %dma_start3A_120 = arith.constant 384 : i32
    %dma_start3A_121 = tpu.memref_slice %arg15[%dma_start3A_120] : memref<512xi32, #tpu.memory_space<vmem>> -> memref<128xi32, #tpu.memory_space<vmem>>
    %dma_start3A_122 = arith.constant 0 : i32
    %dma_start3A_123 = arith.constant 0 : i32
    %dma_start3A_124 = tpu.memref_slice %arg29[%dma_start3A_122, %dma_start3A_123] : memref<16x32xf32, #tpu.memory_space<vmem_shared>> -> memref<16x32xf32, #tpu.memory_space<vmem_shared>>
    tpu.enqueue_indirect_dma source(%dma_start3A_124 : memref<16x32xf32, #tpu.memory_space<vmem_shared>>) target(%dma_start3A_119 : memref<128x32xf32, #tpu.memory_space<vmem>>) offsets(%dma_start3A_121 : memref<128xi32, #tpu.memory_space<vmem>>) semaphore(%arg32 : memref<!tpu.dma_semaphore, #tpu.memory_space<semaphore_mem>>)
    %dma_start3A_125 = arith.constant 0 : i32
    %dma_start3A_126 = arith.constant 0 : i32
    %dma_start3A_127 = tpu.memref_slice %arg21[%dma_start3A_125, %dma_start3A_126] : memref<512x32xf32, #tpu.memory_space<vmem>> -> memref<128x32xf32, #tpu.memory_space<vmem>>
    %dma_start3A_128 = arith.constant 0 : i32
    %dma_start3A_129 = tpu.memref_slice %arg16[%dma_start3A_128] : memref<512xi32, #tpu.memory_space<vmem>> -> memref<128xi32, #tpu.memory_space<vmem>>
    %dma_start3A_130 = arith.constant 0 : i32
    %dma_start3A_131 = arith.constant 0 : i32
    %dma_start3A_132 = tpu.memref_slice %arg30[%dma_start3A_130, %dma_start3A_131] : memref<1683x32xf32, #tpu.memory_space<vmem_shared>> -> memref<1683x32xf32, #tpu.memory_space<vmem_shared>>
    tpu.enqueue_indirect_dma source(%dma_start3A_132 : memref<1683x32xf32, #tpu.memory_space<vmem_shared>>) target(%dma_start3A_127 : memref<128x32xf32, #tpu.memory_space<vmem>>) offsets(%dma_start3A_129 : memref<128xi32, #tpu.memory_space<vmem>>) semaphore(%arg32 : memref<!tpu.dma_semaphore, #tpu.memory_space<semaphore_mem>>)
    %dma_start3A_133 = arith.constant 128 : i32
    %dma_start3A_134 = arith.constant 0 : i32
    %dma_start3A_135 = tpu.memref_slice %arg21[%dma_start3A_133, %dma_start3A_134] : memref<512x32xf32, #tpu.memory_space<vmem>> -> memref<128x32xf32, #tpu.memory_space<vmem>>
    %dma_start3A_136 = arith.constant 128 : i32
    %dma_start3A_137 = tpu.memref_slice %arg16[%dma_start3A_136] : memref<512xi32, #tpu.memory_space<vmem>> -> memref<128xi32, #tpu.memory_space<vmem>>
    %dma_start3A_138 = arith.constant 0 : i32
    %dma_start3A_139 = arith.constant 0 : i32
    %dma_start3A_140 = tpu.memref_slice %arg30[%dma_start3A_138, %dma_start3A_139] : memref<1683x32xf32, #tpu.memory_space<vmem_shared>> -> memref<1683x32xf32, #tpu.memory_space<vmem_shared>>
    tpu.enqueue_indirect_dma source(%dma_start3A_140 : memref<1683x32xf32, #tpu.memory_space<vmem_shared>>) target(%dma_start3A_135 : memref<128x32xf32, #tpu.memory_space<vmem>>) offsets(%dma_start3A_137 : memref<128xi32, #tpu.memory_space<vmem>>) semaphore(%arg32 : memref<!tpu.dma_semaphore, #tpu.memory_space<semaphore_mem>>)
    %dma_start3A_141 = arith.constant 256 : i32
    %dma_start3A_142 = arith.constant 0 : i32
    %dma_start3A_143 = tpu.memref_slice %arg21[%dma_start3A_141, %dma_start3A_142] : memref<512x32xf32, #tpu.memory_space<vmem>> -> memref<128x32xf32, #tpu.memory_space<vmem>>
    %dma_start3A_144 = arith.constant 256 : i32
    %dma_start3A_145 = tpu.memref_slice %arg16[%dma_start3A_144] : memref<512xi32, #tpu.memory_space<vmem>> -> memref<128xi32, #tpu.memory_space<vmem>>
    %dma_start3A_146 = arith.constant 0 : i32
    %dma_start3A_147 = arith.constant 0 : i32
    %dma_start3A_148 = tpu.memref_slice %arg30[%dma_start3A_146, %dma_start3A_147] : memref<1683x32xf32, #tpu.memory_space<vmem_shared>> -> memref<1683x32xf32, #tpu.memory_space<vmem_shared>>
    tpu.enqueue_indirect_dma source(%dma_start3A_148 : memref<1683x32xf32, #tpu.memory_space<vmem_shared>>) target(%dma_start3A_143 : memref<128x32xf32, #tpu.memory_space<vmem>>) offsets(%dma_start3A_145 : memref<128xi32, #tpu.memory_space<vmem>>) semaphore(%arg32 : memref<!tpu.dma_semaphore, #tpu.memory_space<semaphore_mem>>)
    %dma_start3A_149 = arith.constant 384 : i32
    %dma_start3A_150 = arith.constant 0 : i32
    %dma_start3A_151 = tpu.memref_slice %arg21[%dma_start3A_149, %dma_start3A_150] : memref<512x32xf32, #tpu.memory_space<vmem>> -> memref<128x32xf32, #tpu.memory_space<vmem>>
    %dma_start3A_152 = arith.constant 384 : i32
    %dma_start3A_153 = tpu.memref_slice %arg16[%dma_start3A_152] : memref<512xi32, #tpu.memory_space<vmem>> -> memref<128xi32, #tpu.memory_space<vmem>>
    %dma_start3A_154 = arith.constant 0 : i32
    %dma_start3A_155 = arith.constant 0 : i32
    %dma_start3A_156 = tpu.memref_slice %arg30[%dma_start3A_154, %dma_start3A_155] : memref<1683x32xf32, #tpu.memory_space<vmem_shared>> -> memref<1683x32xf32, #tpu.memory_space<vmem_shared>>
    tpu.enqueue_indirect_dma source(%dma_start3A_156 : memref<1683x32xf32, #tpu.memory_space<vmem_shared>>) target(%dma_start3A_151 : memref<128x32xf32, #tpu.memory_space<vmem>>) offsets(%dma_start3A_153 : memref<128xi32, #tpu.memory_space<vmem>>) semaphore(%arg32 : memref<!tpu.dma_semaphore, #tpu.memory_space<semaphore_mem>>)
    %broadcast_in_dim3A = arith.constant 0.000000e+00 : f32
    %broadcast_in_dim3A_157 = vector.broadcast %broadcast_in_dim3A : f32 to vector<16xf32>
    %broadcast_in_dim3A_158 = arith.constant 1.000000e+00 : f32
    %broadcast_in_dim3A_159 = vector.broadcast %broadcast_in_dim3A_158 : f32 to vector<16xf32>
    %iota3A = tpu.iota {dimensions = array<i32: 0>} : vector<16xi32>
    %scan3A = arith.constant 0 : i32
    %scan3A_160 = arith.constant 1024 : i32
    %scan3A_161 = arith.addi %scan3A, %scan3A_160 : i32
    %scan3A_162 = arith.constant 1 : i32
    scf.for %scan3A_1283 = %scan3A to %scan3A_161 step %scan3A_162  : i32 {
      %mul3A_1284 = arith.constant 1 : i32
      %mul3A_1285 = arith.muli %scan3A_1283, %mul3A_1284 : i32
      %add3A_1286 = arith.constant 0 : i32
      %add3A_1287 = arith.addi %add3A_1286, %mul3A_1285 : i32
      %mul3A_1288 = arith.constant 16 : i32
      %mul3A_1289 = arith.muli %add3A_1287, %mul3A_1288 : i32
      %swap3A_1290 = arith.index_cast %mul3A_1289 : i32 to index
      %swap3A_1291 = tpu.vector_load %arg22[%swap3A_1290] {strides = array<i32>} : memref<16384xf32, #tpu.memory_space<vmem>>, vector<16xf32>,
      %swap3A_1292 = vector.shape_cast %swap3A_1291 : vector<16xf32> to vector<16xf32>
      %swap3A_1293 = vector.shape_cast %broadcast_in_dim3A_157 : vector<16xf32> to vector<16xf32>
      tpu.vector_store %arg22[%swap3A_1290], %swap3A_1293 {strides = array<i32>} : memref<16384xf32, #tpu.memory_space<vmem>>, vector<16xf32>,
    }
    %scan3A_163 = arith.constant 1024 : i32
    %swap3A = arith.constant 0 : index
    %swap3A_164 = tpu.vector_load %arg25[%swap3A] {strides = array<i32>} : memref<128xf32, #tpu.memory_space<vmem>>, vector<16xf32>,
    %swap3A_165 = vector.shape_cast %swap3A_164 : vector<16xf32> to vector<16xf32>
    %swap3A_166 = vector.shape_cast %broadcast_in_dim3A_159 : vector<16xf32> to vector<16xf32>
    tpu.vector_store %arg25[%swap3A], %swap3A_166 {strides = array<i32>} : memref<128xf32, #tpu.memory_space<vmem>>, vector<16xf32>,
    %swap3A_167 = arith.constant 16 : index
    %swap3A_168 = tpu.vector_load %arg25[%swap3A_167] {strides = array<i32>} : memref<128xf32, #tpu.memory_space<vmem>>, vector<16xf32>,
    %swap3A_169 = vector.shape_cast %swap3A_168 : vector<16xf32> to vector<16xf32>
    %swap3A_170 = vector.shape_cast %broadcast_in_dim3A_159 : vector<16xf32> to vector<16xf32>
    tpu.vector_store %arg25[%swap3A_167], %swap3A_170 {strides = array<i32>} : memref<128xf32, #tpu.memory_space<vmem>>, vector<16xf32>,
    %swap3A_171 = arith.constant 32 : index
    %swap3A_172 = tpu.vector_load %arg25[%swap3A_171] {strides = array<i32>} : memref<128xf32, #tpu.memory_space<vmem>>, vector<16xf32>,
    %swap3A_173 = vector.shape_cast %swap3A_172 : vector<16xf32> to vector<16xf32>
    %swap3A_174 = vector.shape_cast %broadcast_in_dim3A_159 : vector<16xf32> to vector<16xf32>
    tpu.vector_store %arg25[%swap3A_171], %swap3A_174 {strides = array<i32>} : memref<128xf32, #tpu.memory_space<vmem>>, vector<16xf32>,
    %swap3A_175 = arith.constant 48 : index
    %swap3A_176 = tpu.vector_load %arg25[%swap3A_175] {strides = array<i32>} : memref<128xf32, #tpu.memory_space<vmem>>, vector<16xf32>,
    %swap3A_177 = vector.shape_cast %swap3A_176 : vector<16xf32> to vector<16xf32>
    %swap3A_178 = vector.shape_cast %broadcast_in_dim3A_159 : vector<16xf32> to vector<16xf32>
    tpu.vector_store %arg25[%swap3A_175], %swap3A_178 {strides = array<i32>} : memref<128xf32, #tpu.memory_space<vmem>>, vector<16xf32>,
    %swap3A_179 = arith.constant 64 : index
    %swap3A_180 = tpu.vector_load %arg25[%swap3A_179] {strides = array<i32>} : memref<128xf32, #tpu.memory_space<vmem>>, vector<16xf32>,
    %swap3A_181 = vector.shape_cast %swap3A_180 : vector<16xf32> to vector<16xf32>
    %swap3A_182 = vector.shape_cast %broadcast_in_dim3A_159 : vector<16xf32> to vector<16xf32>
    tpu.vector_store %arg25[%swap3A_179], %swap3A_182 {strides = array<i32>} : memref<128xf32, #tpu.memory_space<vmem>>, vector<16xf32>,
    %swap3A_183 = arith.constant 80 : index
    %swap3A_184 = tpu.vector_load %arg25[%swap3A_183] {strides = array<i32>} : memref<128xf32, #tpu.memory_space<vmem>>, vector<16xf32>,
    %swap3A_185 = vector.shape_cast %swap3A_184 : vector<16xf32> to vector<16xf32>
    %swap3A_186 = vector.shape_cast %broadcast_in_dim3A_159 : vector<16xf32> to vector<16xf32>
    tpu.vector_store %arg25[%swap3A_183], %swap3A_186 {strides = array<i32>} : memref<128xf32, #tpu.memory_space<vmem>>, vector<16xf32>,
    %swap3A_187 = arith.constant 96 : index
    %swap3A_188 = tpu.vector_load %arg25[%swap3A_187] {strides = array<i32>} : memref<128xf32, #tpu.memory_space<vmem>>, vector<16xf32>,
    %swap3A_189 = vector.shape_cast %swap3A_188 : vector<16xf32> to vector<16xf32>
    %swap3A_190 = vector.shape_cast %broadcast_in_dim3A_159 : vector<16xf32> to vector<16xf32>
    tpu.vector_store %arg25[%swap3A_187], %swap3A_190 {strides = array<i32>} : memref<128xf32, #tpu.memory_space<vmem>>, vector<16xf32>,
    %swap3A_191 = arith.constant 112 : index
    %swap3A_192 = tpu.vector_load %arg25[%swap3A_191] {strides = array<i32>} : memref<128xf32, #tpu.memory_space<vmem>>, vector<16xf32>,
    %swap3A_193 = vector.shape_cast %swap3A_192 : vector<16xf32> to vector<16xf32>
    %swap3A_194 = vector.shape_cast %broadcast_in_dim3A_159 : vector<16xf32> to vector<16xf32>
    tpu.vector_store %arg25[%swap3A_191], %swap3A_194 {strides = array<i32>} : memref<128xf32, #tpu.memory_space<vmem>>, vector<16xf32>,
    "tpu.region"() ({
      %run_scoped3A = tpu.sem_alloc : memref<!tpu.dma_semaphore, #tpu.memory_space<semaphore_mem>>
      %dma_start3A_1283 = tpu.memref_slice %arg26[%mul3A_4] : memref<262144xf32, #tpu.memory_space<vmem_shared>> -> memref<16384xf32, #tpu.memory_space<vmem_shared>>
      %dma_start3A_1284 = tpu.memref_slice %arg26[%mul3A_4] : memref<262144xf32, #tpu.memory_space<vmem_shared>> -> memref<16384xf32, #tpu.memory_space<vmem_shared>>
      tpu.enqueue_dma source(%arg22 : memref<16384xf32, #tpu.memory_space<vmem>>) target(%dma_start3A_1284 : memref<16384xf32, #tpu.memory_space<vmem_shared>>) target_semaphore(%run_scoped3A : memref<!tpu.dma_semaphore, #tpu.memory_space<semaphore_mem>>)
      %dma_wait3A_1285 = tpu.memref_slice %arg26[%mul3A_4] : memref<262144xf32, #tpu.memory_space<vmem_shared>> -> memref<16384xf32, #tpu.memory_space<vmem_shared>>
      %dma_wait3A_1286 = tpu.memref_slice %arg26[%mul3A_4] : memref<262144xf32, #tpu.memory_space<vmem_shared>> -> memref<16384xf32, #tpu.memory_space<vmem_shared>>
      tpu.wait_dma2 semaphore(%run_scoped3A : memref<!tpu.dma_semaphore, #tpu.memory_space<semaphore_mem>>) src(%arg22 : memref<16384xf32, #tpu.memory_space<vmem>>) dst(%dma_wait3A_1286 : memref<16384xf32, #tpu.memory_space<vmem_shared>>)
      tpu.yield
    }) : () -> ()
    %scan3A_195 = arith.constant 0 : i32
    %scan3A_196 = arith.constant 32 : i32
    %scan3A_197 = arith.addi %scan3A_195, %scan3A_196 : i32
    %scan3A_198 = arith.constant 1 : i32
    scf.for %scan3A_1283 = %scan3A_195 to %scan3A_197 step %scan3A_198  : i32 {
      %mul3A_1284 = arith.constant 1 : i32
      %mul3A_1285 = arith.muli %scan3A_1283, %mul3A_1284 : i32
      %add3A_1286 = arith.constant 0 : i32
      %add3A_1287 = arith.addi %add3A_1286, %mul3A_1285 : i32
      %mul3A_1288 = arith.constant 16 : i32
      %mul3A_1289 = arith.muli %add3A_1287, %mul3A_1288 : i32
      %add3A_1290 = vector.broadcast %mul3A_1289 : i32 to vector<16xi32>
      %add3A_1291 = arith.addi %add3A_1290, %iota3A : vector<16xi32>
      %shift_right_logical3A = arith.constant 2 : i32
      %shift_right_logical3A_1292 = vector.broadcast %shift_right_logical3A : i32 to vector<16xi32>
      %shift_right_logical3A_1293 = arith.shrui %add3A_1291, %shift_right_logical3A_1292 : vector<16xi32>
      %mul3A_1294 = arith.constant 128 : i32
      %mul3A_1295 = vector.broadcast %mul3A_1294 : i32 to vector<16xi32>
      %mul3A_1296 = arith.muli %shift_right_logical3A_1293, %mul3A_1295 : vector<16xi32>
      %add3A_1297 = vector.broadcast %mul3A_4 : i32 to vector<16xi32>
      %add3A_1298 = arith.addi %add3A_1297, %mul3A_1296 : vector<16xi32>
      %and3A = arith.constant 3 : i32
      %and3A_1299 = vector.broadcast %and3A : i32 to vector<16xi32>
      %and3A_1300 = arith.andi %add3A_1291, %and3A_1299 : vector<16xi32>
      %mul3A_1301 = arith.constant 32 : i32
      %mul3A_1302 = vector.broadcast %mul3A_1301 : i32 to vector<16xi32>
      %mul3A_1303 = arith.muli %and3A_1300, %mul3A_1302 : vector<16xi32>
      %add3A_1304 = arith.addi %add3A_1298, %mul3A_1303 : vector<16xi32>
      %mul3A_1305 = arith.constant 16 : i32
      %mul3A_1306 = arith.muli %add3A_1287, %mul3A_1305 : i32
      %swap3A_1307 = arith.index_cast %mul3A_1306 : i32 to index
      %swap3A_1308 = tpu.vector_load %arg23[%swap3A_1307] {strides = array<i32>} : memref<512xi32, #tpu.memory_space<vmem>>, vector<16xi32>,
      %swap3A_1309 = vector.shape_cast %swap3A_1308 : vector<16xi32> to vector<16xi32>
      %swap3A_1310 = vector.shape_cast %add3A_1304 : vector<16xi32> to vector<16xi32>
      tpu.vector_store %arg23[%swap3A_1307], %swap3A_1310 {strides = array<i32>} : memref<512xi32, #tpu.memory_space<vmem>>, vector<16xi32>,
    }
    %scan3A_199 = arith.constant 32 : i32
    %scan3A_200 = arith.constant 0 : i32
    %scan3A_201 = arith.constant 19 : i32
    %scan3A_202 = arith.addi %scan3A_200, %scan3A_201 : i32
    %scan3A_203 = arith.constant 1 : i32
    scf.for %scan3A_1283 = %scan3A_200 to %scan3A_202 step %scan3A_203  : i32 {
      %mul3A_1284 = arith.constant 1 : i32
      %mul3A_1285 = arith.muli %scan3A_1283, %mul3A_1284 : i32
      %add3A_1286 = arith.constant 0 : i32
      %add3A_1287 = arith.addi %add3A_1286, %mul3A_1285 : i32
      %get3A = arith.constant 0 : index
      %get3A_1288 = tpu.vector_load %arg23[%get3A] {strides = array<i32>} : memref<512xi32, #tpu.memory_space<vmem>>, vector<16xi32>,
      %get3A_1289 = vector.shape_cast %get3A_1288 : vector<16xi32> to vector<16xi32>
      %get3A_1290 = arith.index_cast %add3A_1287 : i32 to index
      %get3A_1291 = arith.constant 0 : index
      %get3A_1292 = tpu.vector_load %arg17[%get3A_1290, %get3A_1291] {strides = array<i32>} : memref<19x512xi32, #tpu.memory_space<vmem>>, vector<1x16xi32>,
      %get3A_1293 = vector.shape_cast %get3A_1292 : vector<1x16xi32> to vector<16xi32>
      %add3A_1294 = arith.addi %get3A_1289, %get3A_1293 : vector<16xi32>
      %mul3A_1295 = arith.constant 4 : i32
      %mul3A_1296 = arith.muli %add3A_1287, %mul3A_1295 : i32
      %add3A_1297 = arith.constant 0 : i32
      %add3A_1298 = arith.addi %mul3A_1296, %add3A_1297 : i32
      %swap3A_1299 = arith.index_cast %add3A_1298 : i32 to index
      %swap3A_1300 = arith.constant 0 : index
      %swap3A_1301 = tpu.vector_load %arg24[%swap3A_1299, %swap3A_1300] {strides = array<i32>} : memref<76x128xi32, #tpu.memory_space<vmem>>, vector<1x16xi32>,
      %swap3A_1302 = vector.shape_cast %swap3A_1301 : vector<1x16xi32> to vector<16xi32>
      %swap3A_1303 = vector.shape_cast %add3A_1294 : vector<16xi32> to vector<1x16xi32>
      tpu.vector_store %arg24[%swap3A_1299, %swap3A_1300], %swap3A_1303 {strides = array<i32>} : memref<76x128xi32, #tpu.memory_space<vmem>>, vector<1x16xi32>,
      %get3A_1304 = arith.constant 16 : index
      %get3A_1305 = tpu.vector_load %arg23[%get3A_1304] {strides = array<i32>} : memref<512xi32, #tpu.memory_space<vmem>>, vector<16xi32>,
      %get3A_1306 = vector.shape_cast %get3A_1305 : vector<16xi32> to vector<16xi32>
      %get3A_1307 = arith.index_cast %add3A_1287 : i32 to index
      %get3A_1308 = arith.constant 16 : index
      %get3A_1309 = tpu.vector_load %arg17[%get3A_1307, %get3A_1308] {strides = array<i32>} : memref<19x512xi32, #tpu.memory_space<vmem>>, vector<1x16xi32>,
      %get3A_1310 = vector.shape_cast %get3A_1309 : vector<1x16xi32> to vector<16xi32>
      %add3A_1311 = arith.addi %get3A_1306, %get3A_1310 : vector<16xi32>
      %mul3A_1312 = arith.constant 4 : i32
      %mul3A_1313 = arith.muli %add3A_1287, %mul3A_1312 : i32
      %add3A_1314 = arith.constant 0 : i32
      %add3A_1315 = arith.addi %mul3A_1313, %add3A_1314 : i32
      %swap3A_1316 = arith.index_cast %add3A_1315 : i32 to index
      %swap3A_1317 = arith.constant 16 : index
      %swap3A_1318 = tpu.vector_load %arg24[%swap3A_1316, %swap3A_1317] {strides = array<i32>} : memref<76x128xi32, #tpu.memory_space<vmem>>, vector<1x16xi32>,
      %swap3A_1319 = vector.shape_cast %swap3A_1318 : vector<1x16xi32> to vector<16xi32>
      %swap3A_1320 = vector.shape_cast %add3A_1311 : vector<16xi32> to vector<1x16xi32>
      tpu.vector_store %arg24[%swap3A_1316, %swap3A_1317], %swap3A_1320 {strides = array<i32>} : memref<76x128xi32, #tpu.memory_space<vmem>>, vector<1x16xi32>,
      %get3A_1321 = arith.constant 32 : index
      %get3A_1322 = tpu.vector_load %arg23[%get3A_1321] {strides = array<i32>} : memref<512xi32, #tpu.memory_space<vmem>>, vector<16xi32>,
      %get3A_1323 = vector.shape_cast %get3A_1322 : vector<16xi32> to vector<16xi32>
      %get3A_1324 = arith.index_cast %add3A_1287 : i32 to index
      %get3A_1325 = arith.constant 32 : index
      %get3A_1326 = tpu.vector_load %arg17[%get3A_1324, %get3A_1325] {strides = array<i32>} : memref<19x512xi32, #tpu.memory_space<vmem>>, vector<1x16xi32>,
      %get3A_1327 = vector.shape_cast %get3A_1326 : vector<1x16xi32> to vector<16xi32>
      %add3A_1328 = arith.addi %get3A_1323, %get3A_1327 : vector<16xi32>
      %mul3A_1329 = arith.constant 4 : i32
      %mul3A_1330 = arith.muli %add3A_1287, %mul3A_1329 : i32
      %add3A_1331 = arith.constant 0 : i32
      %add3A_1332 = arith.addi %mul3A_1330, %add3A_1331 : i32
      %swap3A_1333 = arith.index_cast %add3A_1332 : i32 to index
      %swap3A_1334 = arith.constant 32 : index
      %swap3A_1335 = tpu.vector_load %arg24[%swap3A_1333, %swap3A_1334] {strides = array<i32>} : memref<76x128xi32, #tpu.memory_space<vmem>>, vector<1x16xi32>,
      %swap3A_1336 = vector.shape_cast %swap3A_1335 : vector<1x16xi32> to vector<16xi32>
      %swap3A_1337 = vector.shape_cast %add3A_1328 : vector<16xi32> to vector<1x16xi32>
      tpu.vector_store %arg24[%swap3A_1333, %swap3A_1334], %swap3A_1337 {strides = array<i32>} : memref<76x128xi32, #tpu.memory_space<vmem>>, vector<1x16xi32>,
      %get3A_1338 = arith.constant 48 : index
      %get3A_1339 = tpu.vector_load %arg23[%get3A_1338] {strides = array<i32>} : memref<512xi32, #tpu.memory_space<vmem>>, vector<16xi32>,
      %get3A_1340 = vector.shape_cast %get3A_1339 : vector<16xi32> to vector<16xi32>
      %get3A_1341 = arith.index_cast %add3A_1287 : i32 to index
      %get3A_1342 = arith.constant 48 : index
      %get3A_1343 = tpu.vector_load %arg17[%get3A_1341, %get3A_1342] {strides = array<i32>} : memref<19x512xi32, #tpu.memory_space<vmem>>, vector<1x16xi32>,
      %get3A_1344 = vector.shape_cast %get3A_1343 : vector<1x16xi32> to vector<16xi32>
      %add3A_1345 = arith.addi %get3A_1340, %get3A_1344 : vector<16xi32>
      %mul3A_1346 = arith.constant 4 : i32
      %mul3A_1347 = arith.muli %add3A_1287, %mul3A_1346 : i32
      %add3A_1348 = arith.constant 0 : i32
      %add3A_1349 = arith.addi %mul3A_1347, %add3A_1348 : i32
      %swap3A_1350 = arith.index_cast %add3A_1349 : i32 to index
      %swap3A_1351 = arith.constant 48 : index
      %swap3A_1352 = tpu.vector_load %arg24[%swap3A_1350, %swap3A_1351] {strides = array<i32>} : memref<76x128xi32, #tpu.memory_space<vmem>>, vector<1x16xi32>,
      %swap3A_1353 = vector.shape_cast %swap3A_1352 : vector<1x16xi32> to vector<16xi32>
      %swap3A_1354 = vector.shape_cast %add3A_1345 : vector<16xi32> to vector<1x16xi32>
      tpu.vector_store %arg24[%swap3A_1350, %swap3A_1351], %swap3A_1354 {strides = array<i32>} : memref<76x128xi32, #tpu.memory_space<vmem>>, vector<1x16xi32>,
      %get3A_1355 = arith.constant 64 : index
      %get3A_1356 = tpu.vector_load %arg23[%get3A_1355] {strides = array<i32>} : memref<512xi32, #tpu.memory_space<vmem>>, vector<16xi32>,
      %get3A_1357 = vector.shape_cast %get3A_1356 : vector<16xi32> to vector<16xi32>
      %get3A_1358 = arith.index_cast %add3A_1287 : i32 to index
      %get3A_1359 = arith.constant 64 : index
      %get3A_1360 = tpu.vector_load %arg17[%get3A_1358, %get3A_1359] {strides = array<i32>} : memref<19x512xi32, #tpu.memory_space<vmem>>, vector<1x16xi32>,
      %get3A_1361 = vector.shape_cast %get3A_1360 : vector<1x16xi32> to vector<16xi32>
      %add3A_1362 = arith.addi %get3A_1357, %get3A_1361 : vector<16xi32>
      %mul3A_1363 = arith.constant 4 : i32
      %mul3A_1364 = arith.muli %add3A_1287, %mul3A_1363 : i32
      %add3A_1365 = arith.constant 0 : i32
      %add3A_1366 = arith.addi %mul3A_1364, %add3A_1365 : i32
      %swap3A_1367 = arith.index_cast %add3A_1366 : i32 to index
      %swap3A_1368 = arith.constant 64 : index
      %swap3A_1369 = tpu.vector_load %arg24[%swap3A_1367, %swap3A_1368] {strides = array<i32>} : memref<76x128xi32, #tpu.memory_space<vmem>>, vector<1x16xi32>,
      %swap3A_1370 = vector.shape_cast %swap3A_1369 : vector<1x16xi32> to vector<16xi32>
      %swap3A_1371 = vector.shape_cast %add3A_1362 : vector<16xi32> to vector<1x16xi32>
      tpu.vector_store %arg24[%swap3A_1367, %swap3A_1368], %swap3A_1371 {strides = array<i32>} : memref<76x128xi32, #tpu.memory_space<vmem>>, vector<1x16xi32>,
      %get3A_1372 = arith.constant 80 : index
      %get3A_1373 = tpu.vector_load %arg23[%get3A_1372] {strides = array<i32>} : memref<512xi32, #tpu.memory_space<vmem>>, vector<16xi32>,
      %get3A_1374 = vector.shape_cast %get3A_1373 : vector<16xi32> to vector<16xi32>
      %get3A_1375 = arith.index_cast %add3A_1287 : i32 to index
      %get3A_1376 = arith.constant 80 : index
      %get3A_1377 = tpu.vector_load %arg17[%get3A_1375, %get3A_1376] {strides = array<i32>} : memref<19x512xi32, #tpu.memory_space<vmem>>, vector<1x16xi32>,
      %get3A_1378 = vector.shape_cast %get3A_1377 : vector<1x16xi32> to vector<16xi32>
      %add3A_1379 = arith.addi %get3A_1374, %get3A_1378 : vector<16xi32>
      %mul3A_1380 = arith.constant 4 : i32
      %mul3A_1381 = arith.muli %add3A_1287, %mul3A_1380 : i32
      %add3A_1382 = arith.constant 0 : i32
      %add3A_1383 = arith.addi %mul3A_1381, %add3A_1382 : i32
      %swap3A_1384 = arith.index_cast %add3A_1383 : i32 to index
      %swap3A_1385 = arith.constant 80 : index
      %swap3A_1386 = tpu.vector_load %arg24[%swap3A_1384, %swap3A_1385] {strides = array<i32>} : memref<76x128xi32, #tpu.memory_space<vmem>>, vector<1x16xi32>,
      %swap3A_1387 = vector.shape_cast %swap3A_1386 : vector<1x16xi32> to vector<16xi32>
      %swap3A_1388 = vector.shape_cast %add3A_1379 : vector<16xi32> to vector<1x16xi32>
      tpu.vector_store %arg24[%swap3A_1384, %swap3A_1385], %swap3A_1388 {strides = array<i32>} : memref<76x128xi32, #tpu.memory_space<vmem>>, vector<1x16xi32>,
      %get3A_1389 = arith.constant 96 : index
      %get3A_1390 = tpu.vector_load %arg23[%get3A_1389] {strides = array<i32>} : memref<512xi32, #tpu.memory_space<vmem>>, vector<16xi32>,
      %get3A_1391 = vector.shape_cast %get3A_1390 : vector<16xi32> to vector<16xi32>
      %get3A_1392 = arith.index_cast %add3A_1287 : i32 to index
      %get3A_1393 = arith.constant 96 : index
      %get3A_1394 = tpu.vector_load %arg17[%get3A_1392, %get3A_1393] {strides = array<i32>} : memref<19x512xi32, #tpu.memory_space<vmem>>, vector<1x16xi32>,
      %get3A_1395 = vector.shape_cast %get3A_1394 : vector<1x16xi32> to vector<16xi32>
      %add3A_1396 = arith.addi %get3A_1391, %get3A_1395 : vector<16xi32>
      %mul3A_1397 = arith.constant 4 : i32
      %mul3A_1398 = arith.muli %add3A_1287, %mul3A_1397 : i32
      %add3A_1399 = arith.constant 0 : i32
      %add3A_1400 = arith.addi %mul3A_1398, %add3A_1399 : i32
      %swap3A_1401 = arith.index_cast %add3A_1400 : i32 to index
      %swap3A_1402 = arith.constant 96 : index
      %swap3A_1403 = tpu.vector_load %arg24[%swap3A_1401, %swap3A_1402] {strides = array<i32>} : memref<76x128xi32, #tpu.memory_space<vmem>>, vector<1x16xi32>,
      %swap3A_1404 = vector.shape_cast %swap3A_1403 : vector<1x16xi32> to vector<16xi32>
      %swap3A_1405 = vector.shape_cast %add3A_1396 : vector<16xi32> to vector<1x16xi32>
      tpu.vector_store %arg24[%swap3A_1401, %swap3A_1402], %swap3A_1405 {strides = array<i32>} : memref<76x128xi32, #tpu.memory_space<vmem>>, vector<1x16xi32>,
      %get3A_1406 = arith.constant 112 : index
      %get3A_1407 = tpu.vector_load %arg23[%get3A_1406] {strides = array<i32>} : memref<512xi32, #tpu.memory_space<vmem>>, vector<16xi32>,
      %get3A_1408 = vector.shape_cast %get3A_1407 : vector<16xi32> to vector<16xi32>
      %get3A_1409 = arith.index_cast %add3A_1287 : i32 to index
      %get3A_1410 = arith.constant 112 : index
      %get3A_1411 = tpu.vector_load %arg17[%get3A_1409, %get3A_1410] {strides = array<i32>} : memref<19x512xi32, #tpu.memory_space<vmem>>, vector<1x16xi32>,
      %get3A_1412 = vector.shape_cast %get3A_1411 : vector<1x16xi32> to vector<16xi32>
      %add3A_1413 = arith.addi %get3A_1408, %get3A_1412 : vector<16xi32>
      %mul3A_1414 = arith.constant 4 : i32
      %mul3A_1415 = arith.muli %add3A_1287, %mul3A_1414 : i32
      %add3A_1416 = arith.constant 0 : i32
      %add3A_1417 = arith.addi %mul3A_1415, %add3A_1416 : i32
      %swap3A_1418 = arith.index_cast %add3A_1417 : i32 to index
      %swap3A_1419 = arith.constant 112 : index
      %swap3A_1420 = tpu.vector_load %arg24[%swap3A_1418, %swap3A_1419] {strides = array<i32>} : memref<76x128xi32, #tpu.memory_space<vmem>>, vector<1x16xi32>,
      %swap3A_1421 = vector.shape_cast %swap3A_1420 : vector<1x16xi32> to vector<16xi32>
      %swap3A_1422 = vector.shape_cast %add3A_1413 : vector<16xi32> to vector<1x16xi32>
      tpu.vector_store %arg24[%swap3A_1418, %swap3A_1419], %swap3A_1422 {strides = array<i32>} : memref<76x128xi32, #tpu.memory_space<vmem>>, vector<1x16xi32>,
      %get3A_1423 = arith.constant 128 : index
      %get3A_1424 = tpu.vector_load %arg23[%get3A_1423] {strides = array<i32>} : memref<512xi32, #tpu.memory_space<vmem>>, vector<16xi32>,
      %get3A_1425 = vector.shape_cast %get3A_1424 : vector<16xi32> to vector<16xi32>
      %get3A_1426 = arith.index_cast %add3A_1287 : i32 to index
      %get3A_1427 = arith.constant 128 : index
      %get3A_1428 = tpu.vector_load %arg17[%get3A_1426, %get3A_1427] {strides = array<i32>} : memref<19x512xi32, #tpu.memory_space<vmem>>, vector<1x16xi32>,
      %get3A_1429 = vector.shape_cast %get3A_1428 : vector<1x16xi32> to vector<16xi32>
      %add3A_1430 = arith.addi %get3A_1425, %get3A_1429 : vector<16xi32>
      %mul3A_1431 = arith.constant 4 : i32
      %mul3A_1432 = arith.muli %add3A_1287, %mul3A_1431 : i32
      %add3A_1433 = arith.constant 1 : i32
      %add3A_1434 = arith.addi %mul3A_1432, %add3A_1433 : i32
      %swap3A_1435 = arith.index_cast %add3A_1434 : i32 to index
      %swap3A_1436 = arith.constant 0 : index
      %swap3A_1437 = tpu.vector_load %arg24[%swap3A_1435, %swap3A_1436] {strides = array<i32>} : memref<76x128xi32, #tpu.memory_space<vmem>>, vector<1x16xi32>,
      %swap3A_1438 = vector.shape_cast %swap3A_1437 : vector<1x16xi32> to vector<16xi32>
      %swap3A_1439 = vector.shape_cast %add3A_1430 : vector<16xi32> to vector<1x16xi32>
      tpu.vector_store %arg24[%swap3A_1435, %swap3A_1436], %swap3A_1439 {strides = array<i32>} : memref<76x128xi32, #tpu.memory_space<vmem>>, vector<1x16xi32>,
      %get3A_1440 = arith.constant 144 : index
      %get3A_1441 = tpu.vector_load %arg23[%get3A_1440] {strides = array<i32>} : memref<512xi32, #tpu.memory_space<vmem>>, vector<16xi32>,
      %get3A_1442 = vector.shape_cast %get3A_1441 : vector<16xi32> to vector<16xi32>
      %get3A_1443 = arith.index_cast %add3A_1287 : i32 to index
      %get3A_1444 = arith.constant 144 : index
      %get3A_1445 = tpu.vector_load %arg17[%get3A_1443, %get3A_1444] {strides = array<i32>} : memref<19x512xi32, #tpu.memory_space<vmem>>, vector<1x16xi32>,
      %get3A_1446 = vector.shape_cast %get3A_1445 : vector<1x16xi32> to vector<16xi32>
      %add3A_1447 = arith.addi %get3A_1442, %get3A_1446 : vector<16xi32>
      %mul3A_1448 = arith.constant 4 : i32
      %mul3A_1449 = arith.muli %add3A_1287, %mul3A_1448 : i32
      %add3A_1450 = arith.constant 1 : i32
      %add3A_1451 = arith.addi %mul3A_1449, %add3A_1450 : i32
      %swap3A_1452 = arith.index_cast %add3A_1451 : i32 to index
      %swap3A_1453 = arith.constant 16 : index
      %swap3A_1454 = tpu.vector_load %arg24[%swap3A_1452, %swap3A_1453] {strides = array<i32>} : memref<76x128xi32, #tpu.memory_space<vmem>>, vector<1x16xi32>,
      %swap3A_1455 = vector.shape_cast %swap3A_1454 : vector<1x16xi32> to vector<16xi32>
      %swap3A_1456 = vector.shape_cast %add3A_1447 : vector<16xi32> to vector<1x16xi32>
      tpu.vector_store %arg24[%swap3A_1452, %swap3A_1453], %swap3A_1456 {strides = array<i32>} : memref<76x128xi32, #tpu.memory_space<vmem>>, vector<1x16xi32>,
      %get3A_1457 = arith.constant 160 : index
      %get3A_1458 = tpu.vector_load %arg23[%get3A_1457] {strides = array<i32>} : memref<512xi32, #tpu.memory_space<vmem>>, vector<16xi32>,
      %get3A_1459 = vector.shape_cast %get3A_1458 : vector<16xi32> to vector<16xi32>
      %get3A_1460 = arith.index_cast %add3A_1287 : i32 to index
      %get3A_1461 = arith.constant 160 : index
      %get3A_1462 = tpu.vector_load %arg17[%get3A_1460, %get3A_1461] {strides = array<i32>} : memref<19x512xi32, #tpu.memory_space<vmem>>, vector<1x16xi32>,
      %get3A_1463 = vector.shape_cast %get3A_1462 : vector<1x16xi32> to vector<16xi32>
      %add3A_1464 = arith.addi %get3A_1459, %get3A_1463 : vector<16xi32>
      %mul3A_1465 = arith.constant 4 : i32
      %mul3A_1466 = arith.muli %add3A_1287, %mul3A_1465 : i32
      %add3A_1467 = arith.constant 1 : i32
      %add3A_1468 = arith.addi %mul3A_1466, %add3A_1467 : i32
      %swap3A_1469 = arith.index_cast %add3A_1468 : i32 to index
      %swap3A_1470 = arith.constant 32 : index
      %swap3A_1471 = tpu.vector_load %arg24[%swap3A_1469, %swap3A_1470] {strides = array<i32>} : memref<76x128xi32, #tpu.memory_space<vmem>>, vector<1x16xi32>,
      %swap3A_1472 = vector.shape_cast %swap3A_1471 : vector<1x16xi32> to vector<16xi32>
      %swap3A_1473 = vector.shape_cast %add3A_1464 : vector<16xi32> to vector<1x16xi32>
      tpu.vector_store %arg24[%swap3A_1469, %swap3A_1470], %swap3A_1473 {strides = array<i32>} : memref<76x128xi32, #tpu.memory_space<vmem>>, vector<1x16xi32>,
      %get3A_1474 = arith.constant 176 : index
      %get3A_1475 = tpu.vector_load %arg23[%get3A_1474] {strides = array<i32>} : memref<512xi32, #tpu.memory_space<vmem>>, vector<16xi32>,
      %get3A_1476 = vector.shape_cast %get3A_1475 : vector<16xi32> to vector<16xi32>
      %get3A_1477 = arith.index_cast %add3A_1287 : i32 to index
      %get3A_1478 = arith.constant 176 : index
      %get3A_1479 = tpu.vector_load %arg17[%get3A_1477, %get3A_1478] {strides = array<i32>} : memref<19x512xi32, #tpu.memory_space<vmem>>, vector<1x16xi32>,
      %get3A_1480 = vector.shape_cast %get3A_1479 : vector<1x16xi32> to vector<16xi32>
      %add3A_1481 = arith.addi %get3A_1476, %get3A_1480 : vector<16xi32>
      %mul3A_1482 = arith.constant 4 : i32
      %mul3A_1483 = arith.muli %add3A_1287, %mul3A_1482 : i32
      %add3A_1484 = arith.constant 1 : i32
      %add3A_1485 = arith.addi %mul3A_1483, %add3A_1484 : i32
      %swap3A_1486 = arith.index_cast %add3A_1485 : i32 to index
      %swap3A_1487 = arith.constant 48 : index
      %swap3A_1488 = tpu.vector_load %arg24[%swap3A_1486, %swap3A_1487] {strides = array<i32>} : memref<76x128xi32, #tpu.memory_space<vmem>>, vector<1x16xi32>,
      %swap3A_1489 = vector.shape_cast %swap3A_1488 : vector<1x16xi32> to vector<16xi32>
      %swap3A_1490 = vector.shape_cast %add3A_1481 : vector<16xi32> to vector<1x16xi32>
      tpu.vector_store %arg24[%swap3A_1486, %swap3A_1487], %swap3A_1490 {strides = array<i32>} : memref<76x128xi32, #tpu.memory_space<vmem>>, vector<1x16xi32>,
      %get3A_1491 = arith.constant 192 : index
      %get3A_1492 = tpu.vector_load %arg23[%get3A_1491] {strides = array<i32>} : memref<512xi32, #tpu.memory_space<vmem>>, vector<16xi32>,
      %get3A_1493 = vector.shape_cast %get3A_1492 : vector<16xi32> to vector<16xi32>
      %get3A_1494 = arith.index_cast %add3A_1287 : i32 to index
      %get3A_1495 = arith.constant 192 : index
      %get3A_1496 = tpu.vector_load %arg17[%get3A_1494, %get3A_1495] {strides = array<i32>} : memref<19x512xi32, #tpu.memory_space<vmem>>, vector<1x16xi32>,
      %get3A_1497 = vector.shape_cast %get3A_1496 : vector<1x16xi32> to vector<16xi32>
      %add3A_1498 = arith.addi %get3A_1493, %get3A_1497 : vector<16xi32>
      %mul3A_1499 = arith.constant 4 : i32
      %mul3A_1500 = arith.muli %add3A_1287, %mul3A_1499 : i32
      %add3A_1501 = arith.constant 1 : i32
      %add3A_1502 = arith.addi %mul3A_1500, %add3A_1501 : i32
      %swap3A_1503 = arith.index_cast %add3A_1502 : i32 to index
      %swap3A_1504 = arith.constant 64 : index
      %swap3A_1505 = tpu.vector_load %arg24[%swap3A_1503, %swap3A_1504] {strides = array<i32>} : memref<76x128xi32, #tpu.memory_space<vmem>>, vector<1x16xi32>,
      %swap3A_1506 = vector.shape_cast %swap3A_1505 : vector<1x16xi32> to vector<16xi32>
      %swap3A_1507 = vector.shape_cast %add3A_1498 : vector<16xi32> to vector<1x16xi32>
      tpu.vector_store %arg24[%swap3A_1503, %swap3A_1504], %swap3A_1507 {strides = array<i32>} : memref<76x128xi32, #tpu.memory_space<vmem>>, vector<1x16xi32>,
      %get3A_1508 = arith.constant 208 : index
      %get3A_1509 = tpu.vector_load %arg23[%get3A_1508] {strides = array<i32>} : memref<512xi32, #tpu.memory_space<vmem>>, vector<16xi32>,
      %get3A_1510 = vector.shape_cast %get3A_1509 : vector<16xi32> to vector<16xi32>
      %get3A_1511 = arith.index_cast %add3A_1287 : i32 to index
      %get3A_1512 = arith.constant 208 : index
      %get3A_1513 = tpu.vector_load %arg17[%get3A_1511, %get3A_1512] {strides = array<i32>} : memref<19x512xi32, #tpu.memory_space<vmem>>, vector<1x16xi32>,
      %get3A_1514 = vector.shape_cast %get3A_1513 : vector<1x16xi32> to vector<16xi32>
      %add3A_1515 = arith.addi %get3A_1510, %get3A_1514 : vector<16xi32>
      %mul3A_1516 = arith.constant 4 : i32
      %mul3A_1517 = arith.muli %add3A_1287, %mul3A_1516 : i32
      %add3A_1518 = arith.constant 1 : i32
      %add3A_1519 = arith.addi %mul3A_1517, %add3A_1518 : i32
      %swap3A_1520 = arith.index_cast %add3A_1519 : i32 to index
      %swap3A_1521 = arith.constant 80 : index
      %swap3A_1522 = tpu.vector_load %arg24[%swap3A_1520, %swap3A_1521] {strides = array<i32>} : memref<76x128xi32, #tpu.memory_space<vmem>>, vector<1x16xi32>,
      %swap3A_1523 = vector.shape_cast %swap3A_1522 : vector<1x16xi32> to vector<16xi32>
      %swap3A_1524 = vector.shape_cast %add3A_1515 : vector<16xi32> to vector<1x16xi32>
      tpu.vector_store %arg24[%swap3A_1520, %swap3A_1521], %swap3A_1524 {strides = array<i32>} : memref<76x128xi32, #tpu.memory_space<vmem>>, vector<1x16xi32>,
      %get3A_1525 = arith.constant 224 : index
      %get3A_1526 = tpu.vector_load %arg23[%get3A_1525] {strides = array<i32>} : memref<512xi32, #tpu.memory_space<vmem>>, vector<16xi32>,
      %get3A_1527 = vector.shape_cast %get3A_1526 : vector<16xi32> to vector<16xi32>
      %get3A_1528 = arith.index_cast %add3A_1287 : i32 to index
      %get3A_1529 = arith.constant 224 : index
      %get3A_1530 = tpu.vector_load %arg17[%get3A_1528, %get3A_1529] {strides = array<i32>} : memref<19x512xi32, #tpu.memory_space<vmem>>, vector<1x16xi32>,
      %get3A_1531 = vector.shape_cast %get3A_1530 : vector<1x16xi32> to vector<16xi32>
      %add3A_1532 = arith.addi %get3A_1527, %get3A_1531 : vector<16xi32>
      %mul3A_1533 = arith.constant 4 : i32
      %mul3A_1534 = arith.muli %add3A_1287, %mul3A_1533 : i32
      %add3A_1535 = arith.constant 1 : i32
      %add3A_1536 = arith.addi %mul3A_1534, %add3A_1535 : i32
      %swap3A_1537 = arith.index_cast %add3A_1536 : i32 to index
      %swap3A_1538 = arith.constant 96 : index
      %swap3A_1539 = tpu.vector_load %arg24[%swap3A_1537, %swap3A_1538] {strides = array<i32>} : memref<76x128xi32, #tpu.memory_space<vmem>>, vector<1x16xi32>,
      %swap3A_1540 = vector.shape_cast %swap3A_1539 : vector<1x16xi32> to vector<16xi32>
      %swap3A_1541 = vector.shape_cast %add3A_1532 : vector<16xi32> to vector<1x16xi32>
      tpu.vector_store %arg24[%swap3A_1537, %swap3A_1538], %swap3A_1541 {strides = array<i32>} : memref<76x128xi32, #tpu.memory_space<vmem>>, vector<1x16xi32>,
      %get3A_1542 = arith.constant 240 : index
      %get3A_1543 = tpu.vector_load %arg23[%get3A_1542] {strides = array<i32>} : memref<512xi32, #tpu.memory_space<vmem>>, vector<16xi32>,
      %get3A_1544 = vector.shape_cast %get3A_1543 : vector<16xi32> to vector<16xi32>
      %get3A_1545 = arith.index_cast %add3A_1287 : i32 to index
      %get3A_1546 = arith.constant 240 : index
      %get3A_1547 = tpu.vector_load %arg17[%get3A_1545, %get3A_1546] {strides = array<i32>} : memref<19x512xi32, #tpu.memory_space<vmem>>, vector<1x16xi32>,
      %get3A_1548 = vector.shape_cast %get3A_1547 : vector<1x16xi32> to vector<16xi32>
      %add3A_1549 = arith.addi %get3A_1544, %get3A_1548 : vector<16xi32>
      %mul3A_1550 = arith.constant 4 : i32
      %mul3A_1551 = arith.muli %add3A_1287, %mul3A_1550 : i32
      %add3A_1552 = arith.constant 1 : i32
      %add3A_1553 = arith.addi %mul3A_1551, %add3A_1552 : i32
      %swap3A_1554 = arith.index_cast %add3A_1553 : i32 to index
      %swap3A_1555 = arith.constant 112 : index
      %swap3A_1556 = tpu.vector_load %arg24[%swap3A_1554, %swap3A_1555] {strides = array<i32>} : memref<76x128xi32, #tpu.memory_space<vmem>>, vector<1x16xi32>,
      %swap3A_1557 = vector.shape_cast %swap3A_1556 : vector<1x16xi32> to vector<16xi32>
      %swap3A_1558 = vector.shape_cast %add3A_1549 : vector<16xi32> to vector<1x16xi32>
      tpu.vector_store %arg24[%swap3A_1554, %swap3A_1555], %swap3A_1558 {strides = array<i32>} : memref<76x128xi32, #tpu.memory_space<vmem>>, vector<1x16xi32>,
      %get3A_1559 = arith.constant 256 : index
      %get3A_1560 = tpu.vector_load %arg23[%get3A_1559] {strides = array<i32>} : memref<512xi32, #tpu.memory_space<vmem>>, vector<16xi32>,
      %get3A_1561 = vector.shape_cast %get3A_1560 : vector<16xi32> to vector<16xi32>
      %get3A_1562 = arith.index_cast %add3A_1287 : i32 to index
      %get3A_1563 = arith.constant 256 : index
      %get3A_1564 = tpu.vector_load %arg17[%get3A_1562, %get3A_1563] {strides = array<i32>} : memref<19x512xi32, #tpu.memory_space<vmem>>, vector<1x16xi32>,
      %get3A_1565 = vector.shape_cast %get3A_1564 : vector<1x16xi32> to vector<16xi32>
      %add3A_1566 = arith.addi %get3A_1561, %get3A_1565 : vector<16xi32>
      %mul3A_1567 = arith.constant 4 : i32
      %mul3A_1568 = arith.muli %add3A_1287, %mul3A_1567 : i32
      %add3A_1569 = arith.constant 2 : i32
      %add3A_1570 = arith.addi %mul3A_1568, %add3A_1569 : i32
      %swap3A_1571 = arith.index_cast %add3A_1570 : i32 to index
      %swap3A_1572 = arith.constant 0 : index
      %swap3A_1573 = tpu.vector_load %arg24[%swap3A_1571, %swap3A_1572] {strides = array<i32>} : memref<76x128xi32, #tpu.memory_space<vmem>>, vector<1x16xi32>,
      %swap3A_1574 = vector.shape_cast %swap3A_1573 : vector<1x16xi32> to vector<16xi32>
      %swap3A_1575 = vector.shape_cast %add3A_1566 : vector<16xi32> to vector<1x16xi32>
      tpu.vector_store %arg24[%swap3A_1571, %swap3A_1572], %swap3A_1575 {strides = array<i32>} : memref<76x128xi32, #tpu.memory_space<vmem>>, vector<1x16xi32>,
      %get3A_1576 = arith.constant 272 : index
      %get3A_1577 = tpu.vector_load %arg23[%get3A_1576] {strides = array<i32>} : memref<512xi32, #tpu.memory_space<vmem>>, vector<16xi32>,
      %get3A_1578 = vector.shape_cast %get3A_1577 : vector<16xi32> to vector<16xi32>
      %get3A_1579 = arith.index_cast %add3A_1287 : i32 to index
      %get3A_1580 = arith.constant 272 : index
      %get3A_1581 = tpu.vector_load %arg17[%get3A_1579, %get3A_1580] {strides = array<i32>} : memref<19x512xi32, #tpu.memory_space<vmem>>, vector<1x16xi32>,
      %get3A_1582 = vector.shape_cast %get3A_1581 : vector<1x16xi32> to vector<16xi32>
      %add3A_1583 = arith.addi %get3A_1578, %get3A_1582 : vector<16xi32>
      %mul3A_1584 = arith.constant 4 : i32
      %mul3A_1585 = arith.muli %add3A_1287, %mul3A_1584 : i32
      %add3A_1586 = arith.constant 2 : i32
      %add3A_1587 = arith.addi %mul3A_1585, %add3A_1586 : i32
      %swap3A_1588 = arith.index_cast %add3A_1587 : i32 to index
      %swap3A_1589 = arith.constant 16 : index
      %swap3A_1590 = tpu.vector_load %arg24[%swap3A_1588, %swap3A_1589] {strides = array<i32>} : memref<76x128xi32, #tpu.memory_space<vmem>>, vector<1x16xi32>,
      %swap3A_1591 = vector.shape_cast %swap3A_1590 : vector<1x16xi32> to vector<16xi32>
      %swap3A_1592 = vector.shape_cast %add3A_1583 : vector<16xi32> to vector<1x16xi32>
      tpu.vector_store %arg24[%swap3A_1588, %swap3A_1589], %swap3A_1592 {strides = array<i32>} : memref<76x128xi32, #tpu.memory_space<vmem>>, vector<1x16xi32>,
      %get3A_1593 = arith.constant 288 : index
      %get3A_1594 = tpu.vector_load %arg23[%get3A_1593] {strides = array<i32>} : memref<512xi32, #tpu.memory_space<vmem>>, vector<16xi32>,
      %get3A_1595 = vector.shape_cast %get3A_1594 : vector<16xi32> to vector<16xi32>
      %get3A_1596 = arith.index_cast %add3A_1287 : i32 to index
      %get3A_1597 = arith.constant 288 : index
      %get3A_1598 = tpu.vector_load %arg17[%get3A_1596, %get3A_1597] {strides = array<i32>} : memref<19x512xi32, #tpu.memory_space<vmem>>, vector<1x16xi32>,
      %get3A_1599 = vector.shape_cast %get3A_1598 : vector<1x16xi32> to vector<16xi32>
      %add3A_1600 = arith.addi %get3A_1595, %get3A_1599 : vector<16xi32>
      %mul3A_1601 = arith.constant 4 : i32
      %mul3A_1602 = arith.muli %add3A_1287, %mul3A_1601 : i32
      %add3A_1603 = arith.constant 2 : i32
      %add3A_1604 = arith.addi %mul3A_1602, %add3A_1603 : i32
      %swap3A_1605 = arith.index_cast %add3A_1604 : i32 to index
      %swap3A_1606 = arith.constant 32 : index
      %swap3A_1607 = tpu.vector_load %arg24[%swap3A_1605, %swap3A_1606] {strides = array<i32>} : memref<76x128xi32, #tpu.memory_space<vmem>>, vector<1x16xi32>,
      %swap3A_1608 = vector.shape_cast %swap3A_1607 : vector<1x16xi32> to vector<16xi32>
      %swap3A_1609 = vector.shape_cast %add3A_1600 : vector<16xi32> to vector<1x16xi32>
      tpu.vector_store %arg24[%swap3A_1605, %swap3A_1606], %swap3A_1609 {strides = array<i32>} : memref<76x128xi32, #tpu.memory_space<vmem>>, vector<1x16xi32>,
      %get3A_1610 = arith.constant 304 : index
      %get3A_1611 = tpu.vector_load %arg23[%get3A_1610] {strides = array<i32>} : memref<512xi32, #tpu.memory_space<vmem>>, vector<16xi32>,
      %get3A_1612 = vector.shape_cast %get3A_1611 : vector<16xi32> to vector<16xi32>
      %get3A_1613 = arith.index_cast %add3A_1287 : i32 to index
      %get3A_1614 = arith.constant 304 : index
      %get3A_1615 = tpu.vector_load %arg17[%get3A_1613, %get3A_1614] {strides = array<i32>} : memref<19x512xi32, #tpu.memory_space<vmem>>, vector<1x16xi32>,
      %get3A_1616 = vector.shape_cast %get3A_1615 : vector<1x16xi32> to vector<16xi32>
      %add3A_1617 = arith.addi %get3A_1612, %get3A_1616 : vector<16xi32>
      %mul3A_1618 = arith.constant 4 : i32
      %mul3A_1619 = arith.muli %add3A_1287, %mul3A_1618 : i32
      %add3A_1620 = arith.constant 2 : i32
      %add3A_1621 = arith.addi %mul3A_1619, %add3A_1620 : i32
      %swap3A_1622 = arith.index_cast %add3A_1621 : i32 to index
      %swap3A_1623 = arith.constant 48 : index
      %swap3A_1624 = tpu.vector_load %arg24[%swap3A_1622, %swap3A_1623] {strides = array<i32>} : memref<76x128xi32, #tpu.memory_space<vmem>>, vector<1x16xi32>,
      %swap3A_1625 = vector.shape_cast %swap3A_1624 : vector<1x16xi32> to vector<16xi32>
      %swap3A_1626 = vector.shape_cast %add3A_1617 : vector<16xi32> to vector<1x16xi32>
      tpu.vector_store %arg24[%swap3A_1622, %swap3A_1623], %swap3A_1626 {strides = array<i32>} : memref<76x128xi32, #tpu.memory_space<vmem>>, vector<1x16xi32>,
      %get3A_1627 = arith.constant 320 : index
      %get3A_1628 = tpu.vector_load %arg23[%get3A_1627] {strides = array<i32>} : memref<512xi32, #tpu.memory_space<vmem>>, vector<16xi32>,
      %get3A_1629 = vector.shape_cast %get3A_1628 : vector<16xi32> to vector<16xi32>
      %get3A_1630 = arith.index_cast %add3A_1287 : i32 to index
      %get3A_1631 = arith.constant 320 : index
      %get3A_1632 = tpu.vector_load %arg17[%get3A_1630, %get3A_1631] {strides = array<i32>} : memref<19x512xi32, #tpu.memory_space<vmem>>, vector<1x16xi32>,
      %get3A_1633 = vector.shape_cast %get3A_1632 : vector<1x16xi32> to vector<16xi32>
      %add3A_1634 = arith.addi %get3A_1629, %get3A_1633 : vector<16xi32>
      %mul3A_1635 = arith.constant 4 : i32
      %mul3A_1636 = arith.muli %add3A_1287, %mul3A_1635 : i32
      %add3A_1637 = arith.constant 2 : i32
      %add3A_1638 = arith.addi %mul3A_1636, %add3A_1637 : i32
      %swap3A_1639 = arith.index_cast %add3A_1638 : i32 to index
      %swap3A_1640 = arith.constant 64 : index
      %swap3A_1641 = tpu.vector_load %arg24[%swap3A_1639, %swap3A_1640] {strides = array<i32>} : memref<76x128xi32, #tpu.memory_space<vmem>>, vector<1x16xi32>,
      %swap3A_1642 = vector.shape_cast %swap3A_1641 : vector<1x16xi32> to vector<16xi32>
      %swap3A_1643 = vector.shape_cast %add3A_1634 : vector<16xi32> to vector<1x16xi32>
      tpu.vector_store %arg24[%swap3A_1639, %swap3A_1640], %swap3A_1643 {strides = array<i32>} : memref<76x128xi32, #tpu.memory_space<vmem>>, vector<1x16xi32>,
      %get3A_1644 = arith.constant 336 : index
      %get3A_1645 = tpu.vector_load %arg23[%get3A_1644] {strides = array<i32>} : memref<512xi32, #tpu.memory_space<vmem>>, vector<16xi32>,
      %get3A_1646 = vector.shape_cast %get3A_1645 : vector<16xi32> to vector<16xi32>
      %get3A_1647 = arith.index_cast %add3A_1287 : i32 to index
      %get3A_1648 = arith.constant 336 : index
      %get3A_1649 = tpu.vector_load %arg17[%get3A_1647, %get3A_1648] {strides = array<i32>} : memref<19x512xi32, #tpu.memory_space<vmem>>, vector<1x16xi32>,
      %get3A_1650 = vector.shape_cast %get3A_1649 : vector<1x16xi32> to vector<16xi32>
      %add3A_1651 = arith.addi %get3A_1646, %get3A_1650 : vector<16xi32>
      %mul3A_1652 = arith.constant 4 : i32
      %mul3A_1653 = arith.muli %add3A_1287, %mul3A_1652 : i32
      %add3A_1654 = arith.constant 2 : i32
      %add3A_1655 = arith.addi %mul3A_1653, %add3A_1654 : i32
      %swap3A_1656 = arith.index_cast %add3A_1655 : i32 to index
      %swap3A_1657 = arith.constant 80 : index
      %swap3A_1658 = tpu.vector_load %arg24[%swap3A_1656, %swap3A_1657] {strides = array<i32>} : memref<76x128xi32, #tpu.memory_space<vmem>>, vector<1x16xi32>,
      %swap3A_1659 = vector.shape_cast %swap3A_1658 : vector<1x16xi32> to vector<16xi32>
      %swap3A_1660 = vector.shape_cast %add3A_1651 : vector<16xi32> to vector<1x16xi32>
      tpu.vector_store %arg24[%swap3A_1656, %swap3A_1657], %swap3A_1660 {strides = array<i32>} : memref<76x128xi32, #tpu.memory_space<vmem>>, vector<1x16xi32>,
      %get3A_1661 = arith.constant 352 : index
      %get3A_1662 = tpu.vector_load %arg23[%get3A_1661] {strides = array<i32>} : memref<512xi32, #tpu.memory_space<vmem>>, vector<16xi32>,
      %get3A_1663 = vector.shape_cast %get3A_1662 : vector<16xi32> to vector<16xi32>
      %get3A_1664 = arith.index_cast %add3A_1287 : i32 to index
      %get3A_1665 = arith.constant 352 : index
      %get3A_1666 = tpu.vector_load %arg17[%get3A_1664, %get3A_1665] {strides = array<i32>} : memref<19x512xi32, #tpu.memory_space<vmem>>, vector<1x16xi32>,
      %get3A_1667 = vector.shape_cast %get3A_1666 : vector<1x16xi32> to vector<16xi32>
      %add3A_1668 = arith.addi %get3A_1663, %get3A_1667 : vector<16xi32>
      %mul3A_1669 = arith.constant 4 : i32
      %mul3A_1670 = arith.muli %add3A_1287, %mul3A_1669 : i32
      %add3A_1671 = arith.constant 2 : i32
      %add3A_1672 = arith.addi %mul3A_1670, %add3A_1671 : i32
      %swap3A_1673 = arith.index_cast %add3A_1672 : i32 to index
      %swap3A_1674 = arith.constant 96 : index
      %swap3A_1675 = tpu.vector_load %arg24[%swap3A_1673, %swap3A_1674] {strides = array<i32>} : memref<76x128xi32, #tpu.memory_space<vmem>>, vector<1x16xi32>,
      %swap3A_1676 = vector.shape_cast %swap3A_1675 : vector<1x16xi32> to vector<16xi32>
      %swap3A_1677 = vector.shape_cast %add3A_1668 : vector<16xi32> to vector<1x16xi32>
      tpu.vector_store %arg24[%swap3A_1673, %swap3A_1674], %swap3A_1677 {strides = array<i32>} : memref<76x128xi32, #tpu.memory_space<vmem>>, vector<1x16xi32>,
      %get3A_1678 = arith.constant 368 : index
      %get3A_1679 = tpu.vector_load %arg23[%get3A_1678] {strides = array<i32>} : memref<512xi32, #tpu.memory_space<vmem>>, vector<16xi32>,
      %get3A_1680 = vector.shape_cast %get3A_1679 : vector<16xi32> to vector<16xi32>
      %get3A_1681 = arith.index_cast %add3A_1287 : i32 to index
      %get3A_1682 = arith.constant 368 : index
      %get3A_1683 = tpu.vector_load %arg17[%get3A_1681, %get3A_1682] {strides = array<i32>} : memref<19x512xi32, #tpu.memory_space<vmem>>, vector<1x16xi32>,
      %get3A_1684 = vector.shape_cast %get3A_1683 : vector<1x16xi32> to vector<16xi32>
      %add3A_1685 = arith.addi %get3A_1680, %get3A_1684 : vector<16xi32>
      %mul3A_1686 = arith.constant 4 : i32
      %mul3A_1687 = arith.muli %add3A_1287, %mul3A_1686 : i32
      %add3A_1688 = arith.constant 2 : i32
      %add3A_1689 = arith.addi %mul3A_1687, %add3A_1688 : i32
      %swap3A_1690 = arith.index_cast %add3A_1689 : i32 to index
      %swap3A_1691 = arith.constant 112 : index
      %swap3A_1692 = tpu.vector_load %arg24[%swap3A_1690, %swap3A_1691] {strides = array<i32>} : memref<76x128xi32, #tpu.memory_space<vmem>>, vector<1x16xi32>,
      %swap3A_1693 = vector.shape_cast %swap3A_1692 : vector<1x16xi32> to vector<16xi32>
      %swap3A_1694 = vector.shape_cast %add3A_1685 : vector<16xi32> to vector<1x16xi32>
      tpu.vector_store %arg24[%swap3A_1690, %swap3A_1691], %swap3A_1694 {strides = array<i32>} : memref<76x128xi32, #tpu.memory_space<vmem>>, vector<1x16xi32>,
      %get3A_1695 = arith.constant 384 : index
      %get3A_1696 = tpu.vector_load %arg23[%get3A_1695] {strides = array<i32>} : memref<512xi32, #tpu.memory_space<vmem>>, vector<16xi32>,
      %get3A_1697 = vector.shape_cast %get3A_1696 : vector<16xi32> to vector<16xi32>
      %get3A_1698 = arith.index_cast %add3A_1287 : i32 to index
      %get3A_1699 = arith.constant 384 : index
      %get3A_1700 = tpu.vector_load %arg17[%get3A_1698, %get3A_1699] {strides = array<i32>} : memref<19x512xi32, #tpu.memory_space<vmem>>, vector<1x16xi32>,
      %get3A_1701 = vector.shape_cast %get3A_1700 : vector<1x16xi32> to vector<16xi32>
      %add3A_1702 = arith.addi %get3A_1697, %get3A_1701 : vector<16xi32>
      %mul3A_1703 = arith.constant 4 : i32
      %mul3A_1704 = arith.muli %add3A_1287, %mul3A_1703 : i32
      %add3A_1705 = arith.constant 3 : i32
      %add3A_1706 = arith.addi %mul3A_1704, %add3A_1705 : i32
      %swap3A_1707 = arith.index_cast %add3A_1706 : i32 to index
      %swap3A_1708 = arith.constant 0 : index
      %swap3A_1709 = tpu.vector_load %arg24[%swap3A_1707, %swap3A_1708] {strides = array<i32>} : memref<76x128xi32, #tpu.memory_space<vmem>>, vector<1x16xi32>,
      %swap3A_1710 = vector.shape_cast %swap3A_1709 : vector<1x16xi32> to vector<16xi32>
      %swap3A_1711 = vector.shape_cast %add3A_1702 : vector<16xi32> to vector<1x16xi32>
      tpu.vector_store %arg24[%swap3A_1707, %swap3A_1708], %swap3A_1711 {strides = array<i32>} : memref<76x128xi32, #tpu.memory_space<vmem>>, vector<1x16xi32>,
      %get3A_1712 = arith.constant 400 : index
      %get3A_1713 = tpu.vector_load %arg23[%get3A_1712] {strides = array<i32>} : memref<512xi32, #tpu.memory_space<vmem>>, vector<16xi32>,
      %get3A_1714 = vector.shape_cast %get3A_1713 : vector<16xi32> to vector<16xi32>
      %get3A_1715 = arith.index_cast %add3A_1287 : i32 to index
      %get3A_1716 = arith.constant 400 : index
      %get3A_1717 = tpu.vector_load %arg17[%get3A_1715, %get3A_1716] {strides = array<i32>} : memref<19x512xi32, #tpu.memory_space<vmem>>, vector<1x16xi32>,
      %get3A_1718 = vector.shape_cast %get3A_1717 : vector<1x16xi32> to vector<16xi32>
      %add3A_1719 = arith.addi %get3A_1714, %get3A_1718 : vector<16xi32>
      %mul3A_1720 = arith.constant 4 : i32
      %mul3A_1721 = arith.muli %add3A_1287, %mul3A_1720 : i32
      %add3A_1722 = arith.constant 3 : i32
      %add3A_1723 = arith.addi %mul3A_1721, %add3A_1722 : i32
      %swap3A_1724 = arith.index_cast %add3A_1723 : i32 to index
      %swap3A_1725 = arith.constant 16 : index
      %swap3A_1726 = tpu.vector_load %arg24[%swap3A_1724, %swap3A_1725] {strides = array<i32>} : memref<76x128xi32, #tpu.memory_space<vmem>>, vector<1x16xi32>,
      %swap3A_1727 = vector.shape_cast %swap3A_1726 : vector<1x16xi32> to vector<16xi32>
      %swap3A_1728 = vector.shape_cast %add3A_1719 : vector<16xi32> to vector<1x16xi32>
      tpu.vector_store %arg24[%swap3A_1724, %swap3A_1725], %swap3A_1728 {strides = array<i32>} : memref<76x128xi32, #tpu.memory_space<vmem>>, vector<1x16xi32>,
      %get3A_1729 = arith.constant 416 : index
      %get3A_1730 = tpu.vector_load %arg23[%get3A_1729] {strides = array<i32>} : memref<512xi32, #tpu.memory_space<vmem>>, vector<16xi32>,
      %get3A_1731 = vector.shape_cast %get3A_1730 : vector<16xi32> to vector<16xi32>
      %get3A_1732 = arith.index_cast %add3A_1287 : i32 to index
      %get3A_1733 = arith.constant 416 : index
      %get3A_1734 = tpu.vector_load %arg17[%get3A_1732, %get3A_1733] {strides = array<i32>} : memref<19x512xi32, #tpu.memory_space<vmem>>, vector<1x16xi32>,
      %get3A_1735 = vector.shape_cast %get3A_1734 : vector<1x16xi32> to vector<16xi32>
      %add3A_1736 = arith.addi %get3A_1731, %get3A_1735 : vector<16xi32>
      %mul3A_1737 = arith.constant 4 : i32
      %mul3A_1738 = arith.muli %add3A_1287, %mul3A_1737 : i32
      %add3A_1739 = arith.constant 3 : i32
      %add3A_1740 = arith.addi %mul3A_1738, %add3A_1739 : i32
      %swap3A_1741 = arith.index_cast %add3A_1740 : i32 to index
      %swap3A_1742 = arith.constant 32 : index
      %swap3A_1743 = tpu.vector_load %arg24[%swap3A_1741, %swap3A_1742] {strides = array<i32>} : memref<76x128xi32, #tpu.memory_space<vmem>>, vector<1x16xi32>,
      %swap3A_1744 = vector.shape_cast %swap3A_1743 : vector<1x16xi32> to vector<16xi32>
      %swap3A_1745 = vector.shape_cast %add3A_1736 : vector<16xi32> to vector<1x16xi32>
      tpu.vector_store %arg24[%swap3A_1741, %swap3A_1742], %swap3A_1745 {strides = array<i32>} : memref<76x128xi32, #tpu.memory_space<vmem>>, vector<1x16xi32>,
      %get3A_1746 = arith.constant 432 : index
      %get3A_1747 = tpu.vector_load %arg23[%get3A_1746] {strides = array<i32>} : memref<512xi32, #tpu.memory_space<vmem>>, vector<16xi32>,
      %get3A_1748 = vector.shape_cast %get3A_1747 : vector<16xi32> to vector<16xi32>
      %get3A_1749 = arith.index_cast %add3A_1287 : i32 to index
      %get3A_1750 = arith.constant 432 : index
      %get3A_1751 = tpu.vector_load %arg17[%get3A_1749, %get3A_1750] {strides = array<i32>} : memref<19x512xi32, #tpu.memory_space<vmem>>, vector<1x16xi32>,
      %get3A_1752 = vector.shape_cast %get3A_1751 : vector<1x16xi32> to vector<16xi32>
      %add3A_1753 = arith.addi %get3A_1748, %get3A_1752 : vector<16xi32>
      %mul3A_1754 = arith.constant 4 : i32
      %mul3A_1755 = arith.muli %add3A_1287, %mul3A_1754 : i32
      %add3A_1756 = arith.constant 3 : i32
      %add3A_1757 = arith.addi %mul3A_1755, %add3A_1756 : i32
      %swap3A_1758 = arith.index_cast %add3A_1757 : i32 to index
      %swap3A_1759 = arith.constant 48 : index
      %swap3A_1760 = tpu.vector_load %arg24[%swap3A_1758, %swap3A_1759] {strides = array<i32>} : memref<76x128xi32, #tpu.memory_space<vmem>>, vector<1x16xi32>,
      %swap3A_1761 = vector.shape_cast %swap3A_1760 : vector<1x16xi32> to vector<16xi32>
      %swap3A_1762 = vector.shape_cast %add3A_1753 : vector<16xi32> to vector<1x16xi32>
      tpu.vector_store %arg24[%swap3A_1758, %swap3A_1759], %swap3A_1762 {strides = array<i32>} : memref<76x128xi32, #tpu.memory_space<vmem>>, vector<1x16xi32>,
      %get3A_1763 = arith.constant 448 : index
      %get3A_1764 = tpu.vector_load %arg23[%get3A_1763] {strides = array<i32>} : memref<512xi32, #tpu.memory_space<vmem>>, vector<16xi32>,
      %get3A_1765 = vector.shape_cast %get3A_1764 : vector<16xi32> to vector<16xi32>
      %get3A_1766 = arith.index_cast %add3A_1287 : i32 to index
      %get3A_1767 = arith.constant 448 : index
      %get3A_1768 = tpu.vector_load %arg17[%get3A_1766, %get3A_1767] {strides = array<i32>} : memref<19x512xi32, #tpu.memory_space<vmem>>, vector<1x16xi32>,
      %get3A_1769 = vector.shape_cast %get3A_1768 : vector<1x16xi32> to vector<16xi32>
      %add3A_1770 = arith.addi %get3A_1765, %get3A_1769 : vector<16xi32>
      %mul3A_1771 = arith.constant 4 : i32
      %mul3A_1772 = arith.muli %add3A_1287, %mul3A_1771 : i32
      %add3A_1773 = arith.constant 3 : i32
      %add3A_1774 = arith.addi %mul3A_1772, %add3A_1773 : i32
      %swap3A_1775 = arith.index_cast %add3A_1774 : i32 to index
      %swap3A_1776 = arith.constant 64 : index
      %swap3A_1777 = tpu.vector_load %arg24[%swap3A_1775, %swap3A_1776] {strides = array<i32>} : memref<76x128xi32, #tpu.memory_space<vmem>>, vector<1x16xi32>,
      %swap3A_1778 = vector.shape_cast %swap3A_1777 : vector<1x16xi32> to vector<16xi32>
      %swap3A_1779 = vector.shape_cast %add3A_1770 : vector<16xi32> to vector<1x16xi32>
      tpu.vector_store %arg24[%swap3A_1775, %swap3A_1776], %swap3A_1779 {strides = array<i32>} : memref<76x128xi32, #tpu.memory_space<vmem>>, vector<1x16xi32>,
      %get3A_1780 = arith.constant 464 : index
      %get3A_1781 = tpu.vector_load %arg23[%get3A_1780] {strides = array<i32>} : memref<512xi32, #tpu.memory_space<vmem>>, vector<16xi32>,
      %get3A_1782 = vector.shape_cast %get3A_1781 : vector<16xi32> to vector<16xi32>
      %get3A_1783 = arith.index_cast %add3A_1287 : i32 to index
      %get3A_1784 = arith.constant 464 : index
      %get3A_1785 = tpu.vector_load %arg17[%get3A_1783, %get3A_1784] {strides = array<i32>} : memref<19x512xi32, #tpu.memory_space<vmem>>, vector<1x16xi32>,
      %get3A_1786 = vector.shape_cast %get3A_1785 : vector<1x16xi32> to vector<16xi32>
      %add3A_1787 = arith.addi %get3A_1782, %get3A_1786 : vector<16xi32>
      %mul3A_1788 = arith.constant 4 : i32
      %mul3A_1789 = arith.muli %add3A_1287, %mul3A_1788 : i32
      %add3A_1790 = arith.constant 3 : i32
      %add3A_1791 = arith.addi %mul3A_1789, %add3A_1790 : i32
      %swap3A_1792 = arith.index_cast %add3A_1791 : i32 to index
      %swap3A_1793 = arith.constant 80 : index
      %swap3A_1794 = tpu.vector_load %arg24[%swap3A_1792, %swap3A_1793] {strides = array<i32>} : memref<76x128xi32, #tpu.memory_space<vmem>>, vector<1x16xi32>,
      %swap3A_1795 = vector.shape_cast %swap3A_1794 : vector<1x16xi32> to vector<16xi32>
      %swap3A_1796 = vector.shape_cast %add3A_1787 : vector<16xi32> to vector<1x16xi32>
      tpu.vector_store %arg24[%swap3A_1792, %swap3A_1793], %swap3A_1796 {strides = array<i32>} : memref<76x128xi32, #tpu.memory_space<vmem>>, vector<1x16xi32>,
      %get3A_1797 = arith.constant 480 : index
      %get3A_1798 = tpu.vector_load %arg23[%get3A_1797] {strides = array<i32>} : memref<512xi32, #tpu.memory_space<vmem>>, vector<16xi32>,
      %get3A_1799 = vector.shape_cast %get3A_1798 : vector<16xi32> to vector<16xi32>
      %get3A_1800 = arith.index_cast %add3A_1287 : i32 to index
      %get3A_1801 = arith.constant 480 : index
      %get3A_1802 = tpu.vector_load %arg17[%get3A_1800, %get3A_1801] {strides = array<i32>} : memref<19x512xi32, #tpu.memory_space<vmem>>, vector<1x16xi32>,
      %get3A_1803 = vector.shape_cast %get3A_1802 : vector<1x16xi32> to vector<16xi32>
      %add3A_1804 = arith.addi %get3A_1799, %get3A_1803 : vector<16xi32>
      %mul3A_1805 = arith.constant 4 : i32
      %mul3A_1806 = arith.muli %add3A_1287, %mul3A_1805 : i32
      %add3A_1807 = arith.constant 3 : i32
      %add3A_1808 = arith.addi %mul3A_1806, %add3A_1807 : i32
      %swap3A_1809 = arith.index_cast %add3A_1808 : i32 to index
      %swap3A_1810 = arith.constant 96 : index
      %swap3A_1811 = tpu.vector_load %arg24[%swap3A_1809, %swap3A_1810] {strides = array<i32>} : memref<76x128xi32, #tpu.memory_space<vmem>>, vector<1x16xi32>,
      %swap3A_1812 = vector.shape_cast %swap3A_1811 : vector<1x16xi32> to vector<16xi32>
      %swap3A_1813 = vector.shape_cast %add3A_1804 : vector<16xi32> to vector<1x16xi32>
      tpu.vector_store %arg24[%swap3A_1809, %swap3A_1810], %swap3A_1813 {strides = array<i32>} : memref<76x128xi32, #tpu.memory_space<vmem>>, vector<1x16xi32>,
      %get3A_1814 = arith.constant 496 : index
      %get3A_1815 = tpu.vector_load %arg23[%get3A_1814] {strides = array<i32>} : memref<512xi32, #tpu.memory_space<vmem>>, vector<16xi32>,
      %get3A_1816 = vector.shape_cast %get3A_1815 : vector<16xi32> to vector<16xi32>
      %get3A_1817 = arith.index_cast %add3A_1287 : i32 to index
      %get3A_1818 = arith.constant 496 : index
      %get3A_1819 = tpu.vector_load %arg17[%get3A_1817, %get3A_1818] {strides = array<i32>} : memref<19x512xi32, #tpu.memory_space<vmem>>, vector<1x16xi32>,
      %get3A_1820 = vector.shape_cast %get3A_1819 : vector<1x16xi32> to vector<16xi32>
      %add3A_1821 = arith.addi %get3A_1816, %get3A_1820 : vector<16xi32>
      %mul3A_1822 = arith.constant 4 : i32
      %mul3A_1823 = arith.muli %add3A_1287, %mul3A_1822 : i32
      %add3A_1824 = arith.constant 3 : i32
      %add3A_1825 = arith.addi %mul3A_1823, %add3A_1824 : i32
      %swap3A_1826 = arith.index_cast %add3A_1825 : i32 to index
      %swap3A_1827 = arith.constant 112 : index
      %swap3A_1828 = tpu.vector_load %arg24[%swap3A_1826, %swap3A_1827] {strides = array<i32>} : memref<76x128xi32, #tpu.memory_space<vmem>>, vector<1x16xi32>,
      %swap3A_1829 = vector.shape_cast %swap3A_1828 : vector<1x16xi32> to vector<16xi32>
      %swap3A_1830 = vector.shape_cast %add3A_1821 : vector<16xi32> to vector<1x16xi32>
      tpu.vector_store %arg24[%swap3A_1826, %swap3A_1827], %swap3A_1830 {strides = array<i32>} : memref<76x128xi32, #tpu.memory_space<vmem>>, vector<1x16xi32>,
    }
    %scan3A_204 = arith.constant 19 : i32
    %dma_start3A_205 = arith.constant 0 : i32
    %dma_start3A_206 = arith.constant 0 : i32
    %dma_start3A_207 = tpu.memref_slice %arg24[%dma_start3A_205, %dma_start3A_206] : memref<76x128xi32, #tpu.memory_space<vmem>> -> memref<1x128xi32, #tpu.memory_space<vmem>>
    %dma_start3A_208 = tpu.memref_squeeze %dma_start3A_207 : memref<1x128xi32, #tpu.memory_space<vmem>> -> memref<128xi32, #tpu.memory_space<vmem>>
    %dma_start3A_209 = arith.constant 0 : i32
    %dma_start3A_210 = tpu.memref_slice %arg26[%dma_start3A_209] : memref<262144xf32, #tpu.memory_space<vmem_shared>> -> memref<262144xf32, #tpu.memory_space<vmem_shared>>
    tpu.enqueue_indirect_dma source(%arg25 : memref<128xf32, #tpu.memory_space<vmem>>) target(%dma_start3A_210 : memref<262144xf32, #tpu.memory_space<vmem_shared>>) offsets(%dma_start3A_208 : memref<128xi32, #tpu.memory_space<vmem>>) semaphore(%arg33 : memref<!tpu.dma_semaphore, #tpu.memory_space<semaphore_mem>>) {add = true}
    %dma_start3A_211 = arith.constant 1 : i32
    %dma_start3A_212 = arith.constant 0 : i32
    %dma_start3A_213 = tpu.memref_slice %arg24[%dma_start3A_211, %dma_start3A_212] : memref<76x128xi32, #tpu.memory_space<vmem>> -> memref<1x128xi32, #tpu.memory_space<vmem>>
    %dma_start3A_214 = tpu.memref_squeeze %dma_start3A_213 : memref<1x128xi32, #tpu.memory_space<vmem>> -> memref<128xi32, #tpu.memory_space<vmem>>
    %dma_start3A_215 = arith.constant 0 : i32
    %dma_start3A_216 = tpu.memref_slice %arg26[%dma_start3A_215] : memref<262144xf32, #tpu.memory_space<vmem_shared>> -> memref<262144xf32, #tpu.memory_space<vmem_shared>>
    tpu.enqueue_indirect_dma source(%arg25 : memref<128xf32, #tpu.memory_space<vmem>>) target(%dma_start3A_216 : memref<262144xf32, #tpu.memory_space<vmem_shared>>) offsets(%dma_start3A_214 : memref<128xi32, #tpu.memory_space<vmem>>) semaphore(%arg33 : memref<!tpu.dma_semaphore, #tpu.memory_space<semaphore_mem>>) {add = true}
    %dma_start3A_217 = arith.constant 2 : i32
    %dma_start3A_218 = arith.constant 0 : i32
    %dma_start3A_219 = tpu.memref_slice %arg24[%dma_start3A_217, %dma_start3A_218] : memref<76x128xi32, #tpu.memory_space<vmem>> -> memref<1x128xi32, #tpu.memory_space<vmem>>
    %dma_start3A_220 = tpu.memref_squeeze %dma_start3A_219 : memref<1x128xi32, #tpu.memory_space<vmem>> -> memref<128xi32, #tpu.memory_space<vmem>>
    %dma_start3A_221 = arith.constant 0 : i32
    %dma_start3A_222 = tpu.memref_slice %arg26[%dma_start3A_221] : memref<262144xf32, #tpu.memory_space<vmem_shared>> -> memref<262144xf32, #tpu.memory_space<vmem_shared>>
    tpu.enqueue_indirect_dma source(%arg25 : memref<128xf32, #tpu.memory_space<vmem>>) target(%dma_start3A_222 : memref<262144xf32, #tpu.memory_space<vmem_shared>>) offsets(%dma_start3A_220 : memref<128xi32, #tpu.memory_space<vmem>>) semaphore(%arg33 : memref<!tpu.dma_semaphore, #tpu.memory_space<semaphore_mem>>) {add = true}
    %dma_start3A_223 = arith.constant 3 : i32
    %dma_start3A_224 = arith.constant 0 : i32
    %dma_start3A_225 = tpu.memref_slice %arg24[%dma_start3A_223, %dma_start3A_224] : memref<76x128xi32, #tpu.memory_space<vmem>> -> memref<1x128xi32, #tpu.memory_space<vmem>>
    %dma_start3A_226 = tpu.memref_squeeze %dma_start3A_225 : memref<1x128xi32, #tpu.memory_space<vmem>> -> memref<128xi32, #tpu.memory_space<vmem>>
    %dma_start3A_227 = arith.constant 0 : i32
    %dma_start3A_228 = tpu.memref_slice %arg26[%dma_start3A_227] : memref<262144xf32, #tpu.memory_space<vmem_shared>> -> memref<262144xf32, #tpu.memory_space<vmem_shared>>
    tpu.enqueue_indirect_dma source(%arg25 : memref<128xf32, #tpu.memory_space<vmem>>) target(%dma_start3A_228 : memref<262144xf32, #tpu.memory_space<vmem_shared>>) offsets(%dma_start3A_226 : memref<128xi32, #tpu.memory_space<vmem>>) semaphore(%arg33 : memref<!tpu.dma_semaphore, #tpu.memory_space<semaphore_mem>>) {add = true}
    %dma_start3A_229 = arith.constant 4 : i32
    %dma_start3A_230 = arith.constant 0 : i32
    %dma_start3A_231 = tpu.memref_slice %arg24[%dma_start3A_229, %dma_start3A_230] : memref<76x128xi32, #tpu.memory_space<vmem>> -> memref<1x128xi32, #tpu.memory_space<vmem>>
    %dma_start3A_232 = tpu.memref_squeeze %dma_start3A_231 : memref<1x128xi32, #tpu.memory_space<vmem>> -> memref<128xi32, #tpu.memory_space<vmem>>
    %dma_start3A_233 = arith.constant 0 : i32
    %dma_start3A_234 = tpu.memref_slice %arg26[%dma_start3A_233] : memref<262144xf32, #tpu.memory_space<vmem_shared>> -> memref<262144xf32, #tpu.memory_space<vmem_shared>>
    tpu.enqueue_indirect_dma source(%arg25 : memref<128xf32, #tpu.memory_space<vmem>>) target(%dma_start3A_234 : memref<262144xf32, #tpu.memory_space<vmem_shared>>) offsets(%dma_start3A_232 : memref<128xi32, #tpu.memory_space<vmem>>) semaphore(%arg33 : memref<!tpu.dma_semaphore, #tpu.memory_space<semaphore_mem>>) {add = true}
    %dma_start3A_235 = arith.constant 5 : i32
    %dma_start3A_236 = arith.constant 0 : i32
    %dma_start3A_237 = tpu.memref_slice %arg24[%dma_start3A_235, %dma_start3A_236] : memref<76x128xi32, #tpu.memory_space<vmem>> -> memref<1x128xi32, #tpu.memory_space<vmem>>
    %dma_start3A_238 = tpu.memref_squeeze %dma_start3A_237 : memref<1x128xi32, #tpu.memory_space<vmem>> -> memref<128xi32, #tpu.memory_space<vmem>>
    %dma_start3A_239 = arith.constant 0 : i32
    %dma_start3A_240 = tpu.memref_slice %arg26[%dma_start3A_239] : memref<262144xf32, #tpu.memory_space<vmem_shared>> -> memref<262144xf32, #tpu.memory_space<vmem_shared>>
    tpu.enqueue_indirect_dma source(%arg25 : memref<128xf32, #tpu.memory_space<vmem>>) target(%dma_start3A_240 : memref<262144xf32, #tpu.memory_space<vmem_shared>>) offsets(%dma_start3A_238 : memref<128xi32, #tpu.memory_space<vmem>>) semaphore(%arg33 : memref<!tpu.dma_semaphore, #tpu.memory_space<semaphore_mem>>) {add = true}
    %dma_start3A_241 = arith.constant 6 : i32
    %dma_start3A_242 = arith.constant 0 : i32
    %dma_start3A_243 = tpu.memref_slice %arg24[%dma_start3A_241, %dma_start3A_242] : memref<76x128xi32, #tpu.memory_space<vmem>> -> memref<1x128xi32, #tpu.memory_space<vmem>>
    %dma_start3A_244 = tpu.memref_squeeze %dma_start3A_243 : memref<1x128xi32, #tpu.memory_space<vmem>> -> memref<128xi32, #tpu.memory_space<vmem>>
    %dma_start3A_245 = arith.constant 0 : i32
    %dma_start3A_246 = tpu.memref_slice %arg26[%dma_start3A_245] : memref<262144xf32, #tpu.memory_space<vmem_shared>> -> memref<262144xf32, #tpu.memory_space<vmem_shared>>
    tpu.enqueue_indirect_dma source(%arg25 : memref<128xf32, #tpu.memory_space<vmem>>) target(%dma_start3A_246 : memref<262144xf32, #tpu.memory_space<vmem_shared>>) offsets(%dma_start3A_244 : memref<128xi32, #tpu.memory_space<vmem>>) semaphore(%arg33 : memref<!tpu.dma_semaphore, #tpu.memory_space<semaphore_mem>>) {add = true}
    %dma_start3A_247 = arith.constant 7 : i32
    %dma_start3A_248 = arith.constant 0 : i32
    %dma_start3A_249 = tpu.memref_slice %arg24[%dma_start3A_247, %dma_start3A_248] : memref<76x128xi32, #tpu.memory_space<vmem>> -> memref<1x128xi32, #tpu.memory_space<vmem>>
    %dma_start3A_250 = tpu.memref_squeeze %dma_start3A_249 : memref<1x128xi32, #tpu.memory_space<vmem>> -> memref<128xi32, #tpu.memory_space<vmem>>
    %dma_start3A_251 = arith.constant 0 : i32
    %dma_start3A_252 = tpu.memref_slice %arg26[%dma_start3A_251] : memref<262144xf32, #tpu.memory_space<vmem_shared>> -> memref<262144xf32, #tpu.memory_space<vmem_shared>>
    tpu.enqueue_indirect_dma source(%arg25 : memref<128xf32, #tpu.memory_space<vmem>>) target(%dma_start3A_252 : memref<262144xf32, #tpu.memory_space<vmem_shared>>) offsets(%dma_start3A_250 : memref<128xi32, #tpu.memory_space<vmem>>) semaphore(%arg33 : memref<!tpu.dma_semaphore, #tpu.memory_space<semaphore_mem>>) {add = true}
    %dma_start3A_253 = arith.constant 8 : i32
    %dma_start3A_254 = arith.constant 0 : i32
    %dma_start3A_255 = tpu.memref_slice %arg24[%dma_start3A_253, %dma_start3A_254] : memref<76x128xi32, #tpu.memory_space<vmem>> -> memref<1x128xi32, #tpu.memory_space<vmem>>
    %dma_start3A_256 = tpu.memref_squeeze %dma_start3A_255 : memref<1x128xi32, #tpu.memory_space<vmem>> -> memref<128xi32, #tpu.memory_space<vmem>>
    %dma_start3A_257 = arith.constant 0 : i32
    %dma_start3A_258 = tpu.memref_slice %arg26[%dma_start3A_257] : memref<262144xf32, #tpu.memory_space<vmem_shared>> -> memref<262144xf32, #tpu.memory_space<vmem_shared>>
    tpu.enqueue_indirect_dma source(%arg25 : memref<128xf32, #tpu.memory_space<vmem>>) target(%dma_start3A_258 : memref<262144xf32, #tpu.memory_space<vmem_shared>>) offsets(%dma_start3A_256 : memref<128xi32, #tpu.memory_space<vmem>>) semaphore(%arg33 : memref<!tpu.dma_semaphore, #tpu.memory_space<semaphore_mem>>) {add = true}
    %dma_start3A_259 = arith.constant 9 : i32
    %dma_start3A_260 = arith.constant 0 : i32
    %dma_start3A_261 = tpu.memref_slice %arg24[%dma_start3A_259, %dma_start3A_260] : memref<76x128xi32, #tpu.memory_space<vmem>> -> memref<1x128xi32, #tpu.memory_space<vmem>>
    %dma_start3A_262 = tpu.memref_squeeze %dma_start3A_261 : memref<1x128xi32, #tpu.memory_space<vmem>> -> memref<128xi32, #tpu.memory_space<vmem>>
    %dma_start3A_263 = arith.constant 0 : i32
    %dma_start3A_264 = tpu.memref_slice %arg26[%dma_start3A_263] : memref<262144xf32, #tpu.memory_space<vmem_shared>> -> memref<262144xf32, #tpu.memory_space<vmem_shared>>
    tpu.enqueue_indirect_dma source(%arg25 : memref<128xf32, #tpu.memory_space<vmem>>) target(%dma_start3A_264 : memref<262144xf32, #tpu.memory_space<vmem_shared>>) offsets(%dma_start3A_262 : memref<128xi32, #tpu.memory_space<vmem>>) semaphore(%arg33 : memref<!tpu.dma_semaphore, #tpu.memory_space<semaphore_mem>>) {add = true}
    %dma_start3A_265 = arith.constant 10 : i32
    %dma_start3A_266 = arith.constant 0 : i32
    %dma_start3A_267 = tpu.memref_slice %arg24[%dma_start3A_265, %dma_start3A_266] : memref<76x128xi32, #tpu.memory_space<vmem>> -> memref<1x128xi32, #tpu.memory_space<vmem>>
    %dma_start3A_268 = tpu.memref_squeeze %dma_start3A_267 : memref<1x128xi32, #tpu.memory_space<vmem>> -> memref<128xi32, #tpu.memory_space<vmem>>
    %dma_start3A_269 = arith.constant 0 : i32
    %dma_start3A_270 = tpu.memref_slice %arg26[%dma_start3A_269] : memref<262144xf32, #tpu.memory_space<vmem_shared>> -> memref<262144xf32, #tpu.memory_space<vmem_shared>>
    tpu.enqueue_indirect_dma source(%arg25 : memref<128xf32, #tpu.memory_space<vmem>>) target(%dma_start3A_270 : memref<262144xf32, #tpu.memory_space<vmem_shared>>) offsets(%dma_start3A_268 : memref<128xi32, #tpu.memory_space<vmem>>) semaphore(%arg33 : memref<!tpu.dma_semaphore, #tpu.memory_space<semaphore_mem>>) {add = true}
    %dma_start3A_271 = arith.constant 11 : i32
    %dma_start3A_272 = arith.constant 0 : i32
    %dma_start3A_273 = tpu.memref_slice %arg24[%dma_start3A_271, %dma_start3A_272] : memref<76x128xi32, #tpu.memory_space<vmem>> -> memref<1x128xi32, #tpu.memory_space<vmem>>
    %dma_start3A_274 = tpu.memref_squeeze %dma_start3A_273 : memref<1x128xi32, #tpu.memory_space<vmem>> -> memref<128xi32, #tpu.memory_space<vmem>>
    %dma_start3A_275 = arith.constant 0 : i32
    %dma_start3A_276 = tpu.memref_slice %arg26[%dma_start3A_275] : memref<262144xf32, #tpu.memory_space<vmem_shared>> -> memref<262144xf32, #tpu.memory_space<vmem_shared>>
    tpu.enqueue_indirect_dma source(%arg25 : memref<128xf32, #tpu.memory_space<vmem>>) target(%dma_start3A_276 : memref<262144xf32, #tpu.memory_space<vmem_shared>>) offsets(%dma_start3A_274 : memref<128xi32, #tpu.memory_space<vmem>>) semaphore(%arg33 : memref<!tpu.dma_semaphore, #tpu.memory_space<semaphore_mem>>) {add = true}
    %dma_start3A_277 = arith.constant 12 : i32
    %dma_start3A_278 = arith.constant 0 : i32
    %dma_start3A_279 = tpu.memref_slice %arg24[%dma_start3A_277, %dma_start3A_278] : memref<76x128xi32, #tpu.memory_space<vmem>> -> memref<1x128xi32, #tpu.memory_space<vmem>>
    %dma_start3A_280 = tpu.memref_squeeze %dma_start3A_279 : memref<1x128xi32, #tpu.memory_space<vmem>> -> memref<128xi32, #tpu.memory_space<vmem>>
    %dma_start3A_281 = arith.constant 0 : i32
    %dma_start3A_282 = tpu.memref_slice %arg26[%dma_start3A_281] : memref<262144xf32, #tpu.memory_space<vmem_shared>> -> memref<262144xf32, #tpu.memory_space<vmem_shared>>
    tpu.enqueue_indirect_dma source(%arg25 : memref<128xf32, #tpu.memory_space<vmem>>) target(%dma_start3A_282 : memref<262144xf32, #tpu.memory_space<vmem_shared>>) offsets(%dma_start3A_280 : memref<128xi32, #tpu.memory_space<vmem>>) semaphore(%arg33 : memref<!tpu.dma_semaphore, #tpu.memory_space<semaphore_mem>>) {add = true}
    %dma_start3A_283 = arith.constant 13 : i32
    %dma_start3A_284 = arith.constant 0 : i32
    %dma_start3A_285 = tpu.memref_slice %arg24[%dma_start3A_283, %dma_start3A_284] : memref<76x128xi32, #tpu.memory_space<vmem>> -> memref<1x128xi32, #tpu.memory_space<vmem>>
    %dma_start3A_286 = tpu.memref_squeeze %dma_start3A_285 : memref<1x128xi32, #tpu.memory_space<vmem>> -> memref<128xi32, #tpu.memory_space<vmem>>
    %dma_start3A_287 = arith.constant 0 : i32
    %dma_start3A_288 = tpu.memref_slice %arg26[%dma_start3A_287] : memref<262144xf32, #tpu.memory_space<vmem_shared>> -> memref<262144xf32, #tpu.memory_space<vmem_shared>>
    tpu.enqueue_indirect_dma source(%arg25 : memref<128xf32, #tpu.memory_space<vmem>>) target(%dma_start3A_288 : memref<262144xf32, #tpu.memory_space<vmem_shared>>) offsets(%dma_start3A_286 : memref<128xi32, #tpu.memory_space<vmem>>) semaphore(%arg33 : memref<!tpu.dma_semaphore, #tpu.memory_space<semaphore_mem>>) {add = true}
    %dma_start3A_289 = arith.constant 14 : i32
    %dma_start3A_290 = arith.constant 0 : i32
    %dma_start3A_291 = tpu.memref_slice %arg24[%dma_start3A_289, %dma_start3A_290] : memref<76x128xi32, #tpu.memory_space<vmem>> -> memref<1x128xi32, #tpu.memory_space<vmem>>
    %dma_start3A_292 = tpu.memref_squeeze %dma_start3A_291 : memref<1x128xi32, #tpu.memory_space<vmem>> -> memref<128xi32, #tpu.memory_space<vmem>>
    %dma_start3A_293 = arith.constant 0 : i32
    %dma_start3A_294 = tpu.memref_slice %arg26[%dma_start3A_293] : memref<262144xf32, #tpu.memory_space<vmem_shared>> -> memref<262144xf32, #tpu.memory_space<vmem_shared>>
    tpu.enqueue_indirect_dma source(%arg25 : memref<128xf32, #tpu.memory_space<vmem>>) target(%dma_start3A_294 : memref<262144xf32, #tpu.memory_space<vmem_shared>>) offsets(%dma_start3A_292 : memref<128xi32, #tpu.memory_space<vmem>>) semaphore(%arg33 : memref<!tpu.dma_semaphore, #tpu.memory_space<semaphore_mem>>) {add = true}
    %dma_start3A_295 = arith.constant 15 : i32
    %dma_start3A_296 = arith.constant 0 : i32
    %dma_start3A_297 = tpu.memref_slice %arg24[%dma_start3A_295, %dma_start3A_296] : memref<76x128xi32, #tpu.memory_space<vmem>> -> memref<1x128xi32, #tpu.memory_space<vmem>>
    %dma_start3A_298 = tpu.memref_squeeze %dma_start3A_297 : memref<1x128xi32, #tpu.memory_space<vmem>> -> memref<128xi32, #tpu.memory_space<vmem>>
    %dma_start3A_299 = arith.constant 0 : i32
    %dma_start3A_300 = tpu.memref_slice %arg26[%dma_start3A_299] : memref<262144xf32, #tpu.memory_space<vmem_shared>> -> memref<262144xf32, #tpu.memory_space<vmem_shared>>
    tpu.enqueue_indirect_dma source(%arg25 : memref<128xf32, #tpu.memory_space<vmem>>) target(%dma_start3A_300 : memref<262144xf32, #tpu.memory_space<vmem_shared>>) offsets(%dma_start3A_298 : memref<128xi32, #tpu.memory_space<vmem>>) semaphore(%arg33 : memref<!tpu.dma_semaphore, #tpu.memory_space<semaphore_mem>>) {add = true}
    %dma_start3A_301 = arith.constant 16 : i32
    %dma_start3A_302 = arith.constant 0 : i32
    %dma_start3A_303 = tpu.memref_slice %arg24[%dma_start3A_301, %dma_start3A_302] : memref<76x128xi32, #tpu.memory_space<vmem>> -> memref<1x128xi32, #tpu.memory_space<vmem>>
    %dma_start3A_304 = tpu.memref_squeeze %dma_start3A_303 : memref<1x128xi32, #tpu.memory_space<vmem>> -> memref<128xi32, #tpu.memory_space<vmem>>
    %dma_start3A_305 = arith.constant 0 : i32
    %dma_start3A_306 = tpu.memref_slice %arg26[%dma_start3A_305] : memref<262144xf32, #tpu.memory_space<vmem_shared>> -> memref<262144xf32, #tpu.memory_space<vmem_shared>>
    tpu.enqueue_indirect_dma source(%arg25 : memref<128xf32, #tpu.memory_space<vmem>>) target(%dma_start3A_306 : memref<262144xf32, #tpu.memory_space<vmem_shared>>) offsets(%dma_start3A_304 : memref<128xi32, #tpu.memory_space<vmem>>) semaphore(%arg33 : memref<!tpu.dma_semaphore, #tpu.memory_space<semaphore_mem>>) {add = true}
    %dma_start3A_307 = arith.constant 17 : i32
    %dma_start3A_308 = arith.constant 0 : i32
    %dma_start3A_309 = tpu.memref_slice %arg24[%dma_start3A_307, %dma_start3A_308] : memref<76x128xi32, #tpu.memory_space<vmem>> -> memref<1x128xi32, #tpu.memory_space<vmem>>
    %dma_start3A_310 = tpu.memref_squeeze %dma_start3A_309 : memref<1x128xi32, #tpu.memory_space<vmem>> -> memref<128xi32, #tpu.memory_space<vmem>>
    %dma_start3A_311 = arith.constant 0 : i32
    %dma_start3A_312 = tpu.memref_slice %arg26[%dma_start3A_311] : memref<262144xf32, #tpu.memory_space<vmem_shared>> -> memref<262144xf32, #tpu.memory_space<vmem_shared>>
    tpu.enqueue_indirect_dma source(%arg25 : memref<128xf32, #tpu.memory_space<vmem>>) target(%dma_start3A_312 : memref<262144xf32, #tpu.memory_space<vmem_shared>>) offsets(%dma_start3A_310 : memref<128xi32, #tpu.memory_space<vmem>>) semaphore(%arg33 : memref<!tpu.dma_semaphore, #tpu.memory_space<semaphore_mem>>) {add = true}
    %dma_start3A_313 = arith.constant 18 : i32
    %dma_start3A_314 = arith.constant 0 : i32
    %dma_start3A_315 = tpu.memref_slice %arg24[%dma_start3A_313, %dma_start3A_314] : memref<76x128xi32, #tpu.memory_space<vmem>> -> memref<1x128xi32, #tpu.memory_space<vmem>>
    %dma_start3A_316 = tpu.memref_squeeze %dma_start3A_315 : memref<1x128xi32, #tpu.memory_space<vmem>> -> memref<128xi32, #tpu.memory_space<vmem>>
    %dma_start3A_317 = arith.constant 0 : i32
    %dma_start3A_318 = tpu.memref_slice %arg26[%dma_start3A_317] : memref<262144xf32, #tpu.memory_space<vmem_shared>> -> memref<262144xf32, #tpu.memory_space<vmem_shared>>
    tpu.enqueue_indirect_dma source(%arg25 : memref<128xf32, #tpu.memory_space<vmem>>) target(%dma_start3A_318 : memref<262144xf32, #tpu.memory_space<vmem_shared>>) offsets(%dma_start3A_316 : memref<128xi32, #tpu.memory_space<vmem>>) semaphore(%arg33 : memref<!tpu.dma_semaphore, #tpu.memory_space<semaphore_mem>>) {add = true}
    %dma_start3A_319 = arith.constant 19 : i32
    %dma_start3A_320 = arith.constant 0 : i32
    %dma_start3A_321 = tpu.memref_slice %arg24[%dma_start3A_319, %dma_start3A_320] : memref<76x128xi32, #tpu.memory_space<vmem>> -> memref<1x128xi32, #tpu.memory_space<vmem>>
    %dma_start3A_322 = tpu.memref_squeeze %dma_start3A_321 : memref<1x128xi32, #tpu.memory_space<vmem>> -> memref<128xi32, #tpu.memory_space<vmem>>
    %dma_start3A_323 = arith.constant 0 : i32
    %dma_start3A_324 = tpu.memref_slice %arg26[%dma_start3A_323] : memref<262144xf32, #tpu.memory_space<vmem_shared>> -> memref<262144xf32, #tpu.memory_space<vmem_shared>>
    tpu.enqueue_indirect_dma source(%arg25 : memref<128xf32, #tpu.memory_space<vmem>>) target(%dma_start3A_324 : memref<262144xf32, #tpu.memory_space<vmem_shared>>) offsets(%dma_start3A_322 : memref<128xi32, #tpu.memory_space<vmem>>) semaphore(%arg33 : memref<!tpu.dma_semaphore, #tpu.memory_space<semaphore_mem>>) {add = true}
    %dma_start3A_325 = arith.constant 20 : i32
    %dma_start3A_326 = arith.constant 0 : i32
    %dma_start3A_327 = tpu.memref_slice %arg24[%dma_start3A_325, %dma_start3A_326] : memref<76x128xi32, #tpu.memory_space<vmem>> -> memref<1x128xi32, #tpu.memory_space<vmem>>
    %dma_start3A_328 = tpu.memref_squeeze %dma_start3A_327 : memref<1x128xi32, #tpu.memory_space<vmem>> -> memref<128xi32, #tpu.memory_space<vmem>>
    %dma_start3A_329 = arith.constant 0 : i32
    %dma_start3A_330 = tpu.memref_slice %arg26[%dma_start3A_329] : memref<262144xf32, #tpu.memory_space<vmem_shared>> -> memref<262144xf32, #tpu.memory_space<vmem_shared>>
    tpu.enqueue_indirect_dma source(%arg25 : memref<128xf32, #tpu.memory_space<vmem>>) target(%dma_start3A_330 : memref<262144xf32, #tpu.memory_space<vmem_shared>>) offsets(%dma_start3A_328 : memref<128xi32, #tpu.memory_space<vmem>>) semaphore(%arg33 : memref<!tpu.dma_semaphore, #tpu.memory_space<semaphore_mem>>) {add = true}
    %dma_start3A_331 = arith.constant 21 : i32
    %dma_start3A_332 = arith.constant 0 : i32
    %dma_start3A_333 = tpu.memref_slice %arg24[%dma_start3A_331, %dma_start3A_332] : memref<76x128xi32, #tpu.memory_space<vmem>> -> memref<1x128xi32, #tpu.memory_space<vmem>>
    %dma_start3A_334 = tpu.memref_squeeze %dma_start3A_333 : memref<1x128xi32, #tpu.memory_space<vmem>> -> memref<128xi32, #tpu.memory_space<vmem>>
    %dma_start3A_335 = arith.constant 0 : i32
    %dma_start3A_336 = tpu.memref_slice %arg26[%dma_start3A_335] : memref<262144xf32, #tpu.memory_space<vmem_shared>> -> memref<262144xf32, #tpu.memory_space<vmem_shared>>
    tpu.enqueue_indirect_dma source(%arg25 : memref<128xf32, #tpu.memory_space<vmem>>) target(%dma_start3A_336 : memref<262144xf32, #tpu.memory_space<vmem_shared>>) offsets(%dma_start3A_334 : memref<128xi32, #tpu.memory_space<vmem>>) semaphore(%arg33 : memref<!tpu.dma_semaphore, #tpu.memory_space<semaphore_mem>>) {add = true}
    %dma_start3A_337 = arith.constant 22 : i32
    %dma_start3A_338 = arith.constant 0 : i32
    %dma_start3A_339 = tpu.memref_slice %arg24[%dma_start3A_337, %dma_start3A_338] : memref<76x128xi32, #tpu.memory_space<vmem>> -> memref<1x128xi32, #tpu.memory_space<vmem>>
    %dma_start3A_340 = tpu.memref_squeeze %dma_start3A_339 : memref<1x128xi32, #tpu.memory_space<vmem>> -> memref<128xi32, #tpu.memory_space<vmem>>
    %dma_start3A_341 = arith.constant 0 : i32
    %dma_start3A_342 = tpu.memref_slice %arg26[%dma_start3A_341] : memref<262144xf32, #tpu.memory_space<vmem_shared>> -> memref<262144xf32, #tpu.memory_space<vmem_shared>>
    tpu.enqueue_indirect_dma source(%arg25 : memref<128xf32, #tpu.memory_space<vmem>>) target(%dma_start3A_342 : memref<262144xf32, #tpu.memory_space<vmem_shared>>) offsets(%dma_start3A_340 : memref<128xi32, #tpu.memory_space<vmem>>) semaphore(%arg33 : memref<!tpu.dma_semaphore, #tpu.memory_space<semaphore_mem>>) {add = true}
    %dma_start3A_343 = arith.constant 23 : i32
    %dma_start3A_344 = arith.constant 0 : i32
    %dma_start3A_345 = tpu.memref_slice %arg24[%dma_start3A_343, %dma_start3A_344] : memref<76x128xi32, #tpu.memory_space<vmem>> -> memref<1x128xi32, #tpu.memory_space<vmem>>
    %dma_start3A_346 = tpu.memref_squeeze %dma_start3A_345 : memref<1x128xi32, #tpu.memory_space<vmem>> -> memref<128xi32, #tpu.memory_space<vmem>>
    %dma_start3A_347 = arith.constant 0 : i32
    %dma_start3A_348 = tpu.memref_slice %arg26[%dma_start3A_347] : memref<262144xf32, #tpu.memory_space<vmem_shared>> -> memref<262144xf32, #tpu.memory_space<vmem_shared>>
    tpu.enqueue_indirect_dma source(%arg25 : memref<128xf32, #tpu.memory_space<vmem>>) target(%dma_start3A_348 : memref<262144xf32, #tpu.memory_space<vmem_shared>>) offsets(%dma_start3A_346 : memref<128xi32, #tpu.memory_space<vmem>>) semaphore(%arg33 : memref<!tpu.dma_semaphore, #tpu.memory_space<semaphore_mem>>) {add = true}
    %dma_start3A_349 = arith.constant 24 : i32
    %dma_start3A_350 = arith.constant 0 : i32
    %dma_start3A_351 = tpu.memref_slice %arg24[%dma_start3A_349, %dma_start3A_350] : memref<76x128xi32, #tpu.memory_space<vmem>> -> memref<1x128xi32, #tpu.memory_space<vmem>>
    %dma_start3A_352 = tpu.memref_squeeze %dma_start3A_351 : memref<1x128xi32, #tpu.memory_space<vmem>> -> memref<128xi32, #tpu.memory_space<vmem>>
    %dma_start3A_353 = arith.constant 0 : i32
    %dma_start3A_354 = tpu.memref_slice %arg26[%dma_start3A_353] : memref<262144xf32, #tpu.memory_space<vmem_shared>> -> memref<262144xf32, #tpu.memory_space<vmem_shared>>
    tpu.enqueue_indirect_dma source(%arg25 : memref<128xf32, #tpu.memory_space<vmem>>) target(%dma_start3A_354 : memref<262144xf32, #tpu.memory_space<vmem_shared>>) offsets(%dma_start3A_352 : memref<128xi32, #tpu.memory_space<vmem>>) semaphore(%arg33 : memref<!tpu.dma_semaphore, #tpu.memory_space<semaphore_mem>>) {add = true}
    %dma_start3A_355 = arith.constant 25 : i32
    %dma_start3A_356 = arith.constant 0 : i32
    %dma_start3A_357 = tpu.memref_slice %arg24[%dma_start3A_355, %dma_start3A_356] : memref<76x128xi32, #tpu.memory_space<vmem>> -> memref<1x128xi32, #tpu.memory_space<vmem>>
    %dma_start3A_358 = tpu.memref_squeeze %dma_start3A_357 : memref<1x128xi32, #tpu.memory_space<vmem>> -> memref<128xi32, #tpu.memory_space<vmem>>
    %dma_start3A_359 = arith.constant 0 : i32
    %dma_start3A_360 = tpu.memref_slice %arg26[%dma_start3A_359] : memref<262144xf32, #tpu.memory_space<vmem_shared>> -> memref<262144xf32, #tpu.memory_space<vmem_shared>>
    tpu.enqueue_indirect_dma source(%arg25 : memref<128xf32, #tpu.memory_space<vmem>>) target(%dma_start3A_360 : memref<262144xf32, #tpu.memory_space<vmem_shared>>) offsets(%dma_start3A_358 : memref<128xi32, #tpu.memory_space<vmem>>) semaphore(%arg33 : memref<!tpu.dma_semaphore, #tpu.memory_space<semaphore_mem>>) {add = true}
    %dma_start3A_361 = arith.constant 26 : i32
    %dma_start3A_362 = arith.constant 0 : i32
    %dma_start3A_363 = tpu.memref_slice %arg24[%dma_start3A_361, %dma_start3A_362] : memref<76x128xi32, #tpu.memory_space<vmem>> -> memref<1x128xi32, #tpu.memory_space<vmem>>
    %dma_start3A_364 = tpu.memref_squeeze %dma_start3A_363 : memref<1x128xi32, #tpu.memory_space<vmem>> -> memref<128xi32, #tpu.memory_space<vmem>>
    %dma_start3A_365 = arith.constant 0 : i32
    %dma_start3A_366 = tpu.memref_slice %arg26[%dma_start3A_365] : memref<262144xf32, #tpu.memory_space<vmem_shared>> -> memref<262144xf32, #tpu.memory_space<vmem_shared>>
    tpu.enqueue_indirect_dma source(%arg25 : memref<128xf32, #tpu.memory_space<vmem>>) target(%dma_start3A_366 : memref<262144xf32, #tpu.memory_space<vmem_shared>>) offsets(%dma_start3A_364 : memref<128xi32, #tpu.memory_space<vmem>>) semaphore(%arg33 : memref<!tpu.dma_semaphore, #tpu.memory_space<semaphore_mem>>) {add = true}
    %dma_start3A_367 = arith.constant 27 : i32
    %dma_start3A_368 = arith.constant 0 : i32
    %dma_start3A_369 = tpu.memref_slice %arg24[%dma_start3A_367, %dma_start3A_368] : memref<76x128xi32, #tpu.memory_space<vmem>> -> memref<1x128xi32, #tpu.memory_space<vmem>>
    %dma_start3A_370 = tpu.memref_squeeze %dma_start3A_369 : memref<1x128xi32, #tpu.memory_space<vmem>> -> memref<128xi32, #tpu.memory_space<vmem>>
    %dma_start3A_371 = arith.constant 0 : i32
    %dma_start3A_372 = tpu.memref_slice %arg26[%dma_start3A_371] : memref<262144xf32, #tpu.memory_space<vmem_shared>> -> memref<262144xf32, #tpu.memory_space<vmem_shared>>
    tpu.enqueue_indirect_dma source(%arg25 : memref<128xf32, #tpu.memory_space<vmem>>) target(%dma_start3A_372 : memref<262144xf32, #tpu.memory_space<vmem_shared>>) offsets(%dma_start3A_370 : memref<128xi32, #tpu.memory_space<vmem>>) semaphore(%arg33 : memref<!tpu.dma_semaphore, #tpu.memory_space<semaphore_mem>>) {add = true}
    %dma_start3A_373 = arith.constant 28 : i32
    %dma_start3A_374 = arith.constant 0 : i32
    %dma_start3A_375 = tpu.memref_slice %arg24[%dma_start3A_373, %dma_start3A_374] : memref<76x128xi32, #tpu.memory_space<vmem>> -> memref<1x128xi32, #tpu.memory_space<vmem>>
    %dma_start3A_376 = tpu.memref_squeeze %dma_start3A_375 : memref<1x128xi32, #tpu.memory_space<vmem>> -> memref<128xi32, #tpu.memory_space<vmem>>
    %dma_start3A_377 = arith.constant 0 : i32
    %dma_start3A_378 = tpu.memref_slice %arg26[%dma_start3A_377] : memref<262144xf32, #tpu.memory_space<vmem_shared>> -> memref<262144xf32, #tpu.memory_space<vmem_shared>>
    tpu.enqueue_indirect_dma source(%arg25 : memref<128xf32, #tpu.memory_space<vmem>>) target(%dma_start3A_378 : memref<262144xf32, #tpu.memory_space<vmem_shared>>) offsets(%dma_start3A_376 : memref<128xi32, #tpu.memory_space<vmem>>) semaphore(%arg33 : memref<!tpu.dma_semaphore, #tpu.memory_space<semaphore_mem>>) {add = true}
    %dma_start3A_379 = arith.constant 29 : i32
    %dma_start3A_380 = arith.constant 0 : i32
    %dma_start3A_381 = tpu.memref_slice %arg24[%dma_start3A_379, %dma_start3A_380] : memref<76x128xi32, #tpu.memory_space<vmem>> -> memref<1x128xi32, #tpu.memory_space<vmem>>
    %dma_start3A_382 = tpu.memref_squeeze %dma_start3A_381 : memref<1x128xi32, #tpu.memory_space<vmem>> -> memref<128xi32, #tpu.memory_space<vmem>>
    %dma_start3A_383 = arith.constant 0 : i32
    %dma_start3A_384 = tpu.memref_slice %arg26[%dma_start3A_383] : memref<262144xf32, #tpu.memory_space<vmem_shared>> -> memref<262144xf32, #tpu.memory_space<vmem_shared>>
    tpu.enqueue_indirect_dma source(%arg25 : memref<128xf32, #tpu.memory_space<vmem>>) target(%dma_start3A_384 : memref<262144xf32, #tpu.memory_space<vmem_shared>>) offsets(%dma_start3A_382 : memref<128xi32, #tpu.memory_space<vmem>>) semaphore(%arg33 : memref<!tpu.dma_semaphore, #tpu.memory_space<semaphore_mem>>) {add = true}
    %dma_start3A_385 = arith.constant 30 : i32
    %dma_start3A_386 = arith.constant 0 : i32
    %dma_start3A_387 = tpu.memref_slice %arg24[%dma_start3A_385, %dma_start3A_386] : memref<76x128xi32, #tpu.memory_space<vmem>> -> memref<1x128xi32, #tpu.memory_space<vmem>>
    %dma_start3A_388 = tpu.memref_squeeze %dma_start3A_387 : memref<1x128xi32, #tpu.memory_space<vmem>> -> memref<128xi32, #tpu.memory_space<vmem>>
    %dma_start3A_389 = arith.constant 0 : i32
    %dma_start3A_390 = tpu.memref_slice %arg26[%dma_start3A_389] : memref<262144xf32, #tpu.memory_space<vmem_shared>> -> memref<262144xf32, #tpu.memory_space<vmem_shared>>
    tpu.enqueue_indirect_dma source(%arg25 : memref<128xf32, #tpu.memory_space<vmem>>) target(%dma_start3A_390 : memref<262144xf32, #tpu.memory_space<vmem_shared>>) offsets(%dma_start3A_388 : memref<128xi32, #tpu.memory_space<vmem>>) semaphore(%arg33 : memref<!tpu.dma_semaphore, #tpu.memory_space<semaphore_mem>>) {add = true}
    %dma_start3A_391 = arith.constant 31 : i32
    %dma_start3A_392 = arith.constant 0 : i32
    %dma_start3A_393 = tpu.memref_slice %arg24[%dma_start3A_391, %dma_start3A_392] : memref<76x128xi32, #tpu.memory_space<vmem>> -> memref<1x128xi32, #tpu.memory_space<vmem>>
    %dma_start3A_394 = tpu.memref_squeeze %dma_start3A_393 : memref<1x128xi32, #tpu.memory_space<vmem>> -> memref<128xi32, #tpu.memory_space<vmem>>
    %dma_start3A_395 = arith.constant 0 : i32
    %dma_start3A_396 = tpu.memref_slice %arg26[%dma_start3A_395] : memref<262144xf32, #tpu.memory_space<vmem_shared>> -> memref<262144xf32, #tpu.memory_space<vmem_shared>>
    tpu.enqueue_indirect_dma source(%arg25 : memref<128xf32, #tpu.memory_space<vmem>>) target(%dma_start3A_396 : memref<262144xf32, #tpu.memory_space<vmem_shared>>) offsets(%dma_start3A_394 : memref<128xi32, #tpu.memory_space<vmem>>) semaphore(%arg33 : memref<!tpu.dma_semaphore, #tpu.memory_space<semaphore_mem>>) {add = true}
    %dma_start3A_397 = arith.constant 32 : i32
    %dma_start3A_398 = arith.constant 0 : i32
    %dma_start3A_399 = tpu.memref_slice %arg24[%dma_start3A_397, %dma_start3A_398] : memref<76x128xi32, #tpu.memory_space<vmem>> -> memref<1x128xi32, #tpu.memory_space<vmem>>
    %dma_start3A_400 = tpu.memref_squeeze %dma_start3A_399 : memref<1x128xi32, #tpu.memory_space<vmem>> -> memref<128xi32, #tpu.memory_space<vmem>>
    %dma_start3A_401 = arith.constant 0 : i32
    %dma_start3A_402 = tpu.memref_slice %arg26[%dma_start3A_401] : memref<262144xf32, #tpu.memory_space<vmem_shared>> -> memref<262144xf32, #tpu.memory_space<vmem_shared>>
    tpu.enqueue_indirect_dma source(%arg25 : memref<128xf32, #tpu.memory_space<vmem>>) target(%dma_start3A_402 : memref<262144xf32, #tpu.memory_space<vmem_shared>>) offsets(%dma_start3A_400 : memref<128xi32, #tpu.memory_space<vmem>>) semaphore(%arg33 : memref<!tpu.dma_semaphore, #tpu.memory_space<semaphore_mem>>) {add = true}
    %dma_start3A_403 = arith.constant 33 : i32
    %dma_start3A_404 = arith.constant 0 : i32
    %dma_start3A_405 = tpu.memref_slice %arg24[%dma_start3A_403, %dma_start3A_404] : memref<76x128xi32, #tpu.memory_space<vmem>> -> memref<1x128xi32, #tpu.memory_space<vmem>>
    %dma_start3A_406 = tpu.memref_squeeze %dma_start3A_405 : memref<1x128xi32, #tpu.memory_space<vmem>> -> memref<128xi32, #tpu.memory_space<vmem>>
    %dma_start3A_407 = arith.constant 0 : i32
    %dma_start3A_408 = tpu.memref_slice %arg26[%dma_start3A_407] : memref<262144xf32, #tpu.memory_space<vmem_shared>> -> memref<262144xf32, #tpu.memory_space<vmem_shared>>
    tpu.enqueue_indirect_dma source(%arg25 : memref<128xf32, #tpu.memory_space<vmem>>) target(%dma_start3A_408 : memref<262144xf32, #tpu.memory_space<vmem_shared>>) offsets(%dma_start3A_406 : memref<128xi32, #tpu.memory_space<vmem>>) semaphore(%arg33 : memref<!tpu.dma_semaphore, #tpu.memory_space<semaphore_mem>>) {add = true}
    %dma_start3A_409 = arith.constant 34 : i32
    %dma_start3A_410 = arith.constant 0 : i32
    %dma_start3A_411 = tpu.memref_slice %arg24[%dma_start3A_409, %dma_start3A_410] : memref<76x128xi32, #tpu.memory_space<vmem>> -> memref<1x128xi32, #tpu.memory_space<vmem>>
    %dma_start3A_412 = tpu.memref_squeeze %dma_start3A_411 : memref<1x128xi32, #tpu.memory_space<vmem>> -> memref<128xi32, #tpu.memory_space<vmem>>
    %dma_start3A_413 = arith.constant 0 : i32
    %dma_start3A_414 = tpu.memref_slice %arg26[%dma_start3A_413] : memref<262144xf32, #tpu.memory_space<vmem_shared>> -> memref<262144xf32, #tpu.memory_space<vmem_shared>>
    tpu.enqueue_indirect_dma source(%arg25 : memref<128xf32, #tpu.memory_space<vmem>>) target(%dma_start3A_414 : memref<262144xf32, #tpu.memory_space<vmem_shared>>) offsets(%dma_start3A_412 : memref<128xi32, #tpu.memory_space<vmem>>) semaphore(%arg33 : memref<!tpu.dma_semaphore, #tpu.memory_space<semaphore_mem>>) {add = true}
    %dma_start3A_415 = arith.constant 35 : i32
    %dma_start3A_416 = arith.constant 0 : i32
    %dma_start3A_417 = tpu.memref_slice %arg24[%dma_start3A_415, %dma_start3A_416] : memref<76x128xi32, #tpu.memory_space<vmem>> -> memref<1x128xi32, #tpu.memory_space<vmem>>
    %dma_start3A_418 = tpu.memref_squeeze %dma_start3A_417 : memref<1x128xi32, #tpu.memory_space<vmem>> -> memref<128xi32, #tpu.memory_space<vmem>>
    %dma_start3A_419 = arith.constant 0 : i32
    %dma_start3A_420 = tpu.memref_slice %arg26[%dma_start3A_419] : memref<262144xf32, #tpu.memory_space<vmem_shared>> -> memref<262144xf32, #tpu.memory_space<vmem_shared>>
    tpu.enqueue_indirect_dma source(%arg25 : memref<128xf32, #tpu.memory_space<vmem>>) target(%dma_start3A_420 : memref<262144xf32, #tpu.memory_space<vmem_shared>>) offsets(%dma_start3A_418 : memref<128xi32, #tpu.memory_space<vmem>>) semaphore(%arg33 : memref<!tpu.dma_semaphore, #tpu.memory_space<semaphore_mem>>) {add = true}
    %dma_start3A_421 = arith.constant 36 : i32
    %dma_start3A_422 = arith.constant 0 : i32
    %dma_start3A_423 = tpu.memref_slice %arg24[%dma_start3A_421, %dma_start3A_422] : memref<76x128xi32, #tpu.memory_space<vmem>> -> memref<1x128xi32, #tpu.memory_space<vmem>>
    %dma_start3A_424 = tpu.memref_squeeze %dma_start3A_423 : memref<1x128xi32, #tpu.memory_space<vmem>> -> memref<128xi32, #tpu.memory_space<vmem>>
    %dma_start3A_425 = arith.constant 0 : i32
    %dma_start3A_426 = tpu.memref_slice %arg26[%dma_start3A_425] : memref<262144xf32, #tpu.memory_space<vmem_shared>> -> memref<262144xf32, #tpu.memory_space<vmem_shared>>
    tpu.enqueue_indirect_dma source(%arg25 : memref<128xf32, #tpu.memory_space<vmem>>) target(%dma_start3A_426 : memref<262144xf32, #tpu.memory_space<vmem_shared>>) offsets(%dma_start3A_424 : memref<128xi32, #tpu.memory_space<vmem>>) semaphore(%arg33 : memref<!tpu.dma_semaphore, #tpu.memory_space<semaphore_mem>>) {add = true}
    %dma_start3A_427 = arith.constant 37 : i32
    %dma_start3A_428 = arith.constant 0 : i32
    %dma_start3A_429 = tpu.memref_slice %arg24[%dma_start3A_427, %dma_start3A_428] : memref<76x128xi32, #tpu.memory_space<vmem>> -> memref<1x128xi32, #tpu.memory_space<vmem>>
    %dma_start3A_430 = tpu.memref_squeeze %dma_start3A_429 : memref<1x128xi32, #tpu.memory_space<vmem>> -> memref<128xi32, #tpu.memory_space<vmem>>
    %dma_start3A_431 = arith.constant 0 : i32
    %dma_start3A_432 = tpu.memref_slice %arg26[%dma_start3A_431] : memref<262144xf32, #tpu.memory_space<vmem_shared>> -> memref<262144xf32, #tpu.memory_space<vmem_shared>>
    tpu.enqueue_indirect_dma source(%arg25 : memref<128xf32, #tpu.memory_space<vmem>>) target(%dma_start3A_432 : memref<262144xf32, #tpu.memory_space<vmem_shared>>) offsets(%dma_start3A_430 : memref<128xi32, #tpu.memory_space<vmem>>) semaphore(%arg33 : memref<!tpu.dma_semaphore, #tpu.memory_space<semaphore_mem>>) {add = true}
    %dma_start3A_433 = arith.constant 38 : i32
    %dma_start3A_434 = arith.constant 0 : i32
    %dma_start3A_435 = tpu.memref_slice %arg24[%dma_start3A_433, %dma_start3A_434] : memref<76x128xi32, #tpu.memory_space<vmem>> -> memref<1x128xi32, #tpu.memory_space<vmem>>
    %dma_start3A_436 = tpu.memref_squeeze %dma_start3A_435 : memref<1x128xi32, #tpu.memory_space<vmem>> -> memref<128xi32, #tpu.memory_space<vmem>>
    %dma_start3A_437 = arith.constant 0 : i32
    %dma_start3A_438 = tpu.memref_slice %arg26[%dma_start3A_437] : memref<262144xf32, #tpu.memory_space<vmem_shared>> -> memref<262144xf32, #tpu.memory_space<vmem_shared>>
    tpu.enqueue_indirect_dma source(%arg25 : memref<128xf32, #tpu.memory_space<vmem>>) target(%dma_start3A_438 : memref<262144xf32, #tpu.memory_space<vmem_shared>>) offsets(%dma_start3A_436 : memref<128xi32, #tpu.memory_space<vmem>>) semaphore(%arg33 : memref<!tpu.dma_semaphore, #tpu.memory_space<semaphore_mem>>) {add = true}
    %dma_start3A_439 = arith.constant 39 : i32
    %dma_start3A_440 = arith.constant 0 : i32
    %dma_start3A_441 = tpu.memref_slice %arg24[%dma_start3A_439, %dma_start3A_440] : memref<76x128xi32, #tpu.memory_space<vmem>> -> memref<1x128xi32, #tpu.memory_space<vmem>>
    %dma_start3A_442 = tpu.memref_squeeze %dma_start3A_441 : memref<1x128xi32, #tpu.memory_space<vmem>> -> memref<128xi32, #tpu.memory_space<vmem>>
    %dma_start3A_443 = arith.constant 0 : i32
    %dma_start3A_444 = tpu.memref_slice %arg26[%dma_start3A_443] : memref<262144xf32, #tpu.memory_space<vmem_shared>> -> memref<262144xf32, #tpu.memory_space<vmem_shared>>
    tpu.enqueue_indirect_dma source(%arg25 : memref<128xf32, #tpu.memory_space<vmem>>) target(%dma_start3A_444 : memref<262144xf32, #tpu.memory_space<vmem_shared>>) offsets(%dma_start3A_442 : memref<128xi32, #tpu.memory_space<vmem>>) semaphore(%arg33 : memref<!tpu.dma_semaphore, #tpu.memory_space<semaphore_mem>>) {add = true}
    %dma_start3A_445 = arith.constant 40 : i32
    %dma_start3A_446 = arith.constant 0 : i32
    %dma_start3A_447 = tpu.memref_slice %arg24[%dma_start3A_445, %dma_start3A_446] : memref<76x128xi32, #tpu.memory_space<vmem>> -> memref<1x128xi32, #tpu.memory_space<vmem>>
    %dma_start3A_448 = tpu.memref_squeeze %dma_start3A_447 : memref<1x128xi32, #tpu.memory_space<vmem>> -> memref<128xi32, #tpu.memory_space<vmem>>
    %dma_start3A_449 = arith.constant 0 : i32
    %dma_start3A_450 = tpu.memref_slice %arg26[%dma_start3A_449] : memref<262144xf32, #tpu.memory_space<vmem_shared>> -> memref<262144xf32, #tpu.memory_space<vmem_shared>>
    tpu.enqueue_indirect_dma source(%arg25 : memref<128xf32, #tpu.memory_space<vmem>>) target(%dma_start3A_450 : memref<262144xf32, #tpu.memory_space<vmem_shared>>) offsets(%dma_start3A_448 : memref<128xi32, #tpu.memory_space<vmem>>) semaphore(%arg33 : memref<!tpu.dma_semaphore, #tpu.memory_space<semaphore_mem>>) {add = true}
    %dma_start3A_451 = arith.constant 41 : i32
    %dma_start3A_452 = arith.constant 0 : i32
    %dma_start3A_453 = tpu.memref_slice %arg24[%dma_start3A_451, %dma_start3A_452] : memref<76x128xi32, #tpu.memory_space<vmem>> -> memref<1x128xi32, #tpu.memory_space<vmem>>
    %dma_start3A_454 = tpu.memref_squeeze %dma_start3A_453 : memref<1x128xi32, #tpu.memory_space<vmem>> -> memref<128xi32, #tpu.memory_space<vmem>>
    %dma_start3A_455 = arith.constant 0 : i32
    %dma_start3A_456 = tpu.memref_slice %arg26[%dma_start3A_455] : memref<262144xf32, #tpu.memory_space<vmem_shared>> -> memref<262144xf32, #tpu.memory_space<vmem_shared>>
    tpu.enqueue_indirect_dma source(%arg25 : memref<128xf32, #tpu.memory_space<vmem>>) target(%dma_start3A_456 : memref<262144xf32, #tpu.memory_space<vmem_shared>>) offsets(%dma_start3A_454 : memref<128xi32, #tpu.memory_space<vmem>>) semaphore(%arg33 : memref<!tpu.dma_semaphore, #tpu.memory_space<semaphore_mem>>) {add = true}
    %dma_start3A_457 = arith.constant 42 : i32
    %dma_start3A_458 = arith.constant 0 : i32
    %dma_start3A_459 = tpu.memref_slice %arg24[%dma_start3A_457, %dma_start3A_458] : memref<76x128xi32, #tpu.memory_space<vmem>> -> memref<1x128xi32, #tpu.memory_space<vmem>>
    %dma_start3A_460 = tpu.memref_squeeze %dma_start3A_459 : memref<1x128xi32, #tpu.memory_space<vmem>> -> memref<128xi32, #tpu.memory_space<vmem>>
    %dma_start3A_461 = arith.constant 0 : i32
    %dma_start3A_462 = tpu.memref_slice %arg26[%dma_start3A_461] : memref<262144xf32, #tpu.memory_space<vmem_shared>> -> memref<262144xf32, #tpu.memory_space<vmem_shared>>
    tpu.enqueue_indirect_dma source(%arg25 : memref<128xf32, #tpu.memory_space<vmem>>) target(%dma_start3A_462 : memref<262144xf32, #tpu.memory_space<vmem_shared>>) offsets(%dma_start3A_460 : memref<128xi32, #tpu.memory_space<vmem>>) semaphore(%arg33 : memref<!tpu.dma_semaphore, #tpu.memory_space<semaphore_mem>>) {add = true}
    %dma_start3A_463 = arith.constant 43 : i32
    %dma_start3A_464 = arith.constant 0 : i32
    %dma_start3A_465 = tpu.memref_slice %arg24[%dma_start3A_463, %dma_start3A_464] : memref<76x128xi32, #tpu.memory_space<vmem>> -> memref<1x128xi32, #tpu.memory_space<vmem>>
    %dma_start3A_466 = tpu.memref_squeeze %dma_start3A_465 : memref<1x128xi32, #tpu.memory_space<vmem>> -> memref<128xi32, #tpu.memory_space<vmem>>
    %dma_start3A_467 = arith.constant 0 : i32
    %dma_start3A_468 = tpu.memref_slice %arg26[%dma_start3A_467] : memref<262144xf32, #tpu.memory_space<vmem_shared>> -> memref<262144xf32, #tpu.memory_space<vmem_shared>>
    tpu.enqueue_indirect_dma source(%arg25 : memref<128xf32, #tpu.memory_space<vmem>>) target(%dma_start3A_468 : memref<262144xf32, #tpu.memory_space<vmem_shared>>) offsets(%dma_start3A_466 : memref<128xi32, #tpu.memory_space<vmem>>) semaphore(%arg33 : memref<!tpu.dma_semaphore, #tpu.memory_space<semaphore_mem>>) {add = true}
    %dma_start3A_469 = arith.constant 44 : i32
    %dma_start3A_470 = arith.constant 0 : i32
    %dma_start3A_471 = tpu.memref_slice %arg24[%dma_start3A_469, %dma_start3A_470] : memref<76x128xi32, #tpu.memory_space<vmem>> -> memref<1x128xi32, #tpu.memory_space<vmem>>
    %dma_start3A_472 = tpu.memref_squeeze %dma_start3A_471 : memref<1x128xi32, #tpu.memory_space<vmem>> -> memref<128xi32, #tpu.memory_space<vmem>>
    %dma_start3A_473 = arith.constant 0 : i32
    %dma_start3A_474 = tpu.memref_slice %arg26[%dma_start3A_473] : memref<262144xf32, #tpu.memory_space<vmem_shared>> -> memref<262144xf32, #tpu.memory_space<vmem_shared>>
    tpu.enqueue_indirect_dma source(%arg25 : memref<128xf32, #tpu.memory_space<vmem>>) target(%dma_start3A_474 : memref<262144xf32, #tpu.memory_space<vmem_shared>>) offsets(%dma_start3A_472 : memref<128xi32, #tpu.memory_space<vmem>>) semaphore(%arg33 : memref<!tpu.dma_semaphore, #tpu.memory_space<semaphore_mem>>) {add = true}
    %dma_start3A_475 = arith.constant 45 : i32
    %dma_start3A_476 = arith.constant 0 : i32
    %dma_start3A_477 = tpu.memref_slice %arg24[%dma_start3A_475, %dma_start3A_476] : memref<76x128xi32, #tpu.memory_space<vmem>> -> memref<1x128xi32, #tpu.memory_space<vmem>>
    %dma_start3A_478 = tpu.memref_squeeze %dma_start3A_477 : memref<1x128xi32, #tpu.memory_space<vmem>> -> memref<128xi32, #tpu.memory_space<vmem>>
    %dma_start3A_479 = arith.constant 0 : i32
    %dma_start3A_480 = tpu.memref_slice %arg26[%dma_start3A_479] : memref<262144xf32, #tpu.memory_space<vmem_shared>> -> memref<262144xf32, #tpu.memory_space<vmem_shared>>
    tpu.enqueue_indirect_dma source(%arg25 : memref<128xf32, #tpu.memory_space<vmem>>) target(%dma_start3A_480 : memref<262144xf32, #tpu.memory_space<vmem_shared>>) offsets(%dma_start3A_478 : memref<128xi32, #tpu.memory_space<vmem>>) semaphore(%arg33 : memref<!tpu.dma_semaphore, #tpu.memory_space<semaphore_mem>>) {add = true}
    %dma_start3A_481 = arith.constant 46 : i32
    %dma_start3A_482 = arith.constant 0 : i32
    %dma_start3A_483 = tpu.memref_slice %arg24[%dma_start3A_481, %dma_start3A_482] : memref<76x128xi32, #tpu.memory_space<vmem>> -> memref<1x128xi32, #tpu.memory_space<vmem>>
    %dma_start3A_484 = tpu.memref_squeeze %dma_start3A_483 : memref<1x128xi32, #tpu.memory_space<vmem>> -> memref<128xi32, #tpu.memory_space<vmem>>
    %dma_start3A_485 = arith.constant 0 : i32
    %dma_start3A_486 = tpu.memref_slice %arg26[%dma_start3A_485] : memref<262144xf32, #tpu.memory_space<vmem_shared>> -> memref<262144xf32, #tpu.memory_space<vmem_shared>>
    tpu.enqueue_indirect_dma source(%arg25 : memref<128xf32, #tpu.memory_space<vmem>>) target(%dma_start3A_486 : memref<262144xf32, #tpu.memory_space<vmem_shared>>) offsets(%dma_start3A_484 : memref<128xi32, #tpu.memory_space<vmem>>) semaphore(%arg33 : memref<!tpu.dma_semaphore, #tpu.memory_space<semaphore_mem>>) {add = true}
    %dma_start3A_487 = arith.constant 47 : i32
    %dma_start3A_488 = arith.constant 0 : i32
    %dma_start3A_489 = tpu.memref_slice %arg24[%dma_start3A_487, %dma_start3A_488] : memref<76x128xi32, #tpu.memory_space<vmem>> -> memref<1x128xi32, #tpu.memory_space<vmem>>
    %dma_start3A_490 = tpu.memref_squeeze %dma_start3A_489 : memref<1x128xi32, #tpu.memory_space<vmem>> -> memref<128xi32, #tpu.memory_space<vmem>>
    %dma_start3A_491 = arith.constant 0 : i32
    %dma_start3A_492 = tpu.memref_slice %arg26[%dma_start3A_491] : memref<262144xf32, #tpu.memory_space<vmem_shared>> -> memref<262144xf32, #tpu.memory_space<vmem_shared>>
    tpu.enqueue_indirect_dma source(%arg25 : memref<128xf32, #tpu.memory_space<vmem>>) target(%dma_start3A_492 : memref<262144xf32, #tpu.memory_space<vmem_shared>>) offsets(%dma_start3A_490 : memref<128xi32, #tpu.memory_space<vmem>>) semaphore(%arg33 : memref<!tpu.dma_semaphore, #tpu.memory_space<semaphore_mem>>) {add = true}
    %dma_start3A_493 = arith.constant 48 : i32
    %dma_start3A_494 = arith.constant 0 : i32
    %dma_start3A_495 = tpu.memref_slice %arg24[%dma_start3A_493, %dma_start3A_494] : memref<76x128xi32, #tpu.memory_space<vmem>> -> memref<1x128xi32, #tpu.memory_space<vmem>>
    %dma_start3A_496 = tpu.memref_squeeze %dma_start3A_495 : memref<1x128xi32, #tpu.memory_space<vmem>> -> memref<128xi32, #tpu.memory_space<vmem>>
    %dma_start3A_497 = arith.constant 0 : i32
    %dma_start3A_498 = tpu.memref_slice %arg26[%dma_start3A_497] : memref<262144xf32, #tpu.memory_space<vmem_shared>> -> memref<262144xf32, #tpu.memory_space<vmem_shared>>
    tpu.enqueue_indirect_dma source(%arg25 : memref<128xf32, #tpu.memory_space<vmem>>) target(%dma_start3A_498 : memref<262144xf32, #tpu.memory_space<vmem_shared>>) offsets(%dma_start3A_496 : memref<128xi32, #tpu.memory_space<vmem>>) semaphore(%arg33 : memref<!tpu.dma_semaphore, #tpu.memory_space<semaphore_mem>>) {add = true}
    %dma_start3A_499 = arith.constant 49 : i32
    %dma_start3A_500 = arith.constant 0 : i32
    %dma_start3A_501 = tpu.memref_slice %arg24[%dma_start3A_499, %dma_start3A_500] : memref<76x128xi32, #tpu.memory_space<vmem>> -> memref<1x128xi32, #tpu.memory_space<vmem>>
    %dma_start3A_502 = tpu.memref_squeeze %dma_start3A_501 : memref<1x128xi32, #tpu.memory_space<vmem>> -> memref<128xi32, #tpu.memory_space<vmem>>
    %dma_start3A_503 = arith.constant 0 : i32
    %dma_start3A_504 = tpu.memref_slice %arg26[%dma_start3A_503] : memref<262144xf32, #tpu.memory_space<vmem_shared>> -> memref<262144xf32, #tpu.memory_space<vmem_shared>>
    tpu.enqueue_indirect_dma source(%arg25 : memref<128xf32, #tpu.memory_space<vmem>>) target(%dma_start3A_504 : memref<262144xf32, #tpu.memory_space<vmem_shared>>) offsets(%dma_start3A_502 : memref<128xi32, #tpu.memory_space<vmem>>) semaphore(%arg33 : memref<!tpu.dma_semaphore, #tpu.memory_space<semaphore_mem>>) {add = true}
    %dma_start3A_505 = arith.constant 50 : i32
    %dma_start3A_506 = arith.constant 0 : i32
    %dma_start3A_507 = tpu.memref_slice %arg24[%dma_start3A_505, %dma_start3A_506] : memref<76x128xi32, #tpu.memory_space<vmem>> -> memref<1x128xi32, #tpu.memory_space<vmem>>
    %dma_start3A_508 = tpu.memref_squeeze %dma_start3A_507 : memref<1x128xi32, #tpu.memory_space<vmem>> -> memref<128xi32, #tpu.memory_space<vmem>>
    %dma_start3A_509 = arith.constant 0 : i32
    %dma_start3A_510 = tpu.memref_slice %arg26[%dma_start3A_509] : memref<262144xf32, #tpu.memory_space<vmem_shared>> -> memref<262144xf32, #tpu.memory_space<vmem_shared>>
    tpu.enqueue_indirect_dma source(%arg25 : memref<128xf32, #tpu.memory_space<vmem>>) target(%dma_start3A_510 : memref<262144xf32, #tpu.memory_space<vmem_shared>>) offsets(%dma_start3A_508 : memref<128xi32, #tpu.memory_space<vmem>>) semaphore(%arg33 : memref<!tpu.dma_semaphore, #tpu.memory_space<semaphore_mem>>) {add = true}
    %dma_start3A_511 = arith.constant 51 : i32
    %dma_start3A_512 = arith.constant 0 : i32
    %dma_start3A_513 = tpu.memref_slice %arg24[%dma_start3A_511, %dma_start3A_512] : memref<76x128xi32, #tpu.memory_space<vmem>> -> memref<1x128xi32, #tpu.memory_space<vmem>>
    %dma_start3A_514 = tpu.memref_squeeze %dma_start3A_513 : memref<1x128xi32, #tpu.memory_space<vmem>> -> memref<128xi32, #tpu.memory_space<vmem>>
    %dma_start3A_515 = arith.constant 0 : i32
    %dma_start3A_516 = tpu.memref_slice %arg26[%dma_start3A_515] : memref<262144xf32, #tpu.memory_space<vmem_shared>> -> memref<262144xf32, #tpu.memory_space<vmem_shared>>
    tpu.enqueue_indirect_dma source(%arg25 : memref<128xf32, #tpu.memory_space<vmem>>) target(%dma_start3A_516 : memref<262144xf32, #tpu.memory_space<vmem_shared>>) offsets(%dma_start3A_514 : memref<128xi32, #tpu.memory_space<vmem>>) semaphore(%arg33 : memref<!tpu.dma_semaphore, #tpu.memory_space<semaphore_mem>>) {add = true}
    %dma_start3A_517 = arith.constant 52 : i32
    %dma_start3A_518 = arith.constant 0 : i32
    %dma_start3A_519 = tpu.memref_slice %arg24[%dma_start3A_517, %dma_start3A_518] : memref<76x128xi32, #tpu.memory_space<vmem>> -> memref<1x128xi32, #tpu.memory_space<vmem>>
    %dma_start3A_520 = tpu.memref_squeeze %dma_start3A_519 : memref<1x128xi32, #tpu.memory_space<vmem>> -> memref<128xi32, #tpu.memory_space<vmem>>
    %dma_start3A_521 = arith.constant 0 : i32
    %dma_start3A_522 = tpu.memref_slice %arg26[%dma_start3A_521] : memref<262144xf32, #tpu.memory_space<vmem_shared>> -> memref<262144xf32, #tpu.memory_space<vmem_shared>>
    tpu.enqueue_indirect_dma source(%arg25 : memref<128xf32, #tpu.memory_space<vmem>>) target(%dma_start3A_522 : memref<262144xf32, #tpu.memory_space<vmem_shared>>) offsets(%dma_start3A_520 : memref<128xi32, #tpu.memory_space<vmem>>) semaphore(%arg33 : memref<!tpu.dma_semaphore, #tpu.memory_space<semaphore_mem>>) {add = true}
    %dma_start3A_523 = arith.constant 53 : i32
    %dma_start3A_524 = arith.constant 0 : i32
    %dma_start3A_525 = tpu.memref_slice %arg24[%dma_start3A_523, %dma_start3A_524] : memref<76x128xi32, #tpu.memory_space<vmem>> -> memref<1x128xi32, #tpu.memory_space<vmem>>
    %dma_start3A_526 = tpu.memref_squeeze %dma_start3A_525 : memref<1x128xi32, #tpu.memory_space<vmem>> -> memref<128xi32, #tpu.memory_space<vmem>>
    %dma_start3A_527 = arith.constant 0 : i32
    %dma_start3A_528 = tpu.memref_slice %arg26[%dma_start3A_527] : memref<262144xf32, #tpu.memory_space<vmem_shared>> -> memref<262144xf32, #tpu.memory_space<vmem_shared>>
    tpu.enqueue_indirect_dma source(%arg25 : memref<128xf32, #tpu.memory_space<vmem>>) target(%dma_start3A_528 : memref<262144xf32, #tpu.memory_space<vmem_shared>>) offsets(%dma_start3A_526 : memref<128xi32, #tpu.memory_space<vmem>>) semaphore(%arg33 : memref<!tpu.dma_semaphore, #tpu.memory_space<semaphore_mem>>) {add = true}
    %dma_start3A_529 = arith.constant 54 : i32
    %dma_start3A_530 = arith.constant 0 : i32
    %dma_start3A_531 = tpu.memref_slice %arg24[%dma_start3A_529, %dma_start3A_530] : memref<76x128xi32, #tpu.memory_space<vmem>> -> memref<1x128xi32, #tpu.memory_space<vmem>>
    %dma_start3A_532 = tpu.memref_squeeze %dma_start3A_531 : memref<1x128xi32, #tpu.memory_space<vmem>> -> memref<128xi32, #tpu.memory_space<vmem>>
    %dma_start3A_533 = arith.constant 0 : i32
    %dma_start3A_534 = tpu.memref_slice %arg26[%dma_start3A_533] : memref<262144xf32, #tpu.memory_space<vmem_shared>> -> memref<262144xf32, #tpu.memory_space<vmem_shared>>
    tpu.enqueue_indirect_dma source(%arg25 : memref<128xf32, #tpu.memory_space<vmem>>) target(%dma_start3A_534 : memref<262144xf32, #tpu.memory_space<vmem_shared>>) offsets(%dma_start3A_532 : memref<128xi32, #tpu.memory_space<vmem>>) semaphore(%arg33 : memref<!tpu.dma_semaphore, #tpu.memory_space<semaphore_mem>>) {add = true}
    %dma_start3A_535 = arith.constant 55 : i32
    %dma_start3A_536 = arith.constant 0 : i32
    %dma_start3A_537 = tpu.memref_slice %arg24[%dma_start3A_535, %dma_start3A_536] : memref<76x128xi32, #tpu.memory_space<vmem>> -> memref<1x128xi32, #tpu.memory_space<vmem>>
    %dma_start3A_538 = tpu.memref_squeeze %dma_start3A_537 : memref<1x128xi32, #tpu.memory_space<vmem>> -> memref<128xi32, #tpu.memory_space<vmem>>
    %dma_start3A_539 = arith.constant 0 : i32
    %dma_start3A_540 = tpu.memref_slice %arg26[%dma_start3A_539] : memref<262144xf32, #tpu.memory_space<vmem_shared>> -> memref<262144xf32, #tpu.memory_space<vmem_shared>>
    tpu.enqueue_indirect_dma source(%arg25 : memref<128xf32, #tpu.memory_space<vmem>>) target(%dma_start3A_540 : memref<262144xf32, #tpu.memory_space<vmem_shared>>) offsets(%dma_start3A_538 : memref<128xi32, #tpu.memory_space<vmem>>) semaphore(%arg33 : memref<!tpu.dma_semaphore, #tpu.memory_space<semaphore_mem>>) {add = true}
    %dma_start3A_541 = arith.constant 56 : i32
    %dma_start3A_542 = arith.constant 0 : i32
    %dma_start3A_543 = tpu.memref_slice %arg24[%dma_start3A_541, %dma_start3A_542] : memref<76x128xi32, #tpu.memory_space<vmem>> -> memref<1x128xi32, #tpu.memory_space<vmem>>
    %dma_start3A_544 = tpu.memref_squeeze %dma_start3A_543 : memref<1x128xi32, #tpu.memory_space<vmem>> -> memref<128xi32, #tpu.memory_space<vmem>>
    %dma_start3A_545 = arith.constant 0 : i32
    %dma_start3A_546 = tpu.memref_slice %arg26[%dma_start3A_545] : memref<262144xf32, #tpu.memory_space<vmem_shared>> -> memref<262144xf32, #tpu.memory_space<vmem_shared>>
    tpu.enqueue_indirect_dma source(%arg25 : memref<128xf32, #tpu.memory_space<vmem>>) target(%dma_start3A_546 : memref<262144xf32, #tpu.memory_space<vmem_shared>>) offsets(%dma_start3A_544 : memref<128xi32, #tpu.memory_space<vmem>>) semaphore(%arg33 : memref<!tpu.dma_semaphore, #tpu.memory_space<semaphore_mem>>) {add = true}
    %dma_start3A_547 = arith.constant 57 : i32
    %dma_start3A_548 = arith.constant 0 : i32
    %dma_start3A_549 = tpu.memref_slice %arg24[%dma_start3A_547, %dma_start3A_548] : memref<76x128xi32, #tpu.memory_space<vmem>> -> memref<1x128xi32, #tpu.memory_space<vmem>>
    %dma_start3A_550 = tpu.memref_squeeze %dma_start3A_549 : memref<1x128xi32, #tpu.memory_space<vmem>> -> memref<128xi32, #tpu.memory_space<vmem>>
    %dma_start3A_551 = arith.constant 0 : i32
    %dma_start3A_552 = tpu.memref_slice %arg26[%dma_start3A_551] : memref<262144xf32, #tpu.memory_space<vmem_shared>> -> memref<262144xf32, #tpu.memory_space<vmem_shared>>
    tpu.enqueue_indirect_dma source(%arg25 : memref<128xf32, #tpu.memory_space<vmem>>) target(%dma_start3A_552 : memref<262144xf32, #tpu.memory_space<vmem_shared>>) offsets(%dma_start3A_550 : memref<128xi32, #tpu.memory_space<vmem>>) semaphore(%arg33 : memref<!tpu.dma_semaphore, #tpu.memory_space<semaphore_mem>>) {add = true}
    %dma_start3A_553 = arith.constant 58 : i32
    %dma_start3A_554 = arith.constant 0 : i32
    %dma_start3A_555 = tpu.memref_slice %arg24[%dma_start3A_553, %dma_start3A_554] : memref<76x128xi32, #tpu.memory_space<vmem>> -> memref<1x128xi32, #tpu.memory_space<vmem>>
    %dma_start3A_556 = tpu.memref_squeeze %dma_start3A_555 : memref<1x128xi32, #tpu.memory_space<vmem>> -> memref<128xi32, #tpu.memory_space<vmem>>
    %dma_start3A_557 = arith.constant 0 : i32
    %dma_start3A_558 = tpu.memref_slice %arg26[%dma_start3A_557] : memref<262144xf32, #tpu.memory_space<vmem_shared>> -> memref<262144xf32, #tpu.memory_space<vmem_shared>>
    tpu.enqueue_indirect_dma source(%arg25 : memref<128xf32, #tpu.memory_space<vmem>>) target(%dma_start3A_558 : memref<262144xf32, #tpu.memory_space<vmem_shared>>) offsets(%dma_start3A_556 : memref<128xi32, #tpu.memory_space<vmem>>) semaphore(%arg33 : memref<!tpu.dma_semaphore, #tpu.memory_space<semaphore_mem>>) {add = true}
    %dma_start3A_559 = arith.constant 59 : i32
    %dma_start3A_560 = arith.constant 0 : i32
    %dma_start3A_561 = tpu.memref_slice %arg24[%dma_start3A_559, %dma_start3A_560] : memref<76x128xi32, #tpu.memory_space<vmem>> -> memref<1x128xi32, #tpu.memory_space<vmem>>
    %dma_start3A_562 = tpu.memref_squeeze %dma_start3A_561 : memref<1x128xi32, #tpu.memory_space<vmem>> -> memref<128xi32, #tpu.memory_space<vmem>>
    %dma_start3A_563 = arith.constant 0 : i32
    %dma_start3A_564 = tpu.memref_slice %arg26[%dma_start3A_563] : memref<262144xf32, #tpu.memory_space<vmem_shared>> -> memref<262144xf32, #tpu.memory_space<vmem_shared>>
    tpu.enqueue_indirect_dma source(%arg25 : memref<128xf32, #tpu.memory_space<vmem>>) target(%dma_start3A_564 : memref<262144xf32, #tpu.memory_space<vmem_shared>>) offsets(%dma_start3A_562 : memref<128xi32, #tpu.memory_space<vmem>>) semaphore(%arg33 : memref<!tpu.dma_semaphore, #tpu.memory_space<semaphore_mem>>) {add = true}
    %dma_start3A_565 = arith.constant 60 : i32
    %dma_start3A_566 = arith.constant 0 : i32
    %dma_start3A_567 = tpu.memref_slice %arg24[%dma_start3A_565, %dma_start3A_566] : memref<76x128xi32, #tpu.memory_space<vmem>> -> memref<1x128xi32, #tpu.memory_space<vmem>>
    %dma_start3A_568 = tpu.memref_squeeze %dma_start3A_567 : memref<1x128xi32, #tpu.memory_space<vmem>> -> memref<128xi32, #tpu.memory_space<vmem>>
    %dma_start3A_569 = arith.constant 0 : i32
    %dma_start3A_570 = tpu.memref_slice %arg26[%dma_start3A_569] : memref<262144xf32, #tpu.memory_space<vmem_shared>> -> memref<262144xf32, #tpu.memory_space<vmem_shared>>
    tpu.enqueue_indirect_dma source(%arg25 : memref<128xf32, #tpu.memory_space<vmem>>) target(%dma_start3A_570 : memref<262144xf32, #tpu.memory_space<vmem_shared>>) offsets(%dma_start3A_568 : memref<128xi32, #tpu.memory_space<vmem>>) semaphore(%arg33 : memref<!tpu.dma_semaphore, #tpu.memory_space<semaphore_mem>>) {add = true}
    %dma_start3A_571 = arith.constant 61 : i32
    %dma_start3A_572 = arith.constant 0 : i32
    %dma_start3A_573 = tpu.memref_slice %arg24[%dma_start3A_571, %dma_start3A_572] : memref<76x128xi32, #tpu.memory_space<vmem>> -> memref<1x128xi32, #tpu.memory_space<vmem>>
    %dma_start3A_574 = tpu.memref_squeeze %dma_start3A_573 : memref<1x128xi32, #tpu.memory_space<vmem>> -> memref<128xi32, #tpu.memory_space<vmem>>
    %dma_start3A_575 = arith.constant 0 : i32
    %dma_start3A_576 = tpu.memref_slice %arg26[%dma_start3A_575] : memref<262144xf32, #tpu.memory_space<vmem_shared>> -> memref<262144xf32, #tpu.memory_space<vmem_shared>>
    tpu.enqueue_indirect_dma source(%arg25 : memref<128xf32, #tpu.memory_space<vmem>>) target(%dma_start3A_576 : memref<262144xf32, #tpu.memory_space<vmem_shared>>) offsets(%dma_start3A_574 : memref<128xi32, #tpu.memory_space<vmem>>) semaphore(%arg33 : memref<!tpu.dma_semaphore, #tpu.memory_space<semaphore_mem>>) {add = true}
    %dma_start3A_577 = arith.constant 62 : i32
    %dma_start3A_578 = arith.constant 0 : i32
    %dma_start3A_579 = tpu.memref_slice %arg24[%dma_start3A_577, %dma_start3A_578] : memref<76x128xi32, #tpu.memory_space<vmem>> -> memref<1x128xi32, #tpu.memory_space<vmem>>
    %dma_start3A_580 = tpu.memref_squeeze %dma_start3A_579 : memref<1x128xi32, #tpu.memory_space<vmem>> -> memref<128xi32, #tpu.memory_space<vmem>>
    %dma_start3A_581 = arith.constant 0 : i32
    %dma_start3A_582 = tpu.memref_slice %arg26[%dma_start3A_581] : memref<262144xf32, #tpu.memory_space<vmem_shared>> -> memref<262144xf32, #tpu.memory_space<vmem_shared>>
    tpu.enqueue_indirect_dma source(%arg25 : memref<128xf32, #tpu.memory_space<vmem>>) target(%dma_start3A_582 : memref<262144xf32, #tpu.memory_space<vmem_shared>>) offsets(%dma_start3A_580 : memref<128xi32, #tpu.memory_space<vmem>>) semaphore(%arg33 : memref<!tpu.dma_semaphore, #tpu.memory_space<semaphore_mem>>) {add = true}
    %dma_start3A_583 = arith.constant 63 : i32
    %dma_start3A_584 = arith.constant 0 : i32
    %dma_start3A_585 = tpu.memref_slice %arg24[%dma_start3A_583, %dma_start3A_584] : memref<76x128xi32, #tpu.memory_space<vmem>> -> memref<1x128xi32, #tpu.memory_space<vmem>>
    %dma_start3A_586 = tpu.memref_squeeze %dma_start3A_585 : memref<1x128xi32, #tpu.memory_space<vmem>> -> memref<128xi32, #tpu.memory_space<vmem>>
    %dma_start3A_587 = arith.constant 0 : i32
    %dma_start3A_588 = tpu.memref_slice %arg26[%dma_start3A_587] : memref<262144xf32, #tpu.memory_space<vmem_shared>> -> memref<262144xf32, #tpu.memory_space<vmem_shared>>
    tpu.enqueue_indirect_dma source(%arg25 : memref<128xf32, #tpu.memory_space<vmem>>) target(%dma_start3A_588 : memref<262144xf32, #tpu.memory_space<vmem_shared>>) offsets(%dma_start3A_586 : memref<128xi32, #tpu.memory_space<vmem>>) semaphore(%arg33 : memref<!tpu.dma_semaphore, #tpu.memory_space<semaphore_mem>>) {add = true}
    %dma_start3A_589 = arith.constant 64 : i32
    %dma_start3A_590 = arith.constant 0 : i32
    %dma_start3A_591 = tpu.memref_slice %arg24[%dma_start3A_589, %dma_start3A_590] : memref<76x128xi32, #tpu.memory_space<vmem>> -> memref<1x128xi32, #tpu.memory_space<vmem>>
    %dma_start3A_592 = tpu.memref_squeeze %dma_start3A_591 : memref<1x128xi32, #tpu.memory_space<vmem>> -> memref<128xi32, #tpu.memory_space<vmem>>
    %dma_start3A_593 = arith.constant 0 : i32
    %dma_start3A_594 = tpu.memref_slice %arg26[%dma_start3A_593] : memref<262144xf32, #tpu.memory_space<vmem_shared>> -> memref<262144xf32, #tpu.memory_space<vmem_shared>>
    tpu.enqueue_indirect_dma source(%arg25 : memref<128xf32, #tpu.memory_space<vmem>>) target(%dma_start3A_594 : memref<262144xf32, #tpu.memory_space<vmem_shared>>) offsets(%dma_start3A_592 : memref<128xi32, #tpu.memory_space<vmem>>) semaphore(%arg33 : memref<!tpu.dma_semaphore, #tpu.memory_space<semaphore_mem>>) {add = true}
    %dma_start3A_595 = arith.constant 65 : i32
    %dma_start3A_596 = arith.constant 0 : i32
    %dma_start3A_597 = tpu.memref_slice %arg24[%dma_start3A_595, %dma_start3A_596] : memref<76x128xi32, #tpu.memory_space<vmem>> -> memref<1x128xi32, #tpu.memory_space<vmem>>
    %dma_start3A_598 = tpu.memref_squeeze %dma_start3A_597 : memref<1x128xi32, #tpu.memory_space<vmem>> -> memref<128xi32, #tpu.memory_space<vmem>>
    %dma_start3A_599 = arith.constant 0 : i32
    %dma_start3A_600 = tpu.memref_slice %arg26[%dma_start3A_599] : memref<262144xf32, #tpu.memory_space<vmem_shared>> -> memref<262144xf32, #tpu.memory_space<vmem_shared>>
    tpu.enqueue_indirect_dma source(%arg25 : memref<128xf32, #tpu.memory_space<vmem>>) target(%dma_start3A_600 : memref<262144xf32, #tpu.memory_space<vmem_shared>>) offsets(%dma_start3A_598 : memref<128xi32, #tpu.memory_space<vmem>>) semaphore(%arg33 : memref<!tpu.dma_semaphore, #tpu.memory_space<semaphore_mem>>) {add = true}
    %dma_start3A_601 = arith.constant 66 : i32
    %dma_start3A_602 = arith.constant 0 : i32
    %dma_start3A_603 = tpu.memref_slice %arg24[%dma_start3A_601, %dma_start3A_602] : memref<76x128xi32, #tpu.memory_space<vmem>> -> memref<1x128xi32, #tpu.memory_space<vmem>>
    %dma_start3A_604 = tpu.memref_squeeze %dma_start3A_603 : memref<1x128xi32, #tpu.memory_space<vmem>> -> memref<128xi32, #tpu.memory_space<vmem>>
    %dma_start3A_605 = arith.constant 0 : i32
    %dma_start3A_606 = tpu.memref_slice %arg26[%dma_start3A_605] : memref<262144xf32, #tpu.memory_space<vmem_shared>> -> memref<262144xf32, #tpu.memory_space<vmem_shared>>
    tpu.enqueue_indirect_dma source(%arg25 : memref<128xf32, #tpu.memory_space<vmem>>) target(%dma_start3A_606 : memref<262144xf32, #tpu.memory_space<vmem_shared>>) offsets(%dma_start3A_604 : memref<128xi32, #tpu.memory_space<vmem>>) semaphore(%arg33 : memref<!tpu.dma_semaphore, #tpu.memory_space<semaphore_mem>>) {add = true}
    %dma_start3A_607 = arith.constant 67 : i32
    %dma_start3A_608 = arith.constant 0 : i32
    %dma_start3A_609 = tpu.memref_slice %arg24[%dma_start3A_607, %dma_start3A_608] : memref<76x128xi32, #tpu.memory_space<vmem>> -> memref<1x128xi32, #tpu.memory_space<vmem>>
    %dma_start3A_610 = tpu.memref_squeeze %dma_start3A_609 : memref<1x128xi32, #tpu.memory_space<vmem>> -> memref<128xi32, #tpu.memory_space<vmem>>
    %dma_start3A_611 = arith.constant 0 : i32
    %dma_start3A_612 = tpu.memref_slice %arg26[%dma_start3A_611] : memref<262144xf32, #tpu.memory_space<vmem_shared>> -> memref<262144xf32, #tpu.memory_space<vmem_shared>>
    tpu.enqueue_indirect_dma source(%arg25 : memref<128xf32, #tpu.memory_space<vmem>>) target(%dma_start3A_612 : memref<262144xf32, #tpu.memory_space<vmem_shared>>) offsets(%dma_start3A_610 : memref<128xi32, #tpu.memory_space<vmem>>) semaphore(%arg33 : memref<!tpu.dma_semaphore, #tpu.memory_space<semaphore_mem>>) {add = true}
    %dma_start3A_613 = arith.constant 68 : i32
    %dma_start3A_614 = arith.constant 0 : i32
    %dma_start3A_615 = tpu.memref_slice %arg24[%dma_start3A_613, %dma_start3A_614] : memref<76x128xi32, #tpu.memory_space<vmem>> -> memref<1x128xi32, #tpu.memory_space<vmem>>
    %dma_start3A_616 = tpu.memref_squeeze %dma_start3A_615 : memref<1x128xi32, #tpu.memory_space<vmem>> -> memref<128xi32, #tpu.memory_space<vmem>>
    %dma_start3A_617 = arith.constant 0 : i32
    %dma_start3A_618 = tpu.memref_slice %arg26[%dma_start3A_617] : memref<262144xf32, #tpu.memory_space<vmem_shared>> -> memref<262144xf32, #tpu.memory_space<vmem_shared>>
    tpu.enqueue_indirect_dma source(%arg25 : memref<128xf32, #tpu.memory_space<vmem>>) target(%dma_start3A_618 : memref<262144xf32, #tpu.memory_space<vmem_shared>>) offsets(%dma_start3A_616 : memref<128xi32, #tpu.memory_space<vmem>>) semaphore(%arg33 : memref<!tpu.dma_semaphore, #tpu.memory_space<semaphore_mem>>) {add = true}
    %dma_start3A_619 = arith.constant 69 : i32
    %dma_start3A_620 = arith.constant 0 : i32
    %dma_start3A_621 = tpu.memref_slice %arg24[%dma_start3A_619, %dma_start3A_620] : memref<76x128xi32, #tpu.memory_space<vmem>> -> memref<1x128xi32, #tpu.memory_space<vmem>>
    %dma_start3A_622 = tpu.memref_squeeze %dma_start3A_621 : memref<1x128xi32, #tpu.memory_space<vmem>> -> memref<128xi32, #tpu.memory_space<vmem>>
    %dma_start3A_623 = arith.constant 0 : i32
    %dma_start3A_624 = tpu.memref_slice %arg26[%dma_start3A_623] : memref<262144xf32, #tpu.memory_space<vmem_shared>> -> memref<262144xf32, #tpu.memory_space<vmem_shared>>
    tpu.enqueue_indirect_dma source(%arg25 : memref<128xf32, #tpu.memory_space<vmem>>) target(%dma_start3A_624 : memref<262144xf32, #tpu.memory_space<vmem_shared>>) offsets(%dma_start3A_622 : memref<128xi32, #tpu.memory_space<vmem>>) semaphore(%arg33 : memref<!tpu.dma_semaphore, #tpu.memory_space<semaphore_mem>>) {add = true}
    %dma_start3A_625 = arith.constant 70 : i32
    %dma_start3A_626 = arith.constant 0 : i32
    %dma_start3A_627 = tpu.memref_slice %arg24[%dma_start3A_625, %dma_start3A_626] : memref<76x128xi32, #tpu.memory_space<vmem>> -> memref<1x128xi32, #tpu.memory_space<vmem>>
    %dma_start3A_628 = tpu.memref_squeeze %dma_start3A_627 : memref<1x128xi32, #tpu.memory_space<vmem>> -> memref<128xi32, #tpu.memory_space<vmem>>
    %dma_start3A_629 = arith.constant 0 : i32
    %dma_start3A_630 = tpu.memref_slice %arg26[%dma_start3A_629] : memref<262144xf32, #tpu.memory_space<vmem_shared>> -> memref<262144xf32, #tpu.memory_space<vmem_shared>>
    tpu.enqueue_indirect_dma source(%arg25 : memref<128xf32, #tpu.memory_space<vmem>>) target(%dma_start3A_630 : memref<262144xf32, #tpu.memory_space<vmem_shared>>) offsets(%dma_start3A_628 : memref<128xi32, #tpu.memory_space<vmem>>) semaphore(%arg33 : memref<!tpu.dma_semaphore, #tpu.memory_space<semaphore_mem>>) {add = true}
    %dma_start3A_631 = arith.constant 71 : i32
    %dma_start3A_632 = arith.constant 0 : i32
    %dma_start3A_633 = tpu.memref_slice %arg24[%dma_start3A_631, %dma_start3A_632] : memref<76x128xi32, #tpu.memory_space<vmem>> -> memref<1x128xi32, #tpu.memory_space<vmem>>
    %dma_start3A_634 = tpu.memref_squeeze %dma_start3A_633 : memref<1x128xi32, #tpu.memory_space<vmem>> -> memref<128xi32, #tpu.memory_space<vmem>>
    %dma_start3A_635 = arith.constant 0 : i32
    %dma_start3A_636 = tpu.memref_slice %arg26[%dma_start3A_635] : memref<262144xf32, #tpu.memory_space<vmem_shared>> -> memref<262144xf32, #tpu.memory_space<vmem_shared>>
    tpu.enqueue_indirect_dma source(%arg25 : memref<128xf32, #tpu.memory_space<vmem>>) target(%dma_start3A_636 : memref<262144xf32, #tpu.memory_space<vmem_shared>>) offsets(%dma_start3A_634 : memref<128xi32, #tpu.memory_space<vmem>>) semaphore(%arg33 : memref<!tpu.dma_semaphore, #tpu.memory_space<semaphore_mem>>) {add = true}
    %dma_start3A_637 = arith.constant 72 : i32
    %dma_start3A_638 = arith.constant 0 : i32
    %dma_start3A_639 = tpu.memref_slice %arg24[%dma_start3A_637, %dma_start3A_638] : memref<76x128xi32, #tpu.memory_space<vmem>> -> memref<1x128xi32, #tpu.memory_space<vmem>>
    %dma_start3A_640 = tpu.memref_squeeze %dma_start3A_639 : memref<1x128xi32, #tpu.memory_space<vmem>> -> memref<128xi32, #tpu.memory_space<vmem>>
    %dma_start3A_641 = arith.constant 0 : i32
    %dma_start3A_642 = tpu.memref_slice %arg26[%dma_start3A_641] : memref<262144xf32, #tpu.memory_space<vmem_shared>> -> memref<262144xf32, #tpu.memory_space<vmem_shared>>
    tpu.enqueue_indirect_dma source(%arg25 : memref<128xf32, #tpu.memory_space<vmem>>) target(%dma_start3A_642 : memref<262144xf32, #tpu.memory_space<vmem_shared>>) offsets(%dma_start3A_640 : memref<128xi32, #tpu.memory_space<vmem>>) semaphore(%arg33 : memref<!tpu.dma_semaphore, #tpu.memory_space<semaphore_mem>>) {add = true}
    %dma_start3A_643 = arith.constant 73 : i32
    %dma_start3A_644 = arith.constant 0 : i32
    %dma_start3A_645 = tpu.memref_slice %arg24[%dma_start3A_643, %dma_start3A_644] : memref<76x128xi32, #tpu.memory_space<vmem>> -> memref<1x128xi32, #tpu.memory_space<vmem>>
    %dma_start3A_646 = tpu.memref_squeeze %dma_start3A_645 : memref<1x128xi32, #tpu.memory_space<vmem>> -> memref<128xi32, #tpu.memory_space<vmem>>
    %dma_start3A_647 = arith.constant 0 : i32
    %dma_start3A_648 = tpu.memref_slice %arg26[%dma_start3A_647] : memref<262144xf32, #tpu.memory_space<vmem_shared>> -> memref<262144xf32, #tpu.memory_space<vmem_shared>>
    tpu.enqueue_indirect_dma source(%arg25 : memref<128xf32, #tpu.memory_space<vmem>>) target(%dma_start3A_648 : memref<262144xf32, #tpu.memory_space<vmem_shared>>) offsets(%dma_start3A_646 : memref<128xi32, #tpu.memory_space<vmem>>) semaphore(%arg33 : memref<!tpu.dma_semaphore, #tpu.memory_space<semaphore_mem>>) {add = true}
    %dma_start3A_649 = arith.constant 74 : i32
    %dma_start3A_650 = arith.constant 0 : i32
    %dma_start3A_651 = tpu.memref_slice %arg24[%dma_start3A_649, %dma_start3A_650] : memref<76x128xi32, #tpu.memory_space<vmem>> -> memref<1x128xi32, #tpu.memory_space<vmem>>
    %dma_start3A_652 = tpu.memref_squeeze %dma_start3A_651 : memref<1x128xi32, #tpu.memory_space<vmem>> -> memref<128xi32, #tpu.memory_space<vmem>>
    %dma_start3A_653 = arith.constant 0 : i32
    %dma_start3A_654 = tpu.memref_slice %arg26[%dma_start3A_653] : memref<262144xf32, #tpu.memory_space<vmem_shared>> -> memref<262144xf32, #tpu.memory_space<vmem_shared>>
    tpu.enqueue_indirect_dma source(%arg25 : memref<128xf32, #tpu.memory_space<vmem>>) target(%dma_start3A_654 : memref<262144xf32, #tpu.memory_space<vmem_shared>>) offsets(%dma_start3A_652 : memref<128xi32, #tpu.memory_space<vmem>>) semaphore(%arg33 : memref<!tpu.dma_semaphore, #tpu.memory_space<semaphore_mem>>) {add = true}
    %dma_start3A_655 = arith.constant 75 : i32
    %dma_start3A_656 = arith.constant 0 : i32
    %dma_start3A_657 = tpu.memref_slice %arg24[%dma_start3A_655, %dma_start3A_656] : memref<76x128xi32, #tpu.memory_space<vmem>> -> memref<1x128xi32, #tpu.memory_space<vmem>>
    %dma_start3A_658 = tpu.memref_squeeze %dma_start3A_657 : memref<1x128xi32, #tpu.memory_space<vmem>> -> memref<128xi32, #tpu.memory_space<vmem>>
    %dma_start3A_659 = arith.constant 0 : i32
    %dma_start3A_660 = tpu.memref_slice %arg26[%dma_start3A_659] : memref<262144xf32, #tpu.memory_space<vmem_shared>> -> memref<262144xf32, #tpu.memory_space<vmem_shared>>
    tpu.enqueue_indirect_dma source(%arg25 : memref<128xf32, #tpu.memory_space<vmem>>) target(%dma_start3A_660 : memref<262144xf32, #tpu.memory_space<vmem_shared>>) offsets(%dma_start3A_658 : memref<128xi32, #tpu.memory_space<vmem>>) semaphore(%arg33 : memref<!tpu.dma_semaphore, #tpu.memory_space<semaphore_mem>>) {add = true}
    %dma_wait3A_661 = arith.constant 0 : i32
    %dma_wait3A_662 = arith.constant 0 : i32
    %dma_wait3A_663 = tpu.memref_slice %arg24[%dma_wait3A_661, %dma_wait3A_662] : memref<76x128xi32, #tpu.memory_space<vmem>> -> memref<1x128xi32, #tpu.memory_space<vmem>>
    %dma_wait3A_664 = tpu.memref_squeeze %dma_wait3A_663 : memref<1x128xi32, #tpu.memory_space<vmem>> -> memref<128xi32, #tpu.memory_space<vmem>>
    %dma_wait3A_665 = arith.constant 0 : i32
    %dma_wait3A_666 = tpu.memref_slice %arg26[%dma_wait3A_665] : memref<262144xf32, #tpu.memory_space<vmem_shared>> -> memref<262144xf32, #tpu.memory_space<vmem_shared>>
    tpu.wait_indirect_dma semaphore(%arg33 : memref<!tpu.dma_semaphore, #tpu.memory_space<semaphore_mem>>) src(%arg25 : memref<128xf32, #tpu.memory_space<vmem>>) dst(%dma_wait3A_666 : memref<262144xf32, #tpu.memory_space<vmem_shared>>)
    %dma_wait3A_667 = arith.constant 1 : i32
    %dma_wait3A_668 = arith.constant 0 : i32
    %dma_wait3A_669 = tpu.memref_slice %arg24[%dma_wait3A_667, %dma_wait3A_668] : memref<76x128xi32, #tpu.memory_space<vmem>> -> memref<1x128xi32, #tpu.memory_space<vmem>>
    %dma_wait3A_670 = tpu.memref_squeeze %dma_wait3A_669 : memref<1x128xi32, #tpu.memory_space<vmem>> -> memref<128xi32, #tpu.memory_space<vmem>>
    %dma_wait3A_671 = arith.constant 0 : i32
    %dma_wait3A_672 = tpu.memref_slice %arg26[%dma_wait3A_671] : memref<262144xf32, #tpu.memory_space<vmem_shared>> -> memref<262144xf32, #tpu.memory_space<vmem_shared>>
    tpu.wait_indirect_dma semaphore(%arg33 : memref<!tpu.dma_semaphore, #tpu.memory_space<semaphore_mem>>) src(%arg25 : memref<128xf32, #tpu.memory_space<vmem>>) dst(%dma_wait3A_672 : memref<262144xf32, #tpu.memory_space<vmem_shared>>)
    %dma_wait3A_673 = arith.constant 2 : i32
    %dma_wait3A_674 = arith.constant 0 : i32
    %dma_wait3A_675 = tpu.memref_slice %arg24[%dma_wait3A_673, %dma_wait3A_674] : memref<76x128xi32, #tpu.memory_space<vmem>> -> memref<1x128xi32, #tpu.memory_space<vmem>>
    %dma_wait3A_676 = tpu.memref_squeeze %dma_wait3A_675 : memref<1x128xi32, #tpu.memory_space<vmem>> -> memref<128xi32, #tpu.memory_space<vmem>>
    %dma_wait3A_677 = arith.constant 0 : i32
    %dma_wait3A_678 = tpu.memref_slice %arg26[%dma_wait3A_677] : memref<262144xf32, #tpu.memory_space<vmem_shared>> -> memref<262144xf32, #tpu.memory_space<vmem_shared>>
    tpu.wait_indirect_dma semaphore(%arg33 : memref<!tpu.dma_semaphore, #tpu.memory_space<semaphore_mem>>) src(%arg25 : memref<128xf32, #tpu.memory_space<vmem>>) dst(%dma_wait3A_678 : memref<262144xf32, #tpu.memory_space<vmem_shared>>)
    %dma_wait3A_679 = arith.constant 3 : i32
    %dma_wait3A_680 = arith.constant 0 : i32
    %dma_wait3A_681 = tpu.memref_slice %arg24[%dma_wait3A_679, %dma_wait3A_680] : memref<76x128xi32, #tpu.memory_space<vmem>> -> memref<1x128xi32, #tpu.memory_space<vmem>>
    %dma_wait3A_682 = tpu.memref_squeeze %dma_wait3A_681 : memref<1x128xi32, #tpu.memory_space<vmem>> -> memref<128xi32, #tpu.memory_space<vmem>>
    %dma_wait3A_683 = arith.constant 0 : i32
    %dma_wait3A_684 = tpu.memref_slice %arg26[%dma_wait3A_683] : memref<262144xf32, #tpu.memory_space<vmem_shared>> -> memref<262144xf32, #tpu.memory_space<vmem_shared>>
    tpu.wait_indirect_dma semaphore(%arg33 : memref<!tpu.dma_semaphore, #tpu.memory_space<semaphore_mem>>) src(%arg25 : memref<128xf32, #tpu.memory_space<vmem>>) dst(%dma_wait3A_684 : memref<262144xf32, #tpu.memory_space<vmem_shared>>)
    %dma_wait3A_685 = arith.constant 4 : i32
    %dma_wait3A_686 = arith.constant 0 : i32
    %dma_wait3A_687 = tpu.memref_slice %arg24[%dma_wait3A_685, %dma_wait3A_686] : memref<76x128xi32, #tpu.memory_space<vmem>> -> memref<1x128xi32, #tpu.memory_space<vmem>>
    %dma_wait3A_688 = tpu.memref_squeeze %dma_wait3A_687 : memref<1x128xi32, #tpu.memory_space<vmem>> -> memref<128xi32, #tpu.memory_space<vmem>>
    %dma_wait3A_689 = arith.constant 0 : i32
    %dma_wait3A_690 = tpu.memref_slice %arg26[%dma_wait3A_689] : memref<262144xf32, #tpu.memory_space<vmem_shared>> -> memref<262144xf32, #tpu.memory_space<vmem_shared>>
    tpu.wait_indirect_dma semaphore(%arg33 : memref<!tpu.dma_semaphore, #tpu.memory_space<semaphore_mem>>) src(%arg25 : memref<128xf32, #tpu.memory_space<vmem>>) dst(%dma_wait3A_690 : memref<262144xf32, #tpu.memory_space<vmem_shared>>)
    %dma_wait3A_691 = arith.constant 5 : i32
    %dma_wait3A_692 = arith.constant 0 : i32
    %dma_wait3A_693 = tpu.memref_slice %arg24[%dma_wait3A_691, %dma_wait3A_692] : memref<76x128xi32, #tpu.memory_space<vmem>> -> memref<1x128xi32, #tpu.memory_space<vmem>>
    %dma_wait3A_694 = tpu.memref_squeeze %dma_wait3A_693 : memref<1x128xi32, #tpu.memory_space<vmem>> -> memref<128xi32, #tpu.memory_space<vmem>>
    %dma_wait3A_695 = arith.constant 0 : i32
    %dma_wait3A_696 = tpu.memref_slice %arg26[%dma_wait3A_695] : memref<262144xf32, #tpu.memory_space<vmem_shared>> -> memref<262144xf32, #tpu.memory_space<vmem_shared>>
    tpu.wait_indirect_dma semaphore(%arg33 : memref<!tpu.dma_semaphore, #tpu.memory_space<semaphore_mem>>) src(%arg25 : memref<128xf32, #tpu.memory_space<vmem>>) dst(%dma_wait3A_696 : memref<262144xf32, #tpu.memory_space<vmem_shared>>)
    %dma_wait3A_697 = arith.constant 6 : i32
    %dma_wait3A_698 = arith.constant 0 : i32
    %dma_wait3A_699 = tpu.memref_slice %arg24[%dma_wait3A_697, %dma_wait3A_698] : memref<76x128xi32, #tpu.memory_space<vmem>> -> memref<1x128xi32, #tpu.memory_space<vmem>>
    %dma_wait3A_700 = tpu.memref_squeeze %dma_wait3A_699 : memref<1x128xi32, #tpu.memory_space<vmem>> -> memref<128xi32, #tpu.memory_space<vmem>>
    %dma_wait3A_701 = arith.constant 0 : i32
    %dma_wait3A_702 = tpu.memref_slice %arg26[%dma_wait3A_701] : memref<262144xf32, #tpu.memory_space<vmem_shared>> -> memref<262144xf32, #tpu.memory_space<vmem_shared>>
    tpu.wait_indirect_dma semaphore(%arg33 : memref<!tpu.dma_semaphore, #tpu.memory_space<semaphore_mem>>) src(%arg25 : memref<128xf32, #tpu.memory_space<vmem>>) dst(%dma_wait3A_702 : memref<262144xf32, #tpu.memory_space<vmem_shared>>)
    %dma_wait3A_703 = arith.constant 7 : i32
    %dma_wait3A_704 = arith.constant 0 : i32
    %dma_wait3A_705 = tpu.memref_slice %arg24[%dma_wait3A_703, %dma_wait3A_704] : memref<76x128xi32, #tpu.memory_space<vmem>> -> memref<1x128xi32, #tpu.memory_space<vmem>>
    %dma_wait3A_706 = tpu.memref_squeeze %dma_wait3A_705 : memref<1x128xi32, #tpu.memory_space<vmem>> -> memref<128xi32, #tpu.memory_space<vmem>>
    %dma_wait3A_707 = arith.constant 0 : i32
    %dma_wait3A_708 = tpu.memref_slice %arg26[%dma_wait3A_707] : memref<262144xf32, #tpu.memory_space<vmem_shared>> -> memref<262144xf32, #tpu.memory_space<vmem_shared>>
    tpu.wait_indirect_dma semaphore(%arg33 : memref<!tpu.dma_semaphore, #tpu.memory_space<semaphore_mem>>) src(%arg25 : memref<128xf32, #tpu.memory_space<vmem>>) dst(%dma_wait3A_708 : memref<262144xf32, #tpu.memory_space<vmem_shared>>)
    %dma_wait3A_709 = arith.constant 8 : i32
    %dma_wait3A_710 = arith.constant 0 : i32
    %dma_wait3A_711 = tpu.memref_slice %arg24[%dma_wait3A_709, %dma_wait3A_710] : memref<76x128xi32, #tpu.memory_space<vmem>> -> memref<1x128xi32, #tpu.memory_space<vmem>>
    %dma_wait3A_712 = tpu.memref_squeeze %dma_wait3A_711 : memref<1x128xi32, #tpu.memory_space<vmem>> -> memref<128xi32, #tpu.memory_space<vmem>>
    %dma_wait3A_713 = arith.constant 0 : i32
    %dma_wait3A_714 = tpu.memref_slice %arg26[%dma_wait3A_713] : memref<262144xf32, #tpu.memory_space<vmem_shared>> -> memref<262144xf32, #tpu.memory_space<vmem_shared>>
    tpu.wait_indirect_dma semaphore(%arg33 : memref<!tpu.dma_semaphore, #tpu.memory_space<semaphore_mem>>) src(%arg25 : memref<128xf32, #tpu.memory_space<vmem>>) dst(%dma_wait3A_714 : memref<262144xf32, #tpu.memory_space<vmem_shared>>)
    %dma_wait3A_715 = arith.constant 9 : i32
    %dma_wait3A_716 = arith.constant 0 : i32
    %dma_wait3A_717 = tpu.memref_slice %arg24[%dma_wait3A_715, %dma_wait3A_716] : memref<76x128xi32, #tpu.memory_space<vmem>> -> memref<1x128xi32, #tpu.memory_space<vmem>>
    %dma_wait3A_718 = tpu.memref_squeeze %dma_wait3A_717 : memref<1x128xi32, #tpu.memory_space<vmem>> -> memref<128xi32, #tpu.memory_space<vmem>>
    %dma_wait3A_719 = arith.constant 0 : i32
    %dma_wait3A_720 = tpu.memref_slice %arg26[%dma_wait3A_719] : memref<262144xf32, #tpu.memory_space<vmem_shared>> -> memref<262144xf32, #tpu.memory_space<vmem_shared>>
    tpu.wait_indirect_dma semaphore(%arg33 : memref<!tpu.dma_semaphore, #tpu.memory_space<semaphore_mem>>) src(%arg25 : memref<128xf32, #tpu.memory_space<vmem>>) dst(%dma_wait3A_720 : memref<262144xf32, #tpu.memory_space<vmem_shared>>)
    %dma_wait3A_721 = arith.constant 10 : i32
    %dma_wait3A_722 = arith.constant 0 : i32
    %dma_wait3A_723 = tpu.memref_slice %arg24[%dma_wait3A_721, %dma_wait3A_722] : memref<76x128xi32, #tpu.memory_space<vmem>> -> memref<1x128xi32, #tpu.memory_space<vmem>>
    %dma_wait3A_724 = tpu.memref_squeeze %dma_wait3A_723 : memref<1x128xi32, #tpu.memory_space<vmem>> -> memref<128xi32, #tpu.memory_space<vmem>>
    %dma_wait3A_725 = arith.constant 0 : i32
    %dma_wait3A_726 = tpu.memref_slice %arg26[%dma_wait3A_725] : memref<262144xf32, #tpu.memory_space<vmem_shared>> -> memref<262144xf32, #tpu.memory_space<vmem_shared>>
    tpu.wait_indirect_dma semaphore(%arg33 : memref<!tpu.dma_semaphore, #tpu.memory_space<semaphore_mem>>) src(%arg25 : memref<128xf32, #tpu.memory_space<vmem>>) dst(%dma_wait3A_726 : memref<262144xf32, #tpu.memory_space<vmem_shared>>)
    %dma_wait3A_727 = arith.constant 11 : i32
    %dma_wait3A_728 = arith.constant 0 : i32
    %dma_wait3A_729 = tpu.memref_slice %arg24[%dma_wait3A_727, %dma_wait3A_728] : memref<76x128xi32, #tpu.memory_space<vmem>> -> memref<1x128xi32, #tpu.memory_space<vmem>>
    %dma_wait3A_730 = tpu.memref_squeeze %dma_wait3A_729 : memref<1x128xi32, #tpu.memory_space<vmem>> -> memref<128xi32, #tpu.memory_space<vmem>>
    %dma_wait3A_731 = arith.constant 0 : i32
    %dma_wait3A_732 = tpu.memref_slice %arg26[%dma_wait3A_731] : memref<262144xf32, #tpu.memory_space<vmem_shared>> -> memref<262144xf32, #tpu.memory_space<vmem_shared>>
    tpu.wait_indirect_dma semaphore(%arg33 : memref<!tpu.dma_semaphore, #tpu.memory_space<semaphore_mem>>) src(%arg25 : memref<128xf32, #tpu.memory_space<vmem>>) dst(%dma_wait3A_732 : memref<262144xf32, #tpu.memory_space<vmem_shared>>)
    %dma_wait3A_733 = arith.constant 12 : i32
    %dma_wait3A_734 = arith.constant 0 : i32
    %dma_wait3A_735 = tpu.memref_slice %arg24[%dma_wait3A_733, %dma_wait3A_734] : memref<76x128xi32, #tpu.memory_space<vmem>> -> memref<1x128xi32, #tpu.memory_space<vmem>>
    %dma_wait3A_736 = tpu.memref_squeeze %dma_wait3A_735 : memref<1x128xi32, #tpu.memory_space<vmem>> -> memref<128xi32, #tpu.memory_space<vmem>>
    %dma_wait3A_737 = arith.constant 0 : i32
    %dma_wait3A_738 = tpu.memref_slice %arg26[%dma_wait3A_737] : memref<262144xf32, #tpu.memory_space<vmem_shared>> -> memref<262144xf32, #tpu.memory_space<vmem_shared>>
    tpu.wait_indirect_dma semaphore(%arg33 : memref<!tpu.dma_semaphore, #tpu.memory_space<semaphore_mem>>) src(%arg25 : memref<128xf32, #tpu.memory_space<vmem>>) dst(%dma_wait3A_738 : memref<262144xf32, #tpu.memory_space<vmem_shared>>)
    %dma_wait3A_739 = arith.constant 13 : i32
    %dma_wait3A_740 = arith.constant 0 : i32
    %dma_wait3A_741 = tpu.memref_slice %arg24[%dma_wait3A_739, %dma_wait3A_740] : memref<76x128xi32, #tpu.memory_space<vmem>> -> memref<1x128xi32, #tpu.memory_space<vmem>>
    %dma_wait3A_742 = tpu.memref_squeeze %dma_wait3A_741 : memref<1x128xi32, #tpu.memory_space<vmem>> -> memref<128xi32, #tpu.memory_space<vmem>>
    %dma_wait3A_743 = arith.constant 0 : i32
    %dma_wait3A_744 = tpu.memref_slice %arg26[%dma_wait3A_743] : memref<262144xf32, #tpu.memory_space<vmem_shared>> -> memref<262144xf32, #tpu.memory_space<vmem_shared>>
    tpu.wait_indirect_dma semaphore(%arg33 : memref<!tpu.dma_semaphore, #tpu.memory_space<semaphore_mem>>) src(%arg25 : memref<128xf32, #tpu.memory_space<vmem>>) dst(%dma_wait3A_744 : memref<262144xf32, #tpu.memory_space<vmem_shared>>)
    %dma_wait3A_745 = arith.constant 14 : i32
    %dma_wait3A_746 = arith.constant 0 : i32
    %dma_wait3A_747 = tpu.memref_slice %arg24[%dma_wait3A_745, %dma_wait3A_746] : memref<76x128xi32, #tpu.memory_space<vmem>> -> memref<1x128xi32, #tpu.memory_space<vmem>>
    %dma_wait3A_748 = tpu.memref_squeeze %dma_wait3A_747 : memref<1x128xi32, #tpu.memory_space<vmem>> -> memref<128xi32, #tpu.memory_space<vmem>>
    %dma_wait3A_749 = arith.constant 0 : i32
    %dma_wait3A_750 = tpu.memref_slice %arg26[%dma_wait3A_749] : memref<262144xf32, #tpu.memory_space<vmem_shared>> -> memref<262144xf32, #tpu.memory_space<vmem_shared>>
    tpu.wait_indirect_dma semaphore(%arg33 : memref<!tpu.dma_semaphore, #tpu.memory_space<semaphore_mem>>) src(%arg25 : memref<128xf32, #tpu.memory_space<vmem>>) dst(%dma_wait3A_750 : memref<262144xf32, #tpu.memory_space<vmem_shared>>)
    %dma_wait3A_751 = arith.constant 15 : i32
    %dma_wait3A_752 = arith.constant 0 : i32
    %dma_wait3A_753 = tpu.memref_slice %arg24[%dma_wait3A_751, %dma_wait3A_752] : memref<76x128xi32, #tpu.memory_space<vmem>> -> memref<1x128xi32, #tpu.memory_space<vmem>>
    %dma_wait3A_754 = tpu.memref_squeeze %dma_wait3A_753 : memref<1x128xi32, #tpu.memory_space<vmem>> -> memref<128xi32, #tpu.memory_space<vmem>>
    %dma_wait3A_755 = arith.constant 0 : i32
    %dma_wait3A_756 = tpu.memref_slice %arg26[%dma_wait3A_755] : memref<262144xf32, #tpu.memory_space<vmem_shared>> -> memref<262144xf32, #tpu.memory_space<vmem_shared>>
    tpu.wait_indirect_dma semaphore(%arg33 : memref<!tpu.dma_semaphore, #tpu.memory_space<semaphore_mem>>) src(%arg25 : memref<128xf32, #tpu.memory_space<vmem>>) dst(%dma_wait3A_756 : memref<262144xf32, #tpu.memory_space<vmem_shared>>)
    %dma_wait3A_757 = arith.constant 16 : i32
    %dma_wait3A_758 = arith.constant 0 : i32
    %dma_wait3A_759 = tpu.memref_slice %arg24[%dma_wait3A_757, %dma_wait3A_758] : memref<76x128xi32, #tpu.memory_space<vmem>> -> memref<1x128xi32, #tpu.memory_space<vmem>>
    %dma_wait3A_760 = tpu.memref_squeeze %dma_wait3A_759 : memref<1x128xi32, #tpu.memory_space<vmem>> -> memref<128xi32, #tpu.memory_space<vmem>>
    %dma_wait3A_761 = arith.constant 0 : i32
    %dma_wait3A_762 = tpu.memref_slice %arg26[%dma_wait3A_761] : memref<262144xf32, #tpu.memory_space<vmem_shared>> -> memref<262144xf32, #tpu.memory_space<vmem_shared>>
    tpu.wait_indirect_dma semaphore(%arg33 : memref<!tpu.dma_semaphore, #tpu.memory_space<semaphore_mem>>) src(%arg25 : memref<128xf32, #tpu.memory_space<vmem>>) dst(%dma_wait3A_762 : memref<262144xf32, #tpu.memory_space<vmem_shared>>)
    %dma_wait3A_763 = arith.constant 17 : i32
    %dma_wait3A_764 = arith.constant 0 : i32
    %dma_wait3A_765 = tpu.memref_slice %arg24[%dma_wait3A_763, %dma_wait3A_764] : memref<76x128xi32, #tpu.memory_space<vmem>> -> memref<1x128xi32, #tpu.memory_space<vmem>>
    %dma_wait3A_766 = tpu.memref_squeeze %dma_wait3A_765 : memref<1x128xi32, #tpu.memory_space<vmem>> -> memref<128xi32, #tpu.memory_space<vmem>>
    %dma_wait3A_767 = arith.constant 0 : i32
    %dma_wait3A_768 = tpu.memref_slice %arg26[%dma_wait3A_767] : memref<262144xf32, #tpu.memory_space<vmem_shared>> -> memref<262144xf32, #tpu.memory_space<vmem_shared>>
    tpu.wait_indirect_dma semaphore(%arg33 : memref<!tpu.dma_semaphore, #tpu.memory_space<semaphore_mem>>) src(%arg25 : memref<128xf32, #tpu.memory_space<vmem>>) dst(%dma_wait3A_768 : memref<262144xf32, #tpu.memory_space<vmem_shared>>)
    %dma_wait3A_769 = arith.constant 18 : i32
    %dma_wait3A_770 = arith.constant 0 : i32
    %dma_wait3A_771 = tpu.memref_slice %arg24[%dma_wait3A_769, %dma_wait3A_770] : memref<76x128xi32, #tpu.memory_space<vmem>> -> memref<1x128xi32, #tpu.memory_space<vmem>>
    %dma_wait3A_772 = tpu.memref_squeeze %dma_wait3A_771 : memref<1x128xi32, #tpu.memory_space<vmem>> -> memref<128xi32, #tpu.memory_space<vmem>>
    %dma_wait3A_773 = arith.constant 0 : i32
    %dma_wait3A_774 = tpu.memref_slice %arg26[%dma_wait3A_773] : memref<262144xf32, #tpu.memory_space<vmem_shared>> -> memref<262144xf32, #tpu.memory_space<vmem_shared>>
    tpu.wait_indirect_dma semaphore(%arg33 : memref<!tpu.dma_semaphore, #tpu.memory_space<semaphore_mem>>) src(%arg25 : memref<128xf32, #tpu.memory_space<vmem>>) dst(%dma_wait3A_774 : memref<262144xf32, #tpu.memory_space<vmem_shared>>)
    %dma_wait3A_775 = arith.constant 19 : i32
    %dma_wait3A_776 = arith.constant 0 : i32
    %dma_wait3A_777 = tpu.memref_slice %arg24[%dma_wait3A_775, %dma_wait3A_776] : memref<76x128xi32, #tpu.memory_space<vmem>> -> memref<1x128xi32, #tpu.memory_space<vmem>>
    %dma_wait3A_778 = tpu.memref_squeeze %dma_wait3A_777 : memref<1x128xi32, #tpu.memory_space<vmem>> -> memref<128xi32, #tpu.memory_space<vmem>>
    %dma_wait3A_779 = arith.constant 0 : i32
    %dma_wait3A_780 = tpu.memref_slice %arg26[%dma_wait3A_779] : memref<262144xf32, #tpu.memory_space<vmem_shared>> -> memref<262144xf32, #tpu.memory_space<vmem_shared>>
    tpu.wait_indirect_dma semaphore(%arg33 : memref<!tpu.dma_semaphore, #tpu.memory_space<semaphore_mem>>) src(%arg25 : memref<128xf32, #tpu.memory_space<vmem>>) dst(%dma_wait3A_780 : memref<262144xf32, #tpu.memory_space<vmem_shared>>)
    %dma_wait3A_781 = arith.constant 20 : i32
    %dma_wait3A_782 = arith.constant 0 : i32
    %dma_wait3A_783 = tpu.memref_slice %arg24[%dma_wait3A_781, %dma_wait3A_782] : memref<76x128xi32, #tpu.memory_space<vmem>> -> memref<1x128xi32, #tpu.memory_space<vmem>>
    %dma_wait3A_784 = tpu.memref_squeeze %dma_wait3A_783 : memref<1x128xi32, #tpu.memory_space<vmem>> -> memref<128xi32, #tpu.memory_space<vmem>>
    %dma_wait3A_785 = arith.constant 0 : i32
    %dma_wait3A_786 = tpu.memref_slice %arg26[%dma_wait3A_785] : memref<262144xf32, #tpu.memory_space<vmem_shared>> -> memref<262144xf32, #tpu.memory_space<vmem_shared>>
    tpu.wait_indirect_dma semaphore(%arg33 : memref<!tpu.dma_semaphore, #tpu.memory_space<semaphore_mem>>) src(%arg25 : memref<128xf32, #tpu.memory_space<vmem>>) dst(%dma_wait3A_786 : memref<262144xf32, #tpu.memory_space<vmem_shared>>)
    %dma_wait3A_787 = arith.constant 21 : i32
    %dma_wait3A_788 = arith.constant 0 : i32
    %dma_wait3A_789 = tpu.memref_slice %arg24[%dma_wait3A_787, %dma_wait3A_788] : memref<76x128xi32, #tpu.memory_space<vmem>> -> memref<1x128xi32, #tpu.memory_space<vmem>>
    %dma_wait3A_790 = tpu.memref_squeeze %dma_wait3A_789 : memref<1x128xi32, #tpu.memory_space<vmem>> -> memref<128xi32, #tpu.memory_space<vmem>>
    %dma_wait3A_791 = arith.constant 0 : i32
    %dma_wait3A_792 = tpu.memref_slice %arg26[%dma_wait3A_791] : memref<262144xf32, #tpu.memory_space<vmem_shared>> -> memref<262144xf32, #tpu.memory_space<vmem_shared>>
    tpu.wait_indirect_dma semaphore(%arg33 : memref<!tpu.dma_semaphore, #tpu.memory_space<semaphore_mem>>) src(%arg25 : memref<128xf32, #tpu.memory_space<vmem>>) dst(%dma_wait3A_792 : memref<262144xf32, #tpu.memory_space<vmem_shared>>)
    %dma_wait3A_793 = arith.constant 22 : i32
    %dma_wait3A_794 = arith.constant 0 : i32
    %dma_wait3A_795 = tpu.memref_slice %arg24[%dma_wait3A_793, %dma_wait3A_794] : memref<76x128xi32, #tpu.memory_space<vmem>> -> memref<1x128xi32, #tpu.memory_space<vmem>>
    %dma_wait3A_796 = tpu.memref_squeeze %dma_wait3A_795 : memref<1x128xi32, #tpu.memory_space<vmem>> -> memref<128xi32, #tpu.memory_space<vmem>>
    %dma_wait3A_797 = arith.constant 0 : i32
    %dma_wait3A_798 = tpu.memref_slice %arg26[%dma_wait3A_797] : memref<262144xf32, #tpu.memory_space<vmem_shared>> -> memref<262144xf32, #tpu.memory_space<vmem_shared>>
    tpu.wait_indirect_dma semaphore(%arg33 : memref<!tpu.dma_semaphore, #tpu.memory_space<semaphore_mem>>) src(%arg25 : memref<128xf32, #tpu.memory_space<vmem>>) dst(%dma_wait3A_798 : memref<262144xf32, #tpu.memory_space<vmem_shared>>)
    %dma_wait3A_799 = arith.constant 23 : i32
    %dma_wait3A_800 = arith.constant 0 : i32
    %dma_wait3A_801 = tpu.memref_slice %arg24[%dma_wait3A_799, %dma_wait3A_800] : memref<76x128xi32, #tpu.memory_space<vmem>> -> memref<1x128xi32, #tpu.memory_space<vmem>>
    %dma_wait3A_802 = tpu.memref_squeeze %dma_wait3A_801 : memref<1x128xi32, #tpu.memory_space<vmem>> -> memref<128xi32, #tpu.memory_space<vmem>>
    %dma_wait3A_803 = arith.constant 0 : i32
    %dma_wait3A_804 = tpu.memref_slice %arg26[%dma_wait3A_803] : memref<262144xf32, #tpu.memory_space<vmem_shared>> -> memref<262144xf32, #tpu.memory_space<vmem_shared>>
    tpu.wait_indirect_dma semaphore(%arg33 : memref<!tpu.dma_semaphore, #tpu.memory_space<semaphore_mem>>) src(%arg25 : memref<128xf32, #tpu.memory_space<vmem>>) dst(%dma_wait3A_804 : memref<262144xf32, #tpu.memory_space<vmem_shared>>)
    %dma_wait3A_805 = arith.constant 24 : i32
    %dma_wait3A_806 = arith.constant 0 : i32
    %dma_wait3A_807 = tpu.memref_slice %arg24[%dma_wait3A_805, %dma_wait3A_806] : memref<76x128xi32, #tpu.memory_space<vmem>> -> memref<1x128xi32, #tpu.memory_space<vmem>>
    %dma_wait3A_808 = tpu.memref_squeeze %dma_wait3A_807 : memref<1x128xi32, #tpu.memory_space<vmem>> -> memref<128xi32, #tpu.memory_space<vmem>>
    %dma_wait3A_809 = arith.constant 0 : i32
    %dma_wait3A_810 = tpu.memref_slice %arg26[%dma_wait3A_809] : memref<262144xf32, #tpu.memory_space<vmem_shared>> -> memref<262144xf32, #tpu.memory_space<vmem_shared>>
    tpu.wait_indirect_dma semaphore(%arg33 : memref<!tpu.dma_semaphore, #tpu.memory_space<semaphore_mem>>) src(%arg25 : memref<128xf32, #tpu.memory_space<vmem>>) dst(%dma_wait3A_810 : memref<262144xf32, #tpu.memory_space<vmem_shared>>)
    %dma_wait3A_811 = arith.constant 25 : i32
    %dma_wait3A_812 = arith.constant 0 : i32
    %dma_wait3A_813 = tpu.memref_slice %arg24[%dma_wait3A_811, %dma_wait3A_812] : memref<76x128xi32, #tpu.memory_space<vmem>> -> memref<1x128xi32, #tpu.memory_space<vmem>>
    %dma_wait3A_814 = tpu.memref_squeeze %dma_wait3A_813 : memref<1x128xi32, #tpu.memory_space<vmem>> -> memref<128xi32, #tpu.memory_space<vmem>>
    %dma_wait3A_815 = arith.constant 0 : i32
    %dma_wait3A_816 = tpu.memref_slice %arg26[%dma_wait3A_815] : memref<262144xf32, #tpu.memory_space<vmem_shared>> -> memref<262144xf32, #tpu.memory_space<vmem_shared>>
    tpu.wait_indirect_dma semaphore(%arg33 : memref<!tpu.dma_semaphore, #tpu.memory_space<semaphore_mem>>) src(%arg25 : memref<128xf32, #tpu.memory_space<vmem>>) dst(%dma_wait3A_816 : memref<262144xf32, #tpu.memory_space<vmem_shared>>)
    %dma_wait3A_817 = arith.constant 26 : i32
    %dma_wait3A_818 = arith.constant 0 : i32
    %dma_wait3A_819 = tpu.memref_slice %arg24[%dma_wait3A_817, %dma_wait3A_818] : memref<76x128xi32, #tpu.memory_space<vmem>> -> memref<1x128xi32, #tpu.memory_space<vmem>>
    %dma_wait3A_820 = tpu.memref_squeeze %dma_wait3A_819 : memref<1x128xi32, #tpu.memory_space<vmem>> -> memref<128xi32, #tpu.memory_space<vmem>>
    %dma_wait3A_821 = arith.constant 0 : i32
    %dma_wait3A_822 = tpu.memref_slice %arg26[%dma_wait3A_821] : memref<262144xf32, #tpu.memory_space<vmem_shared>> -> memref<262144xf32, #tpu.memory_space<vmem_shared>>
    tpu.wait_indirect_dma semaphore(%arg33 : memref<!tpu.dma_semaphore, #tpu.memory_space<semaphore_mem>>) src(%arg25 : memref<128xf32, #tpu.memory_space<vmem>>) dst(%dma_wait3A_822 : memref<262144xf32, #tpu.memory_space<vmem_shared>>)
    %dma_wait3A_823 = arith.constant 27 : i32
    %dma_wait3A_824 = arith.constant 0 : i32
    %dma_wait3A_825 = tpu.memref_slice %arg24[%dma_wait3A_823, %dma_wait3A_824] : memref<76x128xi32, #tpu.memory_space<vmem>> -> memref<1x128xi32, #tpu.memory_space<vmem>>
    %dma_wait3A_826 = tpu.memref_squeeze %dma_wait3A_825 : memref<1x128xi32, #tpu.memory_space<vmem>> -> memref<128xi32, #tpu.memory_space<vmem>>
    %dma_wait3A_827 = arith.constant 0 : i32
    %dma_wait3A_828 = tpu.memref_slice %arg26[%dma_wait3A_827] : memref<262144xf32, #tpu.memory_space<vmem_shared>> -> memref<262144xf32, #tpu.memory_space<vmem_shared>>
    tpu.wait_indirect_dma semaphore(%arg33 : memref<!tpu.dma_semaphore, #tpu.memory_space<semaphore_mem>>) src(%arg25 : memref<128xf32, #tpu.memory_space<vmem>>) dst(%dma_wait3A_828 : memref<262144xf32, #tpu.memory_space<vmem_shared>>)
    %dma_wait3A_829 = arith.constant 28 : i32
    %dma_wait3A_830 = arith.constant 0 : i32
    %dma_wait3A_831 = tpu.memref_slice %arg24[%dma_wait3A_829, %dma_wait3A_830] : memref<76x128xi32, #tpu.memory_space<vmem>> -> memref<1x128xi32, #tpu.memory_space<vmem>>
    %dma_wait3A_832 = tpu.memref_squeeze %dma_wait3A_831 : memref<1x128xi32, #tpu.memory_space<vmem>> -> memref<128xi32, #tpu.memory_space<vmem>>
    %dma_wait3A_833 = arith.constant 0 : i32
    %dma_wait3A_834 = tpu.memref_slice %arg26[%dma_wait3A_833] : memref<262144xf32, #tpu.memory_space<vmem_shared>> -> memref<262144xf32, #tpu.memory_space<vmem_shared>>
    tpu.wait_indirect_dma semaphore(%arg33 : memref<!tpu.dma_semaphore, #tpu.memory_space<semaphore_mem>>) src(%arg25 : memref<128xf32, #tpu.memory_space<vmem>>) dst(%dma_wait3A_834 : memref<262144xf32, #tpu.memory_space<vmem_shared>>)
    %dma_wait3A_835 = arith.constant 29 : i32
    %dma_wait3A_836 = arith.constant 0 : i32
    %dma_wait3A_837 = tpu.memref_slice %arg24[%dma_wait3A_835, %dma_wait3A_836] : memref<76x128xi32, #tpu.memory_space<vmem>> -> memref<1x128xi32, #tpu.memory_space<vmem>>
    %dma_wait3A_838 = tpu.memref_squeeze %dma_wait3A_837 : memref<1x128xi32, #tpu.memory_space<vmem>> -> memref<128xi32, #tpu.memory_space<vmem>>
    %dma_wait3A_839 = arith.constant 0 : i32
    %dma_wait3A_840 = tpu.memref_slice %arg26[%dma_wait3A_839] : memref<262144xf32, #tpu.memory_space<vmem_shared>> -> memref<262144xf32, #tpu.memory_space<vmem_shared>>
    tpu.wait_indirect_dma semaphore(%arg33 : memref<!tpu.dma_semaphore, #tpu.memory_space<semaphore_mem>>) src(%arg25 : memref<128xf32, #tpu.memory_space<vmem>>) dst(%dma_wait3A_840 : memref<262144xf32, #tpu.memory_space<vmem_shared>>)
    %dma_wait3A_841 = arith.constant 30 : i32
    %dma_wait3A_842 = arith.constant 0 : i32
    %dma_wait3A_843 = tpu.memref_slice %arg24[%dma_wait3A_841, %dma_wait3A_842] : memref<76x128xi32, #tpu.memory_space<vmem>> -> memref<1x128xi32, #tpu.memory_space<vmem>>
    %dma_wait3A_844 = tpu.memref_squeeze %dma_wait3A_843 : memref<1x128xi32, #tpu.memory_space<vmem>> -> memref<128xi32, #tpu.memory_space<vmem>>
    %dma_wait3A_845 = arith.constant 0 : i32
    %dma_wait3A_846 = tpu.memref_slice %arg26[%dma_wait3A_845] : memref<262144xf32, #tpu.memory_space<vmem_shared>> -> memref<262144xf32, #tpu.memory_space<vmem_shared>>
    tpu.wait_indirect_dma semaphore(%arg33 : memref<!tpu.dma_semaphore, #tpu.memory_space<semaphore_mem>>) src(%arg25 : memref<128xf32, #tpu.memory_space<vmem>>) dst(%dma_wait3A_846 : memref<262144xf32, #tpu.memory_space<vmem_shared>>)
    %dma_wait3A_847 = arith.constant 31 : i32
    %dma_wait3A_848 = arith.constant 0 : i32
    %dma_wait3A_849 = tpu.memref_slice %arg24[%dma_wait3A_847, %dma_wait3A_848] : memref<76x128xi32, #tpu.memory_space<vmem>> -> memref<1x128xi32, #tpu.memory_space<vmem>>
    %dma_wait3A_850 = tpu.memref_squeeze %dma_wait3A_849 : memref<1x128xi32, #tpu.memory_space<vmem>> -> memref<128xi32, #tpu.memory_space<vmem>>
    %dma_wait3A_851 = arith.constant 0 : i32
    %dma_wait3A_852 = tpu.memref_slice %arg26[%dma_wait3A_851] : memref<262144xf32, #tpu.memory_space<vmem_shared>> -> memref<262144xf32, #tpu.memory_space<vmem_shared>>
    tpu.wait_indirect_dma semaphore(%arg33 : memref<!tpu.dma_semaphore, #tpu.memory_space<semaphore_mem>>) src(%arg25 : memref<128xf32, #tpu.memory_space<vmem>>) dst(%dma_wait3A_852 : memref<262144xf32, #tpu.memory_space<vmem_shared>>)
    %dma_wait3A_853 = arith.constant 32 : i32
    %dma_wait3A_854 = arith.constant 0 : i32
    %dma_wait3A_855 = tpu.memref_slice %arg24[%dma_wait3A_853, %dma_wait3A_854] : memref<76x128xi32, #tpu.memory_space<vmem>> -> memref<1x128xi32, #tpu.memory_space<vmem>>
    %dma_wait3A_856 = tpu.memref_squeeze %dma_wait3A_855 : memref<1x128xi32, #tpu.memory_space<vmem>> -> memref<128xi32, #tpu.memory_space<vmem>>
    %dma_wait3A_857 = arith.constant 0 : i32
    %dma_wait3A_858 = tpu.memref_slice %arg26[%dma_wait3A_857] : memref<262144xf32, #tpu.memory_space<vmem_shared>> -> memref<262144xf32, #tpu.memory_space<vmem_shared>>
    tpu.wait_indirect_dma semaphore(%arg33 : memref<!tpu.dma_semaphore, #tpu.memory_space<semaphore_mem>>) src(%arg25 : memref<128xf32, #tpu.memory_space<vmem>>) dst(%dma_wait3A_858 : memref<262144xf32, #tpu.memory_space<vmem_shared>>)
    %dma_wait3A_859 = arith.constant 33 : i32
    %dma_wait3A_860 = arith.constant 0 : i32
    %dma_wait3A_861 = tpu.memref_slice %arg24[%dma_wait3A_859, %dma_wait3A_860] : memref<76x128xi32, #tpu.memory_space<vmem>> -> memref<1x128xi32, #tpu.memory_space<vmem>>
    %dma_wait3A_862 = tpu.memref_squeeze %dma_wait3A_861 : memref<1x128xi32, #tpu.memory_space<vmem>> -> memref<128xi32, #tpu.memory_space<vmem>>
    %dma_wait3A_863 = arith.constant 0 : i32
    %dma_wait3A_864 = tpu.memref_slice %arg26[%dma_wait3A_863] : memref<262144xf32, #tpu.memory_space<vmem_shared>> -> memref<262144xf32, #tpu.memory_space<vmem_shared>>
    tpu.wait_indirect_dma semaphore(%arg33 : memref<!tpu.dma_semaphore, #tpu.memory_space<semaphore_mem>>) src(%arg25 : memref<128xf32, #tpu.memory_space<vmem>>) dst(%dma_wait3A_864 : memref<262144xf32, #tpu.memory_space<vmem_shared>>)
    %dma_wait3A_865 = arith.constant 34 : i32
    %dma_wait3A_866 = arith.constant 0 : i32
    %dma_wait3A_867 = tpu.memref_slice %arg24[%dma_wait3A_865, %dma_wait3A_866] : memref<76x128xi32, #tpu.memory_space<vmem>> -> memref<1x128xi32, #tpu.memory_space<vmem>>
    %dma_wait3A_868 = tpu.memref_squeeze %dma_wait3A_867 : memref<1x128xi32, #tpu.memory_space<vmem>> -> memref<128xi32, #tpu.memory_space<vmem>>
    %dma_wait3A_869 = arith.constant 0 : i32
    %dma_wait3A_870 = tpu.memref_slice %arg26[%dma_wait3A_869] : memref<262144xf32, #tpu.memory_space<vmem_shared>> -> memref<262144xf32, #tpu.memory_space<vmem_shared>>
    tpu.wait_indirect_dma semaphore(%arg33 : memref<!tpu.dma_semaphore, #tpu.memory_space<semaphore_mem>>) src(%arg25 : memref<128xf32, #tpu.memory_space<vmem>>) dst(%dma_wait3A_870 : memref<262144xf32, #tpu.memory_space<vmem_shared>>)
    %dma_wait3A_871 = arith.constant 35 : i32
    %dma_wait3A_872 = arith.constant 0 : i32
    %dma_wait3A_873 = tpu.memref_slice %arg24[%dma_wait3A_871, %dma_wait3A_872] : memref<76x128xi32, #tpu.memory_space<vmem>> -> memref<1x128xi32, #tpu.memory_space<vmem>>
    %dma_wait3A_874 = tpu.memref_squeeze %dma_wait3A_873 : memref<1x128xi32, #tpu.memory_space<vmem>> -> memref<128xi32, #tpu.memory_space<vmem>>
    %dma_wait3A_875 = arith.constant 0 : i32
    %dma_wait3A_876 = tpu.memref_slice %arg26[%dma_wait3A_875] : memref<262144xf32, #tpu.memory_space<vmem_shared>> -> memref<262144xf32, #tpu.memory_space<vmem_shared>>
    tpu.wait_indirect_dma semaphore(%arg33 : memref<!tpu.dma_semaphore, #tpu.memory_space<semaphore_mem>>) src(%arg25 : memref<128xf32, #tpu.memory_space<vmem>>) dst(%dma_wait3A_876 : memref<262144xf32, #tpu.memory_space<vmem_shared>>)
    %dma_wait3A_877 = arith.constant 36 : i32
    %dma_wait3A_878 = arith.constant 0 : i32
    %dma_wait3A_879 = tpu.memref_slice %arg24[%dma_wait3A_877, %dma_wait3A_878] : memref<76x128xi32, #tpu.memory_space<vmem>> -> memref<1x128xi32, #tpu.memory_space<vmem>>
    %dma_wait3A_880 = tpu.memref_squeeze %dma_wait3A_879 : memref<1x128xi32, #tpu.memory_space<vmem>> -> memref<128xi32, #tpu.memory_space<vmem>>
    %dma_wait3A_881 = arith.constant 0 : i32
    %dma_wait3A_882 = tpu.memref_slice %arg26[%dma_wait3A_881] : memref<262144xf32, #tpu.memory_space<vmem_shared>> -> memref<262144xf32, #tpu.memory_space<vmem_shared>>
    tpu.wait_indirect_dma semaphore(%arg33 : memref<!tpu.dma_semaphore, #tpu.memory_space<semaphore_mem>>) src(%arg25 : memref<128xf32, #tpu.memory_space<vmem>>) dst(%dma_wait3A_882 : memref<262144xf32, #tpu.memory_space<vmem_shared>>)
    %dma_wait3A_883 = arith.constant 37 : i32
    %dma_wait3A_884 = arith.constant 0 : i32
    %dma_wait3A_885 = tpu.memref_slice %arg24[%dma_wait3A_883, %dma_wait3A_884] : memref<76x128xi32, #tpu.memory_space<vmem>> -> memref<1x128xi32, #tpu.memory_space<vmem>>
    %dma_wait3A_886 = tpu.memref_squeeze %dma_wait3A_885 : memref<1x128xi32, #tpu.memory_space<vmem>> -> memref<128xi32, #tpu.memory_space<vmem>>
    %dma_wait3A_887 = arith.constant 0 : i32
    %dma_wait3A_888 = tpu.memref_slice %arg26[%dma_wait3A_887] : memref<262144xf32, #tpu.memory_space<vmem_shared>> -> memref<262144xf32, #tpu.memory_space<vmem_shared>>
    tpu.wait_indirect_dma semaphore(%arg33 : memref<!tpu.dma_semaphore, #tpu.memory_space<semaphore_mem>>) src(%arg25 : memref<128xf32, #tpu.memory_space<vmem>>) dst(%dma_wait3A_888 : memref<262144xf32, #tpu.memory_space<vmem_shared>>)
    %dma_wait3A_889 = arith.constant 38 : i32
    %dma_wait3A_890 = arith.constant 0 : i32
    %dma_wait3A_891 = tpu.memref_slice %arg24[%dma_wait3A_889, %dma_wait3A_890] : memref<76x128xi32, #tpu.memory_space<vmem>> -> memref<1x128xi32, #tpu.memory_space<vmem>>
    %dma_wait3A_892 = tpu.memref_squeeze %dma_wait3A_891 : memref<1x128xi32, #tpu.memory_space<vmem>> -> memref<128xi32, #tpu.memory_space<vmem>>
    %dma_wait3A_893 = arith.constant 0 : i32
    %dma_wait3A_894 = tpu.memref_slice %arg26[%dma_wait3A_893] : memref<262144xf32, #tpu.memory_space<vmem_shared>> -> memref<262144xf32, #tpu.memory_space<vmem_shared>>
    tpu.wait_indirect_dma semaphore(%arg33 : memref<!tpu.dma_semaphore, #tpu.memory_space<semaphore_mem>>) src(%arg25 : memref<128xf32, #tpu.memory_space<vmem>>) dst(%dma_wait3A_894 : memref<262144xf32, #tpu.memory_space<vmem_shared>>)
    %dma_wait3A_895 = arith.constant 39 : i32
    %dma_wait3A_896 = arith.constant 0 : i32
    %dma_wait3A_897 = tpu.memref_slice %arg24[%dma_wait3A_895, %dma_wait3A_896] : memref<76x128xi32, #tpu.memory_space<vmem>> -> memref<1x128xi32, #tpu.memory_space<vmem>>
    %dma_wait3A_898 = tpu.memref_squeeze %dma_wait3A_897 : memref<1x128xi32, #tpu.memory_space<vmem>> -> memref<128xi32, #tpu.memory_space<vmem>>
    %dma_wait3A_899 = arith.constant 0 : i32
    %dma_wait3A_900 = tpu.memref_slice %arg26[%dma_wait3A_899] : memref<262144xf32, #tpu.memory_space<vmem_shared>> -> memref<262144xf32, #tpu.memory_space<vmem_shared>>
    tpu.wait_indirect_dma semaphore(%arg33 : memref<!tpu.dma_semaphore, #tpu.memory_space<semaphore_mem>>) src(%arg25 : memref<128xf32, #tpu.memory_space<vmem>>) dst(%dma_wait3A_900 : memref<262144xf32, #tpu.memory_space<vmem_shared>>)
    %dma_wait3A_901 = arith.constant 40 : i32
    %dma_wait3A_902 = arith.constant 0 : i32
    %dma_wait3A_903 = tpu.memref_slice %arg24[%dma_wait3A_901, %dma_wait3A_902] : memref<76x128xi32, #tpu.memory_space<vmem>> -> memref<1x128xi32, #tpu.memory_space<vmem>>
    %dma_wait3A_904 = tpu.memref_squeeze %dma_wait3A_903 : memref<1x128xi32, #tpu.memory_space<vmem>> -> memref<128xi32, #tpu.memory_space<vmem>>
    %dma_wait3A_905 = arith.constant 0 : i32
    %dma_wait3A_906 = tpu.memref_slice %arg26[%dma_wait3A_905] : memref<262144xf32, #tpu.memory_space<vmem_shared>> -> memref<262144xf32, #tpu.memory_space<vmem_shared>>
    tpu.wait_indirect_dma semaphore(%arg33 : memref<!tpu.dma_semaphore, #tpu.memory_space<semaphore_mem>>) src(%arg25 : memref<128xf32, #tpu.memory_space<vmem>>) dst(%dma_wait3A_906 : memref<262144xf32, #tpu.memory_space<vmem_shared>>)
    %dma_wait3A_907 = arith.constant 41 : i32
    %dma_wait3A_908 = arith.constant 0 : i32
    %dma_wait3A_909 = tpu.memref_slice %arg24[%dma_wait3A_907, %dma_wait3A_908] : memref<76x128xi32, #tpu.memory_space<vmem>> -> memref<1x128xi32, #tpu.memory_space<vmem>>
    %dma_wait3A_910 = tpu.memref_squeeze %dma_wait3A_909 : memref<1x128xi32, #tpu.memory_space<vmem>> -> memref<128xi32, #tpu.memory_space<vmem>>
    %dma_wait3A_911 = arith.constant 0 : i32
    %dma_wait3A_912 = tpu.memref_slice %arg26[%dma_wait3A_911] : memref<262144xf32, #tpu.memory_space<vmem_shared>> -> memref<262144xf32, #tpu.memory_space<vmem_shared>>
    tpu.wait_indirect_dma semaphore(%arg33 : memref<!tpu.dma_semaphore, #tpu.memory_space<semaphore_mem>>) src(%arg25 : memref<128xf32, #tpu.memory_space<vmem>>) dst(%dma_wait3A_912 : memref<262144xf32, #tpu.memory_space<vmem_shared>>)
    %dma_wait3A_913 = arith.constant 42 : i32
    %dma_wait3A_914 = arith.constant 0 : i32
    %dma_wait3A_915 = tpu.memref_slice %arg24[%dma_wait3A_913, %dma_wait3A_914] : memref<76x128xi32, #tpu.memory_space<vmem>> -> memref<1x128xi32, #tpu.memory_space<vmem>>
    %dma_wait3A_916 = tpu.memref_squeeze %dma_wait3A_915 : memref<1x128xi32, #tpu.memory_space<vmem>> -> memref<128xi32, #tpu.memory_space<vmem>>
    %dma_wait3A_917 = arith.constant 0 : i32
    %dma_wait3A_918 = tpu.memref_slice %arg26[%dma_wait3A_917] : memref<262144xf32, #tpu.memory_space<vmem_shared>> -> memref<262144xf32, #tpu.memory_space<vmem_shared>>
    tpu.wait_indirect_dma semaphore(%arg33 : memref<!tpu.dma_semaphore, #tpu.memory_space<semaphore_mem>>) src(%arg25 : memref<128xf32, #tpu.memory_space<vmem>>) dst(%dma_wait3A_918 : memref<262144xf32, #tpu.memory_space<vmem_shared>>)
    %dma_wait3A_919 = arith.constant 43 : i32
    %dma_wait3A_920 = arith.constant 0 : i32
    %dma_wait3A_921 = tpu.memref_slice %arg24[%dma_wait3A_919, %dma_wait3A_920] : memref<76x128xi32, #tpu.memory_space<vmem>> -> memref<1x128xi32, #tpu.memory_space<vmem>>
    %dma_wait3A_922 = tpu.memref_squeeze %dma_wait3A_921 : memref<1x128xi32, #tpu.memory_space<vmem>> -> memref<128xi32, #tpu.memory_space<vmem>>
    %dma_wait3A_923 = arith.constant 0 : i32
    %dma_wait3A_924 = tpu.memref_slice %arg26[%dma_wait3A_923] : memref<262144xf32, #tpu.memory_space<vmem_shared>> -> memref<262144xf32, #tpu.memory_space<vmem_shared>>
    tpu.wait_indirect_dma semaphore(%arg33 : memref<!tpu.dma_semaphore, #tpu.memory_space<semaphore_mem>>) src(%arg25 : memref<128xf32, #tpu.memory_space<vmem>>) dst(%dma_wait3A_924 : memref<262144xf32, #tpu.memory_space<vmem_shared>>)
    %dma_wait3A_925 = arith.constant 44 : i32
    %dma_wait3A_926 = arith.constant 0 : i32
    %dma_wait3A_927 = tpu.memref_slice %arg24[%dma_wait3A_925, %dma_wait3A_926] : memref<76x128xi32, #tpu.memory_space<vmem>> -> memref<1x128xi32, #tpu.memory_space<vmem>>
    %dma_wait3A_928 = tpu.memref_squeeze %dma_wait3A_927 : memref<1x128xi32, #tpu.memory_space<vmem>> -> memref<128xi32, #tpu.memory_space<vmem>>
    %dma_wait3A_929 = arith.constant 0 : i32
    %dma_wait3A_930 = tpu.memref_slice %arg26[%dma_wait3A_929] : memref<262144xf32, #tpu.memory_space<vmem_shared>> -> memref<262144xf32, #tpu.memory_space<vmem_shared>>
    tpu.wait_indirect_dma semaphore(%arg33 : memref<!tpu.dma_semaphore, #tpu.memory_space<semaphore_mem>>) src(%arg25 : memref<128xf32, #tpu.memory_space<vmem>>) dst(%dma_wait3A_930 : memref<262144xf32, #tpu.memory_space<vmem_shared>>)
    %dma_wait3A_931 = arith.constant 45 : i32
    %dma_wait3A_932 = arith.constant 0 : i32
    %dma_wait3A_933 = tpu.memref_slice %arg24[%dma_wait3A_931, %dma_wait3A_932] : memref<76x128xi32, #tpu.memory_space<vmem>> -> memref<1x128xi32, #tpu.memory_space<vmem>>
    %dma_wait3A_934 = tpu.memref_squeeze %dma_wait3A_933 : memref<1x128xi32, #tpu.memory_space<vmem>> -> memref<128xi32, #tpu.memory_space<vmem>>
    %dma_wait3A_935 = arith.constant 0 : i32
    %dma_wait3A_936 = tpu.memref_slice %arg26[%dma_wait3A_935] : memref<262144xf32, #tpu.memory_space<vmem_shared>> -> memref<262144xf32, #tpu.memory_space<vmem_shared>>
    tpu.wait_indirect_dma semaphore(%arg33 : memref<!tpu.dma_semaphore, #tpu.memory_space<semaphore_mem>>) src(%arg25 : memref<128xf32, #tpu.memory_space<vmem>>) dst(%dma_wait3A_936 : memref<262144xf32, #tpu.memory_space<vmem_shared>>)
    %dma_wait3A_937 = arith.constant 46 : i32
    %dma_wait3A_938 = arith.constant 0 : i32
    %dma_wait3A_939 = tpu.memref_slice %arg24[%dma_wait3A_937, %dma_wait3A_938] : memref<76x128xi32, #tpu.memory_space<vmem>> -> memref<1x128xi32, #tpu.memory_space<vmem>>
    %dma_wait3A_940 = tpu.memref_squeeze %dma_wait3A_939 : memref<1x128xi32, #tpu.memory_space<vmem>> -> memref<128xi32, #tpu.memory_space<vmem>>
    %dma_wait3A_941 = arith.constant 0 : i32
    %dma_wait3A_942 = tpu.memref_slice %arg26[%dma_wait3A_941] : memref<262144xf32, #tpu.memory_space<vmem_shared>> -> memref<262144xf32, #tpu.memory_space<vmem_shared>>
    tpu.wait_indirect_dma semaphore(%arg33 : memref<!tpu.dma_semaphore, #tpu.memory_space<semaphore_mem>>) src(%arg25 : memref<128xf32, #tpu.memory_space<vmem>>) dst(%dma_wait3A_942 : memref<262144xf32, #tpu.memory_space<vmem_shared>>)
    %dma_wait3A_943 = arith.constant 47 : i32
    %dma_wait3A_944 = arith.constant 0 : i32
    %dma_wait3A_945 = tpu.memref_slice %arg24[%dma_wait3A_943, %dma_wait3A_944] : memref<76x128xi32, #tpu.memory_space<vmem>> -> memref<1x128xi32, #tpu.memory_space<vmem>>
    %dma_wait3A_946 = tpu.memref_squeeze %dma_wait3A_945 : memref<1x128xi32, #tpu.memory_space<vmem>> -> memref<128xi32, #tpu.memory_space<vmem>>
    %dma_wait3A_947 = arith.constant 0 : i32
    %dma_wait3A_948 = tpu.memref_slice %arg26[%dma_wait3A_947] : memref<262144xf32, #tpu.memory_space<vmem_shared>> -> memref<262144xf32, #tpu.memory_space<vmem_shared>>
    tpu.wait_indirect_dma semaphore(%arg33 : memref<!tpu.dma_semaphore, #tpu.memory_space<semaphore_mem>>) src(%arg25 : memref<128xf32, #tpu.memory_space<vmem>>) dst(%dma_wait3A_948 : memref<262144xf32, #tpu.memory_space<vmem_shared>>)
    %dma_wait3A_949 = arith.constant 48 : i32
    %dma_wait3A_950 = arith.constant 0 : i32
    %dma_wait3A_951 = tpu.memref_slice %arg24[%dma_wait3A_949, %dma_wait3A_950] : memref<76x128xi32, #tpu.memory_space<vmem>> -> memref<1x128xi32, #tpu.memory_space<vmem>>
    %dma_wait3A_952 = tpu.memref_squeeze %dma_wait3A_951 : memref<1x128xi32, #tpu.memory_space<vmem>> -> memref<128xi32, #tpu.memory_space<vmem>>
    %dma_wait3A_953 = arith.constant 0 : i32
    %dma_wait3A_954 = tpu.memref_slice %arg26[%dma_wait3A_953] : memref<262144xf32, #tpu.memory_space<vmem_shared>> -> memref<262144xf32, #tpu.memory_space<vmem_shared>>
    tpu.wait_indirect_dma semaphore(%arg33 : memref<!tpu.dma_semaphore, #tpu.memory_space<semaphore_mem>>) src(%arg25 : memref<128xf32, #tpu.memory_space<vmem>>) dst(%dma_wait3A_954 : memref<262144xf32, #tpu.memory_space<vmem_shared>>)
    %dma_wait3A_955 = arith.constant 49 : i32
    %dma_wait3A_956 = arith.constant 0 : i32
    %dma_wait3A_957 = tpu.memref_slice %arg24[%dma_wait3A_955, %dma_wait3A_956] : memref<76x128xi32, #tpu.memory_space<vmem>> -> memref<1x128xi32, #tpu.memory_space<vmem>>
    %dma_wait3A_958 = tpu.memref_squeeze %dma_wait3A_957 : memref<1x128xi32, #tpu.memory_space<vmem>> -> memref<128xi32, #tpu.memory_space<vmem>>
    %dma_wait3A_959 = arith.constant 0 : i32
    %dma_wait3A_960 = tpu.memref_slice %arg26[%dma_wait3A_959] : memref<262144xf32, #tpu.memory_space<vmem_shared>> -> memref<262144xf32, #tpu.memory_space<vmem_shared>>
    tpu.wait_indirect_dma semaphore(%arg33 : memref<!tpu.dma_semaphore, #tpu.memory_space<semaphore_mem>>) src(%arg25 : memref<128xf32, #tpu.memory_space<vmem>>) dst(%dma_wait3A_960 : memref<262144xf32, #tpu.memory_space<vmem_shared>>)
    %dma_wait3A_961 = arith.constant 50 : i32
    %dma_wait3A_962 = arith.constant 0 : i32
    %dma_wait3A_963 = tpu.memref_slice %arg24[%dma_wait3A_961, %dma_wait3A_962] : memref<76x128xi32, #tpu.memory_space<vmem>> -> memref<1x128xi32, #tpu.memory_space<vmem>>
    %dma_wait3A_964 = tpu.memref_squeeze %dma_wait3A_963 : memref<1x128xi32, #tpu.memory_space<vmem>> -> memref<128xi32, #tpu.memory_space<vmem>>
    %dma_wait3A_965 = arith.constant 0 : i32
    %dma_wait3A_966 = tpu.memref_slice %arg26[%dma_wait3A_965] : memref<262144xf32, #tpu.memory_space<vmem_shared>> -> memref<262144xf32, #tpu.memory_space<vmem_shared>>
    tpu.wait_indirect_dma semaphore(%arg33 : memref<!tpu.dma_semaphore, #tpu.memory_space<semaphore_mem>>) src(%arg25 : memref<128xf32, #tpu.memory_space<vmem>>) dst(%dma_wait3A_966 : memref<262144xf32, #tpu.memory_space<vmem_shared>>)
    %dma_wait3A_967 = arith.constant 51 : i32
    %dma_wait3A_968 = arith.constant 0 : i32
    %dma_wait3A_969 = tpu.memref_slice %arg24[%dma_wait3A_967, %dma_wait3A_968] : memref<76x128xi32, #tpu.memory_space<vmem>> -> memref<1x128xi32, #tpu.memory_space<vmem>>
    %dma_wait3A_970 = tpu.memref_squeeze %dma_wait3A_969 : memref<1x128xi32, #tpu.memory_space<vmem>> -> memref<128xi32, #tpu.memory_space<vmem>>
    %dma_wait3A_971 = arith.constant 0 : i32
    %dma_wait3A_972 = tpu.memref_slice %arg26[%dma_wait3A_971] : memref<262144xf32, #tpu.memory_space<vmem_shared>> -> memref<262144xf32, #tpu.memory_space<vmem_shared>>
    tpu.wait_indirect_dma semaphore(%arg33 : memref<!tpu.dma_semaphore, #tpu.memory_space<semaphore_mem>>) src(%arg25 : memref<128xf32, #tpu.memory_space<vmem>>) dst(%dma_wait3A_972 : memref<262144xf32, #tpu.memory_space<vmem_shared>>)
    %dma_wait3A_973 = arith.constant 52 : i32
    %dma_wait3A_974 = arith.constant 0 : i32
    %dma_wait3A_975 = tpu.memref_slice %arg24[%dma_wait3A_973, %dma_wait3A_974] : memref<76x128xi32, #tpu.memory_space<vmem>> -> memref<1x128xi32, #tpu.memory_space<vmem>>
    %dma_wait3A_976 = tpu.memref_squeeze %dma_wait3A_975 : memref<1x128xi32, #tpu.memory_space<vmem>> -> memref<128xi32, #tpu.memory_space<vmem>>
    %dma_wait3A_977 = arith.constant 0 : i32
    %dma_wait3A_978 = tpu.memref_slice %arg26[%dma_wait3A_977] : memref<262144xf32, #tpu.memory_space<vmem_shared>> -> memref<262144xf32, #tpu.memory_space<vmem_shared>>
    tpu.wait_indirect_dma semaphore(%arg33 : memref<!tpu.dma_semaphore, #tpu.memory_space<semaphore_mem>>) src(%arg25 : memref<128xf32, #tpu.memory_space<vmem>>) dst(%dma_wait3A_978 : memref<262144xf32, #tpu.memory_space<vmem_shared>>)
    %dma_wait3A_979 = arith.constant 53 : i32
    %dma_wait3A_980 = arith.constant 0 : i32
    %dma_wait3A_981 = tpu.memref_slice %arg24[%dma_wait3A_979, %dma_wait3A_980] : memref<76x128xi32, #tpu.memory_space<vmem>> -> memref<1x128xi32, #tpu.memory_space<vmem>>
    %dma_wait3A_982 = tpu.memref_squeeze %dma_wait3A_981 : memref<1x128xi32, #tpu.memory_space<vmem>> -> memref<128xi32, #tpu.memory_space<vmem>>
    %dma_wait3A_983 = arith.constant 0 : i32
    %dma_wait3A_984 = tpu.memref_slice %arg26[%dma_wait3A_983] : memref<262144xf32, #tpu.memory_space<vmem_shared>> -> memref<262144xf32, #tpu.memory_space<vmem_shared>>
    tpu.wait_indirect_dma semaphore(%arg33 : memref<!tpu.dma_semaphore, #tpu.memory_space<semaphore_mem>>) src(%arg25 : memref<128xf32, #tpu.memory_space<vmem>>) dst(%dma_wait3A_984 : memref<262144xf32, #tpu.memory_space<vmem_shared>>)
    %dma_wait3A_985 = arith.constant 54 : i32
    %dma_wait3A_986 = arith.constant 0 : i32
    %dma_wait3A_987 = tpu.memref_slice %arg24[%dma_wait3A_985, %dma_wait3A_986] : memref<76x128xi32, #tpu.memory_space<vmem>> -> memref<1x128xi32, #tpu.memory_space<vmem>>
    %dma_wait3A_988 = tpu.memref_squeeze %dma_wait3A_987 : memref<1x128xi32, #tpu.memory_space<vmem>> -> memref<128xi32, #tpu.memory_space<vmem>>
    %dma_wait3A_989 = arith.constant 0 : i32
    %dma_wait3A_990 = tpu.memref_slice %arg26[%dma_wait3A_989] : memref<262144xf32, #tpu.memory_space<vmem_shared>> -> memref<262144xf32, #tpu.memory_space<vmem_shared>>
    tpu.wait_indirect_dma semaphore(%arg33 : memref<!tpu.dma_semaphore, #tpu.memory_space<semaphore_mem>>) src(%arg25 : memref<128xf32, #tpu.memory_space<vmem>>) dst(%dma_wait3A_990 : memref<262144xf32, #tpu.memory_space<vmem_shared>>)
    %dma_wait3A_991 = arith.constant 55 : i32
    %dma_wait3A_992 = arith.constant 0 : i32
    %dma_wait3A_993 = tpu.memref_slice %arg24[%dma_wait3A_991, %dma_wait3A_992] : memref<76x128xi32, #tpu.memory_space<vmem>> -> memref<1x128xi32, #tpu.memory_space<vmem>>
    %dma_wait3A_994 = tpu.memref_squeeze %dma_wait3A_993 : memref<1x128xi32, #tpu.memory_space<vmem>> -> memref<128xi32, #tpu.memory_space<vmem>>
    %dma_wait3A_995 = arith.constant 0 : i32
    %dma_wait3A_996 = tpu.memref_slice %arg26[%dma_wait3A_995] : memref<262144xf32, #tpu.memory_space<vmem_shared>> -> memref<262144xf32, #tpu.memory_space<vmem_shared>>
    tpu.wait_indirect_dma semaphore(%arg33 : memref<!tpu.dma_semaphore, #tpu.memory_space<semaphore_mem>>) src(%arg25 : memref<128xf32, #tpu.memory_space<vmem>>) dst(%dma_wait3A_996 : memref<262144xf32, #tpu.memory_space<vmem_shared>>)
    %dma_wait3A_997 = arith.constant 56 : i32
    %dma_wait3A_998 = arith.constant 0 : i32
    %dma_wait3A_999 = tpu.memref_slice %arg24[%dma_wait3A_997, %dma_wait3A_998] : memref<76x128xi32, #tpu.memory_space<vmem>> -> memref<1x128xi32, #tpu.memory_space<vmem>>
    %dma_wait3A_1000 = tpu.memref_squeeze %dma_wait3A_999 : memref<1x128xi32, #tpu.memory_space<vmem>> -> memref<128xi32, #tpu.memory_space<vmem>>
    %dma_wait3A_1001 = arith.constant 0 : i32
    %dma_wait3A_1002 = tpu.memref_slice %arg26[%dma_wait3A_1001] : memref<262144xf32, #tpu.memory_space<vmem_shared>> -> memref<262144xf32, #tpu.memory_space<vmem_shared>>
    tpu.wait_indirect_dma semaphore(%arg33 : memref<!tpu.dma_semaphore, #tpu.memory_space<semaphore_mem>>) src(%arg25 : memref<128xf32, #tpu.memory_space<vmem>>) dst(%dma_wait3A_1002 : memref<262144xf32, #tpu.memory_space<vmem_shared>>)
    %dma_wait3A_1003 = arith.constant 57 : i32
    %dma_wait3A_1004 = arith.constant 0 : i32
    %dma_wait3A_1005 = tpu.memref_slice %arg24[%dma_wait3A_1003, %dma_wait3A_1004] : memref<76x128xi32, #tpu.memory_space<vmem>> -> memref<1x128xi32, #tpu.memory_space<vmem>>
    %dma_wait3A_1006 = tpu.memref_squeeze %dma_wait3A_1005 : memref<1x128xi32, #tpu.memory_space<vmem>> -> memref<128xi32, #tpu.memory_space<vmem>>
    %dma_wait3A_1007 = arith.constant 0 : i32
    %dma_wait3A_1008 = tpu.memref_slice %arg26[%dma_wait3A_1007] : memref<262144xf32, #tpu.memory_space<vmem_shared>> -> memref<262144xf32, #tpu.memory_space<vmem_shared>>
    tpu.wait_indirect_dma semaphore(%arg33 : memref<!tpu.dma_semaphore, #tpu.memory_space<semaphore_mem>>) src(%arg25 : memref<128xf32, #tpu.memory_space<vmem>>) dst(%dma_wait3A_1008 : memref<262144xf32, #tpu.memory_space<vmem_shared>>)
    %dma_wait3A_1009 = arith.constant 58 : i32
    %dma_wait3A_1010 = arith.constant 0 : i32
    %dma_wait3A_1011 = tpu.memref_slice %arg24[%dma_wait3A_1009, %dma_wait3A_1010] : memref<76x128xi32, #tpu.memory_space<vmem>> -> memref<1x128xi32, #tpu.memory_space<vmem>>
    %dma_wait3A_1012 = tpu.memref_squeeze %dma_wait3A_1011 : memref<1x128xi32, #tpu.memory_space<vmem>> -> memref<128xi32, #tpu.memory_space<vmem>>
    %dma_wait3A_1013 = arith.constant 0 : i32
    %dma_wait3A_1014 = tpu.memref_slice %arg26[%dma_wait3A_1013] : memref<262144xf32, #tpu.memory_space<vmem_shared>> -> memref<262144xf32, #tpu.memory_space<vmem_shared>>
    tpu.wait_indirect_dma semaphore(%arg33 : memref<!tpu.dma_semaphore, #tpu.memory_space<semaphore_mem>>) src(%arg25 : memref<128xf32, #tpu.memory_space<vmem>>) dst(%dma_wait3A_1014 : memref<262144xf32, #tpu.memory_space<vmem_shared>>)
    %dma_wait3A_1015 = arith.constant 59 : i32
    %dma_wait3A_1016 = arith.constant 0 : i32
    %dma_wait3A_1017 = tpu.memref_slice %arg24[%dma_wait3A_1015, %dma_wait3A_1016] : memref<76x128xi32, #tpu.memory_space<vmem>> -> memref<1x128xi32, #tpu.memory_space<vmem>>
    %dma_wait3A_1018 = tpu.memref_squeeze %dma_wait3A_1017 : memref<1x128xi32, #tpu.memory_space<vmem>> -> memref<128xi32, #tpu.memory_space<vmem>>
    %dma_wait3A_1019 = arith.constant 0 : i32
    %dma_wait3A_1020 = tpu.memref_slice %arg26[%dma_wait3A_1019] : memref<262144xf32, #tpu.memory_space<vmem_shared>> -> memref<262144xf32, #tpu.memory_space<vmem_shared>>
    tpu.wait_indirect_dma semaphore(%arg33 : memref<!tpu.dma_semaphore, #tpu.memory_space<semaphore_mem>>) src(%arg25 : memref<128xf32, #tpu.memory_space<vmem>>) dst(%dma_wait3A_1020 : memref<262144xf32, #tpu.memory_space<vmem_shared>>)
    %dma_wait3A_1021 = arith.constant 60 : i32
    %dma_wait3A_1022 = arith.constant 0 : i32
    %dma_wait3A_1023 = tpu.memref_slice %arg24[%dma_wait3A_1021, %dma_wait3A_1022] : memref<76x128xi32, #tpu.memory_space<vmem>> -> memref<1x128xi32, #tpu.memory_space<vmem>>
    %dma_wait3A_1024 = tpu.memref_squeeze %dma_wait3A_1023 : memref<1x128xi32, #tpu.memory_space<vmem>> -> memref<128xi32, #tpu.memory_space<vmem>>
    %dma_wait3A_1025 = arith.constant 0 : i32
    %dma_wait3A_1026 = tpu.memref_slice %arg26[%dma_wait3A_1025] : memref<262144xf32, #tpu.memory_space<vmem_shared>> -> memref<262144xf32, #tpu.memory_space<vmem_shared>>
    tpu.wait_indirect_dma semaphore(%arg33 : memref<!tpu.dma_semaphore, #tpu.memory_space<semaphore_mem>>) src(%arg25 : memref<128xf32, #tpu.memory_space<vmem>>) dst(%dma_wait3A_1026 : memref<262144xf32, #tpu.memory_space<vmem_shared>>)
    %dma_wait3A_1027 = arith.constant 61 : i32
    %dma_wait3A_1028 = arith.constant 0 : i32
    %dma_wait3A_1029 = tpu.memref_slice %arg24[%dma_wait3A_1027, %dma_wait3A_1028] : memref<76x128xi32, #tpu.memory_space<vmem>> -> memref<1x128xi32, #tpu.memory_space<vmem>>
    %dma_wait3A_1030 = tpu.memref_squeeze %dma_wait3A_1029 : memref<1x128xi32, #tpu.memory_space<vmem>> -> memref<128xi32, #tpu.memory_space<vmem>>
    %dma_wait3A_1031 = arith.constant 0 : i32
    %dma_wait3A_1032 = tpu.memref_slice %arg26[%dma_wait3A_1031] : memref<262144xf32, #tpu.memory_space<vmem_shared>> -> memref<262144xf32, #tpu.memory_space<vmem_shared>>
    tpu.wait_indirect_dma semaphore(%arg33 : memref<!tpu.dma_semaphore, #tpu.memory_space<semaphore_mem>>) src(%arg25 : memref<128xf32, #tpu.memory_space<vmem>>) dst(%dma_wait3A_1032 : memref<262144xf32, #tpu.memory_space<vmem_shared>>)
    %dma_wait3A_1033 = arith.constant 62 : i32
    %dma_wait3A_1034 = arith.constant 0 : i32
    %dma_wait3A_1035 = tpu.memref_slice %arg24[%dma_wait3A_1033, %dma_wait3A_1034] : memref<76x128xi32, #tpu.memory_space<vmem>> -> memref<1x128xi32, #tpu.memory_space<vmem>>
    %dma_wait3A_1036 = tpu.memref_squeeze %dma_wait3A_1035 : memref<1x128xi32, #tpu.memory_space<vmem>> -> memref<128xi32, #tpu.memory_space<vmem>>
    %dma_wait3A_1037 = arith.constant 0 : i32
    %dma_wait3A_1038 = tpu.memref_slice %arg26[%dma_wait3A_1037] : memref<262144xf32, #tpu.memory_space<vmem_shared>> -> memref<262144xf32, #tpu.memory_space<vmem_shared>>
    tpu.wait_indirect_dma semaphore(%arg33 : memref<!tpu.dma_semaphore, #tpu.memory_space<semaphore_mem>>) src(%arg25 : memref<128xf32, #tpu.memory_space<vmem>>) dst(%dma_wait3A_1038 : memref<262144xf32, #tpu.memory_space<vmem_shared>>)
    %dma_wait3A_1039 = arith.constant 63 : i32
    %dma_wait3A_1040 = arith.constant 0 : i32
    %dma_wait3A_1041 = tpu.memref_slice %arg24[%dma_wait3A_1039, %dma_wait3A_1040] : memref<76x128xi32, #tpu.memory_space<vmem>> -> memref<1x128xi32, #tpu.memory_space<vmem>>
    %dma_wait3A_1042 = tpu.memref_squeeze %dma_wait3A_1041 : memref<1x128xi32, #tpu.memory_space<vmem>> -> memref<128xi32, #tpu.memory_space<vmem>>
    %dma_wait3A_1043 = arith.constant 0 : i32
    %dma_wait3A_1044 = tpu.memref_slice %arg26[%dma_wait3A_1043] : memref<262144xf32, #tpu.memory_space<vmem_shared>> -> memref<262144xf32, #tpu.memory_space<vmem_shared>>
    tpu.wait_indirect_dma semaphore(%arg33 : memref<!tpu.dma_semaphore, #tpu.memory_space<semaphore_mem>>) src(%arg25 : memref<128xf32, #tpu.memory_space<vmem>>) dst(%dma_wait3A_1044 : memref<262144xf32, #tpu.memory_space<vmem_shared>>)
    %dma_wait3A_1045 = arith.constant 64 : i32
    %dma_wait3A_1046 = arith.constant 0 : i32
    %dma_wait3A_1047 = tpu.memref_slice %arg24[%dma_wait3A_1045, %dma_wait3A_1046] : memref<76x128xi32, #tpu.memory_space<vmem>> -> memref<1x128xi32, #tpu.memory_space<vmem>>
    %dma_wait3A_1048 = tpu.memref_squeeze %dma_wait3A_1047 : memref<1x128xi32, #tpu.memory_space<vmem>> -> memref<128xi32, #tpu.memory_space<vmem>>
    %dma_wait3A_1049 = arith.constant 0 : i32
    %dma_wait3A_1050 = tpu.memref_slice %arg26[%dma_wait3A_1049] : memref<262144xf32, #tpu.memory_space<vmem_shared>> -> memref<262144xf32, #tpu.memory_space<vmem_shared>>
    tpu.wait_indirect_dma semaphore(%arg33 : memref<!tpu.dma_semaphore, #tpu.memory_space<semaphore_mem>>) src(%arg25 : memref<128xf32, #tpu.memory_space<vmem>>) dst(%dma_wait3A_1050 : memref<262144xf32, #tpu.memory_space<vmem_shared>>)
    %dma_wait3A_1051 = arith.constant 65 : i32
    %dma_wait3A_1052 = arith.constant 0 : i32
    %dma_wait3A_1053 = tpu.memref_slice %arg24[%dma_wait3A_1051, %dma_wait3A_1052] : memref<76x128xi32, #tpu.memory_space<vmem>> -> memref<1x128xi32, #tpu.memory_space<vmem>>
    %dma_wait3A_1054 = tpu.memref_squeeze %dma_wait3A_1053 : memref<1x128xi32, #tpu.memory_space<vmem>> -> memref<128xi32, #tpu.memory_space<vmem>>
    %dma_wait3A_1055 = arith.constant 0 : i32
    %dma_wait3A_1056 = tpu.memref_slice %arg26[%dma_wait3A_1055] : memref<262144xf32, #tpu.memory_space<vmem_shared>> -> memref<262144xf32, #tpu.memory_space<vmem_shared>>
    tpu.wait_indirect_dma semaphore(%arg33 : memref<!tpu.dma_semaphore, #tpu.memory_space<semaphore_mem>>) src(%arg25 : memref<128xf32, #tpu.memory_space<vmem>>) dst(%dma_wait3A_1056 : memref<262144xf32, #tpu.memory_space<vmem_shared>>)
    %dma_wait3A_1057 = arith.constant 66 : i32
    %dma_wait3A_1058 = arith.constant 0 : i32
    %dma_wait3A_1059 = tpu.memref_slice %arg24[%dma_wait3A_1057, %dma_wait3A_1058] : memref<76x128xi32, #tpu.memory_space<vmem>> -> memref<1x128xi32, #tpu.memory_space<vmem>>
    %dma_wait3A_1060 = tpu.memref_squeeze %dma_wait3A_1059 : memref<1x128xi32, #tpu.memory_space<vmem>> -> memref<128xi32, #tpu.memory_space<vmem>>
    %dma_wait3A_1061 = arith.constant 0 : i32
    %dma_wait3A_1062 = tpu.memref_slice %arg26[%dma_wait3A_1061] : memref<262144xf32, #tpu.memory_space<vmem_shared>> -> memref<262144xf32, #tpu.memory_space<vmem_shared>>
    tpu.wait_indirect_dma semaphore(%arg33 : memref<!tpu.dma_semaphore, #tpu.memory_space<semaphore_mem>>) src(%arg25 : memref<128xf32, #tpu.memory_space<vmem>>) dst(%dma_wait3A_1062 : memref<262144xf32, #tpu.memory_space<vmem_shared>>)
    %dma_wait3A_1063 = arith.constant 67 : i32
    %dma_wait3A_1064 = arith.constant 0 : i32
    %dma_wait3A_1065 = tpu.memref_slice %arg24[%dma_wait3A_1063, %dma_wait3A_1064] : memref<76x128xi32, #tpu.memory_space<vmem>> -> memref<1x128xi32, #tpu.memory_space<vmem>>
    %dma_wait3A_1066 = tpu.memref_squeeze %dma_wait3A_1065 : memref<1x128xi32, #tpu.memory_space<vmem>> -> memref<128xi32, #tpu.memory_space<vmem>>
    %dma_wait3A_1067 = arith.constant 0 : i32
    %dma_wait3A_1068 = tpu.memref_slice %arg26[%dma_wait3A_1067] : memref<262144xf32, #tpu.memory_space<vmem_shared>> -> memref<262144xf32, #tpu.memory_space<vmem_shared>>
    tpu.wait_indirect_dma semaphore(%arg33 : memref<!tpu.dma_semaphore, #tpu.memory_space<semaphore_mem>>) src(%arg25 : memref<128xf32, #tpu.memory_space<vmem>>) dst(%dma_wait3A_1068 : memref<262144xf32, #tpu.memory_space<vmem_shared>>)
    %dma_wait3A_1069 = arith.constant 68 : i32
    %dma_wait3A_1070 = arith.constant 0 : i32
    %dma_wait3A_1071 = tpu.memref_slice %arg24[%dma_wait3A_1069, %dma_wait3A_1070] : memref<76x128xi32, #tpu.memory_space<vmem>> -> memref<1x128xi32, #tpu.memory_space<vmem>>
    %dma_wait3A_1072 = tpu.memref_squeeze %dma_wait3A_1071 : memref<1x128xi32, #tpu.memory_space<vmem>> -> memref<128xi32, #tpu.memory_space<vmem>>
    %dma_wait3A_1073 = arith.constant 0 : i32
    %dma_wait3A_1074 = tpu.memref_slice %arg26[%dma_wait3A_1073] : memref<262144xf32, #tpu.memory_space<vmem_shared>> -> memref<262144xf32, #tpu.memory_space<vmem_shared>>
    tpu.wait_indirect_dma semaphore(%arg33 : memref<!tpu.dma_semaphore, #tpu.memory_space<semaphore_mem>>) src(%arg25 : memref<128xf32, #tpu.memory_space<vmem>>) dst(%dma_wait3A_1074 : memref<262144xf32, #tpu.memory_space<vmem_shared>>)
    %dma_wait3A_1075 = arith.constant 69 : i32
    %dma_wait3A_1076 = arith.constant 0 : i32
    %dma_wait3A_1077 = tpu.memref_slice %arg24[%dma_wait3A_1075, %dma_wait3A_1076] : memref<76x128xi32, #tpu.memory_space<vmem>> -> memref<1x128xi32, #tpu.memory_space<vmem>>
    %dma_wait3A_1078 = tpu.memref_squeeze %dma_wait3A_1077 : memref<1x128xi32, #tpu.memory_space<vmem>> -> memref<128xi32, #tpu.memory_space<vmem>>
    %dma_wait3A_1079 = arith.constant 0 : i32
    %dma_wait3A_1080 = tpu.memref_slice %arg26[%dma_wait3A_1079] : memref<262144xf32, #tpu.memory_space<vmem_shared>> -> memref<262144xf32, #tpu.memory_space<vmem_shared>>
    tpu.wait_indirect_dma semaphore(%arg33 : memref<!tpu.dma_semaphore, #tpu.memory_space<semaphore_mem>>) src(%arg25 : memref<128xf32, #tpu.memory_space<vmem>>) dst(%dma_wait3A_1080 : memref<262144xf32, #tpu.memory_space<vmem_shared>>)
    %dma_wait3A_1081 = arith.constant 70 : i32
    %dma_wait3A_1082 = arith.constant 0 : i32
    %dma_wait3A_1083 = tpu.memref_slice %arg24[%dma_wait3A_1081, %dma_wait3A_1082] : memref<76x128xi32, #tpu.memory_space<vmem>> -> memref<1x128xi32, #tpu.memory_space<vmem>>
    %dma_wait3A_1084 = tpu.memref_squeeze %dma_wait3A_1083 : memref<1x128xi32, #tpu.memory_space<vmem>> -> memref<128xi32, #tpu.memory_space<vmem>>
    %dma_wait3A_1085 = arith.constant 0 : i32
    %dma_wait3A_1086 = tpu.memref_slice %arg26[%dma_wait3A_1085] : memref<262144xf32, #tpu.memory_space<vmem_shared>> -> memref<262144xf32, #tpu.memory_space<vmem_shared>>
    tpu.wait_indirect_dma semaphore(%arg33 : memref<!tpu.dma_semaphore, #tpu.memory_space<semaphore_mem>>) src(%arg25 : memref<128xf32, #tpu.memory_space<vmem>>) dst(%dma_wait3A_1086 : memref<262144xf32, #tpu.memory_space<vmem_shared>>)
    %dma_wait3A_1087 = arith.constant 71 : i32
    %dma_wait3A_1088 = arith.constant 0 : i32
    %dma_wait3A_1089 = tpu.memref_slice %arg24[%dma_wait3A_1087, %dma_wait3A_1088] : memref<76x128xi32, #tpu.memory_space<vmem>> -> memref<1x128xi32, #tpu.memory_space<vmem>>
    %dma_wait3A_1090 = tpu.memref_squeeze %dma_wait3A_1089 : memref<1x128xi32, #tpu.memory_space<vmem>> -> memref<128xi32, #tpu.memory_space<vmem>>
    %dma_wait3A_1091 = arith.constant 0 : i32
    %dma_wait3A_1092 = tpu.memref_slice %arg26[%dma_wait3A_1091] : memref<262144xf32, #tpu.memory_space<vmem_shared>> -> memref<262144xf32, #tpu.memory_space<vmem_shared>>
    tpu.wait_indirect_dma semaphore(%arg33 : memref<!tpu.dma_semaphore, #tpu.memory_space<semaphore_mem>>) src(%arg25 : memref<128xf32, #tpu.memory_space<vmem>>) dst(%dma_wait3A_1092 : memref<262144xf32, #tpu.memory_space<vmem_shared>>)
    %dma_wait3A_1093 = arith.constant 72 : i32
    %dma_wait3A_1094 = arith.constant 0 : i32
    %dma_wait3A_1095 = tpu.memref_slice %arg24[%dma_wait3A_1093, %dma_wait3A_1094] : memref<76x128xi32, #tpu.memory_space<vmem>> -> memref<1x128xi32, #tpu.memory_space<vmem>>
    %dma_wait3A_1096 = tpu.memref_squeeze %dma_wait3A_1095 : memref<1x128xi32, #tpu.memory_space<vmem>> -> memref<128xi32, #tpu.memory_space<vmem>>
    %dma_wait3A_1097 = arith.constant 0 : i32
    %dma_wait3A_1098 = tpu.memref_slice %arg26[%dma_wait3A_1097] : memref<262144xf32, #tpu.memory_space<vmem_shared>> -> memref<262144xf32, #tpu.memory_space<vmem_shared>>
    tpu.wait_indirect_dma semaphore(%arg33 : memref<!tpu.dma_semaphore, #tpu.memory_space<semaphore_mem>>) src(%arg25 : memref<128xf32, #tpu.memory_space<vmem>>) dst(%dma_wait3A_1098 : memref<262144xf32, #tpu.memory_space<vmem_shared>>)
    %dma_wait3A_1099 = arith.constant 73 : i32
    %dma_wait3A_1100 = arith.constant 0 : i32
    %dma_wait3A_1101 = tpu.memref_slice %arg24[%dma_wait3A_1099, %dma_wait3A_1100] : memref<76x128xi32, #tpu.memory_space<vmem>> -> memref<1x128xi32, #tpu.memory_space<vmem>>
    %dma_wait3A_1102 = tpu.memref_squeeze %dma_wait3A_1101 : memref<1x128xi32, #tpu.memory_space<vmem>> -> memref<128xi32, #tpu.memory_space<vmem>>
    %dma_wait3A_1103 = arith.constant 0 : i32
    %dma_wait3A_1104 = tpu.memref_slice %arg26[%dma_wait3A_1103] : memref<262144xf32, #tpu.memory_space<vmem_shared>> -> memref<262144xf32, #tpu.memory_space<vmem_shared>>
    tpu.wait_indirect_dma semaphore(%arg33 : memref<!tpu.dma_semaphore, #tpu.memory_space<semaphore_mem>>) src(%arg25 : memref<128xf32, #tpu.memory_space<vmem>>) dst(%dma_wait3A_1104 : memref<262144xf32, #tpu.memory_space<vmem_shared>>)
    %dma_wait3A_1105 = arith.constant 74 : i32
    %dma_wait3A_1106 = arith.constant 0 : i32
    %dma_wait3A_1107 = tpu.memref_slice %arg24[%dma_wait3A_1105, %dma_wait3A_1106] : memref<76x128xi32, #tpu.memory_space<vmem>> -> memref<1x128xi32, #tpu.memory_space<vmem>>
    %dma_wait3A_1108 = tpu.memref_squeeze %dma_wait3A_1107 : memref<1x128xi32, #tpu.memory_space<vmem>> -> memref<128xi32, #tpu.memory_space<vmem>>
    %dma_wait3A_1109 = arith.constant 0 : i32
    %dma_wait3A_1110 = tpu.memref_slice %arg26[%dma_wait3A_1109] : memref<262144xf32, #tpu.memory_space<vmem_shared>> -> memref<262144xf32, #tpu.memory_space<vmem_shared>>
    tpu.wait_indirect_dma semaphore(%arg33 : memref<!tpu.dma_semaphore, #tpu.memory_space<semaphore_mem>>) src(%arg25 : memref<128xf32, #tpu.memory_space<vmem>>) dst(%dma_wait3A_1110 : memref<262144xf32, #tpu.memory_space<vmem_shared>>)
    %dma_wait3A_1111 = arith.constant 75 : i32
    %dma_wait3A_1112 = arith.constant 0 : i32
    %dma_wait3A_1113 = tpu.memref_slice %arg24[%dma_wait3A_1111, %dma_wait3A_1112] : memref<76x128xi32, #tpu.memory_space<vmem>> -> memref<1x128xi32, #tpu.memory_space<vmem>>
    %dma_wait3A_1114 = tpu.memref_squeeze %dma_wait3A_1113 : memref<1x128xi32, #tpu.memory_space<vmem>> -> memref<128xi32, #tpu.memory_space<vmem>>
    %dma_wait3A_1115 = arith.constant 0 : i32
    %dma_wait3A_1116 = tpu.memref_slice %arg26[%dma_wait3A_1115] : memref<262144xf32, #tpu.memory_space<vmem_shared>> -> memref<262144xf32, #tpu.memory_space<vmem_shared>>
    tpu.wait_indirect_dma semaphore(%arg33 : memref<!tpu.dma_semaphore, #tpu.memory_space<semaphore_mem>>) src(%arg25 : memref<128xf32, #tpu.memory_space<vmem>>) dst(%dma_wait3A_1116 : memref<262144xf32, #tpu.memory_space<vmem_shared>>)
    "tpu.region"() ({
      %run_scoped3A = tpu.sem_alloc : memref<!tpu.dma_semaphore, #tpu.memory_space<semaphore_mem>>
      %dma_start3A_1283 = tpu.memref_slice %arg26[%mul3A_4] : memref<262144xf32, #tpu.memory_space<vmem_shared>> -> memref<16384xf32, #tpu.memory_space<vmem_shared>>
      %dma_start3A_1284 = tpu.memref_slice %arg26[%mul3A_4] : memref<262144xf32, #tpu.memory_space<vmem_shared>> -> memref<16384xf32, #tpu.memory_space<vmem_shared>>
      tpu.enqueue_dma source(%dma_start3A_1284 : memref<16384xf32, #tpu.memory_space<vmem_shared>>) target(%arg22 : memref<16384xf32, #tpu.memory_space<vmem>>) target_semaphore(%run_scoped3A : memref<!tpu.dma_semaphore, #tpu.memory_space<semaphore_mem>>)
      %dma_wait3A_1285 = tpu.memref_slice %arg26[%mul3A_4] : memref<262144xf32, #tpu.memory_space<vmem_shared>> -> memref<16384xf32, #tpu.memory_space<vmem_shared>>
      %dma_wait3A_1286 = tpu.memref_slice %arg26[%mul3A_4] : memref<262144xf32, #tpu.memory_space<vmem_shared>> -> memref<16384xf32, #tpu.memory_space<vmem_shared>>
      tpu.wait_dma2 semaphore(%run_scoped3A : memref<!tpu.dma_semaphore, #tpu.memory_space<semaphore_mem>>) src(%dma_wait3A_1286 : memref<16384xf32, #tpu.memory_space<vmem_shared>>) dst(%arg22 : memref<16384xf32, #tpu.memory_space<vmem>>)
      tpu.yield
    }) : () -> ()
    %dma_wait3A_1117 = arith.constant 0 : i32
    %dma_wait3A_1118 = arith.constant 0 : i32
    %dma_wait3A_1119 = tpu.memref_slice %arg18[%dma_wait3A_1117, %dma_wait3A_1118] : memref<512x32xf32, #tpu.memory_space<vmem>> -> memref<128x32xf32, #tpu.memory_space<vmem>>
    %dma_wait3A_1120 = arith.constant 0 : i32
    %dma_wait3A_1121 = tpu.memref_slice %arg13[%dma_wait3A_1120] : memref<512xi32, #tpu.memory_space<vmem>> -> memref<128xi32, #tpu.memory_space<vmem>>
    %dma_wait3A_1122 = arith.constant 0 : i32
    %dma_wait3A_1123 = arith.constant 0 : i32
    %dma_wait3A_1124 = tpu.memref_slice %arg27[%dma_wait3A_1122, %dma_wait3A_1123] : memref<944x32xf32, #tpu.memory_space<vmem_shared>> -> memref<944x32xf32, #tpu.memory_space<vmem_shared>>
    tpu.wait_indirect_dma semaphore(%arg32 : memref<!tpu.dma_semaphore, #tpu.memory_space<semaphore_mem>>) src(%dma_wait3A_1124 : memref<944x32xf32, #tpu.memory_space<vmem_shared>>) dst(%dma_wait3A_1119 : memref<128x32xf32, #tpu.memory_space<vmem>>)
    %dma_wait3A_1125 = arith.constant 128 : i32
    %dma_wait3A_1126 = arith.constant 0 : i32
    %dma_wait3A_1127 = tpu.memref_slice %arg18[%dma_wait3A_1125, %dma_wait3A_1126] : memref<512x32xf32, #tpu.memory_space<vmem>> -> memref<128x32xf32, #tpu.memory_space<vmem>>
    %dma_wait3A_1128 = arith.constant 128 : i32
    %dma_wait3A_1129 = tpu.memref_slice %arg13[%dma_wait3A_1128] : memref<512xi32, #tpu.memory_space<vmem>> -> memref<128xi32, #tpu.memory_space<vmem>>
    %dma_wait3A_1130 = arith.constant 0 : i32
    %dma_wait3A_1131 = arith.constant 0 : i32
    %dma_wait3A_1132 = tpu.memref_slice %arg27[%dma_wait3A_1130, %dma_wait3A_1131] : memref<944x32xf32, #tpu.memory_space<vmem_shared>> -> memref<944x32xf32, #tpu.memory_space<vmem_shared>>
    tpu.wait_indirect_dma semaphore(%arg32 : memref<!tpu.dma_semaphore, #tpu.memory_space<semaphore_mem>>) src(%dma_wait3A_1132 : memref<944x32xf32, #tpu.memory_space<vmem_shared>>) dst(%dma_wait3A_1127 : memref<128x32xf32, #tpu.memory_space<vmem>>)
    %dma_wait3A_1133 = arith.constant 256 : i32
    %dma_wait3A_1134 = arith.constant 0 : i32
    %dma_wait3A_1135 = tpu.memref_slice %arg18[%dma_wait3A_1133, %dma_wait3A_1134] : memref<512x32xf32, #tpu.memory_space<vmem>> -> memref<128x32xf32, #tpu.memory_space<vmem>>
    %dma_wait3A_1136 = arith.constant 256 : i32
    %dma_wait3A_1137 = tpu.memref_slice %arg13[%dma_wait3A_1136] : memref<512xi32, #tpu.memory_space<vmem>> -> memref<128xi32, #tpu.memory_space<vmem>>
    %dma_wait3A_1138 = arith.constant 0 : i32
    %dma_wait3A_1139 = arith.constant 0 : i32
    %dma_wait3A_1140 = tpu.memref_slice %arg27[%dma_wait3A_1138, %dma_wait3A_1139] : memref<944x32xf32, #tpu.memory_space<vmem_shared>> -> memref<944x32xf32, #tpu.memory_space<vmem_shared>>
    tpu.wait_indirect_dma semaphore(%arg32 : memref<!tpu.dma_semaphore, #tpu.memory_space<semaphore_mem>>) src(%dma_wait3A_1140 : memref<944x32xf32, #tpu.memory_space<vmem_shared>>) dst(%dma_wait3A_1135 : memref<128x32xf32, #tpu.memory_space<vmem>>)
    %dma_wait3A_1141 = arith.constant 384 : i32
    %dma_wait3A_1142 = arith.constant 0 : i32
    %dma_wait3A_1143 = tpu.memref_slice %arg18[%dma_wait3A_1141, %dma_wait3A_1142] : memref<512x32xf32, #tpu.memory_space<vmem>> -> memref<128x32xf32, #tpu.memory_space<vmem>>
    %dma_wait3A_1144 = arith.constant 384 : i32
    %dma_wait3A_1145 = tpu.memref_slice %arg13[%dma_wait3A_1144] : memref<512xi32, #tpu.memory_space<vmem>> -> memref<128xi32, #tpu.memory_space<vmem>>
    %dma_wait3A_1146 = arith.constant 0 : i32
    %dma_wait3A_1147 = arith.constant 0 : i32
    %dma_wait3A_1148 = tpu.memref_slice %arg27[%dma_wait3A_1146, %dma_wait3A_1147] : memref<944x32xf32, #tpu.memory_space<vmem_shared>> -> memref<944x32xf32, #tpu.memory_space<vmem_shared>>
    tpu.wait_indirect_dma semaphore(%arg32 : memref<!tpu.dma_semaphore, #tpu.memory_space<semaphore_mem>>) src(%dma_wait3A_1148 : memref<944x32xf32, #tpu.memory_space<vmem_shared>>) dst(%dma_wait3A_1143 : memref<128x32xf32, #tpu.memory_space<vmem>>)
    %dma_wait3A_1149 = arith.constant 0 : i32
    %dma_wait3A_1150 = arith.constant 0 : i32
    %dma_wait3A_1151 = tpu.memref_slice %arg19[%dma_wait3A_1149, %dma_wait3A_1150] : memref<512x32xf32, #tpu.memory_space<vmem>> -> memref<128x32xf32, #tpu.memory_space<vmem>>
    %dma_wait3A_1152 = arith.constant 0 : i32
    %dma_wait3A_1153 = tpu.memref_slice %arg14[%dma_wait3A_1152] : memref<512xi32, #tpu.memory_space<vmem>> -> memref<128xi32, #tpu.memory_space<vmem>>
    %dma_wait3A_1154 = arith.constant 0 : i32
    %dma_wait3A_1155 = arith.constant 0 : i32
    %dma_wait3A_1156 = tpu.memref_slice %arg28[%dma_wait3A_1154, %dma_wait3A_1155] : memref<128x32xf32, #tpu.memory_space<vmem_shared>> -> memref<128x32xf32, #tpu.memory_space<vmem_shared>>
    tpu.wait_indirect_dma semaphore(%arg32 : memref<!tpu.dma_semaphore, #tpu.memory_space<semaphore_mem>>) src(%dma_wait3A_1156 : memref<128x32xf32, #tpu.memory_space<vmem_shared>>) dst(%dma_wait3A_1151 : memref<128x32xf32, #tpu.memory_space<vmem>>)
    %dma_wait3A_1157 = arith.constant 128 : i32
    %dma_wait3A_1158 = arith.constant 0 : i32
    %dma_wait3A_1159 = tpu.memref_slice %arg19[%dma_wait3A_1157, %dma_wait3A_1158] : memref<512x32xf32, #tpu.memory_space<vmem>> -> memref<128x32xf32, #tpu.memory_space<vmem>>
    %dma_wait3A_1160 = arith.constant 128 : i32
    %dma_wait3A_1161 = tpu.memref_slice %arg14[%dma_wait3A_1160] : memref<512xi32, #tpu.memory_space<vmem>> -> memref<128xi32, #tpu.memory_space<vmem>>
    %dma_wait3A_1162 = arith.constant 0 : i32
    %dma_wait3A_1163 = arith.constant 0 : i32
    %dma_wait3A_1164 = tpu.memref_slice %arg28[%dma_wait3A_1162, %dma_wait3A_1163] : memref<128x32xf32, #tpu.memory_space<vmem_shared>> -> memref<128x32xf32, #tpu.memory_space<vmem_shared>>
    tpu.wait_indirect_dma semaphore(%arg32 : memref<!tpu.dma_semaphore, #tpu.memory_space<semaphore_mem>>) src(%dma_wait3A_1164 : memref<128x32xf32, #tpu.memory_space<vmem_shared>>) dst(%dma_wait3A_1159 : memref<128x32xf32, #tpu.memory_space<vmem>>)
    %dma_wait3A_1165 = arith.constant 256 : i32
    %dma_wait3A_1166 = arith.constant 0 : i32
    %dma_wait3A_1167 = tpu.memref_slice %arg19[%dma_wait3A_1165, %dma_wait3A_1166] : memref<512x32xf32, #tpu.memory_space<vmem>> -> memref<128x32xf32, #tpu.memory_space<vmem>>
    %dma_wait3A_1168 = arith.constant 256 : i32
    %dma_wait3A_1169 = tpu.memref_slice %arg14[%dma_wait3A_1168] : memref<512xi32, #tpu.memory_space<vmem>> -> memref<128xi32, #tpu.memory_space<vmem>>
    %dma_wait3A_1170 = arith.constant 0 : i32
    %dma_wait3A_1171 = arith.constant 0 : i32
    %dma_wait3A_1172 = tpu.memref_slice %arg28[%dma_wait3A_1170, %dma_wait3A_1171] : memref<128x32xf32, #tpu.memory_space<vmem_shared>> -> memref<128x32xf32, #tpu.memory_space<vmem_shared>>
    tpu.wait_indirect_dma semaphore(%arg32 : memref<!tpu.dma_semaphore, #tpu.memory_space<semaphore_mem>>) src(%dma_wait3A_1172 : memref<128x32xf32, #tpu.memory_space<vmem_shared>>) dst(%dma_wait3A_1167 : memref<128x32xf32, #tpu.memory_space<vmem>>)
    %dma_wait3A_1173 = arith.constant 384 : i32
    %dma_wait3A_1174 = arith.constant 0 : i32
    %dma_wait3A_1175 = tpu.memref_slice %arg19[%dma_wait3A_1173, %dma_wait3A_1174] : memref<512x32xf32, #tpu.memory_space<vmem>> -> memref<128x32xf32, #tpu.memory_space<vmem>>
    %dma_wait3A_1176 = arith.constant 384 : i32
    %dma_wait3A_1177 = tpu.memref_slice %arg14[%dma_wait3A_1176] : memref<512xi32, #tpu.memory_space<vmem>> -> memref<128xi32, #tpu.memory_space<vmem>>
    %dma_wait3A_1178 = arith.constant 0 : i32
    %dma_wait3A_1179 = arith.constant 0 : i32
    %dma_wait3A_1180 = tpu.memref_slice %arg28[%dma_wait3A_1178, %dma_wait3A_1179] : memref<128x32xf32, #tpu.memory_space<vmem_shared>> -> memref<128x32xf32, #tpu.memory_space<vmem_shared>>
    tpu.wait_indirect_dma semaphore(%arg32 : memref<!tpu.dma_semaphore, #tpu.memory_space<semaphore_mem>>) src(%dma_wait3A_1180 : memref<128x32xf32, #tpu.memory_space<vmem_shared>>) dst(%dma_wait3A_1175 : memref<128x32xf32, #tpu.memory_space<vmem>>)
    %dma_wait3A_1181 = arith.constant 0 : i32
    %dma_wait3A_1182 = arith.constant 0 : i32
    %dma_wait3A_1183 = tpu.memref_slice %arg20[%dma_wait3A_1181, %dma_wait3A_1182] : memref<512x32xf32, #tpu.memory_space<vmem>> -> memref<128x32xf32, #tpu.memory_space<vmem>>
    %dma_wait3A_1184 = arith.constant 0 : i32
    %dma_wait3A_1185 = tpu.memref_slice %arg15[%dma_wait3A_1184] : memref<512xi32, #tpu.memory_space<vmem>> -> memref<128xi32, #tpu.memory_space<vmem>>
    %dma_wait3A_1186 = arith.constant 0 : i32
    %dma_wait3A_1187 = arith.constant 0 : i32
    %dma_wait3A_1188 = tpu.memref_slice %arg29[%dma_wait3A_1186, %dma_wait3A_1187] : memref<16x32xf32, #tpu.memory_space<vmem_shared>> -> memref<16x32xf32, #tpu.memory_space<vmem_shared>>
    tpu.wait_indirect_dma semaphore(%arg32 : memref<!tpu.dma_semaphore, #tpu.memory_space<semaphore_mem>>) src(%dma_wait3A_1188 : memref<16x32xf32, #tpu.memory_space<vmem_shared>>) dst(%dma_wait3A_1183 : memref<128x32xf32, #tpu.memory_space<vmem>>)
    %dma_wait3A_1189 = arith.constant 128 : i32
    %dma_wait3A_1190 = arith.constant 0 : i32
    %dma_wait3A_1191 = tpu.memref_slice %arg20[%dma_wait3A_1189, %dma_wait3A_1190] : memref<512x32xf32, #tpu.memory_space<vmem>> -> memref<128x32xf32, #tpu.memory_space<vmem>>
    %dma_wait3A_1192 = arith.constant 128 : i32
    %dma_wait3A_1193 = tpu.memref_slice %arg15[%dma_wait3A_1192] : memref<512xi32, #tpu.memory_space<vmem>> -> memref<128xi32, #tpu.memory_space<vmem>>
    %dma_wait3A_1194 = arith.constant 0 : i32
    %dma_wait3A_1195 = arith.constant 0 : i32
    %dma_wait3A_1196 = tpu.memref_slice %arg29[%dma_wait3A_1194, %dma_wait3A_1195] : memref<16x32xf32, #tpu.memory_space<vmem_shared>> -> memref<16x32xf32, #tpu.memory_space<vmem_shared>>
    tpu.wait_indirect_dma semaphore(%arg32 : memref<!tpu.dma_semaphore, #tpu.memory_space<semaphore_mem>>) src(%dma_wait3A_1196 : memref<16x32xf32, #tpu.memory_space<vmem_shared>>) dst(%dma_wait3A_1191 : memref<128x32xf32, #tpu.memory_space<vmem>>)
    %dma_wait3A_1197 = arith.constant 256 : i32
    %dma_wait3A_1198 = arith.constant 0 : i32
    %dma_wait3A_1199 = tpu.memref_slice %arg20[%dma_wait3A_1197, %dma_wait3A_1198] : memref<512x32xf32, #tpu.memory_space<vmem>> -> memref<128x32xf32, #tpu.memory_space<vmem>>
    %dma_wait3A_1200 = arith.constant 256 : i32
    %dma_wait3A_1201 = tpu.memref_slice %arg15[%dma_wait3A_1200] : memref<512xi32, #tpu.memory_space<vmem>> -> memref<128xi32, #tpu.memory_space<vmem>>
    %dma_wait3A_1202 = arith.constant 0 : i32
    %dma_wait3A_1203 = arith.constant 0 : i32
    %dma_wait3A_1204 = tpu.memref_slice %arg29[%dma_wait3A_1202, %dma_wait3A_1203] : memref<16x32xf32, #tpu.memory_space<vmem_shared>> -> memref<16x32xf32, #tpu.memory_space<vmem_shared>>
    tpu.wait_indirect_dma semaphore(%arg32 : memref<!tpu.dma_semaphore, #tpu.memory_space<semaphore_mem>>) src(%dma_wait3A_1204 : memref<16x32xf32, #tpu.memory_space<vmem_shared>>) dst(%dma_wait3A_1199 : memref<128x32xf32, #tpu.memory_space<vmem>>)
    %dma_wait3A_1205 = arith.constant 384 : i32
    %dma_wait3A_1206 = arith.constant 0 : i32
    %dma_wait3A_1207 = tpu.memref_slice %arg20[%dma_wait3A_1205, %dma_wait3A_1206] : memref<512x32xf32, #tpu.memory_space<vmem>> -> memref<128x32xf32, #tpu.memory_space<vmem>>
    %dma_wait3A_1208 = arith.constant 384 : i32
    %dma_wait3A_1209 = tpu.memref_slice %arg15[%dma_wait3A_1208] : memref<512xi32, #tpu.memory_space<vmem>> -> memref<128xi32, #tpu.memory_space<vmem>>
    %dma_wait3A_1210 = arith.constant 0 : i32
    %dma_wait3A_1211 = arith.constant 0 : i32
    %dma_wait3A_1212 = tpu.memref_slice %arg29[%dma_wait3A_1210, %dma_wait3A_1211] : memref<16x32xf32, #tpu.memory_space<vmem_shared>> -> memref<16x32xf32, #tpu.memory_space<vmem_shared>>
    tpu.wait_indirect_dma semaphore(%arg32 : memref<!tpu.dma_semaphore, #tpu.memory_space<semaphore_mem>>) src(%dma_wait3A_1212 : memref<16x32xf32, #tpu.memory_space<vmem_shared>>) dst(%dma_wait3A_1207 : memref<128x32xf32, #tpu.memory_space<vmem>>)
    %dma_wait3A_1213 = arith.constant 0 : i32
    %dma_wait3A_1214 = arith.constant 0 : i32
    %dma_wait3A_1215 = tpu.memref_slice %arg21[%dma_wait3A_1213, %dma_wait3A_1214] : memref<512x32xf32, #tpu.memory_space<vmem>> -> memref<128x32xf32, #tpu.memory_space<vmem>>
    %dma_wait3A_1216 = arith.constant 0 : i32
    %dma_wait3A_1217 = tpu.memref_slice %arg16[%dma_wait3A_1216] : memref<512xi32, #tpu.memory_space<vmem>> -> memref<128xi32, #tpu.memory_space<vmem>>
    %dma_wait3A_1218 = arith.constant 0 : i32
    %dma_wait3A_1219 = arith.constant 0 : i32
    %dma_wait3A_1220 = tpu.memref_slice %arg30[%dma_wait3A_1218, %dma_wait3A_1219] : memref<1683x32xf32, #tpu.memory_space<vmem_shared>> -> memref<1683x32xf32, #tpu.memory_space<vmem_shared>>
    tpu.wait_indirect_dma semaphore(%arg32 : memref<!tpu.dma_semaphore, #tpu.memory_space<semaphore_mem>>) src(%dma_wait3A_1220 : memref<1683x32xf32, #tpu.memory_space<vmem_shared>>) dst(%dma_wait3A_1215 : memref<128x32xf32, #tpu.memory_space<vmem>>)
    %dma_wait3A_1221 = arith.constant 128 : i32
    %dma_wait3A_1222 = arith.constant 0 : i32
    %dma_wait3A_1223 = tpu.memref_slice %arg21[%dma_wait3A_1221, %dma_wait3A_1222] : memref<512x32xf32, #tpu.memory_space<vmem>> -> memref<128x32xf32, #tpu.memory_space<vmem>>
    %dma_wait3A_1224 = arith.constant 128 : i32
    %dma_wait3A_1225 = tpu.memref_slice %arg16[%dma_wait3A_1224] : memref<512xi32, #tpu.memory_space<vmem>> -> memref<128xi32, #tpu.memory_space<vmem>>
    %dma_wait3A_1226 = arith.constant 0 : i32
    %dma_wait3A_1227 = arith.constant 0 : i32
    %dma_wait3A_1228 = tpu.memref_slice %arg30[%dma_wait3A_1226, %dma_wait3A_1227] : memref<1683x32xf32, #tpu.memory_space<vmem_shared>> -> memref<1683x32xf32, #tpu.memory_space<vmem_shared>>
    tpu.wait_indirect_dma semaphore(%arg32 : memref<!tpu.dma_semaphore, #tpu.memory_space<semaphore_mem>>) src(%dma_wait3A_1228 : memref<1683x32xf32, #tpu.memory_space<vmem_shared>>) dst(%dma_wait3A_1223 : memref<128x32xf32, #tpu.memory_space<vmem>>)
    %dma_wait3A_1229 = arith.constant 256 : i32
    %dma_wait3A_1230 = arith.constant 0 : i32
    %dma_wait3A_1231 = tpu.memref_slice %arg21[%dma_wait3A_1229, %dma_wait3A_1230] : memref<512x32xf32, #tpu.memory_space<vmem>> -> memref<128x32xf32, #tpu.memory_space<vmem>>
    %dma_wait3A_1232 = arith.constant 256 : i32
    %dma_wait3A_1233 = tpu.memref_slice %arg16[%dma_wait3A_1232] : memref<512xi32, #tpu.memory_space<vmem>> -> memref<128xi32, #tpu.memory_space<vmem>>
    %dma_wait3A_1234 = arith.constant 0 : i32
    %dma_wait3A_1235 = arith.constant 0 : i32
    %dma_wait3A_1236 = tpu.memref_slice %arg30[%dma_wait3A_1234, %dma_wait3A_1235] : memref<1683x32xf32, #tpu.memory_space<vmem_shared>> -> memref<1683x32xf32, #tpu.memory_space<vmem_shared>>
    tpu.wait_indirect_dma semaphore(%arg32 : memref<!tpu.dma_semaphore, #tpu.memory_space<semaphore_mem>>) src(%dma_wait3A_1236 : memref<1683x32xf32, #tpu.memory_space<vmem_shared>>) dst(%dma_wait3A_1231 : memref<128x32xf32, #tpu.memory_space<vmem>>)
    %dma_wait3A_1237 = arith.constant 384 : i32
    %dma_wait3A_1238 = arith.constant 0 : i32
    %dma_wait3A_1239 = tpu.memref_slice %arg21[%dma_wait3A_1237, %dma_wait3A_1238] : memref<512x32xf32, #tpu.memory_space<vmem>> -> memref<128x32xf32, #tpu.memory_space<vmem>>
    %dma_wait3A_1240 = arith.constant 384 : i32
    %dma_wait3A_1241 = tpu.memref_slice %arg16[%dma_wait3A_1240] : memref<512xi32, #tpu.memory_space<vmem>> -> memref<128xi32, #tpu.memory_space<vmem>>
    %dma_wait3A_1242 = arith.constant 0 : i32
    %dma_wait3A_1243 = arith.constant 0 : i32
    %dma_wait3A_1244 = tpu.memref_slice %arg30[%dma_wait3A_1242, %dma_wait3A_1243] : memref<1683x32xf32, #tpu.memory_space<vmem_shared>> -> memref<1683x32xf32, #tpu.memory_space<vmem_shared>>
    tpu.wait_indirect_dma semaphore(%arg32 : memref<!tpu.dma_semaphore, #tpu.memory_space<semaphore_mem>>) src(%dma_wait3A_1244 : memref<1683x32xf32, #tpu.memory_space<vmem_shared>>) dst(%dma_wait3A_1239 : memref<128x32xf32, #tpu.memory_space<vmem>>)
    %mul3A_1245 = arith.constant 16384 : i32
    %mul3A_1246 = arith.muli %add3A, %mul3A_1245 : i32
    %dma_start3A_1247 = tpu.memref_slice %arg12[%mul3A_1246] : memref<524288xf32, #tpu.memory_space<hbm>> -> memref<16384xf32, #tpu.memory_space<hbm>>
    %dma_start3A_1248 = tpu.memref_slice %arg12[%mul3A_1246] : memref<524288xf32, #tpu.memory_space<hbm>> -> memref<16384xf32, #tpu.memory_space<hbm>>
    tpu.enqueue_dma source(%arg22 : memref<16384xf32, #tpu.memory_space<vmem>>) target(%dma_start3A_1248 : memref<16384xf32, #tpu.memory_space<hbm>>) target_semaphore(%arg34 : memref<!tpu.dma_semaphore, #tpu.memory_space<semaphore_mem>>)
    %dma_start3A_1249 = arith.constant 0 : i32
    %dma_start3A_1250 = tpu.memref_slice %arg11[%mul3A_2, %dma_start3A_1249] : memref<16384x128xf32, #tpu.memory_space<hbm>> -> memref<512x32xf32, #tpu.memory_space<hbm>>
    %dma_start3A_1251 = arith.constant 0 : i32
    %dma_start3A_1252 = tpu.memref_slice %arg11[%mul3A_2, %dma_start3A_1251] : memref<16384x128xf32, #tpu.memory_space<hbm>> -> memref<512x32xf32, #tpu.memory_space<hbm>>
    tpu.enqueue_dma source(%arg18 : memref<512x32xf32, #tpu.memory_space<vmem>>) target(%dma_start3A_1252 : memref<512x32xf32, #tpu.memory_space<hbm>>) target_semaphore(%arg34 : memref<!tpu.dma_semaphore, #tpu.memory_space<semaphore_mem>>)
    %dma_start3A_1253 = arith.constant 32 : i32
    %dma_start3A_1254 = tpu.memref_slice %arg11[%mul3A_2, %dma_start3A_1253] : memref<16384x128xf32, #tpu.memory_space<hbm>> -> memref<512x32xf32, #tpu.memory_space<hbm>>
    %dma_start3A_1255 = arith.constant 32 : i32
    %dma_start3A_1256 = tpu.memref_slice %arg11[%mul3A_2, %dma_start3A_1255] : memref<16384x128xf32, #tpu.memory_space<hbm>> -> memref<512x32xf32, #tpu.memory_space<hbm>>
    tpu.enqueue_dma source(%arg19 : memref<512x32xf32, #tpu.memory_space<vmem>>) target(%dma_start3A_1256 : memref<512x32xf32, #tpu.memory_space<hbm>>) target_semaphore(%arg34 : memref<!tpu.dma_semaphore, #tpu.memory_space<semaphore_mem>>)
    %dma_start3A_1257 = arith.constant 64 : i32
    %dma_start3A_1258 = tpu.memref_slice %arg11[%mul3A_2, %dma_start3A_1257] : memref<16384x128xf32, #tpu.memory_space<hbm>> -> memref<512x32xf32, #tpu.memory_space<hbm>>
    %dma_start3A_1259 = arith.constant 64 : i32
    %dma_start3A_1260 = tpu.memref_slice %arg11[%mul3A_2, %dma_start3A_1259] : memref<16384x128xf32, #tpu.memory_space<hbm>> -> memref<512x32xf32, #tpu.memory_space<hbm>>
    tpu.enqueue_dma source(%arg20 : memref<512x32xf32, #tpu.memory_space<vmem>>) target(%dma_start3A_1260 : memref<512x32xf32, #tpu.memory_space<hbm>>) target_semaphore(%arg34 : memref<!tpu.dma_semaphore, #tpu.memory_space<semaphore_mem>>)
    %dma_start3A_1261 = arith.constant 96 : i32
    %dma_start3A_1262 = tpu.memref_slice %arg11[%mul3A_2, %dma_start3A_1261] : memref<16384x128xf32, #tpu.memory_space<hbm>> -> memref<512x32xf32, #tpu.memory_space<hbm>>
    %dma_start3A_1263 = arith.constant 96 : i32
    %dma_start3A_1264 = tpu.memref_slice %arg11[%mul3A_2, %dma_start3A_1263] : memref<16384x128xf32, #tpu.memory_space<hbm>> -> memref<512x32xf32, #tpu.memory_space<hbm>>
    tpu.enqueue_dma source(%arg21 : memref<512x32xf32, #tpu.memory_space<vmem>>) target(%dma_start3A_1264 : memref<512x32xf32, #tpu.memory_space<hbm>>) target_semaphore(%arg34 : memref<!tpu.dma_semaphore, #tpu.memory_space<semaphore_mem>>)
    %dma_wait3A_1265 = tpu.memref_slice %arg12[%mul3A_1246] : memref<524288xf32, #tpu.memory_space<hbm>> -> memref<16384xf32, #tpu.memory_space<hbm>>
    %dma_wait3A_1266 = tpu.memref_slice %arg12[%mul3A_1246] : memref<524288xf32, #tpu.memory_space<hbm>> -> memref<16384xf32, #tpu.memory_space<hbm>>
    tpu.wait_dma2 semaphore(%arg34 : memref<!tpu.dma_semaphore, #tpu.memory_space<semaphore_mem>>) src(%arg22 : memref<16384xf32, #tpu.memory_space<vmem>>) dst(%dma_wait3A_1266 : memref<16384xf32, #tpu.memory_space<hbm>>)
    %dma_wait3A_1267 = arith.constant 0 : i32
    %dma_wait3A_1268 = tpu.memref_slice %arg11[%mul3A_2, %dma_wait3A_1267] : memref<16384x128xf32, #tpu.memory_space<hbm>> -> memref<512x32xf32, #tpu.memory_space<hbm>>
    %dma_wait3A_1269 = arith.constant 0 : i32
    %dma_wait3A_1270 = tpu.memref_slice %arg11[%mul3A_2, %dma_wait3A_1269] : memref<16384x128xf32, #tpu.memory_space<hbm>> -> memref<512x32xf32, #tpu.memory_space<hbm>>
    tpu.wait_dma2 semaphore(%arg34 : memref<!tpu.dma_semaphore, #tpu.memory_space<semaphore_mem>>) src(%arg18 : memref<512x32xf32, #tpu.memory_space<vmem>>) dst(%dma_wait3A_1270 : memref<512x32xf32, #tpu.memory_space<hbm>>)
    %dma_wait3A_1271 = arith.constant 32 : i32
    %dma_wait3A_1272 = tpu.memref_slice %arg11[%mul3A_2, %dma_wait3A_1271] : memref<16384x128xf32, #tpu.memory_space<hbm>> -> memref<512x32xf32, #tpu.memory_space<hbm>>
    %dma_wait3A_1273 = arith.constant 32 : i32
    %dma_wait3A_1274 = tpu.memref_slice %arg11[%mul3A_2, %dma_wait3A_1273] : memref<16384x128xf32, #tpu.memory_space<hbm>> -> memref<512x32xf32, #tpu.memory_space<hbm>>
    tpu.wait_dma2 semaphore(%arg34 : memref<!tpu.dma_semaphore, #tpu.memory_space<semaphore_mem>>) src(%arg19 : memref<512x32xf32, #tpu.memory_space<vmem>>) dst(%dma_wait3A_1274 : memref<512x32xf32, #tpu.memory_space<hbm>>)
    %dma_wait3A_1275 = arith.constant 64 : i32
    %dma_wait3A_1276 = tpu.memref_slice %arg11[%mul3A_2, %dma_wait3A_1275] : memref<16384x128xf32, #tpu.memory_space<hbm>> -> memref<512x32xf32, #tpu.memory_space<hbm>>
    %dma_wait3A_1277 = arith.constant 64 : i32
    %dma_wait3A_1278 = tpu.memref_slice %arg11[%mul3A_2, %dma_wait3A_1277] : memref<16384x128xf32, #tpu.memory_space<hbm>> -> memref<512x32xf32, #tpu.memory_space<hbm>>
    tpu.wait_dma2 semaphore(%arg34 : memref<!tpu.dma_semaphore, #tpu.memory_space<semaphore_mem>>) src(%arg20 : memref<512x32xf32, #tpu.memory_space<vmem>>) dst(%dma_wait3A_1278 : memref<512x32xf32, #tpu.memory_space<hbm>>)
    %dma_wait3A_1279 = arith.constant 96 : i32
    %dma_wait3A_1280 = tpu.memref_slice %arg11[%mul3A_2, %dma_wait3A_1279] : memref<16384x128xf32, #tpu.memory_space<hbm>> -> memref<512x32xf32, #tpu.memory_space<hbm>>
    %dma_wait3A_1281 = arith.constant 96 : i32
    %dma_wait3A_1282 = tpu.memref_slice %arg11[%mul3A_2, %dma_wait3A_1281] : memref<16384x128xf32, #tpu.memory_space<hbm>> -> memref<512x32xf32, #tpu.memory_space<hbm>>
    tpu.wait_dma2 semaphore(%arg34 : memref<!tpu.dma_semaphore, #tpu.memory_space<semaphore_mem>>) src(%arg21 : memref<512x32xf32, #tpu.memory_space<vmem>>) dst(%dma_wait3A_1282 : memref<512x32xf32, #tpu.memory_space<hbm>>)
    return
  }
}

module attributes {stable_mosaic.version = 14 : i64} {
  func.func @_mlp_body(%arg0: i32, %arg1: memref<4096x128xf32, #tpu.memory_space<vmem>>, %arg2: memref<1024x128xf32, #tpu.memory_space<vmem>>, %arg3: memref<32x32xf32, #tpu.memory_space<vmem>>, %arg4: memref<160x256xf32, #tpu.memory_space<vmem>>, %arg5: memref<1x256xf32, #tpu.memory_space<vmem>>, %arg6: memref<256x64xf32, #tpu.memory_space<vmem>>, %arg7: memref<1x64xf32, #tpu.memory_space<vmem>>, %arg8: memref<64x1xf32, #tpu.memory_space<vmem>>, %arg9: memref<1x1xf32, #tpu.memory_space<vmem>>, %arg10: memref<4096xf32, #tpu.memory_space<vmem>>) attributes {dimension_semantics = [#tpu.dimension_semantics<arbitrary>], iteration_bounds = array<i64: 4>, scalar_prefetch = 0 : i64, scratch_operands = 0 : i64, tpu.core_type = #tpu.core_type<tc>, window_params = [{transform_indices = @transform_0, window_bounds = array<i64: 4096, 128>}, {transform_indices = @transform_1, window_bounds = array<i64: 1024, 128>}, {pipeline_mode = #tpu.pipeline_mode<synchronous>, transform_indices = @transform_2, window_bounds = array<i64: 32, 32>}, {pipeline_mode = #tpu.pipeline_mode<synchronous>, transform_indices = @transform_3, window_bounds = array<i64: 160, 256>}, {pipeline_mode = #tpu.pipeline_mode<synchronous>, transform_indices = @transform_4, window_bounds = array<i64: 1, 256>}, {pipeline_mode = #tpu.pipeline_mode<synchronous>, transform_indices = @transform_5, window_bounds = array<i64: 256, 64>}, {pipeline_mode = #tpu.pipeline_mode<synchronous>, transform_indices = @transform_6, window_bounds = array<i64: 1, 64>}, {pipeline_mode = #tpu.pipeline_mode<synchronous>, transform_indices = @transform_7, window_bounds = array<i64: 64, 1>}, {pipeline_mode = #tpu.pipeline_mode<synchronous>, transform_indices = @transform_8, window_bounds = array<i64: 1, 1>}, {transform_indices = @transform_9, window_bounds = array<i64: 4096>}]} {
    %get3A = arith.constant 0 : index
    %get3A_0 = arith.constant 0 : index
    %get3A_1 = vector.load %arg4[%get3A, %get3A_0] : memref<160x256xf32, #tpu.memory_space<vmem>>, vector<160x256xf32>
    %get3A_2 = arith.constant 0 : index
    %get3A_3 = arith.constant 0 : index
    %get3A_4 = vector.load %arg1[%get3A_2, %get3A_3] : memref<4096x128xf32, #tpu.memory_space<vmem>>, vector<4096x128xf32>
    %slice3A = vector.extract_strided_slice %get3A_1 {offsets = [0, 0], sizes = [128, 256], strides = [1, 1]} : vector<160x256xf32> to vector<128x256xf32>
    %dot_general3A = arith.constant dense<0.000000e+00> : vector<4096x256xf32>
    %dot_general3A_5 = tpu.matmul %get3A_4, %slice3A, %dot_general3A {dimension_numbers = #tpu.dot_dimension_numbers<[1], [0], [0], [1], [0, 0, 1, 1], [], []>, transpose_lhs_hint = false} : vector<4096x128xf32>, vector<128x256xf32>, vector<4096x256xf32> -> vector<4096x256xf32>
    %get3A_6 = arith.constant 0 : index
    %get3A_7 = arith.constant 0 : index
    %get3A_8 = vector.load %arg2[%get3A_6, %get3A_7] : memref<1024x128xf32, #tpu.memory_space<vmem>>, vector<1024x128xf32>
    %slice3A_9 = vector.extract_strided_slice %get3A_8 {offsets = [0, 0], sizes = [1024, 32], strides = [1, 1]} : vector<1024x128xf32> to vector<1024x32xf32>
    %slice3A_10 = vector.extract_strided_slice %get3A_8 {offsets = [0, 32], sizes = [1024, 32], strides = [1, 1]} : vector<1024x128xf32> to vector<1024x32xf32>
    %slice3A_11 = vector.extract_strided_slice %get3A_8 {offsets = [0, 64], sizes = [1024, 32], strides = [1, 1]} : vector<1024x128xf32> to vector<1024x32xf32>
    %slice3A_12 = vector.extract_strided_slice %get3A_8 {offsets = [0, 96], sizes = [1024, 32], strides = [1, 1]} : vector<1024x128xf32> to vector<1024x32xf32>
    %stack3A = vector.shape_cast %slice3A_9 : vector<1024x32xf32> to vector<1024x1x32xf32>
    %stack3A_13 = vector.shape_cast %slice3A_10 : vector<1024x32xf32> to vector<1024x1x32xf32>
    %stack3A_14 = vector.shape_cast %slice3A_11 : vector<1024x32xf32> to vector<1024x1x32xf32>
    %stack3A_15 = vector.shape_cast %slice3A_12 : vector<1024x32xf32> to vector<1024x1x32xf32>
    %stack3A_16 = tpu.concatenate %stack3A, %stack3A_13, %stack3A_14, %stack3A_15 in 1 : vector<1024x1x32xf32>, vector<1024x1x32xf32>, vector<1024x1x32xf32>, vector<1024x1x32xf32> -> vector<1024x4x32xf32>
    %reshape3A = vector.shape_cast %stack3A_16 : vector<1024x4x32xf32> to vector<4096x32xf32>
    %get3A_17 = arith.constant 0 : index
    %get3A_18 = arith.constant 0 : index
    %get3A_19 = vector.load %arg3[%get3A_17, %get3A_18] : memref<32x32xf32, #tpu.memory_space<vmem>>, vector<32x32xf32>
    %mul3A = arith.constant 0.0526315793 : f32
    %mul3A_20 = vector.broadcast %mul3A : f32 to vector<32x32xf32>
    %mul3A_21 = arith.mulf %get3A_19, %mul3A_20 : vector<32x32xf32>
    %slice3A_22 = vector.extract_strided_slice %get3A_1 {offsets = [128, 0], sizes = [32, 256], strides = [1, 1]} : vector<160x256xf32> to vector<32x256xf32>
    %dot_general3A_23 = arith.constant dense<0.000000e+00> : vector<32x256xf32>
    %dot_general3A_24 = tpu.matmul %mul3A_21, %slice3A_22, %dot_general3A_23 {dimension_numbers = #tpu.dot_dimension_numbers<[1], [0], [0], [1], [0, 0, 1, 1], [], []>, transpose_lhs_hint = false} : vector<32x32xf32>, vector<32x256xf32>, vector<32x256xf32> -> vector<32x256xf32>
    %dot_general3A_25 = arith.constant dense<0.000000e+00> : vector<4096x256xf32>
    %dot_general3A_26 = tpu.matmul %reshape3A, %dot_general3A_24, %dot_general3A_25 {dimension_numbers = #tpu.dot_dimension_numbers<[1], [0], [0], [1], [0, 0, 1, 1], [], []>, transpose_lhs_hint = false} : vector<4096x32xf32>, vector<32x256xf32>, vector<4096x256xf32> -> vector<4096x256xf32>
    %add3A = arith.addf %dot_general3A_5, %dot_general3A_26 : vector<4096x256xf32>
    %get3A_27 = arith.constant 0 : index
    %get3A_28 = arith.constant 0 : index
    %get3A_29 = vector.load %arg5[%get3A_27, %get3A_28] : memref<1x256xf32, #tpu.memory_space<vmem>>, vector<1x256xf32>
    %add3A_30 = vector.broadcast %get3A_29 : vector<1x256xf32> to vector<4096x256xf32>
    %add3A_31 = arith.addf %add3A, %add3A_30 : vector<4096x256xf32>
    %max3A = arith.constant 0.000000e+00 : f32
    %max3A_32 = vector.broadcast %max3A : f32 to vector<4096x256xf32>
    %max3A_33 = arith.maximumf %add3A_31, %max3A_32 : vector<4096x256xf32>
    %get3A_34 = arith.constant 0 : index
    %get3A_35 = arith.constant 0 : index
    %get3A_36 = vector.load %arg6[%get3A_34, %get3A_35] : memref<256x64xf32, #tpu.memory_space<vmem>>, vector<256x64xf32>
    %dot_general3A_37 = arith.constant dense<0.000000e+00> : vector<4096x64xf32>
    %dot_general3A_38 = tpu.matmul %max3A_33, %get3A_36, %dot_general3A_37 {dimension_numbers = #tpu.dot_dimension_numbers<[1], [0], [0], [1], [0, 0, 1, 1], [], []>, transpose_lhs_hint = false} : vector<4096x256xf32>, vector<256x64xf32>, vector<4096x64xf32> -> vector<4096x64xf32>
    %get3A_39 = arith.constant 0 : index
    %get3A_40 = arith.constant 0 : index
    %get3A_41 = vector.load %arg7[%get3A_39, %get3A_40] : memref<1x64xf32, #tpu.memory_space<vmem>>, vector<1x64xf32>
    %add3A_42 = vector.broadcast %get3A_41 : vector<1x64xf32> to vector<4096x64xf32>
    %add3A_43 = arith.addf %dot_general3A_38, %add3A_42 : vector<4096x64xf32>
    %max3A_44 = arith.constant 0.000000e+00 : f32
    %max3A_45 = vector.broadcast %max3A_44 : f32 to vector<4096x64xf32>
    %max3A_46 = arith.maximumf %add3A_43, %max3A_45 : vector<4096x64xf32>
    %get3A_47 = arith.constant 0 : index
    %get3A_48 = arith.constant 0 : index
    %get3A_49 = vector.load %arg8[%get3A_47, %get3A_48] : memref<64x1xf32, #tpu.memory_space<vmem>>, vector<64x1xf32>
    %dot_general3A_50 = arith.constant dense<0.000000e+00> : vector<1x4096xf32>
    %dot_general3A_51 = tpu.matmul %get3A_49, %max3A_46, %dot_general3A_50 {dimension_numbers = #tpu.dot_dimension_numbers<[0], [1], [1], [0], [0, 1, 1, 0], [], []>, transpose_lhs_hint = false} : vector<64x1xf32>, vector<4096x64xf32>, vector<1x4096xf32> -> vector<1x4096xf32>
    %squeeze3A = vector.shape_cast %dot_general3A_51 : vector<1x4096xf32> to vector<4096xf32>
    %get3A_52 = arith.constant 0 : index
    %get3A_53 = arith.constant 0 : index
    %get3A_54 = vector.load %arg9[%get3A_52, %get3A_53] : memref<1x1xf32, #tpu.memory_space<vmem>>, vector<1x1xf32>
    %get3A_55 = vector.extract %get3A_54[0, 0] : f32 from vector<1x1xf32>
    %add3A_56 = vector.broadcast %get3A_55 : f32 to vector<4096xf32>
    %add3A_57 = arith.addf %squeeze3A, %add3A_56 : vector<4096xf32>
    %swap3A = arith.constant 0 : index
    %swap3A_58 = vector.load %arg10[%swap3A] : memref<4096xf32, #tpu.memory_space<vmem>>, vector<4096xf32>
    tpu.vector_store %arg10[%swap3A], %add3A_57 {strides = array<i32>} : memref<4096xf32, #tpu.memory_space<vmem>>, vector<4096xf32>,
    return
  }
  func.func @transform_0(%arg0: i32) -> (i32, i32) {
    %c0_i32 = arith.constant 0 : i32
    %c0_i32_0 = arith.constant 0 : i32
    return %arg0, %c0_i32 : i32, i32
  }
  func.func @transform_1(%arg0: i32) -> (i32, i32) {
    %c0_i32 = arith.constant 0 : i32
    %c0_i32_0 = arith.constant 0 : i32
    return %arg0, %c0_i32 : i32, i32
  }
  func.func @transform_2(%arg0: i32) -> (i32, i32) {
    %c0_i32 = arith.constant 0 : i32
    %c0_i32_0 = arith.constant 0 : i32
    %c0_i32_1 = arith.constant 0 : i32
    return %c0_i32, %c0_i32_0 : i32, i32
  }
  func.func @transform_3(%arg0: i32) -> (i32, i32) {
    %c0_i32 = arith.constant 0 : i32
    %c0_i32_0 = arith.constant 0 : i32
    %c0_i32_1 = arith.constant 0 : i32
    return %c0_i32, %c0_i32_0 : i32, i32
  }
  func.func @transform_4(%arg0: i32) -> (i32, i32) {
    %c0_i32 = arith.constant 0 : i32
    %c0_i32_0 = arith.constant 0 : i32
    %c0_i32_1 = arith.constant 0 : i32
    return %c0_i32, %c0_i32_0 : i32, i32
  }
  func.func @transform_5(%arg0: i32) -> (i32, i32) {
    %c0_i32 = arith.constant 0 : i32
    %c0_i32_0 = arith.constant 0 : i32
    %c0_i32_1 = arith.constant 0 : i32
    return %c0_i32, %c0_i32_0 : i32, i32
  }
  func.func @transform_6(%arg0: i32) -> (i32, i32) {
    %c0_i32 = arith.constant 0 : i32
    %c0_i32_0 = arith.constant 0 : i32
    %c0_i32_1 = arith.constant 0 : i32
    return %c0_i32, %c0_i32_0 : i32, i32
  }
  func.func @transform_7(%arg0: i32) -> (i32, i32) {
    %c0_i32 = arith.constant 0 : i32
    %c0_i32_0 = arith.constant 0 : i32
    %c0_i32_1 = arith.constant 0 : i32
    return %c0_i32, %c0_i32_0 : i32, i32
  }
  func.func @transform_8(%arg0: i32) -> (i32, i32) {
    %c0_i32 = arith.constant 0 : i32
    %c0_i32_0 = arith.constant 0 : i32
    %c0_i32_1 = arith.constant 0 : i32
    return %c0_i32, %c0_i32_0 : i32, i32
  }
  func.func @transform_9(%arg0: i32) -> i32 {
    %c0_i32 = arith.constant 0 : i32
    return %arg0 : i32
  }
}

</mosaic_0001>

<sc_bundles>
// kernel: kernel.4.cloned.1.call-start
scs
__scs_entry_jumppad:
0x0: {  	(pc) =	sbr.rel $0x88, $3  }
0x1: {  	(tag) =	ssettag $0x0;
	lr =	simm.s32 $0x1  }
0x2: {  	[smem:$0x3F91] =	sst lr;
	_ =	strace $0xD0000000  }
0x3: {  	_ = 	snop  }
0x4: {  	_ = 	snop  }
0x5: {  	_ = 	snop  }
0x6: {  	_ = 	snop  }
0x7: {  	_ = 	snop  }
__scs_overlays_trampoline_lowered:
0x8: {  	[smem:$0x3FA0] =	sst s0  }
0x9: {  	[smem:$0x3FA1] =	sst s1  }
0xa: {  	[smem:$0x3FA2] =	sst s2  }
0xb: {  	[smem:$0x3FA3] =	sst s3  }
0xc: {  	[smem:$0x3FA4] =	sst s4  }
0xd: {  	[smem:$0x3FA5] =	sst s5  }
0xe: {  	[smem:$0x3FA6] =	sst s6  }
0xf: {  	[smem:$0x3FA7] =	sst s7  }
0x10: {  	[smem:$0x3FA8] =	sst s8  }
0x11: {  	[smem:$0x3FA9] =	sst s9;
	s0 =	simm.s32 @!p0 $0x0  }
0x12: {  	s1 =	sld [smem:$0x3F8F];
	s0 =	simm.s32 @p0 $0x1  }
0x13: {  	[smem:$0x3FAA] =	sst s0;
	s0 =	simm.s32 @!p1 $0x0  }
0x14: {  	s2 =	sld [smem:$0x3F8E];
	s0 =	simm.s32 @p1 $0x1  }
0x15: {  	[smem:$0x3FAB] =	sst s0;
	s0 =	simm.s32 @!p2 $0x0  }
0x16: {  	s3 =	sld [smem:$0x3FDB];
	s0 =	simm.s32 @p2 $0x1  }
0x17: {  	s4 =	simm.s32 $0x1BF5;
	[smem:$0x3FAD] =	sst s0  }
0x18: {  	s0 =	sld [smem:$0x3F90];
	_ =	swait.ge [sflag:s4], $0x0  }
0x19: {  	s7 =	sld [smem:$0x3F91]  }
0x1a: {  	s8 =	sadd.s32 $0xFFFFE003, lr  }
0x1b: {  	s9 =	sadd.s32 $0xFFFFFEF7, lr;
	s5 =	simm.s32 $0xFFFFFFFF;
	p2 =	slt.u32 s8, $0xFFFFF086  }
0x1c: {  	p1 =	slt.u32 s9, $0xF7A;
	s5 =	simm.s32 @!p2 $0x0  }
0x1d: {  	s5 =	simm.s32 @p1 $0x1;
	p0 =	seq.s32 s7, s2  }
0x1e: {  	s7 =	smul.u32 @!p0 $0xF7A, s2;
	p2 =	seq.s32 @!p0 s5, $0x0  }
0x1f: {  	s9 =	smul.u32 $0xF7A, s1;
	s8 =	simm.s32 @!p0 $0x1BF5;
	p2 =	por !p2, p0  }
0x20: {  	[sflag:s8] =	ssyncset.s32 @!p0 $0xFFFFF086;
	s6 =	sadd.s32 @!p0 s3, s7;
	s7 =	simm.s32 @!p0 $0x108  }
0x21: {  	s3 =	sadd.s32 s3, s9;
	s6 =	sadd.s32 @!p0 $0x88, s6;
	s7 =	simm.s32 @p2 $0x1082  }
0x22: {  	[simem:s7], [sflag:s8] =	dma.local @!p0 [hbm:s6], $0xF7A  }
0x23: {  	s9 =	sor.u32 $0xD0000000, s2;
	s6 =	simm.s32 $0x108;
	_ =	swait.ge @!p0 [sflag:s8], $0x0  }
0x24: {  	s3 =	sadd.s32 $0x88, s3;
	s6 =	simm.s32 @!p1 $0x1082;
	[sflag:s4] =	ssyncset.s32 $0xFFFFF086  }
0x25: {  	[simem:s6], [sflag:s4] =	dma.local [hbm:s3], $0xF7A  }
0x26: {  	[smem:$0x3F91] =	sst s1;
	(tag) =	ssettag s2;
	_ =	strace s9  }
0x27: {  	s1 =	sld [smem:$0x3FA1]  }
0x28: {  	s2 =	sld [smem:$0x3FA2]  }
0x29: {  	s4 =	sld [smem:$0x3FA4]  }
0x2a: {  	p0 =	seq.s32 s5, $0x0;
	s5 =	sld [smem:$0x3FA5]  }
0x2b: {  	s6 =	sld [smem:$0x3FA6]  }
0x2c: {  	s7 =	sld [smem:$0x3FA7]  }
0x2d: {  	s3 =	simm.s32 $0x108;
	s8 =	sld [smem:$0x3FA8]  }
0x2e: {  	s3 =	simm.s32 @!p0 $0x1082;
	s9 =	sld [smem:$0x3FA9]  }
0x2f: {  	lr =	sadd.s32 s0, s3;
	s0 =	sld [smem:$0x3FA0]  }
0x30: {  	s3 =	sld [smem:$0x3FA3]  }
0x31: {  	[smem:$0x3FAC] =	sst s10  }
0x32: {  	s10 =	sld [smem:$0x3FAA];
	_ =	sdelay $0x3  }
0x33: {  	p0 =	seq.s32 s10, $0x1;
	s10 =	sld [smem:$0x3FAC];
	_ =	sdelay $0x3  }
0x34: {  	[smem:$0x3FAC] =	sst s10  }
0x35: {  	s10 =	sld [smem:$0x3FAB];
	_ =	sdelay $0x3  }
0x36: {  	p1 =	seq.s32 s10, $0x1;
	s10 =	sld [smem:$0x3FAC];
	_ =	sdelay $0x3  }
0x37: {  	[smem:$0x3FAC] =	sst s10  }
0x38: {  	s10 =	sld [smem:$0x3FAD]  }
0x39: {  	_ = 	snop;
	(pc) =	sbr.ind lr, $3  }
0x3a: {  	_ = 	snop  }
0x3b: {  	_ = 	snop  }
0x3c: {  	p2 =	seq.s32 s10, $0x1;
	s10 =	sld [smem:$0x3FAC]  }
0x3d: {  	_ =	shalt  }
0x3e: {  	_ =	shalt  }
0x3f: {  	_ =	shalt  }
0x40: {  	_ =	shalt  }
0x41: {  	_ =	shalt  }
0x42: {  	_ =	shalt  }
0x43: {  	_ =	shalt  }
0x44: {  	_ =	shalt  }
0x45: {  	_ =	shalt  }
0x46: {  	_ =	shalt  }
0x47: {  	_ =	shalt  }
0x48: {  	_ =	shalt  }
0x49: {  	_ =	shalt  }
0x4a: {  	_ =	shalt  }
0x4b: {  	_ =	shalt  }
0x4c: {  	_ =	shalt  }
0x4d: {  	_ =	shalt  }
0x4e: {  	_ =	shalt  }
0x4f: {  	_ =	shalt  }
0x50: {  	_ =	shalt  }
0x51: {  	_ =	shalt  }
0x52: {  	_ =	shalt  }
0x53: {  	_ =	shalt  }
0x54: {  	_ =	shalt  }
0x55: {  	_ =	shalt  }
0x56: {  	_ =	shalt  }
0x57: {  	_ =	shalt  }
0x58: {  	_ =	shalt  }
0x59: {  	_ =	shalt  }
0x5a: {  	_ =	shalt  }
0x5b: {  	_ =	shalt  }
0x5c: {  	_ =	shalt  }
0x5d: {  	_ =	shalt  }
0x5e: {  	_ =	shalt  }
0x5f: {  	_ =	shalt  }
0x60: {  	_ =	shalt  }
0x61: {  	_ =	shalt  }
0x62: {  	_ =	shalt  }
0x63: {  	_ =	shalt  }
0x64: {  	_ =	shalt  }
0x65: {  	_ =	shalt  }
0x66: {  	_ =	shalt  }
0x67: {  	_ =	shalt  }
0x68: {  	_ =	shalt  }
0x69: {  	_ =	shalt  }
0x6a: {  	_ =	shalt  }
0x6b: {  	_ =	shalt  }
0x6c: {  	_ =	shalt  }
0x6d: {  	_ =	shalt  }
0x6e: {  	_ =	shalt  }
0x6f: {  	_ =	shalt  }
0x70: {  	_ =	shalt  }
0x71: {  	_ =	shalt  }
0x72: {  	_ =	shalt  }
0x73: {  	_ =	shalt  }
0x74: {  	_ =	shalt  }
0x75: {  	_ =	shalt  }
0x76: {  	_ =	shalt  }
0x77: {  	_ =	shalt  }
0x78: {  	_ =	shalt  }
0x79: {  	_ =	shalt  }
0x7a: {  	_ =	shalt  }
0x7b: {  	_ =	shalt  }
0x7c: {  	_ =	shalt  }
0x7d: {  	_ =	shalt  }
0x7e: {  	_ =	shalt  }
0x7f: {  	_ =	shalt  }
0x80: {  	_ =	shalt  }
0x81: {  	_ =	shalt  }
0x82: {  	_ =	shalt  }
0x83: {  	_ =	shalt  }
0x84: {  	_ =	shalt  }
0x85: {  	_ =	shalt  }
0x86: {  	_ =	shalt  }
0x87: {  	_ =	shalt  }
.Lfunc_end0:
.L_simem_size_0:
called_computation_lowered:
.L_overlay_start_0:
0x88: {  	s2 =	sld [smem:$0x3FD9]  }
0x89: {  	s3 =	sld [smem:$0x3FFE];
	_ =	sdelay $0x1  }
0x8a: {  	s1 =	srdreg.scid  }
0x8b: {  	s0 =	sand.u32 $0x1, s1  }
0x8c: {  	s17 =	sshll.u32 s0, $0xA;
	s2 =	sadd.s32 s3, s2  }
0x8d: {  	s2 =	sadd.s32 s2, s17  }
0x8e: {  	[smem:$0x3FB8] =	sst s2  }
0x8f: {  	_ = 	snop  }
0x90: {  	s2 =	sld [smem:$0x3FC9]  }
0x91: {  	s18 =	sld [smem:$0x3FC8]  }
0x92: {  	s4 =	sld [smem:$0x3FC7]  }
0x93: {  	s5 =	sld [smem:$0x3FC6]  }
0x94: {  	s6 =	sld [smem:$0x3FD0];
	(tm) =	ssettm $0x1  }
0x95: {  	s7 =	sld [smem:$0x3FFB];
	_ =	sdelay $0x3  }
0x96: {  	_ =	strace s7  }
0x97: {  	s7 =	sld [smem:$0x3FFC];
	_ =	sdelay $0x3  }
0x98: {  	_ =	strace s7  }
0x99: {  	s7 =	sld [smem:$0x3FFD];
	_ =	sdelay $0x3  }
0x9a: {  	_ =	strace s7  }
0x9b: {  	_ =	strace $0x8FFFFFFF  }
0x9c: {  	s19 =	sld [smem:$0x3FDB];
	_ =	sdelay $0x1  }
0x9d: {  	s8 =	simm.s32 $_scs_section_size  }
0x9e: {  	s9 =	simm.s32 $_size__tile_overlayer_lowered;
	s10 =	simm.s32 $_tile_overlayer_lowered  }
0x9f: {  	s22 =	simm.s32 $0x1BFF;
	s21 =	sshll.u32 s10, $0x1;
	s7 =	sadd.s32 s8, s19  }
0xa0: {  	s11 =	simm.s32 $0x0;
	s20 =	sshll.u32 s9, $0x1;
	s9 =	sadd.s32 s21, s7  }
0xa1: {  	[timem:s11], [sflag:s22] =	dma.local [hbm:s9], s20  }
0xa2: {  	_ =	swait.ge [sflag:s22], s20  }
0xa3: {  	s8 =	ssub.s32 $0x0, s20;
	[sflag:s22] =	ssyncset.done $0x0  }
0xa4: {  	[sflag:s22] =	ssyncadd.s32 s8;
	_ =	sdelay $0x1  }
0xa5: {  	s23 =	simm.s32 $0x1B8B  }
0xa6: {  	_ =	swait.ge [sflag:s23], $0x1  }
0xa7: {  	[sflag:s23] =	ssyncset.done $0x0  }
0xa8: {  	s25 =	simm.s32 $0x1B8E;
	s24 =	sld [smem:$0x3FFE];
	[sflag:s23] =	ssyncadd.s32 $0xFFFFFFFF  }
0xa9: {  	s26 =	simm.s32 $execute0_lowered;
	[smem:$0x3FD2] =	sst s25  }
0xaa: {  	s9 =	sshll.u32 s26, $0x1;
	_ =	strace $0x80000046;
	[dreg:$0x1] =	wrdreg $0xFFFFFFFF  }
0xab: {  	s28 =	simm.s32 $_size_execute0_lowered;
	s7 =	sadd.s32 s7, s9;
	[dreg:$0x0] =	wrdreg $0x0  }
0xac: {  	s9 =	sshll.u32 s28, $0x1;
	[dreg:$0x2] =	wrdreg s7  }
0xad: {  	[dreg:$0x3] =	wrdreg s9  }
0xae: {  	[dreg:$0x4] =	wrdreg $0xC0  }
0xaf: {  	_ =	task [dreg:s11], $0x5FFFF  }
0xb0: {  	[dreg:$0x1] =	wrdreg $0xFFFFFFFF  }
0xb1: {  	[dreg:$0x0] =	wrdreg $0x60  }
0xb2: {  	[dreg:$0x2] =	wrdreg s2  }
0xb3: {  	[dreg:$0x3] =	wrdreg s18  }
0xb4: {  	[dreg:$0x4] =	wrdreg s4  }
0xb5: {  	[dreg:$0x5] =	wrdreg s5  }
0xb6: {  	[dreg:$0x6] =	wrdreg s24  }
0xb7: {  	[dreg:$0x7] =	wrdreg s6  }
0xb8: {  	[dreg:$0x8] =	wrdreg $0x1D6800  }
0xb9: {  	[dreg:$0x9] =	wrdreg $0x1DDE00  }
0xba: {  	[dreg:$0xa] =	wrdreg $0x1DEE00  }
0xbb: {  	[dreg:$0xb] =	wrdreg $0x1DF000  }
0xbc: {  	[dreg:$0xc] =	wrdreg $0x196800  }
0xbd: {  	[dreg:$0xd] =	wrdreg $0x9  }
0xbe: {  	_ =	task.clear_ibuf [dreg:s11], $0xEFFFF;
	_ =	strace $0x90000046  }
0xbf: {  	s29 =	simm.s32 $0x9;
	_ =	strace $0x80000048  }
0xc0: {  	_ =	swait.ge [sflag:s29], $0x1  }
0xc1: {  	[sflag:s29] =	ssyncadd.s32 $0xFFFFFFFF  }
0xc2: {  	_ =	strace $0x90000048  }
0xc3: {  	_ =	sfence  }
0xc4: {  	s30 =	sld [smem:$0x0];
	_ =	sdelay $0x2  }
0xc5: {  	s31 =	sshll.u32 s1, $0xD;
	s1 =	sshrl.u32 s1, $0x2  }
0xc6: {  	s3 =	sand.u32 $0x4000, s31;
	s1 =	sadd.s32 s1, s30  }
0xc7: {  	s0 =	sor.u32 s3, s0;
	s1 =	sshll.u32 s1, $0x11  }
0xc8: {  	s0 =	sor.u32 s1, s0  }
0xc9: {  	s0 =	sadd.s32 $0x8F2B, s0  }
0xca: {  	[sflag:s0] =	ssyncadd.remote.s32 $0x1  }
0xcb: {  	_ =	sfence.sel $0xFFFF  }
0xcc: {  	[dreg:$0x0] =	wrdreg $0xFFFFFFFF;
	(pc) =	sbr.abs _section_cstart, $3  }
0xcd: {  	[dreg:$0x1] =	wrdreg $0xFFFFFFFF  }
0xce: {  	_ =	task.clear_ibuf [dreg:s11], $0x2FFFF;
	_ =	strace $0x9FFFFFFF  }
0xcf: {  	(tm) =	ssettm $0x7FFFFFFF  }
tec
execute0_lowered:
.L_overlay_start_1:
0x0: {  	(tag) =	ssettag $0x1  }
0x1: {  	s0 =	rddreg [dreg:$0x0]  }
0x2: {  	s5 =	rddreg [dreg:$0x1]  }
0x3: {  	s8 =	rddreg [dreg:$0x2]  }
0x4: {  	s9 =	rddreg [dreg:$0x3]  }
0x5: {  	s10 =	rddreg [dreg:$0x4]  }
0x6: {  	s1 =	rddreg [dreg:$0x6]  }
0x7: {  	s2 =	rddreg [dreg:$0x7]  }
0x8: {  	s3 =	rddreg [dreg:$0x8]  }
0x9: {  	s4 =	rddreg [dreg:$0x9];
	s7 =	srdreg.scid  }
0xa: {  	s11 =	stileid.u32;
	s6 =	rddreg [dreg:$0xa];
	s29 =	simm.s32 $0x1  }
0xb: {  	s30 =	simm.s32 $0x80;
	s28 =	simm.s32 $0xEE00;
	s12 =	sand.u32 $0x1, s7  }
0xc: {  	s13 =	sshll.u32 s11, $0x1;
	s7 =	simm.s32 $0x0;
	s16 =	sadd.s32 $0xD400, s10  }
0xd: {  	s25 =	sadd.s32 $0xE400, s10;
	s26 =	sadd.s32 $0xB800, s10;
	s18 =	sshll.u32 s11, $0xE  }
0xe: {  	p0 =	sne.s32 s11, $0x0;
	s11 =	simm.s32 $0x4;
	[smem:$0x7FF] =	sst s7  }
0xf: {  	s13 =	sor.u32 s12, s13;
	_ =	strace $0x80000047;
	[dreg:$0xc] =	wrdreg s16  }
0x10: {  	s12 =	ssub.s32 $0x2, s12;
	s14 =	sshll.u32 s13, $0x6;
	[dreg:$0xd] =	wrdreg s25  }
0x11: {  	[dreg:$0xe] =	wrdreg s26;
	s31 =	sshll.u32 s13, $0xD;
	s13 =	sshll.u32 s13, $0xB  }
0x12: {  	s17 =	sshrl.u32 s12, $0x1;
	s16 =	sadd.s32 s18, s6;
	s15 =	sadd.s32 s14, s10  }
0x13: {  	s21 =	sadd.s32 s31, s10;
	s13 =	sadd.s32 s13, s10;
	s12 =	ssub.s32 s12, s17  }
0x14: {  	v3 =	vlaneseq.u32;
	s0 =	sadd.s32 s0, s14;
	s22 =	sadd.s32 s5, s14;
	s23 =	sadd.s32 s8, s14  }
0x15: {  	v0 =	vand.u32 $0x3, v3;
	s24 =	sadd.s32 s9, s14;
	s5 =	simm.s32 $0x12E00;
	[dreg:$0xf] =	wrdreg s0  }
0x16: {  	v0 =	vmul.u32 $0x20, v0;
	s8 =	simm.s32 $0x5;
	s9 =	simm.s32 $0x19600;
	[dreg:$0x10] =	wrdreg s22  }
0x17: {  	s10 =	simm.s32 $0x3;
	s17 =	simm.s32 $0x400;
	[dreg:$0x11] =	wrdreg s23  }
0x18: {  	v0 =	vor.u32 s18, v0;
	s18 =	simm.s32 $0x600;
	[dreg:$0x12] =	wrdreg s24;
	s25 =	sadd.s32 $0x2000, s15  }
0x19: {  	s26 =	sadd.s32 $0x4E600, s13;
	s31 =	sadd.s32 $0xE600, s21;
	s19 =	sadd.s32 $0xE604, s21  }
0x1a: {  	s20 =	sadd.s32 $0xE608, s21;
	s21 =	sadd.s32 $0xE60C, s21;
	s22 =	smax.u32 s12, $0x1  }
0x1b: {  	s23 =	simm.s32 $0x200;
	s0 =	simm.s32 $0x6E00;
	[dreg:$0x13] =	wrdreg s25  }
0x1c: {  	s24 =	simm.s32 $0x2;
	s12 =	simm.s32 $0x0;
	[dreg:$0x14] =	wrdreg s26  }
0x1d: {  	v1 =	vimm.f32 $0.0e+00;
	v2 =	vimm.f32 $1.000000000e+00;
	v3 =	vmul.u32 $0x20, v3;
	[dreg:$0x15] =	wrdreg s31;
	s26 =	simm.s32 $0xAE00;
	s25 =	simm.s32 $0x20  }
.LBB2_1:
0x1e: {  	s13 =	rddreg [dreg:$0xf]  }
0x1f: {  	[tilespmem:s7], [sflag:$0x1] =	stream.linear.gather [hbm4b:s13+s7], $0x200, $0x38;
	[tilespmem:$0x1EC28] =	vst v63  }
0x20: {  	s15 =	rddreg [dreg:$0x10]  }
0x21: {  	[tilespmem:s23], [sflag:$0x1] =	stream.linear.gather [hbm4b:s15+s7], $0x200, $0x38;
	[tilespmem:$0x1EC28] =	vst v63  }
0x22: {  	s14 =	rddreg [dreg:$0x11]  }
0x23: {  	[tilespmem:s17], [sflag:$0x1] =	stream.linear.gather [hbm4b:s14+s7], $0x200, $0x38;
	[tilespmem:$0x1EC28] =	vst v63  }
0x24: {  	s15 =	rddreg [dreg:$0x12]  }
0x25: {  	[tilespmem:s18], [sflag:$0x1] =	stream.linear.gather [hbm4b:s15+s7], $0x200, $0x38;
	[tilespmem:$0x1EC28] =	vst v63  }
0x26: {  	s13 =	rddreg [dreg:$0x13];
	s14 =	simm.s32 $0x4000;
	s15 =	simm.s32 $0x800  }
0x27: {  	[tilespmem:s15], [sflag:$0x1] =	stream.strided.gather [hbm4b:s13+s23], $0x2600, s14, s23, $0x38;
	[tilespmem:$0x1EC28] =	vst v63  }
0x28: {  	s31 =	simm.s32 @!p0 $0x1C05;
	s13 =	sshrl.u32 @!p0 s1, $0x3;
	s14 =	rddreg [dreg:$0xc]  }
0x29: {  	[spmem:s13], [sflag:s31] =	dma.local @!p0 [hbm:s14], $0xEC0  }
0x2a: {  	s13 =	simm.s32 @!p0 $0x5  }
0x2b: {  	_ =	swait.ge @!p0 [sflag:s13], $0xEC0  }
0x2c: {  	[sflag:s13] =	ssyncset.done @!p0 $0x0  }
0x2d: {  	[sflag:s13] =	ssyncadd.s32 @!p0 $0xFFFFF140  }
0x2e: {  	s14 =	sshrl.u32 @!p0 s2, $0x3;
	s15 =	rddreg [dreg:$0x5]  }
0x2f: {  	[spmem:s14], [sflag:s31] =	dma.local @!p0 [hbm:s15], $0x200  }
0x30: {  	_ =	swait.ge @!p0 [sflag:s13], $0x200  }
0x31: {  	[sflag:s13] =	ssyncset.done @!p0 $0x0  }
0x32: {  	s14 =	sshrl.u32 @!p0 s3, $0x3;
	s15 =	rddreg [dreg:$0xd];
	[sflag:s13] =	ssyncadd.s32 @!p0 $0xFFFFFE00  }
0x33: {  	[spmem:s14], [sflag:s31] =	dma.local @!p0 [hbm:s15], $0x40  }
0x34: {  	_ =	swait.ge @!p0 [sflag:s13], $0x40  }
0x35: {  	[sflag:s13] =	ssyncset.done @!p0 $0x0  }
0x36: {  	s14 =	sshrl.u32 @!p0 s4, $0x3;
	s15 =	rddreg [dreg:$0xe];
	[sflag:s13] =	ssyncadd.s32 @!p0 $0xFFFFFFC0  }
0x37: {  	[spmem:s14], [sflag:s31] =	dma.local @!p0 [hbm:s15], $0x1A4C  }
0x38: {  	_ =	swait.ge @!p0 [sflag:s13], $0x1A4C  }
0x39: {  	[sflag:s13] =	ssyncset.done @!p0 $0x0  }
0x3a: {  	[sflag:s13] =	ssyncadd.s32 @!p0 $0xFFFFE5B4  }
0x3b: {  	_ =	swait.ge [sflag:s29], $0x200  }
0x3c: {  	[sflag:s29] =	ssyncset.done $0x0  }
0x3d: {  	[sflag:s29] =	ssyncadd.s32 $0xFFFFFE00  }
0x3e: {  	_ =	swait.ge [sflag:s29], $0x200  }
0x3f: {  	[sflag:s29] =	ssyncset.done $0x0  }
0x40: {  	[sflag:s29] =	ssyncadd.s32 $0xFFFFFE00  }
0x41: {  	_ =	swait.ge [sflag:s29], $0x200  }
0x42: {  	[sflag:s29] =	ssyncset.done $0x0  }
0x43: {  	[sflag:s29] =	ssyncadd.s32 $0xFFFFFE00  }
0x44: {  	_ =	swait.ge [sflag:s29], $0x200  }
0x45: {  	[sflag:s29] =	ssyncset.done $0x0  }
0x46: {  	[sflag:s29] =	ssyncadd.s32 $0xFFFFFE00  }
0x47: {  	_ =	swait.ge [sflag:s29], $0x2600  }
0x48: {  	[sflag:s29] =	ssyncset.done $0x0  }
0x49: {  	[sflag:s29] =	ssyncadd.s32 $0xFFFFDA00  }
0x4a: {  	s15 =	simm.s32 $0x2E00;
	[bflag:$0x0] =	sbarrier.arrive $0xFFFF  }
0x4b: {  	[tilespmem:s15], [sflag:$0x2] =	stream.indirect.gather [spmem:s1], $0x20, s7, s30, $0xb8;
	[tilespmem:$0x1EC28] =	vst v63  }
0x4c: {  	s14 =	simm.s32 $0x3E00  }
0x4d: {  	[tilespmem:s14], [sflag:$0x2] =	stream.indirect.gather [spmem:s1], $0x20, s30, s30, $0xb8;
	[tilespmem:$0x1EC28] =	vst v63  }
0x4e: {  	s13 =	simm.s32 $0x100;
	s14 =	simm.s32 $0x4E00  }
0x4f: {  	[tilespmem:s14], [sflag:$0x2] =	stream.indirect.gather [spmem:s1], $0x20, s13, s30, $0xb8;
	[tilespmem:$0x1EC28] =	vst v63  }
0x50: {  	s13 =	simm.s32 $0x180;
	s14 =	simm.s32 $0x5E00  }
0x51: {  	[tilespmem:s14], [sflag:$0x2] =	stream.indirect.gather [spmem:s1], $0x20, s13, s30, $0xb8;
	[tilespmem:$0x1EC28] =	vst v63  }
0x52: {  	_ = 	snop  }
0x53: {  	[tilespmem:s0], [sflag:$0x2] =	stream.indirect.gather [spmem:s2], $0x20, s23, s30, $0xb8;
	[tilespmem:$0x1EC28] =	vst v63  }
0x54: {  	s13 =	simm.s32 $0x280;
	s14 =	simm.s32 $0x7E00  }
0x55: {  	[tilespmem:s14], [sflag:$0x2] =	stream.indirect.gather [spmem:s2], $0x20, s13, s30, $0xb8;
	[tilespmem:$0x1EC28] =	vst v63  }
0x56: {  	s13 =	simm.s32 $0x300;
	s14 =	simm.s32 $0x8E00  }
0x57: {  	[tilespmem:s14], [sflag:$0x2] =	stream.indirect.gather [spmem:s2], $0x20, s13, s30, $0xb8;
	[tilespmem:$0x1EC28] =	vst v63  }
0x58: {  	s13 =	simm.s32 $0x380;
	s14 =	simm.s32 $0x9E00  }
0x59: {  	[tilespmem:s14], [sflag:$0x2] =	stream.indirect.gather [spmem:s2], $0x20, s13, s30, $0xb8;
	[tilespmem:$0x1EC28] =	vst v63  }
0x5a: {  	_ = 	snop  }
0x5b: {  	[tilespmem:s26], [sflag:$0x2] =	stream.indirect.gather [spmem:s3], $0x20, s17, s30, $0xb8;
	[tilespmem:$0x1EC28] =	vst v63  }
0x5c: {  	s13 =	simm.s32 $0x480;
	s14 =	simm.s32 $0xBE00  }
0x5d: {  	[tilespmem:s14], [sflag:$0x2] =	stream.indirect.gather [spmem:s3], $0x20, s13, s30, $0xb8;
	[tilespmem:$0x1EC28] =	vst v63  }
0x5e: {  	s13 =	simm.s32 $0x500;
	s14 =	simm.s32 $0xCE00  }
0x5f: {  	[tilespmem:s14], [sflag:$0x2] =	stream.indirect.gather [spmem:s3], $0x20, s13, s30, $0xb8;
	[tilespmem:$0x1EC28] =	vst v63  }
0x60: {  	s13 =	simm.s32 $0x580;
	s14 =	simm.s32 $0xDE00  }
0x61: {  	[tilespmem:s14], [sflag:$0x2] =	stream.indirect.gather [spmem:s3], $0x20, s13, s30, $0xb8;
	[tilespmem:$0x1EC28] =	vst v63  }
0x62: {  	_ = 	snop  }
0x63: {  	[tilespmem:s28], [sflag:$0x2] =	stream.indirect.gather [spmem:s4], $0x20, s18, s30, $0xb8;
	[tilespmem:$0x1EC28] =	vst v63  }
0x64: {  	s13 =	simm.s32 $0x680;
	s14 =	simm.s32 $0xFE00  }
0x65: {  	[tilespmem:s14], [sflag:$0x2] =	stream.indirect.gather [spmem:s4], $0x20, s13, s30, $0xb8;
	[tilespmem:$0x1EC28] =	vst v63  }
0x66: {  	s13 =	simm.s32 $0x700;
	s14 =	simm.s32 $0x10E00  }
0x67: {  	[tilespmem:s14], [sflag:$0x2] =	stream.indirect.gather [spmem:s4], $0x20, s13, s30, $0xb8;
	[tilespmem:$0x1EC28] =	vst v63  }
0x68: {  	s13 =	simm.s32 $0x780;
	s14 =	simm.s32 $0x11E00  }
0x69: {  	[tilespmem:s14], [sflag:$0x2] =	stream.indirect.gather [spmem:s4], $0x20, s13, s30, $0xb8;
	[tilespmem:$0x1EC28] =	vst v63  }
0x6a: {  	s31 =	simm.s32 $0x0;
	s13 =	simm.s32 $0x40  }
.LBB2_2:
0x6b: {  	p1 =	sne.s32 s13, $0xFFC0;
	[tilespmem:s31+$0x12E00] =	vst v1;
	s14 =	smov.u32 s13;
	s13 =	sadd.s32 $0x40, s13  }
.Ltmp0:
0x6c: {  	(pc) =	sbr.rel @p1 .LBB2_2-.Ltmp0, $2  }
0x6d: {  	_ =	sdelay $0x2  }
0x6e: {  	s31 =	sshra.s32 s14, $0x2  }
0x6f: {  	[tilespmem:s31+$0x12E00] =	vst v1  }
0x70: {  	[tilespmem:$0x19600] =	vst v2  }
0x71: {  	[tilespmem:$0x19610] =	vst v2  }
0x72: {  	[tilespmem:$0x19620] =	vst v2  }
0x73: {  	[tilespmem:$0x19630] =	vst v2  }
0x74: {  	[tilespmem:$0x19640] =	vst v2  }
0x75: {  	[tilespmem:$0x19650] =	vst v2  }
0x76: {  	s13 =	simm.s32 $0x0;
	[tilespmem:$0x19660] =	vst v2  }
0x77: {  	[tilespmem:$0x19670] =	vst v2;
	v4 =	vmov s13  }
0x78: {  	[spmem:s16] =	stream.linear.scatter [tilespmem:s5], [sflag:$0x5], $0x4000, $0x38;
	v4 =	vshll.u32 v4, $0x5;
	[tilespmem:$0x1EC28] =	vst v63  }
0x79: {  	_ =	swait.ge [sflag:s8], $0x4000;
	v4 =	vor.u32 v3, v4  }
0x7a: {  	[sflag:s8] =	ssyncset.done $0x0;
	v4 =	vand.u32 $0x3F80, v4  }
0x7b: {  	s13 =	simm.s32 $0x16E00;
	[sflag:s8] =	ssyncadd.s32 $0xFFFFC000;
	v4 =	vor.u32 v4, v0  }
0x7c: {  	s31 =	simm.s32 $0x10;
	[tilespmem:s13+$0x0] =	vst v4  }
.LBB2_4:
0x7d: {  	v4 =	vmov s31;
	p1 =	sne.s32 s31, $0x1F0;
	s31 =	sadd.s32 $0x10, s31  }
.Ltmp1:
0x7e: {  	v4 =	vshll.u32 v4, $0x5;
	(pc) =	sbr.rel @p1 .LBB2_4-.Ltmp1, $4  }
0x7f: {  	v4 =	vor.u32 v3, v4  }
0x80: {  	v4 =	vand.u32 $0x3F80, v4  }
0x81: {  	s13 =	sadd.s32 $0x10, s13;
	v4 =	vor.u32 v4, v0  }
0x82: {  	[tilespmem:s13+$0x0] =	vst v4  }
0x83: {  	s13 =	simm.s32 $0x0  }
0x84: {  	s31 =	simm.s32 $0x800;
	v4 =	vld [tilespmem:s13+$0x800]  }
.LBB2_6:
0x85: {  	p1 =	sne.s32 s31, $0x9000;
	v5 =	vld [tilespmem:$0x16E00];
	_ =	sdelay $0x4  }
0x86: {  	v4 =	vadd.s32 v5, v4  }
0x87: {  	[tilespmem:s13+$0x17000] =	vst v4;
	v4 =	vld [tilespmem:s13+$0x810]  }
0x88: {  	v5 =	vld [tilespmem:$0x16E10];
	_ =	sdelay $0x4  }
0x89: {  	v4 =	vadd.s32 v5, v4  }
0x8a: {  	[tilespmem:s13+$0x17010] =	vst v4;
	v4 =	vld [tilespmem:s13+$0x820]  }
0x8b: {  	v5 =	vld [tilespmem:$0x16E20];
	_ =	sdelay $0x4  }
0x8c: {  	v4 =	vadd.s32 v5, v4  }
0x8d: {  	[tilespmem:s13+$0x17020] =	vst v4;
	v4 =	vld [tilespmem:s13+$0x830]  }
0x8e: {  	v5 =	vld [tilespmem:$0x16E30];
	_ =	sdelay $0x4  }
0x8f: {  	v4 =	vadd.s32 v5, v4  }
0x90: {  	[tilespmem:s13+$0x17030] =	vst v4;
	v4 =	vld [tilespmem:s13+$0x840]  }
0x91: {  	v5 =	vld [tilespmem:$0x16E40];
	_ =	sdelay $0x4  }
0x92: {  	v4 =	vadd.s32 v5, v4  }
0x93: {  	[tilespmem:s13+$0x17040] =	vst v4;
	v4 =	vld [tilespmem:s13+$0x850]  }
0x94: {  	v5 =	vld [tilespmem:$0x16E50];
	_ =	sdelay $0x4  }
0x95: {  	v4 =	vadd.s32 v5, v4  }
0x96: {  	[tilespmem:s13+$0x17050] =	vst v4;
	v4 =	vld [tilespmem:s13+$0x860]  }
0x97: {  	v5 =	vld [tilespmem:$0x16E60];
	_ =	sdelay $0x4  }
0x98: {  	v4 =	vadd.s32 v5, v4  }
0x99: {  	[tilespmem:s13+$0x17060] =	vst v4;
	v4 =	vld [tilespmem:s13+$0x870]  }
0x9a: {  	v5 =	vld [tilespmem:$0x16E70];
	_ =	sdelay $0x4  }
0x9b: {  	v4 =	vadd.s32 v5, v4  }
0x9c: {  	[tilespmem:s13+$0x17070] =	vst v4;
	v4 =	vld [tilespmem:s13+$0x880]  }
0x9d: {  	v5 =	vld [tilespmem:$0x16E80];
	_ =	sdelay $0x4  }
0x9e: {  	v4 =	vadd.s32 v5, v4  }
0x9f: {  	[tilespmem:s13+$0x17080] =	vst v4;
	v4 =	vld [tilespmem:s13+$0x890]  }
0xa0: {  	v5 =	vld [tilespmem:$0x16E90];
	_ =	sdelay $0x4  }
0xa1: {  	v4 =	vadd.s32 v5, v4  }
0xa2: {  	[tilespmem:s13+$0x17090] =	vst v4;
	v4 =	vld [tilespmem:s13+$0x8A0]  }
0xa3: {  	v5 =	vld [tilespmem:$0x16EA0];
	_ =	sdelay $0x4  }
0xa4: {  	v4 =	vadd.s32 v5, v4  }
0xa5: {  	[tilespmem:s13+$0x170A0] =	vst v4;
	v4 =	vld [tilespmem:s13+$0x8B0]  }
0xa6: {  	v5 =	vld [tilespmem:$0x16EB0];
	_ =	sdelay $0x4  }
0xa7: {  	v4 =	vadd.s32 v5, v4  }
0xa8: {  	[tilespmem:s13+$0x170B0] =	vst v4;
	v4 =	vld [tilespmem:s13+$0x8C0]  }
0xa9: {  	v5 =	vld [tilespmem:$0x16EC0];
	_ =	sdelay $0x4  }
0xaa: {  	v4 =	vadd.s32 v5, v4  }
0xab: {  	[tilespmem:s13+$0x170C0] =	vst v4;
	v4 =	vld [tilespmem:s13+$0x8D0]  }
0xac: {  	v5 =	vld [tilespmem:$0x16ED0];
	_ =	sdelay $0x4  }
0xad: {  	v4 =	vadd.s32 v5, v4  }
0xae: {  	[tilespmem:s13+$0x170D0] =	vst v4;
	v4 =	vld [tilespmem:s13+$0x8E0]  }
0xaf: {  	v5 =	vld [tilespmem:$0x16EE0];
	_ =	sdelay $0x4  }
0xb0: {  	v4 =	vadd.s32 v5, v4  }
0xb1: {  	[tilespmem:s13+$0x170E0] =	vst v4;
	v4 =	vld [tilespmem:s13+$0x8F0]  }
0xb2: {  	v5 =	vld [tilespmem:$0x16EF0];
	_ =	sdelay $0x4  }
0xb3: {  	v4 =	vadd.s32 v5, v4  }
0xb4: {  	[tilespmem:s13+$0x170F0] =	vst v4;
	v4 =	vld [tilespmem:s13+$0x900]  }
0xb5: {  	v5 =	vld [tilespmem:$0x16F00];
	_ =	sdelay $0x4  }
0xb6: {  	v4 =	vadd.s32 v5, v4  }
0xb7: {  	[tilespmem:s13+$0x17100] =	vst v4;
	v4 =	vld [tilespmem:s13+$0x910]  }
0xb8: {  	v5 =	vld [tilespmem:$0x16F10];
	_ =	sdelay $0x4  }
0xb9: {  	v4 =	vadd.s32 v5, v4  }
0xba: {  	[tilespmem:s13+$0x17110] =	vst v4;
	v4 =	vld [tilespmem:s13+$0x920]  }
0xbb: {  	v5 =	vld [tilespmem:$0x16F20];
	_ =	sdelay $0x4  }
0xbc: {  	v4 =	vadd.s32 v5, v4  }
0xbd: {  	[tilespmem:s13+$0x17120] =	vst v4;
	v4 =	vld [tilespmem:s13+$0x930]  }
0xbe: {  	v5 =	vld [tilespmem:$0x16F30];
	_ =	sdelay $0x4  }
0xbf: {  	v4 =	vadd.s32 v5, v4  }
0xc0: {  	[tilespmem:s13+$0x17130] =	vst v4;
	v4 =	vld [tilespmem:s13+$0x940]  }
0xc1: {  	v5 =	vld [tilespmem:$0x16F40];
	_ =	sdelay $0x4  }
0xc2: {  	v4 =	vadd.s32 v5, v4  }
0xc3: {  	[tilespmem:s13+$0x17140] =	vst v4;
	v4 =	vld [tilespmem:s13+$0x950]  }
0xc4: {  	v5 =	vld [tilespmem:$0x16F50];
	_ =	sdelay $0x4  }
0xc5: {  	v4 =	vadd.s32 v5, v4  }
0xc6: {  	[tilespmem:s13+$0x17150] =	vst v4;
	v4 =	vld [tilespmem:s13+$0x960]  }
0xc7: {  	v5 =	vld [tilespmem:$0x16F60];
	_ =	sdelay $0x4  }
0xc8: {  	v4 =	vadd.s32 v5, v4  }
0xc9: {  	[tilespmem:s13+$0x17160] =	vst v4;
	v4 =	vld [tilespmem:s13+$0x970]  }
0xca: {  	v5 =	vld [tilespmem:$0x16F70];
	_ =	sdelay $0x4  }
0xcb: {  	v4 =	vadd.s32 v5, v4  }
0xcc: {  	[tilespmem:s13+$0x17170] =	vst v4;
	v4 =	vld [tilespmem:s13+$0x980]  }
0xcd: {  	v5 =	vld [tilespmem:$0x16F80];
	_ =	sdelay $0x4  }
0xce: {  	v4 =	vadd.s32 v5, v4  }
0xcf: {  	[tilespmem:s13+$0x17180] =	vst v4;
	v4 =	vld [tilespmem:s13+$0x990]  }
0xd0: {  	v5 =	vld [tilespmem:$0x16F90];
	_ =	sdelay $0x4  }
0xd1: {  	v4 =	vadd.s32 v5, v4  }
0xd2: {  	[tilespmem:s13+$0x17190] =	vst v4;
	v4 =	vld [tilespmem:s13+$0x9A0]  }
0xd3: {  	v5 =	vld [tilespmem:$0x16FA0];
	_ =	sdelay $0x4  }
0xd4: {  	v4 =	vadd.s32 v5, v4  }
0xd5: {  	[tilespmem:s13+$0x171A0] =	vst v4;
	v4 =	vld [tilespmem:s13+$0x9B0]  }
0xd6: {  	v5 =	vld [tilespmem:$0x16FB0];
	_ =	sdelay $0x4  }
0xd7: {  	v4 =	vadd.s32 v5, v4  }
0xd8: {  	[tilespmem:s13+$0x171B0] =	vst v4;
	v4 =	vld [tilespmem:s13+$0x9C0]  }
0xd9: {  	v5 =	vld [tilespmem:$0x16FC0];
	_ =	sdelay $0x4  }
0xda: {  	v4 =	vadd.s32 v5, v4  }
0xdb: {  	[tilespmem:s13+$0x171C0] =	vst v4;
	v4 =	vld [tilespmem:s13+$0x9D0]  }
0xdc: {  	v5 =	vld [tilespmem:$0x16FD0];
	_ =	sdelay $0x4  }
0xdd: {  	v4 =	vadd.s32 v5, v4  }
0xde: {  	[tilespmem:s13+$0x171D0] =	vst v4;
	v4 =	vld [tilespmem:s13+$0x9E0]  }
0xdf: {  	v5 =	vld [tilespmem:$0x16FE0];
	_ =	sdelay $0x4  }
0xe0: {  	v4 =	vadd.s32 v5, v4  }
0xe1: {  	[tilespmem:s13+$0x171E0] =	vst v4;
	v4 =	vld [tilespmem:s13+$0x9F0]  }
0xe2: {  	v5 =	vld [tilespmem:$0x16FF0];
	_ =	sdelay $0x1  }
.Ltmp2:
0xe3: {  	(pc) =	sbr.rel @p1 .LBB2_6-.Ltmp2, $3  }
0xe4: {  	_ =	sdelay $0x1  }
0xe5: {  	s14 =	sshra.s32 s31, $0x2;
	v5 =	vadd.s32 v5, v4  }
0xe6: {  	s31 =	sadd.s32 $0x800, s31;
	v4 =	vld [tilespmem:s14+$0x800];
	[tilespmem:s13+$0x171F0] =	vst v5;
	s13 =	smov.u32 s14  }
0xe7: {  	v5 =	vld [tilespmem:$0x16E00];
	_ =	sdelay $0x4  }
0xe8: {  	v4 =	vadd.s32 v5, v4  }
0xe9: {  	[tilespmem:s13+$0x17000] =	vst v4;
	v4 =	vld [tilespmem:s13+$0x810]  }
0xea: {  	v5 =	vld [tilespmem:$0x16E10];
	_ =	sdelay $0x4  }
0xeb: {  	v4 =	vadd.s32 v5, v4  }
0xec: {  	[tilespmem:s13+$0x17010] =	vst v4;
	v4 =	vld [tilespmem:s13+$0x820]  }
0xed: {  	v5 =	vld [tilespmem:$0x16E20];
	_ =	sdelay $0x4  }
0xee: {  	v4 =	vadd.s32 v5, v4  }
0xef: {  	[tilespmem:s13+$0x17020] =	vst v4;
	v4 =	vld [tilespmem:s13+$0x830]  }
0xf0: {  	v5 =	vld [tilespmem:$0x16E30];
	_ =	sdelay $0x4  }
0xf1: {  	v4 =	vadd.s32 v5, v4  }
0xf2: {  	[tilespmem:s13+$0x17030] =	vst v4;
	v4 =	vld [tilespmem:s13+$0x840]  }
0xf3: {  	v5 =	vld [tilespmem:$0x16E40];
	_ =	sdelay $0x4  }
0xf4: {  	v4 =	vadd.s32 v5, v4  }
0xf5: {  	[tilespmem:s13+$0x17040] =	vst v4;
	v4 =	vld [tilespmem:s13+$0x850]  }
0xf6: {  	v5 =	vld [tilespmem:$0x16E50];
	_ =	sdelay $0x4  }
0xf7: {  	v4 =	vadd.s32 v5, v4  }
0xf8: {  	[tilespmem:s13+$0x17050] =	vst v4;
	v4 =	vld [tilespmem:s13+$0x860]  }
0xf9: {  	v5 =	vld [tilespmem:$0x16E60];
	_ =	sdelay $0x4  }
0xfa: {  	v4 =	vadd.s32 v5, v4  }
0xfb: {  	[tilespmem:s13+$0x17060] =	vst v4;
	v4 =	vld [tilespmem:s13+$0x870]  }
0xfc: {  	v5 =	vld [tilespmem:$0x16E70];
	_ =	sdelay $0x4  }
0xfd: {  	v4 =	vadd.s32 v5, v4  }
0xfe: {  	[tilespmem:s13+$0x17070] =	vst v4;
	v4 =	vld [tilespmem:s13+$0x880]  }
0xff: {  	v5 =	vld [tilespmem:$0x16E80];
	_ =	sdelay $0x4  }
0x100: {  	v4 =	vadd.s32 v5, v4  }
0x101: {  	[tilespmem:s13+$0x17080] =	vst v4;
	v4 =	vld [tilespmem:s13+$0x890]  }
0x102: {  	v5 =	vld [tilespmem:$0x16E90];
	_ =	sdelay $0x4  }
0x103: {  	v4 =	vadd.s32 v5, v4  }
0x104: {  	[tilespmem:s13+$0x17090] =	vst v4;
	v4 =	vld [tilespmem:s13+$0x8A0]  }
0x105: {  	v5 =	vld [tilespmem:$0x16EA0];
	_ =	sdelay $0x4  }
0x106: {  	v4 =	vadd.s32 v5, v4  }
0x107: {  	[tilespmem:s13+$0x170A0] =	vst v4;
	v4 =	vld [tilespmem:s13+$0x8B0]  }
0x108: {  	v5 =	vld [tilespmem:$0x16EB0];
	_ =	sdelay $0x4  }
0x109: {  	v4 =	vadd.s32 v5, v4  }
0x10a: {  	[tilespmem:s13+$0x170B0] =	vst v4;
	v4 =	vld [tilespmem:s13+$0x8C0]  }
0x10b: {  	v5 =	vld [tilespmem:$0x16EC0];
	_ =	sdelay $0x4  }
0x10c: {  	v4 =	vadd.s32 v5, v4  }
0x10d: {  	[tilespmem:s13+$0x170C0] =	vst v4;
	v4 =	vld [tilespmem:s13+$0x8D0]  }
0x10e: {  	v5 =	vld [tilespmem:$0x16ED0];
	_ =	sdelay $0x4  }
0x10f: {  	v4 =	vadd.s32 v5, v4  }
0x110: {  	[tilespmem:s13+$0x170D0] =	vst v4;
	v4 =	vld [tilespmem:s13+$0x8E0]  }
0x111: {  	v5 =	vld [tilespmem:$0x16EE0];
	_ =	sdelay $0x4  }
0x112: {  	v4 =	vadd.s32 v5, v4  }
0x113: {  	[tilespmem:s13+$0x170E0] =	vst v4;
	v4 =	vld [tilespmem:s13+$0x8F0]  }
0x114: {  	v5 =	vld [tilespmem:$0x16EF0];
	_ =	sdelay $0x4  }
0x115: {  	v4 =	vadd.s32 v5, v4  }
0x116: {  	[tilespmem:s13+$0x170F0] =	vst v4;
	v4 =	vld [tilespmem:s13+$0x900]  }
0x117: {  	v5 =	vld [tilespmem:$0x16F00];
	_ =	sdelay $0x4  }
0x118: {  	v4 =	vadd.s32 v5, v4  }
0x119: {  	[tilespmem:s13+$0x17100] =	vst v4;
	v4 =	vld [tilespmem:s13+$0x910]  }
0x11a: {  	v5 =	vld [tilespmem:$0x16F10];
	_ =	sdelay $0x4  }
0x11b: {  	v4 =	vadd.s32 v5, v4  }
0x11c: {  	[tilespmem:s13+$0x17110] =	vst v4;
	v4 =	vld [tilespmem:s13+$0x920]  }
0x11d: {  	v5 =	vld [tilespmem:$0x16F20];
	_ =	sdelay $0x4  }
0x11e: {  	v4 =	vadd.s32 v5, v4  }
0x11f: {  	[tilespmem:s13+$0x17120] =	vst v4;
	v4 =	vld [tilespmem:s13+$0x930]  }
0x120: {  	v5 =	vld [tilespmem:$0x16F30];
	_ =	sdelay $0x4  }
0x121: {  	v4 =	vadd.s32 v5, v4  }
0x122: {  	[tilespmem:s13+$0x17130] =	vst v4;
	v4 =	vld [tilespmem:s13+$0x940]  }
0x123: {  	v5 =	vld [tilespmem:$0x16F40];
	_ =	sdelay $0x4  }
0x124: {  	v4 =	vadd.s32 v5, v4  }
0x125: {  	[tilespmem:s13+$0x17140] =	vst v4;
	v4 =	vld [tilespmem:s13+$0x950]  }
0x126: {  	v5 =	vld [tilespmem:$0x16F50];
	_ =	sdelay $0x4  }
0x127: {  	v4 =	vadd.s32 v5, v4  }
0x128: {  	[tilespmem:s13+$0x17150] =	vst v4;
	v4 =	vld [tilespmem:s13+$0x960]  }
0x129: {  	v5 =	vld [tilespmem:$0x16F60];
	_ =	sdelay $0x4  }
0x12a: {  	v4 =	vadd.s32 v5, v4  }
0x12b: {  	[tilespmem:s13+$0x17160] =	vst v4;
	v4 =	vld [tilespmem:s13+$0x970]  }
0x12c: {  	v5 =	vld [tilespmem:$0x16F70];
	_ =	sdelay $0x4  }
0x12d: {  	v4 =	vadd.s32 v5, v4  }
0x12e: {  	[tilespmem:s13+$0x17170] =	vst v4;
	v4 =	vld [tilespmem:s13+$0x980]  }
0x12f: {  	v5 =	vld [tilespmem:$0x16F80];
	_ =	sdelay $0x4  }
0x130: {  	v4 =	vadd.s32 v5, v4  }
0x131: {  	[tilespmem:s13+$0x17180] =	vst v4;
	v4 =	vld [tilespmem:s13+$0x990]  }
0x132: {  	v5 =	vld [tilespmem:$0x16F90];
	_ =	sdelay $0x4  }
0x133: {  	v4 =	vadd.s32 v5, v4  }
0x134: {  	[tilespmem:s13+$0x17190] =	vst v4;
	v4 =	vld [tilespmem:s13+$0x9A0]  }
0x135: {  	v5 =	vld [tilespmem:$0x16FA0];
	_ =	sdelay $0x4  }
0x136: {  	v4 =	vadd.s32 v5, v4  }
0x137: {  	[tilespmem:s13+$0x171A0] =	vst v4;
	v4 =	vld [tilespmem:s13+$0x9B0]  }
0x138: {  	v5 =	vld [tilespmem:$0x16FB0];
	_ =	sdelay $0x4  }
0x139: {  	v4 =	vadd.s32 v5, v4  }
0x13a: {  	[tilespmem:s13+$0x171B0] =	vst v4;
	v4 =	vld [tilespmem:s13+$0x9C0]  }
0x13b: {  	v5 =	vld [tilespmem:$0x16FC0];
	_ =	sdelay $0x4  }
0x13c: {  	v4 =	vadd.s32 v5, v4  }
0x13d: {  	[tilespmem:s13+$0x171C0] =	vst v4;
	v4 =	vld [tilespmem:s13+$0x9D0]  }
0x13e: {  	v5 =	vld [tilespmem:$0x16FD0];
	_ =	sdelay $0x4  }
0x13f: {  	v4 =	vadd.s32 v5, v4  }
0x140: {  	[tilespmem:s13+$0x171D0] =	vst v4;
	v4 =	vld [tilespmem:s13+$0x9E0]  }
0x141: {  	v5 =	vld [tilespmem:$0x16FE0];
	_ =	sdelay $0x4  }
0x142: {  	v4 =	vadd.s32 v5, v4  }
0x143: {  	[tilespmem:s13+$0x171E0] =	vst v4;
	v4 =	vld [tilespmem:s13+$0x9F0]  }
0x144: {  	v5 =	vld [tilespmem:$0x16FF0];
	_ =	sdelay $0x4  }
0x145: {  	v4 =	vadd.s32 v5, v4  }
0x146: {  	s14 =	simm.s32 $0x17000;
	[tilespmem:s13+$0x171F0] =	vst v4  }
0x147: {  	[spmem:s6] =	stream.indirect.scatter.add.f32 [tilespmem:s9], [sflag:$0x3], $0x1, s14, s30, $0xb8;
	[tilespmem:$0x1EC28] =	vst v63  }
0x148: {  	s31 =	simm.s32 $0x17080  }
0x149: {  	[spmem:s6] =	stream.indirect.scatter.add.f32 [tilespmem:s9], [sflag:$0x3], $0x1, s31, s30, $0xb8;
	[tilespmem:$0x1EC28] =	vst v63  }
0x14a: {  	s14 =	simm.s32 $0x17100  }
0x14b: {  	[spmem:s6] =	stream.indirect.scatter.add.f32 [tilespmem:s9], [sflag:$0x3], $0x1, s14, s30, $0xb8;
	[tilespmem:$0x1EC28] =	vst v63  }
0x14c: {  	s31 =	simm.s32 $0x17180  }
0x14d: {  	[spmem:s6] =	stream.indirect.scatter.add.f32 [tilespmem:s9], [sflag:$0x3], $0x1, s31, s30, $0xb8;
	[tilespmem:$0x1EC28] =	vst v63  }
0x14e: {  	s14 =	simm.s32 $0x17200  }
0x14f: {  	[spmem:s6] =	stream.indirect.scatter.add.f32 [tilespmem:s9], [sflag:$0x3], $0x1, s14, s30, $0xb8;
	[tilespmem:$0x1EC28] =	vst v63  }
0x150: {  	s31 =	simm.s32 $0x17280  }
0x151: {  	[spmem:s6] =	stream.indirect.scatter.add.f32 [tilespmem:s9], [sflag:$0x3], $0x1, s31, s30, $0xb8;
	[tilespmem:$0x1EC28] =	vst v63  }
0x152: {  	s14 =	simm.s32 $0x17300  }
0x153: {  	[spmem:s6] =	stream.indirect.scatter.add.f32 [tilespmem:s9], [sflag:$0x3], $0x1, s14, s30, $0xb8;
	[tilespmem:$0x1EC28] =	vst v63  }
0x154: {  	s31 =	simm.s32 $0x17380  }
0x155: {  	[spmem:s6] =	stream.indirect.scatter.add.f32 [tilespmem:s9], [sflag:$0x3], $0x1, s31, s30, $0xb8;
	[tilespmem:$0x1EC28] =	vst v63  }
0x156: {  	s14 =	simm.s32 $0x17400  }
0x157: {  	[spmem:s6] =	stream.indirect.scatter.add.f32 [tilespmem:s9], [sflag:$0x3], $0x1, s14, s30, $0xb8;
	[tilespmem:$0x1EC28] =	vst v63  }
0x158: {  	s31 =	simm.s32 $0x17480  }
0x159: {  	[spmem:s6] =	stream.indirect.scatter.add.f32 [tilespmem:s9], [sflag:$0x3], $0x1, s31, s30, $0xb8;
	[tilespmem:$0x1EC28] =	vst v63  }
0x15a: {  	s14 =	simm.s32 $0x17500  }
0x15b: {  	[spmem:s6] =	stream.indirect.scatter.add.f32 [tilespmem:s9], [sflag:$0x3], $0x1, s14, s30, $0xb8;
	[tilespmem:$0x1EC28] =	vst v63  }
0x15c: {  	s31 =	simm.s32 $0x17580  }
0x15d: {  	[spmem:s6] =	stream.indirect.scatter.add.f32 [tilespmem:s9], [sflag:$0x3], $0x1, s31, s30, $0xb8;
	[tilespmem:$0x1EC28] =	vst v63  }
0x15e: {  	s14 =	simm.s32 $0x17600  }
0x15f: {  	[spmem:s6] =	stream.indirect.scatter.add.f32 [tilespmem:s9], [sflag:$0x3], $0x1, s14, s30, $0xb8;
	[tilespmem:$0x1EC28] =	vst v63  }
0x160: {  	s31 =	simm.s32 $0x17680  }
0x161: {  	[spmem:s6] =	stream.indirect.scatter.add.f32 [tilespmem:s9], [sflag:$0x3], $0x1, s31, s30, $0xb8;
	[tilespmem:$0x1EC28] =	vst v63  }
0x162: {  	s14 =	simm.s32 $0x17700  }
0x163: {  	[spmem:s6] =	stream.indirect.scatter.add.f32 [tilespmem:s9], [sflag:$0x3], $0x1, s14, s30, $0xb8;
	[tilespmem:$0x1EC28] =	vst v63  }
0x164: {  	s31 =	simm.s32 $0x17780  }
0x165: {  	[spmem:s6] =	stream.indirect.scatter.add.f32 [tilespmem:s9], [sflag:$0x3], $0x1, s31, s30, $0xb8;
	[tilespmem:$0x1EC28] =	vst v63  }
0x166: {  	s14 =	simm.s32 $0x17800  }
0x167: {  	[spmem:s6] =	stream.indirect.scatter.add.f32 [tilespmem:s9], [sflag:$0x3], $0x1, s14, s30, $0xb8;
	[tilespmem:$0x1EC28] =	vst v63  }
0x168: {  	s31 =	simm.s32 $0x17880  }
0x169: {  	[spmem:s6] =	stream.indirect.scatter.add.f32 [tilespmem:s9], [sflag:$0x3], $0x1, s31, s30, $0xb8;
	[tilespmem:$0x1EC28] =	vst v63  }
0x16a: {  	s14 =	simm.s32 $0x17900  }
0x16b: {  	[spmem:s6] =	stream.indirect.scatter.add.f32 [tilespmem:s9], [sflag:$0x3], $0x1, s14, s30, $0xb8;
	[tilespmem:$0x1EC28] =	vst v63  }
0x16c: {  	s31 =	simm.s32 $0x17980  }
0x16d: {  	[spmem:s6] =	stream.indirect.scatter.add.f32 [tilespmem:s9], [sflag:$0x3], $0x1, s31, s30, $0xb8;
	[tilespmem:$0x1EC28] =	vst v63  }
0x16e: {  	s14 =	simm.s32 $0x17A00  }
0x16f: {  	[spmem:s6] =	stream.indirect.scatter.add.f32 [tilespmem:s9], [sflag:$0x3], $0x1, s14, s30, $0xb8;
	[tilespmem:$0x1EC28] =	vst v63  }
0x170: {  	s31 =	simm.s32 $0x17A80  }
0x171: {  	[spmem:s6] =	stream.indirect.scatter.add.f32 [tilespmem:s9], [sflag:$0x3], $0x1, s31, s30, $0xb8;
	[tilespmem:$0x1EC28] =	vst v63  }
0x172: {  	s14 =	simm.s32 $0x17B00  }
0x173: {  	[spmem:s6] =	stream.indirect.scatter.add.f32 [tilespmem:s9], [sflag:$0x3], $0x1, s14, s30, $0xb8;
	[tilespmem:$0x1EC28] =	vst v63  }
0x174: {  	s31 =	simm.s32 $0x17B80  }
0x175: {  	[spmem:s6] =	stream.indirect.scatter.add.f32 [tilespmem:s9], [sflag:$0x3], $0x1, s31, s30, $0xb8;
	[tilespmem:$0x1EC28] =	vst v63  }
0x176: {  	s14 =	simm.s32 $0x17C00  }
0x177: {  	[spmem:s6] =	stream.indirect.scatter.add.f32 [tilespmem:s9], [sflag:$0x3], $0x1, s14, s30, $0xb8;
	[tilespmem:$0x1EC28] =	vst v63  }
0x178: {  	s31 =	simm.s32 $0x17C80  }
0x179: {  	[spmem:s6] =	stream.indirect.scatter.add.f32 [tilespmem:s9], [sflag:$0x3], $0x1, s31, s30, $0xb8;
	[tilespmem:$0x1EC28] =	vst v63  }
0x17a: {  	s14 =	simm.s32 $0x17D00  }
0x17b: {  	[spmem:s6] =	stream.indirect.scatter.add.f32 [tilespmem:s9], [sflag:$0x3], $0x1, s14, s30, $0xb8;
	[tilespmem:$0x1EC28] =	vst v63  }
0x17c: {  	s31 =	simm.s32 $0x17D80  }
0x17d: {  	[spmem:s6] =	stream.indirect.scatter.add.f32 [tilespmem:s9], [sflag:$0x3], $0x1, s31, s30, $0xb8;
	[tilespmem:$0x1EC28] =	vst v63  }
0x17e: {  	s14 =	simm.s32 $0x17E00  }
0x17f: {  	[spmem:s6] =	stream.indirect.scatter.add.f32 [tilespmem:s9], [sflag:$0x3], $0x1, s14, s30, $0xb8;
	[tilespmem:$0x1EC28] =	vst v63  }
0x180: {  	s31 =	simm.s32 $0x17E80  }
0x181: {  	[spmem:s6] =	stream.indirect.scatter.add.f32 [tilespmem:s9], [sflag:$0x3], $0x1, s31, s30, $0xb8;
	[tilespmem:$0x1EC28] =	vst v63  }
0x182: {  	s14 =	simm.s32 $0x17F00  }
0x183: {  	[spmem:s6] =	stream.indirect.scatter.add.f32 [tilespmem:s9], [sflag:$0x3], $0x1, s14, s30, $0xb8;
	[tilespmem:$0x1EC28] =	vst v63  }
0x184: {  	s31 =	simm.s32 $0x17F80  }
0x185: {  	[spmem:s6] =	stream.indirect.scatter.add.f32 [tilespmem:s9], [sflag:$0x3], $0x1, s31, s30, $0xb8;
	[tilespmem:$0x1EC28] =	vst v63  }
0x186: {  	s14 =	simm.s32 $0x18000  }
0x187: {  	[spmem:s6] =	stream.indirect.scatter.add.f32 [tilespmem:s9], [sflag:$0x3], $0x1, s14, s30, $0xb8;
	[tilespmem:$0x1EC28] =	vst v63  }
0x188: {  	s31 =	simm.s32 $0x18080  }
0x189: {  	[spmem:s6] =	stream.indirect.scatter.add.f32 [tilespmem:s9], [sflag:$0x3], $0x1, s31, s30, $0xb8;
	[tilespmem:$0x1EC28] =	vst v63  }
0x18a: {  	s14 =	simm.s32 $0x18100  }
0x18b: {  	[spmem:s6] =	stream.indirect.scatter.add.f32 [tilespmem:s9], [sflag:$0x3], $0x1, s14, s30, $0xb8;
	[tilespmem:$0x1EC28] =	vst v63  }
0x18c: {  	s31 =	simm.s32 $0x18180  }
0x18d: {  	[spmem:s6] =	stream.indirect.scatter.add.f32 [tilespmem:s9], [sflag:$0x3], $0x1, s31, s30, $0xb8;
	[tilespmem:$0x1EC28] =	vst v63  }
0x18e: {  	s14 =	simm.s32 $0x18200  }
0x18f: {  	[spmem:s6] =	stream.indirect.scatter.add.f32 [tilespmem:s9], [sflag:$0x3], $0x1, s14, s30, $0xb8;
	[tilespmem:$0x1EC28] =	vst v63  }
0x190: {  	s31 =	simm.s32 $0x18280  }
0x191: {  	[spmem:s6] =	stream.indirect.scatter.add.f32 [tilespmem:s9], [sflag:$0x3], $0x1, s31, s30, $0xb8;
	[tilespmem:$0x1EC28] =	vst v63  }
0x192: {  	s14 =	simm.s32 $0x18300  }
0x193: {  	[spmem:s6] =	stream.indirect.scatter.add.f32 [tilespmem:s9], [sflag:$0x3], $0x1, s14, s30, $0xb8;
	[tilespmem:$0x1EC28] =	vst v63  }
0x194: {  	s31 =	simm.s32 $0x18380  }
0x195: {  	[spmem:s6] =	stream.indirect.scatter.add.f32 [tilespmem:s9], [sflag:$0x3], $0x1, s31, s30, $0xb8;
	[tilespmem:$0x1EC28] =	vst v63  }
0x196: {  	s14 =	simm.s32 $0x18400  }
0x197: {  	[spmem:s6] =	stream.indirect.scatter.add.f32 [tilespmem:s9], [sflag:$0x3], $0x1, s14, s30, $0xb8;
	[tilespmem:$0x1EC28] =	vst v63  }
0x198: {  	s31 =	simm.s32 $0x18480  }
0x199: {  	[spmem:s6] =	stream.indirect.scatter.add.f32 [tilespmem:s9], [sflag:$0x3], $0x1, s31, s30, $0xb8;
	[tilespmem:$0x1EC28] =	vst v63  }
0x19a: {  	s14 =	simm.s32 $0x18500  }
0x19b: {  	[spmem:s6] =	stream.indirect.scatter.add.f32 [tilespmem:s9], [sflag:$0x3], $0x1, s14, s30, $0xb8;
	[tilespmem:$0x1EC28] =	vst v63  }
0x19c: {  	s31 =	simm.s32 $0x18580  }
0x19d: {  	[spmem:s6] =	stream.indirect.scatter.add.f32 [tilespmem:s9], [sflag:$0x3], $0x1, s31, s30, $0xb8;
	[tilespmem:$0x1EC28] =	vst v63  }
0x19e: {  	s14 =	simm.s32 $0x18600  }
0x19f: {  	[spmem:s6] =	stream.indirect.scatter.add.f32 [tilespmem:s9], [sflag:$0x3], $0x1, s14, s30, $0xb8;
	[tilespmem:$0x1EC28] =	vst v63  }
0x1a0: {  	s31 =	simm.s32 $0x18680  }
0x1a1: {  	[spmem:s6] =	stream.indirect.scatter.add.f32 [tilespmem:s9], [sflag:$0x3], $0x1, s31, s30, $0xb8;
	[tilespmem:$0x1EC28] =	vst v63  }
0x1a2: {  	s14 =	simm.s32 $0x18700  }
0x1a3: {  	[spmem:s6] =	stream.indirect.scatter.add.f32 [tilespmem:s9], [sflag:$0x3], $0x1, s14, s30, $0xb8;
	[tilespmem:$0x1EC28] =	vst v63  }
0x1a4: {  	s31 =	simm.s32 $0x18780  }
0x1a5: {  	[spmem:s6] =	stream.indirect.scatter.add.f32 [tilespmem:s9], [sflag:$0x3], $0x1, s31, s30, $0xb8;
	[tilespmem:$0x1EC28] =	vst v63  }
0x1a6: {  	s14 =	simm.s32 $0x18800  }
0x1a7: {  	[spmem:s6] =	stream.indirect.scatter.add.f32 [tilespmem:s9], [sflag:$0x3], $0x1, s14, s30, $0xb8;
	[tilespmem:$0x1EC28] =	vst v63  }
0x1a8: {  	s31 =	simm.s32 $0x18880  }
0x1a9: {  	[spmem:s6] =	stream.indirect.scatter.add.f32 [tilespmem:s9], [sflag:$0x3], $0x1, s31, s30, $0xb8;
	[tilespmem:$0x1EC28] =	vst v63  }
0x1aa: {  	s14 =	simm.s32 $0x18900  }
0x1ab: {  	[spmem:s6] =	stream.indirect.scatter.add.f32 [tilespmem:s9], [sflag:$0x3], $0x1, s14, s30, $0xb8;
	[tilespmem:$0x1EC28] =	vst v63  }
0x1ac: {  	s31 =	simm.s32 $0x18980  }
0x1ad: {  	[spmem:s6] =	stream.indirect.scatter.add.f32 [tilespmem:s9], [sflag:$0x3], $0x1, s31, s30, $0xb8;
	[tilespmem:$0x1EC28] =	vst v63  }
0x1ae: {  	s14 =	simm.s32 $0x18A00  }
0x1af: {  	[spmem:s6] =	stream.indirect.scatter.add.f32 [tilespmem:s9], [sflag:$0x3], $0x1, s14, s30, $0xb8;
	[tilespmem:$0x1EC28] =	vst v63  }
0x1b0: {  	s31 =	simm.s32 $0x18A80  }
0x1b1: {  	[spmem:s6] =	stream.indirect.scatter.add.f32 [tilespmem:s9], [sflag:$0x3], $0x1, s31, s30, $0xb8;
	[tilespmem:$0x1EC28] =	vst v63  }
0x1b2: {  	s14 =	simm.s32 $0x18B00  }
0x1b3: {  	[spmem:s6] =	stream.indirect.scatter.add.f32 [tilespmem:s9], [sflag:$0x3], $0x1, s14, s30, $0xb8;
	[tilespmem:$0x1EC28] =	vst v63  }
0x1b4: {  	s31 =	simm.s32 $0x18B80  }
0x1b5: {  	[spmem:s6] =	stream.indirect.scatter.add.f32 [tilespmem:s9], [sflag:$0x3], $0x1, s31, s30, $0xb8;
	[tilespmem:$0x1EC28] =	vst v63  }
0x1b6: {  	s14 =	simm.s32 $0x18C00  }
0x1b7: {  	[spmem:s6] =	stream.indirect.scatter.add.f32 [tilespmem:s9], [sflag:$0x3], $0x1, s14, s30, $0xb8;
	[tilespmem:$0x1EC28] =	vst v63  }
0x1b8: {  	s31 =	simm.s32 $0x18C80  }
0x1b9: {  	[spmem:s6] =	stream.indirect.scatter.add.f32 [tilespmem:s9], [sflag:$0x3], $0x1, s31, s30, $0xb8;
	[tilespmem:$0x1EC28] =	vst v63  }
0x1ba: {  	s14 =	simm.s32 $0x18D00  }
0x1bb: {  	[spmem:s6] =	stream.indirect.scatter.add.f32 [tilespmem:s9], [sflag:$0x3], $0x1, s14, s30, $0xb8;
	[tilespmem:$0x1EC28] =	vst v63  }
0x1bc: {  	s31 =	simm.s32 $0x18D80  }
0x1bd: {  	[spmem:s6] =	stream.indirect.scatter.add.f32 [tilespmem:s9], [sflag:$0x3], $0x1, s31, s30, $0xb8;
	[tilespmem:$0x1EC28] =	vst v63  }
0x1be: {  	s14 =	simm.s32 $0x18E00  }
0x1bf: {  	[spmem:s6] =	stream.indirect.scatter.add.f32 [tilespmem:s9], [sflag:$0x3], $0x1, s14, s30, $0xb8;
	[tilespmem:$0x1EC28] =	vst v63  }
0x1c0: {  	s31 =	simm.s32 $0x18E80  }
0x1c1: {  	[spmem:s6] =	stream.indirect.scatter.add.f32 [tilespmem:s9], [sflag:$0x3], $0x1, s31, s30, $0xb8;
	[tilespmem:$0x1EC28] =	vst v63  }
0x1c2: {  	s14 =	simm.s32 $0x18F00  }
0x1c3: {  	[spmem:s6] =	stream.indirect.scatter.add.f32 [tilespmem:s9], [sflag:$0x3], $0x1, s14, s30, $0xb8;
	[tilespmem:$0x1EC28] =	vst v63  }
0x1c4: {  	s31 =	simm.s32 $0x18F80  }
0x1c5: {  	[spmem:s6] =	stream.indirect.scatter.add.f32 [tilespmem:s9], [sflag:$0x3], $0x1, s31, s30, $0xb8;
	[tilespmem:$0x1EC28] =	vst v63  }
0x1c6: {  	s14 =	simm.s32 $0x19000  }
0x1c7: {  	[spmem:s6] =	stream.indirect.scatter.add.f32 [tilespmem:s9], [sflag:$0x3], $0x1, s14, s30, $0xb8;
	[tilespmem:$0x1EC28] =	vst v63  }
0x1c8: {  	s31 =	simm.s32 $0x19080  }
0x1c9: {  	[spmem:s6] =	stream.indirect.scatter.add.f32 [tilespmem:s9], [sflag:$0x3], $0x1, s31, s30, $0xb8;
	[tilespmem:$0x1EC28] =	vst v63  }
0x1ca: {  	s14 =	simm.s32 $0x19100  }
0x1cb: {  	[spmem:s6] =	stream.indirect.scatter.add.f32 [tilespmem:s9], [sflag:$0x3], $0x1, s14, s30, $0xb8;
	[tilespmem:$0x1EC28] =	vst v63  }
0x1cc: {  	s31 =	simm.s32 $0x19180  }
0x1cd: {  	[spmem:s6] =	stream.indirect.scatter.add.f32 [tilespmem:s9], [sflag:$0x3], $0x1, s31, s30, $0xb8;
	[tilespmem:$0x1EC28] =	vst v63  }
0x1ce: {  	s14 =	simm.s32 $0x19200  }
0x1cf: {  	[spmem:s6] =	stream.indirect.scatter.add.f32 [tilespmem:s9], [sflag:$0x3], $0x1, s14, s30, $0xb8;
	[tilespmem:$0x1EC28] =	vst v63  }
0x1d0: {  	s31 =	simm.s32 $0x19280  }
0x1d1: {  	[spmem:s6] =	stream.indirect.scatter.add.f32 [tilespmem:s9], [sflag:$0x3], $0x1, s31, s30, $0xb8;
	[tilespmem:$0x1EC28] =	vst v63  }
0x1d2: {  	s14 =	simm.s32 $0x19300  }
0x1d3: {  	[spmem:s6] =	stream.indirect.scatter.add.f32 [tilespmem:s9], [sflag:$0x3], $0x1, s14, s30, $0xb8;
	[tilespmem:$0x1EC28] =	vst v63  }
0x1d4: {  	s31 =	simm.s32 $0x19380  }
0x1d5: {  	[spmem:s6] =	stream.indirect.scatter.add.f32 [tilespmem:s9], [sflag:$0x3], $0x1, s31, s30, $0xb8;
	[tilespmem:$0x1EC28] =	vst v63  }
0x1d6: {  	s14 =	simm.s32 $0x19400  }
0x1d7: {  	[spmem:s6] =	stream.indirect.scatter.add.f32 [tilespmem:s9], [sflag:$0x3], $0x1, s14, s30, $0xb8;
	[tilespmem:$0x1EC28] =	vst v63  }
0x1d8: {  	s31 =	simm.s32 $0x19480  }
0x1d9: {  	[spmem:s6] =	stream.indirect.scatter.add.f32 [tilespmem:s9], [sflag:$0x3], $0x1, s31, s30, $0xb8;
	[tilespmem:$0x1EC28] =	vst v63  }
0x1da: {  	s14 =	simm.s32 $0x19500  }
0x1db: {  	[spmem:s6] =	stream.indirect.scatter.add.f32 [tilespmem:s9], [sflag:$0x3], $0x1, s14, s30, $0xb8;
	[tilespmem:$0x1EC28] =	vst v63  }
0x1dc: {  	s31 =	simm.s32 $0x19580  }
0x1dd: {  	[spmem:s6] =	stream.indirect.scatter.add.f32 [tilespmem:s9], [sflag:$0x3], $0x1, s31, s30, $0xb8;
	[tilespmem:$0x1EC28] =	vst v63  }
0x1de: {  	_ =	swait.ge [sflag:s10], $0x80  }
0x1df: {  	[sflag:s10] =	ssyncset.done $0x0  }
0x1e0: {  	[sflag:s10] =	ssyncadd.s32 $0xFFFFFF80  }
0x1e1: {  	_ =	swait.ge [sflag:s10], $0x80  }
0x1e2: {  	[sflag:s10] =	ssyncset.done $0x0  }
0x1e3: {  	[sflag:s10] =	ssyncadd.s32 $0xFFFFFF80  }
0x1e4: {  	_ =	swait.ge [sflag:s10], $0x80  }
0x1e5: {  	[sflag:s10] =	ssyncset.done $0x0  }
0x1e6: {  	[sflag:s10] =	ssyncadd.s32 $0xFFFFFF80  }
0x1e7: {  	_ =	swait.ge [sflag:s10], $0x80  }
0x1e8: {  	[sflag:s10] =	ssyncset.done $0x0  }
0x1e9: {  	[sflag:s10] =	ssyncadd.s32 $0xFFFFFF80  }
0x1ea: {  	_ =	swait.ge [sflag:s10], $0x80  }
0x1eb: {  	[sflag:s10] =	ssyncset.done $0x0  }
0x1ec: {  	[sflag:s10] =	ssyncadd.s32 $0xFFFFFF80  }
0x1ed: {  	_ =	swait.ge [sflag:s10], $0x80  }
0x1ee: {  	[sflag:s10] =	ssyncset.done $0x0  }
0x1ef: {  	[sflag:s10] =	ssyncadd.s32 $0xFFFFFF80  }
0x1f0: {  	_ =	swait.ge [sflag:s10], $0x80  }
0x1f1: {  	[sflag:s10] =	ssyncset.done $0x0  }
0x1f2: {  	[sflag:s10] =	ssyncadd.s32 $0xFFFFFF80  }
0x1f3: {  	_ =	swait.ge [sflag:s10], $0x80  }
0x1f4: {  	[sflag:s10] =	ssyncset.done $0x0  }
0x1f5: {  	[sflag:s10] =	ssyncadd.s32 $0xFFFFFF80  }
0x1f6: {  	_ =	swait.ge [sflag:s10], $0x80  }
0x1f7: {  	[sflag:s10] =	ssyncset.done $0x0  }
0x1f8: {  	[sflag:s10] =	ssyncadd.s32 $0xFFFFFF80  }
0x1f9: {  	_ =	swait.ge [sflag:s10], $0x80  }
0x1fa: {  	[sflag:s10] =	ssyncset.done $0x0  }
0x1fb: {  	[sflag:s10] =	ssyncadd.s32 $0xFFFFFF80  }
0x1fc: {  	_ =	swait.ge [sflag:s10], $0x80  }
0x1fd: {  	[sflag:s10] =	ssyncset.done $0x0  }
0x1fe: {  	[sflag:s10] =	ssyncadd.s32 $0xFFFFFF80  }
0x1ff: {  	_ =	swait.ge [sflag:s10], $0x80  }
0x200: {  	[sflag:s10] =	ssyncset.done $0x0  }
0x201: {  	[sflag:s10] =	ssyncadd.s32 $0xFFFFFF80  }
0x202: {  	_ =	swait.ge [sflag:s10], $0x80  }
0x203: {  	[sflag:s10] =	ssyncset.done $0x0  }
0x204: {  	[sflag:s10] =	ssyncadd.s32 $0xFFFFFF80  }
0x205: {  	_ =	swait.ge [sflag:s10], $0x80  }
0x206: {  	[sflag:s10] =	ssyncset.done $0x0  }
0x207: {  	[sflag:s10] =	ssyncadd.s32 $0xFFFFFF80  }
0x208: {  	_ =	swait.ge [sflag:s10], $0x80  }
0x209: {  	[sflag:s10] =	ssyncset.done $0x0  }
0x20a: {  	[sflag:s10] =	ssyncadd.s32 $0xFFFFFF80  }
0x20b: {  	_ =	swait.ge [sflag:s10], $0x80  }
0x20c: {  	[sflag:s10] =	ssyncset.done $0x0  }
0x20d: {  	[sflag:s10] =	ssyncadd.s32 $0xFFFFFF80  }
0x20e: {  	_ =	swait.ge [sflag:s10], $0x80  }
0x20f: {  	[sflag:s10] =	ssyncset.done $0x0  }
0x210: {  	[sflag:s10] =	ssyncadd.s32 $0xFFFFFF80  }
0x211: {  	_ =	swait.ge [sflag:s10], $0x80  }
0x212: {  	[sflag:s10] =	ssyncset.done $0x0  }
0x213: {  	[sflag:s10] =	ssyncadd.s32 $0xFFFFFF80  }
0x214: {  	_ =	swait.ge [sflag:s10], $0x80  }
0x215: {  	[sflag:s10] =	ssyncset.done $0x0  }
0x216: {  	[sflag:s10] =	ssyncadd.s32 $0xFFFFFF80  }
0x217: {  	_ =	swait.ge [sflag:s10], $0x80  }
0x218: {  	[sflag:s10] =	ssyncset.done $0x0  }
0x219: {  	[sflag:s10] =	ssyncadd.s32 $0xFFFFFF80  }
0x21a: {  	_ =	swait.ge [sflag:s10], $0x80  }
0x21b: {  	[sflag:s10] =	ssyncset.done $0x0  }
0x21c: {  	[sflag:s10] =	ssyncadd.s32 $0xFFFFFF80  }
0x21d: {  	_ =	swait.ge [sflag:s10], $0x80  }
0x21e: {  	[sflag:s10] =	ssyncset.done $0x0  }
0x21f: {  	[sflag:s10] =	ssyncadd.s32 $0xFFFFFF80  }
0x220: {  	_ =	swait.ge [sflag:s10], $0x80  }
0x221: {  	[sflag:s10] =	ssyncset.done $0x0  }
0x222: {  	[sflag:s10] =	ssyncadd.s32 $0xFFFFFF80  }
0x223: {  	_ =	swait.ge [sflag:s10], $0x80  }
0x224: {  	[sflag:s10] =	ssyncset.done $0x0  }
0x225: {  	[sflag:s10] =	ssyncadd.s32 $0xFFFFFF80  }
0x226: {  	_ =	swait.ge [sflag:s10], $0x80  }
0x227: {  	[sflag:s10] =	ssyncset.done $0x0  }
0x228: {  	[sflag:s10] =	ssyncadd.s32 $0xFFFFFF80  }
0x229: {  	_ =	swait.ge [sflag:s10], $0x80  }
0x22a: {  	[sflag:s10] =	ssyncset.done $0x0  }
0x22b: {  	[sflag:s10] =	ssyncadd.s32 $0xFFFFFF80  }
0x22c: {  	_ =	swait.ge [sflag:s10], $0x80  }
0x22d: {  	[sflag:s10] =	ssyncset.done $0x0  }
0x22e: {  	[sflag:s10] =	ssyncadd.s32 $0xFFFFFF80  }
0x22f: {  	_ =	swait.ge [sflag:s10], $0x80  }
0x230: {  	[sflag:s10] =	ssyncset.done $0x0  }
0x231: {  	[sflag:s10] =	ssyncadd.s32 $0xFFFFFF80  }
0x232: {  	_ =	swait.ge [sflag:s10], $0x80  }
0x233: {  	[sflag:s10] =	ssyncset.done $0x0  }
0x234: {  	[sflag:s10] =	ssyncadd.s32 $0xFFFFFF80  }
0x235: {  	_ =	swait.ge [sflag:s10], $0x80  }
0x236: {  	[sflag:s10] =	ssyncset.done $0x0  }
0x237: {  	[sflag:s10] =	ssyncadd.s32 $0xFFFFFF80  }
0x238: {  	_ =	swait.ge [sflag:s10], $0x80  }
0x239: {  	[sflag:s10] =	ssyncset.done $0x0  }
0x23a: {  	[sflag:s10] =	ssyncadd.s32 $0xFFFFFF80  }
0x23b: {  	_ =	swait.ge [sflag:s10], $0x80  }
0x23c: {  	[sflag:s10] =	ssyncset.done $0x0  }
0x23d: {  	[sflag:s10] =	ssyncadd.s32 $0xFFFFFF80  }
0x23e: {  	_ =	swait.ge [sflag:s10], $0x80  }
0x23f: {  	[sflag:s10] =	ssyncset.done $0x0  }
0x240: {  	[sflag:s10] =	ssyncadd.s32 $0xFFFFFF80  }
0x241: {  	_ =	swait.ge [sflag:s10], $0x80  }
0x242: {  	[sflag:s10] =	ssyncset.done $0x0  }
0x243: {  	[sflag:s10] =	ssyncadd.s32 $0xFFFFFF80  }
0x244: {  	_ =	swait.ge [sflag:s10], $0x80  }
0x245: {  	[sflag:s10] =	ssyncset.done $0x0  }
0x246: {  	[sflag:s10] =	ssyncadd.s32 $0xFFFFFF80  }
0x247: {  	_ =	swait.ge [sflag:s10], $0x80  }
0x248: {  	[sflag:s10] =	ssyncset.done $0x0  }
0x249: {  	[sflag:s10] =	ssyncadd.s32 $0xFFFFFF80  }
0x24a: {  	_ =	swait.ge [sflag:s10], $0x80  }
0x24b: {  	[sflag:s10] =	ssyncset.done $0x0  }
0x24c: {  	[sflag:s10] =	ssyncadd.s32 $0xFFFFFF80  }
0x24d: {  	_ =	swait.ge [sflag:s10], $0x80  }
0x24e: {  	[sflag:s10] =	ssyncset.done $0x0  }
0x24f: {  	[sflag:s10] =	ssyncadd.s32 $0xFFFFFF80  }
0x250: {  	_ =	swait.ge [sflag:s10], $0x80  }
0x251: {  	[sflag:s10] =	ssyncset.done $0x0  }
0x252: {  	[sflag:s10] =	ssyncadd.s32 $0xFFFFFF80  }
0x253: {  	_ =	swait.ge [sflag:s10], $0x80  }
0x254: {  	[sflag:s10] =	ssyncset.done $0x0  }
0x255: {  	[sflag:s10] =	ssyncadd.s32 $0xFFFFFF80  }
0x256: {  	_ =	swait.ge [sflag:s10], $0x80  }
0x257: {  	[sflag:s10] =	ssyncset.done $0x0  }
0x258: {  	[sflag:s10] =	ssyncadd.s32 $0xFFFFFF80  }
0x259: {  	_ =	swait.ge [sflag:s10], $0x80  }
0x25a: {  	[sflag:s10] =	ssyncset.done $0x0  }
0x25b: {  	[sflag:s10] =	ssyncadd.s32 $0xFFFFFF80  }
0x25c: {  	_ =	swait.ge [sflag:s10], $0x80  }
0x25d: {  	[sflag:s10] =	ssyncset.done $0x0  }
0x25e: {  	[sflag:s10] =	ssyncadd.s32 $0xFFFFFF80  }
0x25f: {  	_ =	swait.ge [sflag:s10], $0x80  }
0x260: {  	[sflag:s10] =	ssyncset.done $0x0  }
0x261: {  	[sflag:s10] =	ssyncadd.s32 $0xFFFFFF80  }
0x262: {  	_ =	swait.ge [sflag:s10], $0x80  }
0x263: {  	[sflag:s10] =	ssyncset.done $0x0  }
0x264: {  	[sflag:s10] =	ssyncadd.s32 $0xFFFFFF80  }
0x265: {  	_ =	swait.ge [sflag:s10], $0x80  }
0x266: {  	[sflag:s10] =	ssyncset.done $0x0  }
0x267: {  	[sflag:s10] =	ssyncadd.s32 $0xFFFFFF80  }
0x268: {  	_ =	swait.ge [sflag:s10], $0x80  }
0x269: {  	[sflag:s10] =	ssyncset.done $0x0  }
0x26a: {  	[sflag:s10] =	ssyncadd.s32 $0xFFFFFF80  }
0x26b: {  	_ =	swait.ge [sflag:s10], $0x80  }
0x26c: {  	[sflag:s10] =	ssyncset.done $0x0  }
0x26d: {  	[sflag:s10] =	ssyncadd.s32 $0xFFFFFF80  }
0x26e: {  	_ =	swait.ge [sflag:s10], $0x80  }
0x26f: {  	[sflag:s10] =	ssyncset.done $0x0  }
0x270: {  	[sflag:s10] =	ssyncadd.s32 $0xFFFFFF80  }
0x271: {  	_ =	swait.ge [sflag:s10], $0x80  }
0x272: {  	[sflag:s10] =	ssyncset.done $0x0  }
0x273: {  	[sflag:s10] =	ssyncadd.s32 $0xFFFFFF80  }
0x274: {  	_ =	swait.ge [sflag:s10], $0x80  }
0x275: {  	[sflag:s10] =	ssyncset.done $0x0  }
0x276: {  	[sflag:s10] =	ssyncadd.s32 $0xFFFFFF80  }
0x277: {  	_ =	swait.ge [sflag:s10], $0x80  }
0x278: {  	[sflag:s10] =	ssyncset.done $0x0  }
0x279: {  	[sflag:s10] =	ssyncadd.s32 $0xFFFFFF80  }
0x27a: {  	_ =	swait.ge [sflag:s10], $0x80  }
0x27b: {  	[sflag:s10] =	ssyncset.done $0x0  }
0x27c: {  	[sflag:s10] =	ssyncadd.s32 $0xFFFFFF80  }
0x27d: {  	_ =	swait.ge [sflag:s10], $0x80  }
0x27e: {  	[sflag:s10] =	ssyncset.done $0x0  }
0x27f: {  	[sflag:s10] =	ssyncadd.s32 $0xFFFFFF80  }
0x280: {  	_ =	swait.ge [sflag:s10], $0x80  }
0x281: {  	[sflag:s10] =	ssyncset.done $0x0  }
0x282: {  	[sflag:s10] =	ssyncadd.s32 $0xFFFFFF80  }
0x283: {  	_ =	swait.ge [sflag:s10], $0x80  }
0x284: {  	[sflag:s10] =	ssyncset.done $0x0  }
0x285: {  	[sflag:s10] =	ssyncadd.s32 $0xFFFFFF80  }
0x286: {  	_ =	swait.ge [sflag:s10], $0x80  }
0x287: {  	[sflag:s10] =	ssyncset.done $0x0  }
0x288: {  	[sflag:s10] =	ssyncadd.s32 $0xFFFFFF80  }
0x289: {  	_ =	swait.ge [sflag:s10], $0x80  }
0x28a: {  	[sflag:s10] =	ssyncset.done $0x0  }
0x28b: {  	[sflag:s10] =	ssyncadd.s32 $0xFFFFFF80  }
0x28c: {  	_ =	swait.ge [sflag:s10], $0x80  }
0x28d: {  	[sflag:s10] =	ssyncset.done $0x0  }
0x28e: {  	[sflag:s10] =	ssyncadd.s32 $0xFFFFFF80  }
0x28f: {  	_ =	swait.ge [sflag:s10], $0x80  }
0x290: {  	[sflag:s10] =	ssyncset.done $0x0  }
0x291: {  	[sflag:s10] =	ssyncadd.s32 $0xFFFFFF80  }
0x292: {  	_ =	swait.ge [sflag:s10], $0x80  }
0x293: {  	[sflag:s10] =	ssyncset.done $0x0  }
0x294: {  	[sflag:s10] =	ssyncadd.s32 $0xFFFFFF80  }
0x295: {  	_ =	swait.ge [sflag:s10], $0x80  }
0x296: {  	[sflag:s10] =	ssyncset.done $0x0  }
0x297: {  	[sflag:s10] =	ssyncadd.s32 $0xFFFFFF80  }
0x298: {  	_ =	swait.ge [sflag:s10], $0x80  }
0x299: {  	[sflag:s10] =	ssyncset.done $0x0  }
0x29a: {  	[sflag:s10] =	ssyncadd.s32 $0xFFFFFF80  }
0x29b: {  	_ =	swait.ge [sflag:s10], $0x80  }
0x29c: {  	[sflag:s10] =	ssyncset.done $0x0  }
0x29d: {  	[sflag:s10] =	ssyncadd.s32 $0xFFFFFF80  }
0x29e: {  	_ =	swait.ge [sflag:s10], $0x80  }
0x29f: {  	[sflag:s10] =	ssyncset.done $0x0  }
0x2a0: {  	[sflag:s10] =	ssyncadd.s32 $0xFFFFFF80  }
0x2a1: {  	_ =	swait.ge [sflag:s10], $0x80  }
0x2a2: {  	[sflag:s10] =	ssyncset.done $0x0  }
0x2a3: {  	[sflag:s10] =	ssyncadd.s32 $0xFFFFFF80  }
0x2a4: {  	_ =	swait.ge [sflag:s10], $0x80  }
0x2a5: {  	[sflag:s10] =	ssyncset.done $0x0  }
0x2a6: {  	[sflag:s10] =	ssyncadd.s32 $0xFFFFFF80  }
0x2a7: {  	_ =	swait.ge [sflag:s10], $0x80  }
0x2a8: {  	[sflag:s10] =	ssyncset.done $0x0  }
0x2a9: {  	[sflag:s10] =	ssyncadd.s32 $0xFFFFFF80  }
0x2aa: {  	_ =	swait.ge [sflag:s10], $0x80  }
0x2ab: {  	[sflag:s10] =	ssyncset.done $0x0  }
0x2ac: {  	[sflag:s10] =	ssyncadd.s32 $0xFFFFFF80  }
0x2ad: {  	_ =	swait.ge [sflag:s10], $0x80  }
0x2ae: {  	[sflag:s10] =	ssyncset.done $0x0  }
0x2af: {  	[sflag:s10] =	ssyncadd.s32 $0xFFFFFF80  }
0x2b0: {  	_ =	swait.ge [sflag:s10], $0x80  }
0x2b1: {  	[sflag:s10] =	ssyncset.done $0x0  }
0x2b2: {  	[sflag:s10] =	ssyncadd.s32 $0xFFFFFF80  }
0x2b3: {  	_ =	swait.ge [sflag:s10], $0x80  }
0x2b4: {  	[sflag:s10] =	ssyncset.done $0x0  }
0x2b5: {  	[sflag:s10] =	ssyncadd.s32 $0xFFFFFF80  }
0x2b6: {  	_ =	swait.ge [sflag:s10], $0x80  }
0x2b7: {  	[sflag:s10] =	ssyncset.done $0x0  }
0x2b8: {  	[sflag:s10] =	ssyncadd.s32 $0xFFFFFF80  }
0x2b9: {  	_ =	swait.ge [sflag:s10], $0x80  }
0x2ba: {  	[sflag:s10] =	ssyncset.done $0x0  }
0x2bb: {  	[sflag:s10] =	ssyncadd.s32 $0xFFFFFF80  }
0x2bc: {  	_ =	swait.ge [sflag:s10], $0x80  }
0x2bd: {  	[sflag:s10] =	ssyncset.done $0x0  }
0x2be: {  	[sflag:s10] =	ssyncadd.s32 $0xFFFFFF80  }
0x2bf: {  	_ =	swait.ge [sflag:s10], $0x80  }
0x2c0: {  	[sflag:s10] =	ssyncset.done $0x0  }
0x2c1: {  	[sflag:s10] =	ssyncadd.s32 $0xFFFFFF80  }
0x2c2: {  	[tilespmem:s5], [sflag:$0x5] =	stream.linear.gather [spmem:s16], $0x4000, $0x38;
	[tilespmem:$0x1EC28] =	vst v63  }
0x2c3: {  	_ =	swait.ge [sflag:s8], $0x4000  }
0x2c4: {  	[sflag:s8] =	ssyncset.done $0x0  }
0x2c5: {  	[sflag:s8] =	ssyncadd.s32 $0xFFFFC000  }
0x2c6: {  	_ =	swait.ge [sflag:s24], $0x1000  }
0x2c7: {  	[sflag:s24] =	ssyncset.done $0x0  }
0x2c8: {  	[sflag:s24] =	ssyncadd.s32 $0xFFFFF000  }
0x2c9: {  	_ =	swait.ge [sflag:s24], $0x1000  }
0x2ca: {  	[sflag:s24] =	ssyncset.done $0x0  }
0x2cb: {  	[sflag:s24] =	ssyncadd.s32 $0xFFFFF000  }
0x2cc: {  	_ =	swait.ge [sflag:s24], $0x1000  }
0x2cd: {  	[sflag:s24] =	ssyncset.done $0x0  }
0x2ce: {  	[sflag:s24] =	ssyncadd.s32 $0xFFFFF000  }
0x2cf: {  	_ =	swait.ge [sflag:s24], $0x1000  }
0x2d0: {  	[sflag:s24] =	ssyncset.done $0x0  }
0x2d1: {  	[sflag:s24] =	ssyncadd.s32 $0xFFFFF000  }
0x2d2: {  	_ =	swait.ge [sflag:s24], $0x1000  }
0x2d3: {  	[sflag:s24] =	ssyncset.done $0x0  }
0x2d4: {  	[sflag:s24] =	ssyncadd.s32 $0xFFFFF000  }
0x2d5: {  	_ =	swait.ge [sflag:s24], $0x1000  }
0x2d6: {  	[sflag:s24] =	ssyncset.done $0x0  }
0x2d7: {  	[sflag:s24] =	ssyncadd.s32 $0xFFFFF000  }
0x2d8: {  	_ =	swait.ge [sflag:s24], $0x1000  }
0x2d9: {  	[sflag:s24] =	ssyncset.done $0x0  }
0x2da: {  	[sflag:s24] =	ssyncadd.s32 $0xFFFFF000  }
0x2db: {  	_ =	swait.ge [sflag:s24], $0x1000  }
0x2dc: {  	[sflag:s24] =	ssyncset.done $0x0  }
0x2dd: {  	[sflag:s24] =	ssyncadd.s32 $0xFFFFF000  }
0x2de: {  	_ =	swait.ge [sflag:s24], $0x1000  }
0x2df: {  	[sflag:s24] =	ssyncset.done $0x0  }
0x2e0: {  	[sflag:s24] =	ssyncadd.s32 $0xFFFFF000  }
0x2e1: {  	_ =	swait.ge [sflag:s24], $0x1000  }
0x2e2: {  	[sflag:s24] =	ssyncset.done $0x0  }
0x2e3: {  	[sflag:s24] =	ssyncadd.s32 $0xFFFFF000  }
0x2e4: {  	_ =	swait.ge [sflag:s24], $0x1000  }
0x2e5: {  	[sflag:s24] =	ssyncset.done $0x0  }
0x2e6: {  	[sflag:s24] =	ssyncadd.s32 $0xFFFFF000  }
0x2e7: {  	_ =	swait.ge [sflag:s24], $0x1000  }
0x2e8: {  	[sflag:s24] =	ssyncset.done $0x0  }
0x2e9: {  	[sflag:s24] =	ssyncadd.s32 $0xFFFFF000  }
0x2ea: {  	_ =	swait.ge [sflag:s24], $0x1000  }
0x2eb: {  	[sflag:s24] =	ssyncset.done $0x0  }
0x2ec: {  	[sflag:s24] =	ssyncadd.s32 $0xFFFFF000  }
0x2ed: {  	_ =	swait.ge [sflag:s24], $0x1000  }
0x2ee: {  	[sflag:s24] =	ssyncset.done $0x0  }
0x2ef: {  	[sflag:s24] =	ssyncadd.s32 $0xFFFFF000  }
0x2f0: {  	_ =	swait.ge [sflag:s24], $0x1000  }
0x2f1: {  	[sflag:s24] =	ssyncset.done $0x0  }
0x2f2: {  	[sflag:s24] =	ssyncadd.s32 $0xFFFFF000  }
0x2f3: {  	_ =	swait.ge [sflag:s24], $0x1000  }
0x2f4: {  	[sflag:s24] =	ssyncset.done $0x0  }
0x2f5: {  	s14 =	rddreg [dreg:$0x14];
	[sflag:s24] =	ssyncadd.s32 $0xFFFFF000  }
0x2f6: {  	[hbm4b:s14+s7] =	stream.linear.scatter [tilespmem:s5], [sflag:$0x4], $0x4000, $0x38;
	[tilespmem:$0x1EC28] =	vst v63  }
0x2f7: {  	s31 =	rddreg [dreg:$0x15]  }
0x2f8: {  	[hbm4b:s31+s25] =	stream.strided.scatter [tilespmem:s15], [sflag:$0x4], $0x4000, s30, s25, $0x38;
	[tilespmem:$0x1EC28] =	vst v63  }
0x2f9: {  	_ = 	snop  }
0x2fa: {  	[hbm4b:s19+s25] =	stream.strided.scatter [tilespmem:s0], [sflag:$0x4], $0x4000, s30, s25, $0x38;
	[tilespmem:$0x1EC28] =	vst v63  }
0x2fb: {  	_ = 	snop  }
0x2fc: {  	[hbm4b:s20+s25] =	stream.strided.scatter [tilespmem:s26], [sflag:$0x4], $0x4000, s30, s25, $0x38;
	[tilespmem:$0x1EC28] =	vst v63  }
0x2fd: {  	_ = 	snop  }
0x2fe: {  	[hbm4b:s21+s25] =	stream.strided.scatter [tilespmem:s28], [sflag:$0x4], $0x4000, s30, s25, $0x38;
	[tilespmem:$0x1EC28] =	vst v63  }
0x2ff: {  	_ =	swait.ge [sflag:s11], $0x4000  }
0x300: {  	[sflag:s11] =	ssyncset.done $0x0  }
0x301: {  	[sflag:s11] =	ssyncadd.s32 $0xFFFFC000  }
0x302: {  	_ =	swait.ge [sflag:s11], $0x4000  }
0x303: {  	[sflag:s11] =	ssyncset.done $0x0  }
0x304: {  	[sflag:s11] =	ssyncadd.s32 $0xFFFFC000  }
0x305: {  	_ =	swait.ge [sflag:s11], $0x4000  }
0x306: {  	[sflag:s11] =	ssyncset.done $0x0  }
0x307: {  	s12 =	sadd.s32 $0x1, s12;
	[sflag:s11] =	ssyncadd.s32 $0xFFFFC000  }
0x308: {  	p1 =	sne.s32 s12, s22;
	_ =	swait.ge [sflag:s11], $0x4000  }
.Ltmp3:
0x309: {  	[sflag:s11] =	ssyncset.done $0x0;
	(pc) =	sbr.rel @p1 .LBB2_1-.Ltmp3, $4  }
0x30a: {  	[sflag:s11] =	ssyncadd.s32 $0xFFFFC000  }
0x30b: {  	_ =	swait.ge [sflag:s11], $0x4000  }
0x30c: {  	[sflag:s11] =	ssyncset.done $0x0  }
0x30d: {  	[sflag:s11] =	ssyncadd.s32 $0xFFFFC000  }
0x30e: {  	_ =	sfence.sel $0x180000  }
0x30f: {  	[bflag:$0x0] =	sbarrier.arrive $0xFFFF  }
0x310: {  	_ =	strace $0x90000047  }
0x311: {  	[bflag:$0x2] =	sbarrier.arrive $0xFFFF  }
0x312: {  	s0 =	rddreg [dreg:$0xb]  }
0x313: {  	s0 =	sadd.s32 @!p0 $0x100000, s0  }
0x314: {  	[sflag:s0] =	ssyncadd.tile.s32 @!p0 $0x1;
	_ =	shalt  }
.Lfunc_end2:
_tile_overlayer_lowered:
.L_overlay_start_2:
0x315: {  	(tag) =	ssettag $0x2  }
0x316: {  	s0 =	rddreg [dreg:$0x0];
	s2 =	stileid.u32  }
0x317: {  	s1 =	rddreg [dreg:$0x1];
	p0 =	sne.s32 s2, $0x0  }
0x318: {  	s3 =	rddreg [dreg:$0x2];
	[bflag:$0x3] =	sbarrier.arrive $0xFFFF;
	s2 =	simm.s32 @!p0 $0x1C05  }
0x319: {  	[timem:s3], [sflag:s2] =	dma.local @!p0 [hbm:s0], s1  }
0x31a: {  	s0 =	simm.s32 @!p0 $0x5  }
0x31b: {  	_ =	swait.ge @!p0 [sflag:s0], s1  }
0x31c: {  	s1 =	ssub.s32 @!p0 $0x0, s1;
	[sflag:s0] =	ssyncset.done @!p0 $0x0  }
0x31d: {  	[sflag:s0] =	ssyncadd.s32 @!p0 s1  }
0x31e: {  	[bflag:$0x3] =	sbarrier.arrive $0xFFFF  }
0x31f: {  	_ =	shalt  }

</sc_bundles>
